<compile_context>
chip_gen: v7x
topology: tpu7x:2x2x1
jax: 0.10.2.dev20260603
libtpu: 0.0.44.dev20260713+nightly
codegen_flags: <defaults>
</compile_context>

<pallas_src>
import functools

import jax
import jax.numpy as jnp
from jax import lax
from jax.experimental import pallas as pl
from jax.experimental.pallas import tpu as pltpu
from jax.experimental.pallas import tpu_sc as plsc

_N = 10000
_E = 320000
_D = 128
_H = 128
_A = 16
_B = 64

_RB = 512
_NP = 10240
_NPB = _NP // _RB

_NC, _NS = 2, 16
_NW = _NC * _NS
_EB = 128
_NBW = 80
_NBW0 = 80
_NBW1 = 80
_IDXC = 40
_QB = _EB // 2
_EP = _NW * _NBW * _EB
_ZR = _NP // _NS

_mesh = plsc.VectorSubcoreMesh(
    core_axis_name="c", subcore_axis_name="s",
    num_cores=_NC, num_subcores=_NS)



def _sc_deg(dst2d, ones_eb, zeros_zr):

  @functools.partial(
      pl.kernel,
      out_type=[jax.ShapeDtypeStruct((_NP, _H), jnp.float32)] * 2,
      mesh=_mesh,
      scratch_types=[
          pltpu.VMEM((_NBW, _EB), jnp.int32),
          pltpu.VMEM((_EB,), jnp.float32),
          pltpu.VMEM((_ZR,), jnp.float32),
          pltpu.VMEM((_ZR, _H), jnp.float32),
          pltpu.VMEM_SHARED((_NP,), jnp.float32),
      ],
  )
  def run(dst_hbm, ones_hbm, z_hbm, out0_hbm, out1_hbm,
          dstv, onesv, dv, bc, acc):
    c = lax.axis_index("c")
    s = lax.axis_index("s")
    w = c * _NS + s
    pltpu.sync_copy(z_hbm, acc.at[pl.ds(s * _ZR, _ZR)])
    pltpu.sync_copy(dst_hbm.at[pl.ds(w * _NBW, _NBW)], dstv)
    pltpu.sync_copy(ones_hbm, onesv)
    plsc.subcore_barrier()

    def body(j, carry):
      pltpu.sync_copy(onesv, acc.at[dstv.at[j]], add=True)
      return carry

    lax.fori_loop(0, _NBW, body, 0)
    plsc.subcore_barrier()
    pltpu.sync_copy(acc.at[pl.ds(s * _ZR, _ZR)], dv)

    def brow(rg, carry):
      vals = dv[pl.ds(16 * rg, 16)]
      for k in range(16):
        row = jnp.full((16,), vals[k], jnp.float32)
        for q in range(8):
          bc[16 * rg + k, pl.ds(16 * q, 16)] = row
      return carry

    lax.fori_loop(0, _ZR // 16, brow, 0)

    @pl.when(c == 0)
    def _():
      pltpu.sync_copy(bc, out0_hbm.at[pl.ds(s * _ZR, _ZR)])

    @pl.when(c == 1)
    def _():
      pltpu.sync_copy(bc, out1_hbm.at[pl.ds(s * _ZR, _ZR)])

  return run(dst2d, ones_eb, zeros_zr)


def _sc_agg(ht, src2d, dst2d, zrows):

  @functools.partial(
      pl.kernel,
      out_type=[jax.ShapeDtypeStruct((_NP, _H), jnp.float32)] * 2,
      mesh=_mesh,
      scratch_types=[
          pltpu.VMEM((_IDXC, _EB), jnp.int32),
          pltpu.VMEM((_IDXC, _EB), jnp.int32),
          pltpu.VMEM((2 * _EB, _H), jnp.float32),
          pltpu.VMEM_SHARED((_NP, _H), jnp.float32),
          [pltpu.SemaphoreType.DMA] * 4,
      ],
  )
  def run(ht_hbm, src_hbm, dst_hbm, z_hbm, out0_hbm, out1_hbm,
          srcv, dstv, rb, acc, sems):
    c = lax.axis_index("c")
    s = lax.axis_index("s")
    base = jnp.where(c == 0, s * _NBW0, _NS * _NBW0 + s * _NBW1)
    nchunks = jnp.where(c == 0, _NBW0 // _IDXC, _NBW1 // _IDXC)
    pltpu.sync_copy(z_hbm, acc.at[pl.ds(s * _ZR, _ZR)])
    plsc.subcore_barrier()

    def issue(jj, par):
      s0 = 2 * par
      for q in range(2):
        pltpu.async_copy(ht_hbm.at[srcv.at[jj, pl.ds(q * _QB, _QB)]],
                         rb.at[pl.ds((s0 + q) * _QB, _QB)], sems[s0 + q])

    def drain_scatter(jj, par):
      s0 = 2 * par
      for q in range(2):
        pltpu.make_async_copy(ht_hbm.at[srcv.at[jj, pl.ds(q * _QB, _QB)]],
                              rb.at[pl.ds((s0 + q) * _QB, _QB)],
                              sems[s0 + q]).wait()
      pltpu.sync_copy(rb.at[pl.ds(s0 * _QB, _EB)], acc.at[dstv.at[jj]],
                      add=True)

    def chunk(p, carry):
      off = base + p * _IDXC
      pltpu.sync_copy(src_hbm.at[pl.ds(off, _IDXC)], srcv)
      pltpu.sync_copy(dst_hbm.at[pl.ds(off, _IDXC)], dstv)
      issue(0, 0)
      issue(1, 1)

      def group(g, carry2):
        b0 = 4 * g
        for k in range(4):
          jj = b0 + k
          drain_scatter(jj, k % 2)

          @pl.when(jj + 2 < _IDXC)
          def _():
            issue(jj + 2, k % 2)
        return carry2

      lax.fori_loop(0, _IDXC // 4, group, 0)
      return carry

    lax.fori_loop(0, nchunks, chunk, 0)
    plsc.subcore_barrier()

    @pl.when(c == 0)
    def _():
      pltpu.sync_copy(acc.at[pl.ds(s * _ZR, _ZR)],
                      out0_hbm.at[pl.ds(s * _ZR, _ZR)])

    @pl.when(c == 1)
    def _():
      pltpu.sync_copy(acc.at[pl.ds(s * _ZR, _ZR)],
                      out1_hbm.at[pl.ds(s * _ZR, _ZR)])

  return run(ht, src2d, dst2d, zrows)



def _dis(p0, p1, i):
  dis = lax.rsqrt(1.0 + p0 + p1)
  row = lax.broadcasted_iota(jnp.int32, (_RB, 1), 0) + i * _RB
  return jnp.where(row < _N, dis, 0.0)


def _tc1a_body(x_ref, w_ref, g_ref):
  g_ref[...] = jnp.dot(x_ref[...], w_ref[...],
                       preferred_element_type=jnp.float32)


def _tc1b_body(g_ref, d0_ref, d1_ref, ht_ref):
  i = pl.program_id(0)
  dis = _dis(d0_ref[...], d1_ref[...], i)
  ht_ref[...] = g_ref[...] * dis


def _tc2_body(a0_ref, a1_ref, g1_ref, d0_ref, d1_ref, w_ref, b_ref,
              g2_ref, ht_ref):
  i = pl.program_id(0)
  dis = _dis(d0_ref[...], d1_ref[...], i)
  h1 = jnp.maximum(
      dis * (a0_ref[...] + a1_ref[...]) + dis * dis * g1_ref[...] + b_ref[...],
      0.0)
  g2 = jnp.dot(h1, w_ref[...], preferred_element_type=jnp.float32)
  g2_ref[...] = g2
  ht_ref[...] = g2 * dis


def _tc3_body(q0_ref, q1_ref, g2_ref, d0_ref, d1_ref, b_ref, batch_ref,
              af_ref, fw1a_ref, fw1b_ref, fb1_ref, fw2_ref, fb2_ref,
              out_ref, sums, cnts):
  i = pl.program_id(0)
  dis = _dis(d0_ref[...], d1_ref[...], i)
  h2 = jnp.maximum(
      dis * (q0_ref[...] + q1_ref[...]) + dis * dis * g2_ref[...] + b_ref[...],
      0.0)
  row = lax.broadcasted_iota(jnp.int32, (_RB, 1), 0) + i * _RB
  h2 = jnp.where(row < _N, h2, 0.0)
  oh = (batch_ref[...] ==
        lax.broadcasted_iota(jnp.int32, (_B, _RB), 0)).astype(jnp.float32)
  psum = jnp.dot(oh, h2, preferred_element_type=jnp.float32)
  pcnt = jnp.sum(oh, axis=1, keepdims=True)

  @pl.when(i == 0)
  def _():
    sums[...] = jnp.zeros_like(sums)
    cnts[...] = jnp.zeros_like(cnts)

  sums[...] = sums[...] + psum
  cnts[...] = cnts[...] + pcnt

  @pl.when(i == _NPB - 1)
  def _():
    pooled = sums[...] / jnp.maximum(cnts[...], 1.0)
    z = jnp.maximum(
        jnp.dot(pooled, fw1a_ref[...], preferred_element_type=jnp.float32)
        + jnp.dot(af_ref[...], fw1b_ref[...], preferred_element_type=jnp.float32)
        + fb1_ref[...], 0.0)
    out_ref[...] = (jnp.dot(z, fw2_ref[...], preferred_element_type=jnp.float32)
                    + fb2_ref[...])


def _row_spec():
  return pl.BlockSpec((_RB, _H), lambda i: (i, 0))


def _col_spec():
  return pl.BlockSpec((_RB, 1), lambda i: (i, 0))


def _full_spec(shape):
  return pl.BlockSpec(shape, lambda i: tuple(0 for _ in shape))



def kernel(x, edge_index, batch, additional_features,
           W1, b1, W2, b2, FW1, Fb1, FW2, Fb2):
  f32 = jnp.float32
  xp = jnp.pad(x, ((0, _NP - _N), (0, 0)))
  pad_i = jnp.arange(_EP - _E, dtype=jnp.int32)
  src_pad = _N + pad_i % (_NP - _N)
  dst_pad = _N + (pad_i + 120) % (_NP - _N)
  src2d = jnp.concatenate([edge_index[0], src_pad]).reshape(_NW * _NBW, _EB)
  dst2d = jnp.concatenate([edge_index[1], dst_pad]).reshape(_NW * _NBW, _EB)
  batch2 = jnp.pad(batch, (0, _NP - _N), constant_values=_B)[None, :]
  ones_eb = jnp.ones((_EB,), f32)
  zeros_zr = jnp.zeros((_ZR,), f32)
  zrows = jnp.zeros((_ZR, _H), f32)
  b1r = b1[None, :]
  b2r = b2[None, :]
  fw1a = FW1[:_H]
  fw1b = FW1[_H:]
  fb1r = Fb1[None, :]
  fw2p = jnp.pad(FW2, ((0, 0), (0, _H - FW2.shape[1])))
  fb2p = jnp.pad(Fb2, (0, _H - Fb2.shape[0]))[None, :]

  p0b, p1b = _sc_deg(dst2d, ones_eb, zeros_zr)

  g1 = pl.pallas_call(
      _tc1a_body,
      grid=(_NPB,),
      in_specs=[_row_spec(), _full_spec((_D, _H))],
      out_specs=_row_spec(),
      out_shape=jax.ShapeDtypeStruct((_NP, _H), f32),
  )(xp, W1)

  ht1 = pl.pallas_call(
      _tc1b_body,
      grid=(_NPB,),
      in_specs=[_row_spec(), _row_spec(), _row_spec()],
      out_specs=_row_spec(),
      out_shape=jax.ShapeDtypeStruct((_NP, _H), f32),
  )(g1, p0b, p1b)

  a0, a1 = _sc_agg(ht1, src2d, dst2d, zrows)

  g2, ht2 = pl.pallas_call(
      _tc2_body,
      grid=(_NPB,),
      in_specs=[_row_spec(), _row_spec(), _row_spec(), _row_spec(),
                _row_spec(), _full_spec((_H, _H)), _full_spec((1, _H))],
      out_specs=[_row_spec(), _row_spec()],
      out_shape=[jax.ShapeDtypeStruct((_NP, _H), f32)] * 2,
  )(a0, a1, g1, p0b, p1b, W2, b1r)

  q0, q1 = _sc_agg(ht2, src2d, dst2d, zrows)

  out_full = pl.pallas_call(
      _tc3_body,
      grid=(_NPB,),
      in_specs=[_row_spec(), _row_spec(), _row_spec(), _row_spec(),
                _row_spec(), _full_spec((1, _H)),
                pl.BlockSpec((1, _RB), lambda i: (0, i)),
                _full_spec((_B, _A)), _full_spec((_H, _H)),
                _full_spec((_A, _H)), _full_spec((1, _H)),
                _full_spec((_H, _H)), _full_spec((1, _H))],
      out_specs=pl.BlockSpec((_B, _H), lambda i: (0, 0)),
      out_shape=jax.ShapeDtypeStruct((_B, _H), f32),
      scratch_shapes=[pltpu.VMEM((_B, _H), f32), pltpu.VMEM((_B, 1), f32)],
  )(q0, q1, g2, p0b, p1b, b2r, batch2, additional_features,
    fw1a, fw1b, fb1r, fw2p, fb2p)

  return out_full[:, :FW2.shape[1]]

# --- scband reference (transcript-rebuilt; emitter-appended) ---
"""Pipeline reference for scband-gnnwith-features-64776696758503 (READ-ONLY COPY).

The authoritative reference and input builder live on the scoring server;
editing this copy changes nothing except your own understanding.
"""

import jax, jax.numpy as jnp
import numpy as np

N = 10000
E = 320000
D = 128
H = 128
A = 16
B = 64


def setup_inputs(seed: int = 0) -> dict:
    key = jax.random.key(seed)
    ks = jax.random.split(key, 12)
    x = jax.random.normal(ks[0], (N, D), dtype=jnp.float32)
    edge_index = jax.random.randint(ks[1], (2, E), 0, N, dtype=jnp.int32)
    batch = jnp.sort(jax.random.randint(ks[2], (N,), 0, B, dtype=jnp.int32))
    additional_features = jax.random.normal(ks[3], (B, A), dtype=jnp.float32)
    W1 = jax.random.normal(ks[4], (D, H), dtype=jnp.float32) * 0.05
    b1 = jnp.zeros((H,), dtype=jnp.float32)
    W2 = jax.random.normal(ks[5], (H, H), dtype=jnp.float32) * 0.05
    b2 = jnp.zeros((H,), dtype=jnp.float32)
    FW1 = jax.random.normal(ks[6], (H + A, H), dtype=jnp.float32) * 0.05
    Fb1 = jnp.zeros((H,), dtype=jnp.float32)
    FW2 = jax.random.normal(ks[7], (H, 2), dtype=jnp.float32) * 0.05
    Fb2 = jnp.zeros((2,), dtype=jnp.float32)
    return {"x": x, "edge_index": edge_index, "batch": batch,
            "additional_features": additional_features,
            "W1": W1, "b1": b1, "W2": W2, "b2": b2,
            "FW1": FW1, "Fb1": Fb1, "FW2": FW2, "Fb2": Fb2}


def _gcn_conv(x, edge_index, W, b):
    # GCNConv: add self loops, symmetric normalization, scatter-add aggregation
    h = x @ W
    sl = jnp.arange(N, dtype=edge_index.dtype)
    src = jnp.concatenate([edge_index[0], sl])
    dst = jnp.concatenate([edge_index[1], sl])
    deg = jnp.zeros((N,), dtype=jnp.float32).at[dst].add(1.0)
    dis = jnp.where(deg > 0, 1.0 / jnp.sqrt(deg), 0.0)
    norm = dis[src] * dis[dst]
    msg = h[src] * norm[:, None]
    out = jnp.zeros((N, W.shape[1]), dtype=jnp.float32).at[dst].add(msg)
    return out + b


def reference(x, edge_index, batch, additional_features,
              W1, b1, W2, b2, FW1, Fb1, FW2, Fb2):
    h = jax.nn.relu(_gcn_conv(x, edge_index, W1, b1))
    h = jax.nn.relu(_gcn_conv(h, edge_index, W2, b2))
    # F.dropout with training=False -> identity (eval mode)
    sums = jax.ops.segment_sum(h, batch, num_segments=B)
    counts = jax.ops.segment_sum(jnp.ones((N,), dtype=jnp.float32), batch, num_segments=B)
    pooled = sums / jnp.maximum(counts, 1.0)[:, None]
    z = jnp.concatenate([pooled, additional_features], axis=1)
    z = jax.nn.relu(z @ FW1 + Fb1)
    out = z @ FW2 + Fb2
    return out

if __name__ == "__main__":
    import jax
    _d = setup_inputs()
    print(jax.jit(kernel)(*tuple(_d.values())))

</pallas_src>

<mosaic_0001>
#map = affine_map<(d0, d1) -> (0, 0)>
module attributes {stable_mosaic.version = 14 : i64} {
  func.func @run(%arg0: i32, %arg1: i32, %arg2: memref<10240x128xf32, #tpu.memory_space<hbm>>, %arg3: memref<2560x128xi32, #tpu.memory_space<hbm>>, %arg4: memref<2560x128xi32, #tpu.memory_space<hbm>>, %arg5: memref<640x128xf32, #tpu.memory_space<hbm>>, %arg6: memref<10240x128xf32, #tpu.memory_space<hbm>>, %arg7: memref<10240x128xf32, #tpu.memory_space<hbm>>, %arg8: memref<40x128xi32, #tpu.memory_space<vmem>>, %arg9: memref<40x128xi32, #tpu.memory_space<vmem>>, %arg10: memref<256x128xf32, #tpu.memory_space<vmem>>, %arg11: memref<10240x128xf32, #tpu.memory_space<vmem_shared>>, %arg12: memref<!tpu.dma_semaphore, #tpu.memory_space<semaphore_mem>>, %arg13: memref<!tpu.dma_semaphore, #tpu.memory_space<semaphore_mem>>, %arg14: memref<!tpu.dma_semaphore, #tpu.memory_space<semaphore_mem>>, %arg15: memref<!tpu.dma_semaphore, #tpu.memory_space<semaphore_mem>>) attributes {dimension_semantics = [#tpu.dimension_semantics<core_parallel>, #tpu.dimension_semantics<subcore_parallel>], iteration_bounds = array<i64: 2, 16>, scalar_prefetch = 0 : i64, scratch_operands = 8 : i64, tpu.core_type = #tpu.core_type<sc_vector_subcore>, window_params = [{transform_indices = #map}, {transform_indices = #map}, {transform_indices = #map}, {transform_indices = #map}, {transform_indices = #map}, {transform_indices = #map}]} {
    %eq3A = arith.constant 0 : i32
    %eq3A_0 = arith.cmpi eq, %arg0, %eq3A : i32
    %mul3A = arith.constant 80 : i32
    %mul3A_1 = arith.muli %arg1, %mul3A : i32
    %mul3A_2 = arith.constant 80 : i32
    %mul3A_3 = arith.muli %arg1, %mul3A_2 : i32
    %add3A = arith.constant 1280 : i32
    %add3A_4 = arith.addi %add3A, %mul3A_3 : i32
    %select_n3A = arith.select %eq3A_0, %mul3A_1, %add3A_4 : i32
    %eq3A_5 = arith.constant 0 : i32
    %eq3A_6 = arith.cmpi eq, %arg0, %eq3A_5 : i32
    %jit3A = arith.constant 2 : i32
    %jit3A_7 = arith.constant 2 : i32
    %select_n3A_8 = arith.select %eq3A_6, %jit3A, %jit3A_7 : i32
    %mul3A_9 = arith.constant 640 : i32
    %mul3A_10 = arith.muli %arg1, %mul3A_9 : i32
    "tpu.region"() ({
      %run_scoped3A = tpu.sem_alloc : memref<!tpu.dma_semaphore, #tpu.memory_space<semaphore_mem>>
      %dma_start3A = arith.constant 0 : i32
      %dma_start3A_29 = tpu.memref_slice %arg11[%mul3A_10, %dma_start3A] : memref<10240x128xf32, #tpu.memory_space<vmem_shared>> -> memref<640x128xf32, #tpu.memory_space<vmem_shared>>
      tpu.enqueue_dma source(%arg5 : memref<640x128xf32, #tpu.memory_space<hbm>>) target(%dma_start3A_29 : memref<640x128xf32, #tpu.memory_space<vmem_shared>>) target_semaphore(%run_scoped3A : memref<!tpu.dma_semaphore, #tpu.memory_space<semaphore_mem>>)
      %dma_wait3A = arith.constant 0 : i32
      %dma_wait3A_30 = tpu.memref_slice %arg11[%mul3A_10, %dma_wait3A] : memref<10240x128xf32, #tpu.memory_space<vmem_shared>> -> memref<640x128xf32, #tpu.memory_space<vmem_shared>>
      tpu.wait_dma2 semaphore(%run_scoped3A : memref<!tpu.dma_semaphore, #tpu.memory_space<semaphore_mem>>) src(%arg5 : memref<640x128xf32, #tpu.memory_space<hbm>>) dst(%dma_wait3A_30 : memref<640x128xf32, #tpu.memory_space<vmem_shared>>)
      tpu.yield
    }) : () -> ()
    %barrier3A = arith.constant 0 : index
    tpu.barrier barrier_id(%barrier3A)
    %while3A = arith.constant 0 : i32
    %while3A_11 = arith.constant 0 : i32
    %while3A_12 = arith.subi %select_n3A_8, %while3A_11 : i32
    %while3A_13 = arith.addi %while3A_11, %while3A_12 : i32
    %while3A_14 = arith.constant 1 : i32
    %while3A_15 = arith.divsi %while3A_12, %while3A_14 : i32
    %while3A_16 = arith.muli %while3A_15, %while3A_14 : i32
    %while3A_17 = arith.addi %while3A_11, %while3A_16 : i32
    %while3A_18 = arith.constant 1 : i32
    scf.for %while3A_29 = %while3A_11 to %while3A_17 step %while3A_18  : i32 {
      %mul3A_30 = arith.constant 40 : i32
      %mul3A_31 = arith.muli %while3A_29, %mul3A_30 : i32
      %add3A_32 = arith.addi %select_n3A, %mul3A_31 : i32
      "tpu.region"() ({
        %run_scoped3A = tpu.sem_alloc : memref<!tpu.dma_semaphore, #tpu.memory_space<semaphore_mem>>
        %dma_start3A_77 = arith.constant 0 : i32
        %dma_start3A_78 = tpu.memref_slice %arg3[%add3A_32, %dma_start3A_77] : memref<2560x128xi32, #tpu.memory_space<hbm>> -> memref<40x128xi32, #tpu.memory_space<hbm>>
        %dma_start3A_79 = arith.constant 0 : i32
        %dma_start3A_80 = tpu.memref_slice %arg3[%add3A_32, %dma_start3A_79] : memref<2560x128xi32, #tpu.memory_space<hbm>> -> memref<40x128xi32, #tpu.memory_space<hbm>>
        tpu.enqueue_dma source(%dma_start3A_80 : memref<40x128xi32, #tpu.memory_space<hbm>>) target(%arg8 : memref<40x128xi32, #tpu.memory_space<vmem>>) target_semaphore(%run_scoped3A : memref<!tpu.dma_semaphore, #tpu.memory_space<semaphore_mem>>)
        %dma_wait3A = arith.constant 0 : i32
        %dma_wait3A_81 = tpu.memref_slice %arg3[%add3A_32, %dma_wait3A] : memref<2560x128xi32, #tpu.memory_space<hbm>> -> memref<40x128xi32, #tpu.memory_space<hbm>>
        %dma_wait3A_82 = arith.constant 0 : i32
        %dma_wait3A_83 = tpu.memref_slice %arg3[%add3A_32, %dma_wait3A_82] : memref<2560x128xi32, #tpu.memory_space<hbm>> -> memref<40x128xi32, #tpu.memory_space<hbm>>
        tpu.wait_dma2 semaphore(%run_scoped3A : memref<!tpu.dma_semaphore, #tpu.memory_space<semaphore_mem>>) src(%dma_wait3A_83 : memref<40x128xi32, #tpu.memory_space<hbm>>) dst(%arg8 : memref<40x128xi32, #tpu.memory_space<vmem>>)
        tpu.yield
      }) : () -> ()
      "tpu.region"() ({
        %run_scoped3A = tpu.sem_alloc : memref<!tpu.dma_semaphore, #tpu.memory_space<semaphore_mem>>
        %dma_start3A_77 = arith.constant 0 : i32
        %dma_start3A_78 = tpu.memref_slice %arg4[%add3A_32, %dma_start3A_77] : memref<2560x128xi32, #tpu.memory_space<hbm>> -> memref<40x128xi32, #tpu.memory_space<hbm>>
        %dma_start3A_79 = arith.constant 0 : i32
        %dma_start3A_80 = tpu.memref_slice %arg4[%add3A_32, %dma_start3A_79] : memref<2560x128xi32, #tpu.memory_space<hbm>> -> memref<40x128xi32, #tpu.memory_space<hbm>>
        tpu.enqueue_dma source(%dma_start3A_80 : memref<40x128xi32, #tpu.memory_space<hbm>>) target(%arg9 : memref<40x128xi32, #tpu.memory_space<vmem>>) target_semaphore(%run_scoped3A : memref<!tpu.dma_semaphore, #tpu.memory_space<semaphore_mem>>)
        %dma_wait3A = arith.constant 0 : i32
        %dma_wait3A_81 = tpu.memref_slice %arg4[%add3A_32, %dma_wait3A] : memref<2560x128xi32, #tpu.memory_space<hbm>> -> memref<40x128xi32, #tpu.memory_space<hbm>>
        %dma_wait3A_82 = arith.constant 0 : i32
        %dma_wait3A_83 = tpu.memref_slice %arg4[%add3A_32, %dma_wait3A_82] : memref<2560x128xi32, #tpu.memory_space<hbm>> -> memref<40x128xi32, #tpu.memory_space<hbm>>
        tpu.wait_dma2 semaphore(%run_scoped3A : memref<!tpu.dma_semaphore, #tpu.memory_space<semaphore_mem>>) src(%dma_wait3A_83 : memref<40x128xi32, #tpu.memory_space<hbm>>) dst(%arg9 : memref<40x128xi32, #tpu.memory_space<vmem>>)
        tpu.yield
      }) : () -> ()
      %dma_start3A = arith.constant 0 : i32
      %dma_start3A_33 = arith.constant 0 : i32
      %dma_start3A_34 = arith.constant 0 : i32
      %dma_start3A_35 = tpu.memref_slice %arg10[%dma_start3A_33, %dma_start3A_34] : memref<256x128xf32, #tpu.memory_space<vmem>> -> memref<64x128xf32, #tpu.memory_space<vmem>>
      %dma_start3A_36 = arith.constant 0 : i32
      %dma_start3A_37 = tpu.memref_slice %arg8[%dma_start3A, %dma_start3A_36] : memref<40x128xi32, #tpu.memory_space<vmem>> -> memref<1x64xi32, #tpu.memory_space<vmem>>
      %dma_start3A_38 = tpu.memref_squeeze %dma_start3A_37 : memref<1x64xi32, #tpu.memory_space<vmem>> -> memref<64xi32, #tpu.memory_space<vmem>>
      %dma_start3A_39 = arith.constant 0 : i32
      %dma_start3A_40 = arith.constant 0 : i32
      %dma_start3A_41 = tpu.memref_slice %arg2[%dma_start3A_39, %dma_start3A_40] : memref<10240x128xf32, #tpu.memory_space<hbm>> -> memref<10240x128xf32, #tpu.memory_space<hbm>>
      tpu.enqueue_indirect_dma source(%dma_start3A_41 : memref<10240x128xf32, #tpu.memory_space<hbm>>) target(%dma_start3A_35 : memref<64x128xf32, #tpu.memory_space<vmem>>) offsets(%dma_start3A_38 : memref<64xi32, #tpu.memory_space<vmem>>) semaphore(%arg12 : memref<!tpu.dma_semaphore, #tpu.memory_space<semaphore_mem>>)
      %dma_start3A_42 = arith.constant 0 : i32
      %dma_start3A_43 = arith.constant 64 : i32
      %dma_start3A_44 = arith.constant 0 : i32
      %dma_start3A_45 = tpu.memref_slice %arg10[%dma_start3A_43, %dma_start3A_44] : memref<256x128xf32, #tpu.memory_space<vmem>> -> memref<64x128xf32, #tpu.memory_space<vmem>>
      %dma_start3A_46 = arith.constant 64 : i32
      %dma_start3A_47 = tpu.memref_slice %arg8[%dma_start3A_42, %dma_start3A_46] : memref<40x128xi32, #tpu.memory_space<vmem>> -> memref<1x64xi32, #tpu.memory_space<vmem>>
      %dma_start3A_48 = tpu.memref_squeeze %dma_start3A_47 : memref<1x64xi32, #tpu.memory_space<vmem>> -> memref<64xi32, #tpu.memory_space<vmem>>
      %dma_start3A_49 = arith.constant 0 : i32
      %dma_start3A_50 = arith.constant 0 : i32
      %dma_start3A_51 = tpu.memref_slice %arg2[%dma_start3A_49, %dma_start3A_50] : memref<10240x128xf32, #tpu.memory_space<hbm>> -> memref<10240x128xf32, #tpu.memory_space<hbm>>
      tpu.enqueue_indirect_dma source(%dma_start3A_51 : memref<10240x128xf32, #tpu.memory_space<hbm>>) target(%dma_start3A_45 : memref<64x128xf32, #tpu.memory_space<vmem>>) offsets(%dma_start3A_48 : memref<64xi32, #tpu.memory_space<vmem>>) semaphore(%arg13 : memref<!tpu.dma_semaphore, #tpu.memory_space<semaphore_mem>>)
      %dma_start3A_52 = arith.constant 1 : i32
      %dma_start3A_53 = arith.constant 128 : i32
      %dma_start3A_54 = arith.constant 0 : i32
      %dma_start3A_55 = tpu.memref_slice %arg10[%dma_start3A_53, %dma_start3A_54] : memref<256x128xf32, #tpu.memory_space<vmem>> -> memref<64x128xf32, #tpu.memory_space<vmem>>
      %dma_start3A_56 = arith.constant 0 : i32
      %dma_start3A_57 = tpu.memref_slice %arg8[%dma_start3A_52, %dma_start3A_56] : memref<40x128xi32, #tpu.memory_space<vmem>> -> memref<1x64xi32, #tpu.memory_space<vmem>>
      %dma_start3A_58 = tpu.memref_squeeze %dma_start3A_57 : memref<1x64xi32, #tpu.memory_space<vmem>> -> memref<64xi32, #tpu.memory_space<vmem>>
      %dma_start3A_59 = arith.constant 0 : i32
      %dma_start3A_60 = arith.constant 0 : i32
      %dma_start3A_61 = tpu.memref_slice %arg2[%dma_start3A_59, %dma_start3A_60] : memref<10240x128xf32, #tpu.memory_space<hbm>> -> memref<10240x128xf32, #tpu.memory_space<hbm>>
      tpu.enqueue_indirect_dma source(%dma_start3A_61 : memref<10240x128xf32, #tpu.memory_space<hbm>>) target(%dma_start3A_55 : memref<64x128xf32, #tpu.memory_space<vmem>>) offsets(%dma_start3A_58 : memref<64xi32, #tpu.memory_space<vmem>>) semaphore(%arg14 : memref<!tpu.dma_semaphore, #tpu.memory_space<semaphore_mem>>)
      %dma_start3A_62 = arith.constant 1 : i32
      %dma_start3A_63 = arith.constant 192 : i32
      %dma_start3A_64 = arith.constant 0 : i32
      %dma_start3A_65 = tpu.memref_slice %arg10[%dma_start3A_63, %dma_start3A_64] : memref<256x128xf32, #tpu.memory_space<vmem>> -> memref<64x128xf32, #tpu.memory_space<vmem>>
      %dma_start3A_66 = arith.constant 64 : i32
      %dma_start3A_67 = tpu.memref_slice %arg8[%dma_start3A_62, %dma_start3A_66] : memref<40x128xi32, #tpu.memory_space<vmem>> -> memref<1x64xi32, #tpu.memory_space<vmem>>
      %dma_start3A_68 = tpu.memref_squeeze %dma_start3A_67 : memref<1x64xi32, #tpu.memory_space<vmem>> -> memref<64xi32, #tpu.memory_space<vmem>>
      %dma_start3A_69 = arith.constant 0 : i32
      %dma_start3A_70 = arith.constant 0 : i32
      %dma_start3A_71 = tpu.memref_slice %arg2[%dma_start3A_69, %dma_start3A_70] : memref<10240x128xf32, #tpu.memory_space<hbm>> -> memref<10240x128xf32, #tpu.memory_space<hbm>>
      tpu.enqueue_indirect_dma source(%dma_start3A_71 : memref<10240x128xf32, #tpu.memory_space<hbm>>) target(%dma_start3A_65 : memref<64x128xf32, #tpu.memory_space<vmem>>) offsets(%dma_start3A_68 : memref<64xi32, #tpu.memory_space<vmem>>) semaphore(%arg15 : memref<!tpu.dma_semaphore, #tpu.memory_space<semaphore_mem>>)
      %scan3A = arith.constant 0 : i32
      %scan3A_72 = arith.constant 0 : i32
      %scan3A_73 = arith.constant 10 : i32
      %scan3A_74 = arith.addi %scan3A_72, %scan3A_73 : i32
      %scan3A_75 = arith.constant 1 : i32
      scf.for %scan3A_77 = %scan3A_72 to %scan3A_74 step %scan3A_75  : i32 {
        %mul3A_78 = arith.constant 4 : i32
        %mul3A_79 = arith.muli %mul3A_78, %scan3A_77 : i32
        %add3A_80 = arith.constant 0 : i32
        %add3A_81 = arith.addi %mul3A_79, %add3A_80 : i32
        %dma_wait3A = arith.constant 0 : i32
        %dma_wait3A_82 = arith.constant 0 : i32
        %dma_wait3A_83 = tpu.memref_slice %arg10[%dma_wait3A, %dma_wait3A_82] : memref<256x128xf32, #tpu.memory_space<vmem>> -> memref<64x128xf32, #tpu.memory_space<vmem>>
        %dma_wait3A_84 = arith.constant 0 : i32
        %dma_wait3A_85 = tpu.memref_slice %arg8[%add3A_81, %dma_wait3A_84] : memref<40x128xi32, #tpu.memory_space<vmem>> -> memref<1x64xi32, #tpu.memory_space<vmem>>
        %dma_wait3A_86 = tpu.memref_squeeze %dma_wait3A_85 : memref<1x64xi32, #tpu.memory_space<vmem>> -> memref<64xi32, #tpu.memory_space<vmem>>
        %dma_wait3A_87 = arith.constant 0 : i32
        %dma_wait3A_88 = arith.constant 0 : i32
        %dma_wait3A_89 = tpu.memref_slice %arg2[%dma_wait3A_87, %dma_wait3A_88] : memref<10240x128xf32, #tpu.memory_space<hbm>> -> memref<10240x128xf32, #tpu.memory_space<hbm>>
        tpu.wait_indirect_dma semaphore(%arg12 : memref<!tpu.dma_semaphore, #tpu.memory_space<semaphore_mem>>) src(%dma_wait3A_89 : memref<10240x128xf32, #tpu.memory_space<hbm>>) dst(%dma_wait3A_83 : memref<64x128xf32, #tpu.memory_space<vmem>>)
        %dma_wait3A_90 = arith.constant 64 : i32
        %dma_wait3A_91 = arith.constant 0 : i32
        %dma_wait3A_92 = tpu.memref_slice %arg10[%dma_wait3A_90, %dma_wait3A_91] : memref<256x128xf32, #tpu.memory_space<vmem>> -> memref<64x128xf32, #tpu.memory_space<vmem>>
        %dma_wait3A_93 = arith.constant 64 : i32
        %dma_wait3A_94 = tpu.memref_slice %arg8[%add3A_81, %dma_wait3A_93] : memref<40x128xi32, #tpu.memory_space<vmem>> -> memref<1x64xi32, #tpu.memory_space<vmem>>
        %dma_wait3A_95 = tpu.memref_squeeze %dma_wait3A_94 : memref<1x64xi32, #tpu.memory_space<vmem>> -> memref<64xi32, #tpu.memory_space<vmem>>
        %dma_wait3A_96 = arith.constant 0 : i32
        %dma_wait3A_97 = arith.constant 0 : i32
        %dma_wait3A_98 = tpu.memref_slice %arg2[%dma_wait3A_96, %dma_wait3A_97] : memref<10240x128xf32, #tpu.memory_space<hbm>> -> memref<10240x128xf32, #tpu.memory_space<hbm>>
        tpu.wait_indirect_dma semaphore(%arg13 : memref<!tpu.dma_semaphore, #tpu.memory_space<semaphore_mem>>) src(%dma_wait3A_98 : memref<10240x128xf32, #tpu.memory_space<hbm>>) dst(%dma_wait3A_92 : memref<64x128xf32, #tpu.memory_space<vmem>>)
        "tpu.region"() ({
          %run_scoped3A = tpu.sem_alloc : memref<!tpu.dma_semaphore, #tpu.memory_space<semaphore_mem>>
          %dma_start3A_186 = arith.constant 0 : i32
          %dma_start3A_187 = arith.constant 0 : i32
          %dma_start3A_188 = tpu.memref_slice %arg10[%dma_start3A_186, %dma_start3A_187] : memref<256x128xf32, #tpu.memory_space<vmem>> -> memref<128x128xf32, #tpu.memory_space<vmem>>
          %dma_start3A_189 = arith.constant 0 : i32
          %dma_start3A_190 = tpu.memref_slice %arg9[%add3A_81, %dma_start3A_189] : memref<40x128xi32, #tpu.memory_space<vmem>> -> memref<1x128xi32, #tpu.memory_space<vmem>>
          %dma_start3A_191 = tpu.memref_squeeze %dma_start3A_190 : memref<1x128xi32, #tpu.memory_space<vmem>> -> memref<128xi32, #tpu.memory_space<vmem>>
          %dma_start3A_192 = arith.constant 0 : i32
          %dma_start3A_193 = arith.constant 0 : i32
          %dma_start3A_194 = tpu.memref_slice %arg11[%dma_start3A_192, %dma_start3A_193] : memref<10240x128xf32, #tpu.memory_space<vmem_shared>> -> memref<10240x128xf32, #tpu.memory_space<vmem_shared>>
          tpu.enqueue_indirect_dma source(%dma_start3A_188 : memref<128x128xf32, #tpu.memory_space<vmem>>) target(%dma_start3A_194 : memref<10240x128xf32, #tpu.memory_space<vmem_shared>>) offsets(%dma_start3A_191 : memref<128xi32, #tpu.memory_space<vmem>>) semaphore(%run_scoped3A : memref<!tpu.dma_semaphore, #tpu.memory_space<semaphore_mem>>) {add = true}
          %dma_wait3A_195 = arith.constant 0 : i32
          %dma_wait3A_196 = arith.constant 0 : i32
          %dma_wait3A_197 = tpu.memref_slice %arg10[%dma_wait3A_195, %dma_wait3A_196] : memref<256x128xf32, #tpu.memory_space<vmem>> -> memref<128x128xf32, #tpu.memory_space<vmem>>
          %dma_wait3A_198 = arith.constant 0 : i32
          %dma_wait3A_199 = tpu.memref_slice %arg9[%add3A_81, %dma_wait3A_198] : memref<40x128xi32, #tpu.memory_space<vmem>> -> memref<1x128xi32, #tpu.memory_space<vmem>>
          %dma_wait3A_200 = tpu.memref_squeeze %dma_wait3A_199 : memref<1x128xi32, #tpu.memory_space<vmem>> -> memref<128xi32, #tpu.memory_space<vmem>>
          %dma_wait3A_201 = arith.constant 0 : i32
          %dma_wait3A_202 = arith.constant 0 : i32
          %dma_wait3A_203 = tpu.memref_slice %arg11[%dma_wait3A_201, %dma_wait3A_202] : memref<10240x128xf32, #tpu.memory_space<vmem_shared>> -> memref<10240x128xf32, #tpu.memory_space<vmem_shared>>
          tpu.wait_indirect_dma semaphore(%run_scoped3A : memref<!tpu.dma_semaphore, #tpu.memory_space<semaphore_mem>>) src(%dma_wait3A_197 : memref<128x128xf32, #tpu.memory_space<vmem>>) dst(%dma_wait3A_203 : memref<10240x128xf32, #tpu.memory_space<vmem_shared>>)
          tpu.yield
        }) : () -> ()
        %add3A_99 = arith.constant 2 : i32
        %add3A_100 = arith.addi %add3A_81, %add3A_99 : i32
        %lt3A = arith.constant 40 : i32
        %lt3A_101 = arith.cmpi slt, %add3A_100, %lt3A : i32
        %convert_element_type3A_102 = arith.extui %lt3A_101 : i1 to i32
        %cond3A_103 = arith.constant 0 : i32
        %cond3A_104 = arith.cmpi ne, %convert_element_type3A_102, %cond3A_103 : i32
        scf.if %cond3A_104 {
          %add3A_186 = arith.constant 2 : i32
          %add3A_187 = arith.addi %add3A_81, %add3A_186 : i32
          %dma_start3A_188 = arith.constant 0 : i32
          %dma_start3A_189 = arith.constant 0 : i32
          %dma_start3A_190 = tpu.memref_slice %arg10[%dma_start3A_188, %dma_start3A_189] : memref<256x128xf32, #tpu.memory_space<vmem>> -> memref<64x128xf32, #tpu.memory_space<vmem>>
          %dma_start3A_191 = arith.constant 0 : i32
          %dma_start3A_192 = tpu.memref_slice %arg8[%add3A_187, %dma_start3A_191] : memref<40x128xi32, #tpu.memory_space<vmem>> -> memref<1x64xi32, #tpu.memory_space<vmem>>
          %dma_start3A_193 = tpu.memref_squeeze %dma_start3A_192 : memref<1x64xi32, #tpu.memory_space<vmem>> -> memref<64xi32, #tpu.memory_space<vmem>>
          %dma_start3A_194 = arith.constant 0 : i32
          %dma_start3A_195 = arith.constant 0 : i32
          %dma_start3A_196 = tpu.memref_slice %arg2[%dma_start3A_194, %dma_start3A_195] : memref<10240x128xf32, #tpu.memory_space<hbm>> -> memref<10240x128xf32, #tpu.memory_space<hbm>>
          tpu.enqueue_indirect_dma source(%dma_start3A_196 : memref<10240x128xf32, #tpu.memory_space<hbm>>) target(%dma_start3A_190 : memref<64x128xf32, #tpu.memory_space<vmem>>) offsets(%dma_start3A_193 : memref<64xi32, #tpu.memory_space<vmem>>) semaphore(%arg12 : memref<!tpu.dma_semaphore, #tpu.memory_space<semaphore_mem>>)
          %dma_start3A_197 = arith.constant 64 : i32
          %dma_start3A_198 = arith.constant 0 : i32
          %dma_start3A_199 = tpu.memref_slice %arg10[%dma_start3A_197, %dma_start3A_198] : memref<256x128xf32, #tpu.memory_space<vmem>> -> memref<64x128xf32, #tpu.memory_space<vmem>>
          %dma_start3A_200 = arith.constant 64 : i32
          %dma_start3A_201 = tpu.memref_slice %arg8[%add3A_187, %dma_start3A_200] : memref<40x128xi32, #tpu.memory_space<vmem>> -> memref<1x64xi32, #tpu.memory_space<vmem>>
          %dma_start3A_202 = tpu.memref_squeeze %dma_start3A_201 : memref<1x64xi32, #tpu.memory_space<vmem>> -> memref<64xi32, #tpu.memory_space<vmem>>
          %dma_start3A_203 = arith.constant 0 : i32
          %dma_start3A_204 = arith.constant 0 : i32
          %dma_start3A_205 = tpu.memref_slice %arg2[%dma_start3A_203, %dma_start3A_204] : memref<10240x128xf32, #tpu.memory_space<hbm>> -> memref<10240x128xf32, #tpu.memory_space<hbm>>
          tpu.enqueue_indirect_dma source(%dma_start3A_205 : memref<10240x128xf32, #tpu.memory_space<hbm>>) target(%dma_start3A_199 : memref<64x128xf32, #tpu.memory_space<vmem>>) offsets(%dma_start3A_202 : memref<64xi32, #tpu.memory_space<vmem>>) semaphore(%arg13 : memref<!tpu.dma_semaphore, #tpu.memory_space<semaphore_mem>>)
        } else {
        }
        %add3A_105 = arith.constant 1 : i32
        %add3A_106 = arith.addi %mul3A_79, %add3A_105 : i32
        %dma_wait3A_107 = arith.constant 128 : i32
        %dma_wait3A_108 = arith.constant 0 : i32
        %dma_wait3A_109 = tpu.memref_slice %arg10[%dma_wait3A_107, %dma_wait3A_108] : memref<256x128xf32, #tpu.memory_space<vmem>> -> memref<64x128xf32, #tpu.memory_space<vmem>>
        %dma_wait3A_110 = arith.constant 0 : i32
        %dma_wait3A_111 = tpu.memref_slice %arg8[%add3A_106, %dma_wait3A_110] : memref<40x128xi32, #tpu.memory_space<vmem>> -> memref<1x64xi32, #tpu.memory_space<vmem>>
        %dma_wait3A_112 = tpu.memref_squeeze %dma_wait3A_111 : memref<1x64xi32, #tpu.memory_space<vmem>> -> memref<64xi32, #tpu.memory_space<vmem>>
        %dma_wait3A_113 = arith.constant 0 : i32
        %dma_wait3A_114 = arith.constant 0 : i32
        %dma_wait3A_115 = tpu.memref_slice %arg2[%dma_wait3A_113, %dma_wait3A_114] : memref<10240x128xf32, #tpu.memory_space<hbm>> -> memref<10240x128xf32, #tpu.memory_space<hbm>>
        tpu.wait_indirect_dma semaphore(%arg14 : memref<!tpu.dma_semaphore, #tpu.memory_space<semaphore_mem>>) src(%dma_wait3A_115 : memref<10240x128xf32, #tpu.memory_space<hbm>>) dst(%dma_wait3A_109 : memref<64x128xf32, #tpu.memory_space<vmem>>)
        %dma_wait3A_116 = arith.constant 192 : i32
        %dma_wait3A_117 = arith.constant 0 : i32
        %dma_wait3A_118 = tpu.memref_slice %arg10[%dma_wait3A_116, %dma_wait3A_117] : memref<256x128xf32, #tpu.memory_space<vmem>> -> memref<64x128xf32, #tpu.memory_space<vmem>>
        %dma_wait3A_119 = arith.constant 64 : i32
        %dma_wait3A_120 = tpu.memref_slice %arg8[%add3A_106, %dma_wait3A_119] : memref<40x128xi32, #tpu.memory_space<vmem>> -> memref<1x64xi32, #tpu.memory_space<vmem>>
        %dma_wait3A_121 = tpu.memref_squeeze %dma_wait3A_120 : memref<1x64xi32, #tpu.memory_space<vmem>> -> memref<64xi32, #tpu.memory_space<vmem>>
        %dma_wait3A_122 = arith.constant 0 : i32
        %dma_wait3A_123 = arith.constant 0 : i32
        %dma_wait3A_124 = tpu.memref_slice %arg2[%dma_wait3A_122, %dma_wait3A_123] : memref<10240x128xf32, #tpu.memory_space<hbm>> -> memref<10240x128xf32, #tpu.memory_space<hbm>>
        tpu.wait_indirect_dma semaphore(%arg15 : memref<!tpu.dma_semaphore, #tpu.memory_space<semaphore_mem>>) src(%dma_wait3A_124 : memref<10240x128xf32, #tpu.memory_space<hbm>>) dst(%dma_wait3A_118 : memref<64x128xf32, #tpu.memory_space<vmem>>)
        "tpu.region"() ({
          %run_scoped3A = tpu.sem_alloc : memref<!tpu.dma_semaphore, #tpu.memory_space<semaphore_mem>>
          %dma_start3A_186 = arith.constant 128 : i32
          %dma_start3A_187 = arith.constant 0 : i32
          %dma_start3A_188 = tpu.memref_slice %arg10[%dma_start3A_186, %dma_start3A_187] : memref<256x128xf32, #tpu.memory_space<vmem>> -> memref<128x128xf32, #tpu.memory_space<vmem>>
          %dma_start3A_189 = arith.constant 0 : i32
          %dma_start3A_190 = tpu.memref_slice %arg9[%add3A_106, %dma_start3A_189] : memref<40x128xi32, #tpu.memory_space<vmem>> -> memref<1x128xi32, #tpu.memory_space<vmem>>
          %dma_start3A_191 = tpu.memref_squeeze %dma_start3A_190 : memref<1x128xi32, #tpu.memory_space<vmem>> -> memref<128xi32, #tpu.memory_space<vmem>>
          %dma_start3A_192 = arith.constant 0 : i32
          %dma_start3A_193 = arith.constant 0 : i32
          %dma_start3A_194 = tpu.memref_slice %arg11[%dma_start3A_192, %dma_start3A_193] : memref<10240x128xf32, #tpu.memory_space<vmem_shared>> -> memref<10240x128xf32, #tpu.memory_space<vmem_shared>>
          tpu.enqueue_indirect_dma source(%dma_start3A_188 : memref<128x128xf32, #tpu.memory_space<vmem>>) target(%dma_start3A_194 : memref<10240x128xf32, #tpu.memory_space<vmem_shared>>) offsets(%dma_start3A_191 : memref<128xi32, #tpu.memory_space<vmem>>) semaphore(%run_scoped3A : memref<!tpu.dma_semaphore, #tpu.memory_space<semaphore_mem>>) {add = true}
          %dma_wait3A_195 = arith.constant 128 : i32
          %dma_wait3A_196 = arith.constant 0 : i32
          %dma_wait3A_197 = tpu.memref_slice %arg10[%dma_wait3A_195, %dma_wait3A_196] : memref<256x128xf32, #tpu.memory_space<vmem>> -> memref<128x128xf32, #tpu.memory_space<vmem>>
          %dma_wait3A_198 = arith.constant 0 : i32
          %dma_wait3A_199 = tpu.memref_slice %arg9[%add3A_106, %dma_wait3A_198] : memref<40x128xi32, #tpu.memory_space<vmem>> -> memref<1x128xi32, #tpu.memory_space<vmem>>
          %dma_wait3A_200 = tpu.memref_squeeze %dma_wait3A_199 : memref<1x128xi32, #tpu.memory_space<vmem>> -> memref<128xi32, #tpu.memory_space<vmem>>
          %dma_wait3A_201 = arith.constant 0 : i32
          %dma_wait3A_202 = arith.constant 0 : i32
          %dma_wait3A_203 = tpu.memref_slice %arg11[%dma_wait3A_201, %dma_wait3A_202] : memref<10240x128xf32, #tpu.memory_space<vmem_shared>> -> memref<10240x128xf32, #tpu.memory_space<vmem_shared>>
          tpu.wait_indirect_dma semaphore(%run_scoped3A : memref<!tpu.dma_semaphore, #tpu.memory_space<semaphore_mem>>) src(%dma_wait3A_197 : memref<128x128xf32, #tpu.memory_space<vmem>>) dst(%dma_wait3A_203 : memref<10240x128xf32, #tpu.memory_space<vmem_shared>>)
          tpu.yield
        }) : () -> ()
        %add3A_125 = arith.constant 2 : i32
        %add3A_126 = arith.addi %add3A_106, %add3A_125 : i32
        %lt3A_127 = arith.constant 40 : i32
        %lt3A_128 = arith.cmpi slt, %add3A_126, %lt3A_127 : i32
        %convert_element_type3A_129 = arith.extui %lt3A_128 : i1 to i32
        %cond3A_130 = arith.constant 0 : i32
        %cond3A_131 = arith.cmpi ne, %convert_element_type3A_129, %cond3A_130 : i32
        scf.if %cond3A_131 {
          %add3A_186 = arith.constant 2 : i32
          %add3A_187 = arith.addi %add3A_106, %add3A_186 : i32
          %dma_start3A_188 = arith.constant 128 : i32
          %dma_start3A_189 = arith.constant 0 : i32
          %dma_start3A_190 = tpu.memref_slice %arg10[%dma_start3A_188, %dma_start3A_189] : memref<256x128xf32, #tpu.memory_space<vmem>> -> memref<64x128xf32, #tpu.memory_space<vmem>>
          %dma_start3A_191 = arith.constant 0 : i32
          %dma_start3A_192 = tpu.memref_slice %arg8[%add3A_187, %dma_start3A_191] : memref<40x128xi32, #tpu.memory_space<vmem>> -> memref<1x64xi32, #tpu.memory_space<vmem>>
          %dma_start3A_193 = tpu.memref_squeeze %dma_start3A_192 : memref<1x64xi32, #tpu.memory_space<vmem>> -> memref<64xi32, #tpu.memory_space<vmem>>
          %dma_start3A_194 = arith.constant 0 : i32
          %dma_start3A_195 = arith.constant 0 : i32
          %dma_start3A_196 = tpu.memref_slice %arg2[%dma_start3A_194, %dma_start3A_195] : memref<10240x128xf32, #tpu.memory_space<hbm>> -> memref<10240x128xf32, #tpu.memory_space<hbm>>
          tpu.enqueue_indirect_dma source(%dma_start3A_196 : memref<10240x128xf32, #tpu.memory_space<hbm>>) target(%dma_start3A_190 : memref<64x128xf32, #tpu.memory_space<vmem>>) offsets(%dma_start3A_193 : memref<64xi32, #tpu.memory_space<vmem>>) semaphore(%arg14 : memref<!tpu.dma_semaphore, #tpu.memory_space<semaphore_mem>>)
          %dma_start3A_197 = arith.constant 192 : i32
          %dma_start3A_198 = arith.constant 0 : i32
          %dma_start3A_199 = tpu.memref_slice %arg10[%dma_start3A_197, %dma_start3A_198] : memref<256x128xf32, #tpu.memory_space<vmem>> -> memref<64x128xf32, #tpu.memory_space<vmem>>
          %dma_start3A_200 = arith.constant 64 : i32
          %dma_start3A_201 = tpu.memref_slice %arg8[%add3A_187, %dma_start3A_200] : memref<40x128xi32, #tpu.memory_space<vmem>> -> memref<1x64xi32, #tpu.memory_space<vmem>>
          %dma_start3A_202 = tpu.memref_squeeze %dma_start3A_201 : memref<1x64xi32, #tpu.memory_space<vmem>> -> memref<64xi32, #tpu.memory_space<vmem>>
          %dma_start3A_203 = arith.constant 0 : i32
          %dma_start3A_204 = arith.constant 0 : i32
          %dma_start3A_205 = tpu.memref_slice %arg2[%dma_start3A_203, %dma_start3A_204] : memref<10240x128xf32, #tpu.memory_space<hbm>> -> memref<10240x128xf32, #tpu.memory_space<hbm>>
          tpu.enqueue_indirect_dma source(%dma_start3A_205 : memref<10240x128xf32, #tpu.memory_space<hbm>>) target(%dma_start3A_199 : memref<64x128xf32, #tpu.memory_space<vmem>>) offsets(%dma_start3A_202 : memref<64xi32, #tpu.memory_space<vmem>>) semaphore(%arg15 : memref<!tpu.dma_semaphore, #tpu.memory_space<semaphore_mem>>)
        } else {
        }
        %add3A_132 = arith.constant 2 : i32
        %add3A_133 = arith.addi %mul3A_79, %add3A_132 : i32
        %dma_wait3A_134 = arith.constant 0 : i32
        %dma_wait3A_135 = arith.constant 0 : i32
        %dma_wait3A_136 = tpu.memref_slice %arg10[%dma_wait3A_134, %dma_wait3A_135] : memref<256x128xf32, #tpu.memory_space<vmem>> -> memref<64x128xf32, #tpu.memory_space<vmem>>
        %dma_wait3A_137 = arith.constant 0 : i32
        %dma_wait3A_138 = tpu.memref_slice %arg8[%add3A_133, %dma_wait3A_137] : memref<40x128xi32, #tpu.memory_space<vmem>> -> memref<1x64xi32, #tpu.memory_space<vmem>>
        %dma_wait3A_139 = tpu.memref_squeeze %dma_wait3A_138 : memref<1x64xi32, #tpu.memory_space<vmem>> -> memref<64xi32, #tpu.memory_space<vmem>>
        %dma_wait3A_140 = arith.constant 0 : i32
        %dma_wait3A_141 = arith.constant 0 : i32
        %dma_wait3A_142 = tpu.memref_slice %arg2[%dma_wait3A_140, %dma_wait3A_141] : memref<10240x128xf32, #tpu.memory_space<hbm>> -> memref<10240x128xf32, #tpu.memory_space<hbm>>
        tpu.wait_indirect_dma semaphore(%arg12 : memref<!tpu.dma_semaphore, #tpu.memory_space<semaphore_mem>>) src(%dma_wait3A_142 : memref<10240x128xf32, #tpu.memory_space<hbm>>) dst(%dma_wait3A_136 : memref<64x128xf32, #tpu.memory_space<vmem>>)
        %dma_wait3A_143 = arith.constant 64 : i32
        %dma_wait3A_144 = arith.constant 0 : i32
        %dma_wait3A_145 = tpu.memref_slice %arg10[%dma_wait3A_143, %dma_wait3A_144] : memref<256x128xf32, #tpu.memory_space<vmem>> -> memref<64x128xf32, #tpu.memory_space<vmem>>
        %dma_wait3A_146 = arith.constant 64 : i32
        %dma_wait3A_147 = tpu.memref_slice %arg8[%add3A_133, %dma_wait3A_146] : memref<40x128xi32, #tpu.memory_space<vmem>> -> memref<1x64xi32, #tpu.memory_space<vmem>>
        %dma_wait3A_148 = tpu.memref_squeeze %dma_wait3A_147 : memref<1x64xi32, #tpu.memory_space<vmem>> -> memref<64xi32, #tpu.memory_space<vmem>>
        %dma_wait3A_149 = arith.constant 0 : i32
        %dma_wait3A_150 = arith.constant 0 : i32
        %dma_wait3A_151 = tpu.memref_slice %arg2[%dma_wait3A_149, %dma_wait3A_150] : memref<10240x128xf32, #tpu.memory_space<hbm>> -> memref<10240x128xf32, #tpu.memory_space<hbm>>
        tpu.wait_indirect_dma semaphore(%arg13 : memref<!tpu.dma_semaphore, #tpu.memory_space<semaphore_mem>>) src(%dma_wait3A_151 : memref<10240x128xf32, #tpu.memory_space<hbm>>) dst(%dma_wait3A_145 : memref<64x128xf32, #tpu.memory_space<vmem>>)
        "tpu.region"() ({
          %run_scoped3A = tpu.sem_alloc : memref<!tpu.dma_semaphore, #tpu.memory_space<semaphore_mem>>
          %dma_start3A_186 = arith.constant 0 : i32
          %dma_start3A_187 = arith.constant 0 : i32
          %dma_start3A_188 = tpu.memref_slice %arg10[%dma_start3A_186, %dma_start3A_187] : memref<256x128xf32, #tpu.memory_space<vmem>> -> memref<128x128xf32, #tpu.memory_space<vmem>>
          %dma_start3A_189 = arith.constant 0 : i32
          %dma_start3A_190 = tpu.memref_slice %arg9[%add3A_133, %dma_start3A_189] : memref<40x128xi32, #tpu.memory_space<vmem>> -> memref<1x128xi32, #tpu.memory_space<vmem>>
          %dma_start3A_191 = tpu.memref_squeeze %dma_start3A_190 : memref<1x128xi32, #tpu.memory_space<vmem>> -> memref<128xi32, #tpu.memory_space<vmem>>
          %dma_start3A_192 = arith.constant 0 : i32
          %dma_start3A_193 = arith.constant 0 : i32
          %dma_start3A_194 = tpu.memref_slice %arg11[%dma_start3A_192, %dma_start3A_193] : memref<10240x128xf32, #tpu.memory_space<vmem_shared>> -> memref<10240x128xf32, #tpu.memory_space<vmem_shared>>
          tpu.enqueue_indirect_dma source(%dma_start3A_188 : memref<128x128xf32, #tpu.memory_space<vmem>>) target(%dma_start3A_194 : memref<10240x128xf32, #tpu.memory_space<vmem_shared>>) offsets(%dma_start3A_191 : memref<128xi32, #tpu.memory_space<vmem>>) semaphore(%run_scoped3A : memref<!tpu.dma_semaphore, #tpu.memory_space<semaphore_mem>>) {add = true}
          %dma_wait3A_195 = arith.constant 0 : i32
          %dma_wait3A_196 = arith.constant 0 : i32
          %dma_wait3A_197 = tpu.memref_slice %arg10[%dma_wait3A_195, %dma_wait3A_196] : memref<256x128xf32, #tpu.memory_space<vmem>> -> memref<128x128xf32, #tpu.memory_space<vmem>>
          %dma_wait3A_198 = arith.constant 0 : i32
          %dma_wait3A_199 = tpu.memref_slice %arg9[%add3A_133, %dma_wait3A_198] : memref<40x128xi32, #tpu.memory_space<vmem>> -> memref<1x128xi32, #tpu.memory_space<vmem>>
          %dma_wait3A_200 = tpu.memref_squeeze %dma_wait3A_199 : memref<1x128xi32, #tpu.memory_space<vmem>> -> memref<128xi32, #tpu.memory_space<vmem>>
          %dma_wait3A_201 = arith.constant 0 : i32
          %dma_wait3A_202 = arith.constant 0 : i32
          %dma_wait3A_203 = tpu.memref_slice %arg11[%dma_wait3A_201, %dma_wait3A_202] : memref<10240x128xf32, #tpu.memory_space<vmem_shared>> -> memref<10240x128xf32, #tpu.memory_space<vmem_shared>>
          tpu.wait_indirect_dma semaphore(%run_scoped3A : memref<!tpu.dma_semaphore, #tpu.memory_space<semaphore_mem>>) src(%dma_wait3A_197 : memref<128x128xf32, #tpu.memory_space<vmem>>) dst(%dma_wait3A_203 : memref<10240x128xf32, #tpu.memory_space<vmem_shared>>)
          tpu.yield
        }) : () -> ()
        %add3A_152 = arith.constant 2 : i32
        %add3A_153 = arith.addi %add3A_133, %add3A_152 : i32
        %lt3A_154 = arith.constant 40 : i32
        %lt3A_155 = arith.cmpi slt, %add3A_153, %lt3A_154 : i32
        %convert_element_type3A_156 = arith.extui %lt3A_155 : i1 to i32
        %cond3A_157 = arith.constant 0 : i32
        %cond3A_158 = arith.cmpi ne, %convert_element_type3A_156, %cond3A_157 : i32
        scf.if %cond3A_158 {
          %add3A_186 = arith.constant 2 : i32
          %add3A_187 = arith.addi %add3A_133, %add3A_186 : i32
          %dma_start3A_188 = arith.constant 0 : i32
          %dma_start3A_189 = arith.constant 0 : i32
          %dma_start3A_190 = tpu.memref_slice %arg10[%dma_start3A_188, %dma_start3A_189] : memref<256x128xf32, #tpu.memory_space<vmem>> -> memref<64x128xf32, #tpu.memory_space<vmem>>
          %dma_start3A_191 = arith.constant 0 : i32
          %dma_start3A_192 = tpu.memref_slice %arg8[%add3A_187, %dma_start3A_191] : memref<40x128xi32, #tpu.memory_space<vmem>> -> memref<1x64xi32, #tpu.memory_space<vmem>>
          %dma_start3A_193 = tpu.memref_squeeze %dma_start3A_192 : memref<1x64xi32, #tpu.memory_space<vmem>> -> memref<64xi32, #tpu.memory_space<vmem>>
          %dma_start3A_194 = arith.constant 0 : i32
          %dma_start3A_195 = arith.constant 0 : i32
          %dma_start3A_196 = tpu.memref_slice %arg2[%dma_start3A_194, %dma_start3A_195] : memref<10240x128xf32, #tpu.memory_space<hbm>> -> memref<10240x128xf32, #tpu.memory_space<hbm>>
          tpu.enqueue_indirect_dma source(%dma_start3A_196 : memref<10240x128xf32, #tpu.memory_space<hbm>>) target(%dma_start3A_190 : memref<64x128xf32, #tpu.memory_space<vmem>>) offsets(%dma_start3A_193 : memref<64xi32, #tpu.memory_space<vmem>>) semaphore(%arg12 : memref<!tpu.dma_semaphore, #tpu.memory_space<semaphore_mem>>)
          %dma_start3A_197 = arith.constant 64 : i32
          %dma_start3A_198 = arith.constant 0 : i32
          %dma_start3A_199 = tpu.memref_slice %arg10[%dma_start3A_197, %dma_start3A_198] : memref<256x128xf32, #tpu.memory_space<vmem>> -> memref<64x128xf32, #tpu.memory_space<vmem>>
          %dma_start3A_200 = arith.constant 64 : i32
          %dma_start3A_201 = tpu.memref_slice %arg8[%add3A_187, %dma_start3A_200] : memref<40x128xi32, #tpu.memory_space<vmem>> -> memref<1x64xi32, #tpu.memory_space<vmem>>
          %dma_start3A_202 = tpu.memref_squeeze %dma_start3A_201 : memref<1x64xi32, #tpu.memory_space<vmem>> -> memref<64xi32, #tpu.memory_space<vmem>>
          %dma_start3A_203 = arith.constant 0 : i32
          %dma_start3A_204 = arith.constant 0 : i32
          %dma_start3A_205 = tpu.memref_slice %arg2[%dma_start3A_203, %dma_start3A_204] : memref<10240x128xf32, #tpu.memory_space<hbm>> -> memref<10240x128xf32, #tpu.memory_space<hbm>>
          tpu.enqueue_indirect_dma source(%dma_start3A_205 : memref<10240x128xf32, #tpu.memory_space<hbm>>) target(%dma_start3A_199 : memref<64x128xf32, #tpu.memory_space<vmem>>) offsets(%dma_start3A_202 : memref<64xi32, #tpu.memory_space<vmem>>) semaphore(%arg13 : memref<!tpu.dma_semaphore, #tpu.memory_space<semaphore_mem>>)
        } else {
        }
        %add3A_159 = arith.constant 3 : i32
        %add3A_160 = arith.addi %mul3A_79, %add3A_159 : i32
        %dma_wait3A_161 = arith.constant 128 : i32
        %dma_wait3A_162 = arith.constant 0 : i32
        %dma_wait3A_163 = tpu.memref_slice %arg10[%dma_wait3A_161, %dma_wait3A_162] : memref<256x128xf32, #tpu.memory_space<vmem>> -> memref<64x128xf32, #tpu.memory_space<vmem>>
        %dma_wait3A_164 = arith.constant 0 : i32
        %dma_wait3A_165 = tpu.memref_slice %arg8[%add3A_160, %dma_wait3A_164] : memref<40x128xi32, #tpu.memory_space<vmem>> -> memref<1x64xi32, #tpu.memory_space<vmem>>
        %dma_wait3A_166 = tpu.memref_squeeze %dma_wait3A_165 : memref<1x64xi32, #tpu.memory_space<vmem>> -> memref<64xi32, #tpu.memory_space<vmem>>
        %dma_wait3A_167 = arith.constant 0 : i32
        %dma_wait3A_168 = arith.constant 0 : i32
        %dma_wait3A_169 = tpu.memref_slice %arg2[%dma_wait3A_167, %dma_wait3A_168] : memref<10240x128xf32, #tpu.memory_space<hbm>> -> memref<10240x128xf32, #tpu.memory_space<hbm>>
        tpu.wait_indirect_dma semaphore(%arg14 : memref<!tpu.dma_semaphore, #tpu.memory_space<semaphore_mem>>) src(%dma_wait3A_169 : memref<10240x128xf32, #tpu.memory_space<hbm>>) dst(%dma_wait3A_163 : memref<64x128xf32, #tpu.memory_space<vmem>>)
        %dma_wait3A_170 = arith.constant 192 : i32
        %dma_wait3A_171 = arith.constant 0 : i32
        %dma_wait3A_172 = tpu.memref_slice %arg10[%dma_wait3A_170, %dma_wait3A_171] : memref<256x128xf32, #tpu.memory_space<vmem>> -> memref<64x128xf32, #tpu.memory_space<vmem>>
        %dma_wait3A_173 = arith.constant 64 : i32
        %dma_wait3A_174 = tpu.memref_slice %arg8[%add3A_160, %dma_wait3A_173] : memref<40x128xi32, #tpu.memory_space<vmem>> -> memref<1x64xi32, #tpu.memory_space<vmem>>
        %dma_wait3A_175 = tpu.memref_squeeze %dma_wait3A_174 : memref<1x64xi32, #tpu.memory_space<vmem>> -> memref<64xi32, #tpu.memory_space<vmem>>
        %dma_wait3A_176 = arith.constant 0 : i32
        %dma_wait3A_177 = arith.constant 0 : i32
        %dma_wait3A_178 = tpu.memref_slice %arg2[%dma_wait3A_176, %dma_wait3A_177] : memref<10240x128xf32, #tpu.memory_space<hbm>> -> memref<10240x128xf32, #tpu.memory_space<hbm>>
        tpu.wait_indirect_dma semaphore(%arg15 : memref<!tpu.dma_semaphore, #tpu.memory_space<semaphore_mem>>) src(%dma_wait3A_178 : memref<10240x128xf32, #tpu.memory_space<hbm>>) dst(%dma_wait3A_172 : memref<64x128xf32, #tpu.memory_space<vmem>>)
        "tpu.region"() ({
          %run_scoped3A = tpu.sem_alloc : memref<!tpu.dma_semaphore, #tpu.memory_space<semaphore_mem>>
          %dma_start3A_186 = arith.constant 128 : i32
          %dma_start3A_187 = arith.constant 0 : i32
          %dma_start3A_188 = tpu.memref_slice %arg10[%dma_start3A_186, %dma_start3A_187] : memref<256x128xf32, #tpu.memory_space<vmem>> -> memref<128x128xf32, #tpu.memory_space<vmem>>
          %dma_start3A_189 = arith.constant 0 : i32
          %dma_start3A_190 = tpu.memref_slice %arg9[%add3A_160, %dma_start3A_189] : memref<40x128xi32, #tpu.memory_space<vmem>> -> memref<1x128xi32, #tpu.memory_space<vmem>>
          %dma_start3A_191 = tpu.memref_squeeze %dma_start3A_190 : memref<1x128xi32, #tpu.memory_space<vmem>> -> memref<128xi32, #tpu.memory_space<vmem>>
          %dma_start3A_192 = arith.constant 0 : i32
          %dma_start3A_193 = arith.constant 0 : i32
          %dma_start3A_194 = tpu.memref_slice %arg11[%dma_start3A_192, %dma_start3A_193] : memref<10240x128xf32, #tpu.memory_space<vmem_shared>> -> memref<10240x128xf32, #tpu.memory_space<vmem_shared>>
          tpu.enqueue_indirect_dma source(%dma_start3A_188 : memref<128x128xf32, #tpu.memory_space<vmem>>) target(%dma_start3A_194 : memref<10240x128xf32, #tpu.memory_space<vmem_shared>>) offsets(%dma_start3A_191 : memref<128xi32, #tpu.memory_space<vmem>>) semaphore(%run_scoped3A : memref<!tpu.dma_semaphore, #tpu.memory_space<semaphore_mem>>) {add = true}
          %dma_wait3A_195 = arith.constant 128 : i32
          %dma_wait3A_196 = arith.constant 0 : i32
          %dma_wait3A_197 = tpu.memref_slice %arg10[%dma_wait3A_195, %dma_wait3A_196] : memref<256x128xf32, #tpu.memory_space<vmem>> -> memref<128x128xf32, #tpu.memory_space<vmem>>
          %dma_wait3A_198 = arith.constant 0 : i32
          %dma_wait3A_199 = tpu.memref_slice %arg9[%add3A_160, %dma_wait3A_198] : memref<40x128xi32, #tpu.memory_space<vmem>> -> memref<1x128xi32, #tpu.memory_space<vmem>>
          %dma_wait3A_200 = tpu.memref_squeeze %dma_wait3A_199 : memref<1x128xi32, #tpu.memory_space<vmem>> -> memref<128xi32, #tpu.memory_space<vmem>>
          %dma_wait3A_201 = arith.constant 0 : i32
          %dma_wait3A_202 = arith.constant 0 : i32
          %dma_wait3A_203 = tpu.memref_slice %arg11[%dma_wait3A_201, %dma_wait3A_202] : memref<10240x128xf32, #tpu.memory_space<vmem_shared>> -> memref<10240x128xf32, #tpu.memory_space<vmem_shared>>
          tpu.wait_indirect_dma semaphore(%run_scoped3A : memref<!tpu.dma_semaphore, #tpu.memory_space<semaphore_mem>>) src(%dma_wait3A_197 : memref<128x128xf32, #tpu.memory_space<vmem>>) dst(%dma_wait3A_203 : memref<10240x128xf32, #tpu.memory_space<vmem_shared>>)
          tpu.yield
        }) : () -> ()
        %add3A_179 = arith.constant 2 : i32
        %add3A_180 = arith.addi %add3A_160, %add3A_179 : i32
        %lt3A_181 = arith.constant 40 : i32
        %lt3A_182 = arith.cmpi slt, %add3A_180, %lt3A_181 : i32
        %convert_element_type3A_183 = arith.extui %lt3A_182 : i1 to i32
        %cond3A_184 = arith.constant 0 : i32
        %cond3A_185 = arith.cmpi ne, %convert_element_type3A_183, %cond3A_184 : i32
        scf.if %cond3A_185 {
          %add3A_186 = arith.constant 2 : i32
          %add3A_187 = arith.addi %add3A_160, %add3A_186 : i32
          %dma_start3A_188 = arith.constant 128 : i32
          %dma_start3A_189 = arith.constant 0 : i32
          %dma_start3A_190 = tpu.memref_slice %arg10[%dma_start3A_188, %dma_start3A_189] : memref<256x128xf32, #tpu.memory_space<vmem>> -> memref<64x128xf32, #tpu.memory_space<vmem>>
          %dma_start3A_191 = arith.constant 0 : i32
          %dma_start3A_192 = tpu.memref_slice %arg8[%add3A_187, %dma_start3A_191] : memref<40x128xi32, #tpu.memory_space<vmem>> -> memref<1x64xi32, #tpu.memory_space<vmem>>
          %dma_start3A_193 = tpu.memref_squeeze %dma_start3A_192 : memref<1x64xi32, #tpu.memory_space<vmem>> -> memref<64xi32, #tpu.memory_space<vmem>>
          %dma_start3A_194 = arith.constant 0 : i32
          %dma_start3A_195 = arith.constant 0 : i32
          %dma_start3A_196 = tpu.memref_slice %arg2[%dma_start3A_194, %dma_start3A_195] : memref<10240x128xf32, #tpu.memory_space<hbm>> -> memref<10240x128xf32, #tpu.memory_space<hbm>>
          tpu.enqueue_indirect_dma source(%dma_start3A_196 : memref<10240x128xf32, #tpu.memory_space<hbm>>) target(%dma_start3A_190 : memref<64x128xf32, #tpu.memory_space<vmem>>) offsets(%dma_start3A_193 : memref<64xi32, #tpu.memory_space<vmem>>) semaphore(%arg14 : memref<!tpu.dma_semaphore, #tpu.memory_space<semaphore_mem>>)
          %dma_start3A_197 = arith.constant 192 : i32
          %dma_start3A_198 = arith.constant 0 : i32
          %dma_start3A_199 = tpu.memref_slice %arg10[%dma_start3A_197, %dma_start3A_198] : memref<256x128xf32, #tpu.memory_space<vmem>> -> memref<64x128xf32, #tpu.memory_space<vmem>>
          %dma_start3A_200 = arith.constant 64 : i32
          %dma_start3A_201 = tpu.memref_slice %arg8[%add3A_187, %dma_start3A_200] : memref<40x128xi32, #tpu.memory_space<vmem>> -> memref<1x64xi32, #tpu.memory_space<vmem>>
          %dma_start3A_202 = tpu.memref_squeeze %dma_start3A_201 : memref<1x64xi32, #tpu.memory_space<vmem>> -> memref<64xi32, #tpu.memory_space<vmem>>
          %dma_start3A_203 = arith.constant 0 : i32
          %dma_start3A_204 = arith.constant 0 : i32
          %dma_start3A_205 = tpu.memref_slice %arg2[%dma_start3A_203, %dma_start3A_204] : memref<10240x128xf32, #tpu.memory_space<hbm>> -> memref<10240x128xf32, #tpu.memory_space<hbm>>
          tpu.enqueue_indirect_dma source(%dma_start3A_205 : memref<10240x128xf32, #tpu.memory_space<hbm>>) target(%dma_start3A_199 : memref<64x128xf32, #tpu.memory_space<vmem>>) offsets(%dma_start3A_202 : memref<64xi32, #tpu.memory_space<vmem>>) semaphore(%arg15 : memref<!tpu.dma_semaphore, #tpu.memory_space<semaphore_mem>>)
        } else {
        }
      }
      %scan3A_76 = arith.constant 10 : i32
    }
    %while3A_19 = arith.constant 1 : i32
    scf.for %while3A_29 = %while3A_17 to %while3A_13 step %while3A_19  : i32 {
      %mul3A_30 = arith.constant 40 : i32
      %mul3A_31 = arith.muli %while3A_29, %mul3A_30 : i32
      %add3A_32 = arith.addi %select_n3A, %mul3A_31 : i32
      "tpu.region"() ({
        %run_scoped3A = tpu.sem_alloc : memref<!tpu.dma_semaphore, #tpu.memory_space<semaphore_mem>>
        %dma_start3A_77 = arith.constant 0 : i32
        %dma_start3A_78 = tpu.memref_slice %arg3[%add3A_32, %dma_start3A_77] : memref<2560x128xi32, #tpu.memory_space<hbm>> -> memref<40x128xi32, #tpu.memory_space<hbm>>
        %dma_start3A_79 = arith.constant 0 : i32
        %dma_start3A_80 = tpu.memref_slice %arg3[%add3A_32, %dma_start3A_79] : memref<2560x128xi32, #tpu.memory_space<hbm>> -> memref<40x128xi32, #tpu.memory_space<hbm>>
        tpu.enqueue_dma source(%dma_start3A_80 : memref<40x128xi32, #tpu.memory_space<hbm>>) target(%arg8 : memref<40x128xi32, #tpu.memory_space<vmem>>) target_semaphore(%run_scoped3A : memref<!tpu.dma_semaphore, #tpu.memory_space<semaphore_mem>>)
        %dma_wait3A = arith.constant 0 : i32
        %dma_wait3A_81 = tpu.memref_slice %arg3[%add3A_32, %dma_wait3A] : memref<2560x128xi32, #tpu.memory_space<hbm>> -> memref<40x128xi32, #tpu.memory_space<hbm>>
        %dma_wait3A_82 = arith.constant 0 : i32
        %dma_wait3A_83 = tpu.memref_slice %arg3[%add3A_32, %dma_wait3A_82] : memref<2560x128xi32, #tpu.memory_space<hbm>> -> memref<40x128xi32, #tpu.memory_space<hbm>>
        tpu.wait_dma2 semaphore(%run_scoped3A : memref<!tpu.dma_semaphore, #tpu.memory_space<semaphore_mem>>) src(%dma_wait3A_83 : memref<40x128xi32, #tpu.memory_space<hbm>>) dst(%arg8 : memref<40x128xi32, #tpu.memory_space<vmem>>)
        tpu.yield
      }) : () -> ()
      "tpu.region"() ({
        %run_scoped3A = tpu.sem_alloc : memref<!tpu.dma_semaphore, #tpu.memory_space<semaphore_mem>>
        %dma_start3A_77 = arith.constant 0 : i32
        %dma_start3A_78 = tpu.memref_slice %arg4[%add3A_32, %dma_start3A_77] : memref<2560x128xi32, #tpu.memory_space<hbm>> -> memref<40x128xi32, #tpu.memory_space<hbm>>
        %dma_start3A_79 = arith.constant 0 : i32
        %dma_start3A_80 = tpu.memref_slice %arg4[%add3A_32, %dma_start3A_79] : memref<2560x128xi32, #tpu.memory_space<hbm>> -> memref<40x128xi32, #tpu.memory_space<hbm>>
        tpu.enqueue_dma source(%dma_start3A_80 : memref<40x128xi32, #tpu.memory_space<hbm>>) target(%arg9 : memref<40x128xi32, #tpu.memory_space<vmem>>) target_semaphore(%run_scoped3A : memref<!tpu.dma_semaphore, #tpu.memory_space<semaphore_mem>>)
        %dma_wait3A = arith.constant 0 : i32
        %dma_wait3A_81 = tpu.memref_slice %arg4[%add3A_32, %dma_wait3A] : memref<2560x128xi32, #tpu.memory_space<hbm>> -> memref<40x128xi32, #tpu.memory_space<hbm>>
        %dma_wait3A_82 = arith.constant 0 : i32
        %dma_wait3A_83 = tpu.memref_slice %arg4[%add3A_32, %dma_wait3A_82] : memref<2560x128xi32, #tpu.memory_space<hbm>> -> memref<40x128xi32, #tpu.memory_space<hbm>>
        tpu.wait_dma2 semaphore(%run_scoped3A : memref<!tpu.dma_semaphore, #tpu.memory_space<semaphore_mem>>) src(%dma_wait3A_83 : memref<40x128xi32, #tpu.memory_space<hbm>>) dst(%arg9 : memref<40x128xi32, #tpu.memory_space<vmem>>)
        tpu.yield
      }) : () -> ()
      %dma_start3A = arith.constant 0 : i32
      %dma_start3A_33 = arith.constant 0 : i32
      %dma_start3A_34 = arith.constant 0 : i32
      %dma_start3A_35 = tpu.memref_slice %arg10[%dma_start3A_33, %dma_start3A_34] : memref<256x128xf32, #tpu.memory_space<vmem>> -> memref<64x128xf32, #tpu.memory_space<vmem>>
      %dma_start3A_36 = arith.constant 0 : i32
      %dma_start3A_37 = tpu.memref_slice %arg8[%dma_start3A, %dma_start3A_36] : memref<40x128xi32, #tpu.memory_space<vmem>> -> memref<1x64xi32, #tpu.memory_space<vmem>>
      %dma_start3A_38 = tpu.memref_squeeze %dma_start3A_37 : memref<1x64xi32, #tpu.memory_space<vmem>> -> memref<64xi32, #tpu.memory_space<vmem>>
      %dma_start3A_39 = arith.constant 0 : i32
      %dma_start3A_40 = arith.constant 0 : i32
      %dma_start3A_41 = tpu.memref_slice %arg2[%dma_start3A_39, %dma_start3A_40] : memref<10240x128xf32, #tpu.memory_space<hbm>> -> memref<10240x128xf32, #tpu.memory_space<hbm>>
      tpu.enqueue_indirect_dma source(%dma_start3A_41 : memref<10240x128xf32, #tpu.memory_space<hbm>>) target(%dma_start3A_35 : memref<64x128xf32, #tpu.memory_space<vmem>>) offsets(%dma_start3A_38 : memref<64xi32, #tpu.memory_space<vmem>>) semaphore(%arg12 : memref<!tpu.dma_semaphore, #tpu.memory_space<semaphore_mem>>)
      %dma_start3A_42 = arith.constant 0 : i32
      %dma_start3A_43 = arith.constant 64 : i32
      %dma_start3A_44 = arith.constant 0 : i32
      %dma_start3A_45 = tpu.memref_slice %arg10[%dma_start3A_43, %dma_start3A_44] : memref<256x128xf32, #tpu.memory_space<vmem>> -> memref<64x128xf32, #tpu.memory_space<vmem>>
      %dma_start3A_46 = arith.constant 64 : i32
      %dma_start3A_47 = tpu.memref_slice %arg8[%dma_start3A_42, %dma_start3A_46] : memref<40x128xi32, #tpu.memory_space<vmem>> -> memref<1x64xi32, #tpu.memory_space<vmem>>
      %dma_start3A_48 = tpu.memref_squeeze %dma_start3A_47 : memref<1x64xi32, #tpu.memory_space<vmem>> -> memref<64xi32, #tpu.memory_space<vmem>>
      %dma_start3A_49 = arith.constant 0 : i32
      %dma_start3A_50 = arith.constant 0 : i32
      %dma_start3A_51 = tpu.memref_slice %arg2[%dma_start3A_49, %dma_start3A_50] : memref<10240x128xf32, #tpu.memory_space<hbm>> -> memref<10240x128xf32, #tpu.memory_space<hbm>>
      tpu.enqueue_indirect_dma source(%dma_start3A_51 : memref<10240x128xf32, #tpu.memory_space<hbm>>) target(%dma_start3A_45 : memref<64x128xf32, #tpu.memory_space<vmem>>) offsets(%dma_start3A_48 : memref<64xi32, #tpu.memory_space<vmem>>) semaphore(%arg13 : memref<!tpu.dma_semaphore, #tpu.memory_space<semaphore_mem>>)
      %dma_start3A_52 = arith.constant 1 : i32
      %dma_start3A_53 = arith.constant 128 : i32
      %dma_start3A_54 = arith.constant 0 : i32
      %dma_start3A_55 = tpu.memref_slice %arg10[%dma_start3A_53, %dma_start3A_54] : memref<256x128xf32, #tpu.memory_space<vmem>> -> memref<64x128xf32, #tpu.memory_space<vmem>>
      %dma_start3A_56 = arith.constant 0 : i32
      %dma_start3A_57 = tpu.memref_slice %arg8[%dma_start3A_52, %dma_start3A_56] : memref<40x128xi32, #tpu.memory_space<vmem>> -> memref<1x64xi32, #tpu.memory_space<vmem>>
      %dma_start3A_58 = tpu.memref_squeeze %dma_start3A_57 : memref<1x64xi32, #tpu.memory_space<vmem>> -> memref<64xi32, #tpu.memory_space<vmem>>
      %dma_start3A_59 = arith.constant 0 : i32
      %dma_start3A_60 = arith.constant 0 : i32
      %dma_start3A_61 = tpu.memref_slice %arg2[%dma_start3A_59, %dma_start3A_60] : memref<10240x128xf32, #tpu.memory_space<hbm>> -> memref<10240x128xf32, #tpu.memory_space<hbm>>
      tpu.enqueue_indirect_dma source(%dma_start3A_61 : memref<10240x128xf32, #tpu.memory_space<hbm>>) target(%dma_start3A_55 : memref<64x128xf32, #tpu.memory_space<vmem>>) offsets(%dma_start3A_58 : memref<64xi32, #tpu.memory_space<vmem>>) semaphore(%arg14 : memref<!tpu.dma_semaphore, #tpu.memory_space<semaphore_mem>>)
      %dma_start3A_62 = arith.constant 1 : i32
      %dma_start3A_63 = arith.constant 192 : i32
      %dma_start3A_64 = arith.constant 0 : i32
      %dma_start3A_65 = tpu.memref_slice %arg10[%dma_start3A_63, %dma_start3A_64] : memref<256x128xf32, #tpu.memory_space<vmem>> -> memref<64x128xf32, #tpu.memory_space<vmem>>
      %dma_start3A_66 = arith.constant 64 : i32
      %dma_start3A_67 = tpu.memref_slice %arg8[%dma_start3A_62, %dma_start3A_66] : memref<40x128xi32, #tpu.memory_space<vmem>> -> memref<1x64xi32, #tpu.memory_space<vmem>>
      %dma_start3A_68 = tpu.memref_squeeze %dma_start3A_67 : memref<1x64xi32, #tpu.memory_space<vmem>> -> memref<64xi32, #tpu.memory_space<vmem>>
      %dma_start3A_69 = arith.constant 0 : i32
      %dma_start3A_70 = arith.constant 0 : i32
      %dma_start3A_71 = tpu.memref_slice %arg2[%dma_start3A_69, %dma_start3A_70] : memref<10240x128xf32, #tpu.memory_space<hbm>> -> memref<10240x128xf32, #tpu.memory_space<hbm>>
      tpu.enqueue_indirect_dma source(%dma_start3A_71 : memref<10240x128xf32, #tpu.memory_space<hbm>>) target(%dma_start3A_65 : memref<64x128xf32, #tpu.memory_space<vmem>>) offsets(%dma_start3A_68 : memref<64xi32, #tpu.memory_space<vmem>>) semaphore(%arg15 : memref<!tpu.dma_semaphore, #tpu.memory_space<semaphore_mem>>)
      %scan3A = arith.constant 0 : i32
      %scan3A_72 = arith.constant 0 : i32
      %scan3A_73 = arith.constant 10 : i32
      %scan3A_74 = arith.addi %scan3A_72, %scan3A_73 : i32
      %scan3A_75 = arith.constant 1 : i32
      scf.for %scan3A_77 = %scan3A_72 to %scan3A_74 step %scan3A_75  : i32 {
        %mul3A_78 = arith.constant 4 : i32
        %mul3A_79 = arith.muli %mul3A_78, %scan3A_77 : i32
        %add3A_80 = arith.constant 0 : i32
        %add3A_81 = arith.addi %mul3A_79, %add3A_80 : i32
        %dma_wait3A = arith.constant 0 : i32
        %dma_wait3A_82 = arith.constant 0 : i32
        %dma_wait3A_83 = tpu.memref_slice %arg10[%dma_wait3A, %dma_wait3A_82] : memref<256x128xf32, #tpu.memory_space<vmem>> -> memref<64x128xf32, #tpu.memory_space<vmem>>
        %dma_wait3A_84 = arith.constant 0 : i32
        %dma_wait3A_85 = tpu.memref_slice %arg8[%add3A_81, %dma_wait3A_84] : memref<40x128xi32, #tpu.memory_space<vmem>> -> memref<1x64xi32, #tpu.memory_space<vmem>>
        %dma_wait3A_86 = tpu.memref_squeeze %dma_wait3A_85 : memref<1x64xi32, #tpu.memory_space<vmem>> -> memref<64xi32, #tpu.memory_space<vmem>>
        %dma_wait3A_87 = arith.constant 0 : i32
        %dma_wait3A_88 = arith.constant 0 : i32
        %dma_wait3A_89 = tpu.memref_slice %arg2[%dma_wait3A_87, %dma_wait3A_88] : memref<10240x128xf32, #tpu.memory_space<hbm>> -> memref<10240x128xf32, #tpu.memory_space<hbm>>
        tpu.wait_indirect_dma semaphore(%arg12 : memref<!tpu.dma_semaphore, #tpu.memory_space<semaphore_mem>>) src(%dma_wait3A_89 : memref<10240x128xf32, #tpu.memory_space<hbm>>) dst(%dma_wait3A_83 : memref<64x128xf32, #tpu.memory_space<vmem>>)
        %dma_wait3A_90 = arith.constant 64 : i32
        %dma_wait3A_91 = arith.constant 0 : i32
        %dma_wait3A_92 = tpu.memref_slice %arg10[%dma_wait3A_90, %dma_wait3A_91] : memref<256x128xf32, #tpu.memory_space<vmem>> -> memref<64x128xf32, #tpu.memory_space<vmem>>
        %dma_wait3A_93 = arith.constant 64 : i32
        %dma_wait3A_94 = tpu.memref_slice %arg8[%add3A_81, %dma_wait3A_93] : memref<40x128xi32, #tpu.memory_space<vmem>> -> memref<1x64xi32, #tpu.memory_space<vmem>>
        %dma_wait3A_95 = tpu.memref_squeeze %dma_wait3A_94 : memref<1x64xi32, #tpu.memory_space<vmem>> -> memref<64xi32, #tpu.memory_space<vmem>>
        %dma_wait3A_96 = arith.constant 0 : i32
        %dma_wait3A_97 = arith.constant 0 : i32
        %dma_wait3A_98 = tpu.memref_slice %arg2[%dma_wait3A_96, %dma_wait3A_97] : memref<10240x128xf32, #tpu.memory_space<hbm>> -> memref<10240x128xf32, #tpu.memory_space<hbm>>
        tpu.wait_indirect_dma semaphore(%arg13 : memref<!tpu.dma_semaphore, #tpu.memory_space<semaphore_mem>>) src(%dma_wait3A_98 : memref<10240x128xf32, #tpu.memory_space<hbm>>) dst(%dma_wait3A_92 : memref<64x128xf32, #tpu.memory_space<vmem>>)
        "tpu.region"() ({
          %run_scoped3A = tpu.sem_alloc : memref<!tpu.dma_semaphore, #tpu.memory_space<semaphore_mem>>
          %dma_start3A_186 = arith.constant 0 : i32
          %dma_start3A_187 = arith.constant 0 : i32
          %dma_start3A_188 = tpu.memref_slice %arg10[%dma_start3A_186, %dma_start3A_187] : memref<256x128xf32, #tpu.memory_space<vmem>> -> memref<128x128xf32, #tpu.memory_space<vmem>>
          %dma_start3A_189 = arith.constant 0 : i32
          %dma_start3A_190 = tpu.memref_slice %arg9[%add3A_81, %dma_start3A_189] : memref<40x128xi32, #tpu.memory_space<vmem>> -> memref<1x128xi32, #tpu.memory_space<vmem>>
          %dma_start3A_191 = tpu.memref_squeeze %dma_start3A_190 : memref<1x128xi32, #tpu.memory_space<vmem>> -> memref<128xi32, #tpu.memory_space<vmem>>
          %dma_start3A_192 = arith.constant 0 : i32
          %dma_start3A_193 = arith.constant 0 : i32
          %dma_start3A_194 = tpu.memref_slice %arg11[%dma_start3A_192, %dma_start3A_193] : memref<10240x128xf32, #tpu.memory_space<vmem_shared>> -> memref<10240x128xf32, #tpu.memory_space<vmem_shared>>
          tpu.enqueue_indirect_dma source(%dma_start3A_188 : memref<128x128xf32, #tpu.memory_space<vmem>>) target(%dma_start3A_194 : memref<10240x128xf32, #tpu.memory_space<vmem_shared>>) offsets(%dma_start3A_191 : memref<128xi32, #tpu.memory_space<vmem>>) semaphore(%run_scoped3A : memref<!tpu.dma_semaphore, #tpu.memory_space<semaphore_mem>>) {add = true}
          %dma_wait3A_195 = arith.constant 0 : i32
          %dma_wait3A_196 = arith.constant 0 : i32
          %dma_wait3A_197 = tpu.memref_slice %arg10[%dma_wait3A_195, %dma_wait3A_196] : memref<256x128xf32, #tpu.memory_space<vmem>> -> memref<128x128xf32, #tpu.memory_space<vmem>>
          %dma_wait3A_198 = arith.constant 0 : i32
          %dma_wait3A_199 = tpu.memref_slice %arg9[%add3A_81, %dma_wait3A_198] : memref<40x128xi32, #tpu.memory_space<vmem>> -> memref<1x128xi32, #tpu.memory_space<vmem>>
          %dma_wait3A_200 = tpu.memref_squeeze %dma_wait3A_199 : memref<1x128xi32, #tpu.memory_space<vmem>> -> memref<128xi32, #tpu.memory_space<vmem>>
          %dma_wait3A_201 = arith.constant 0 : i32
          %dma_wait3A_202 = arith.constant 0 : i32
          %dma_wait3A_203 = tpu.memref_slice %arg11[%dma_wait3A_201, %dma_wait3A_202] : memref<10240x128xf32, #tpu.memory_space<vmem_shared>> -> memref<10240x128xf32, #tpu.memory_space<vmem_shared>>
          tpu.wait_indirect_dma semaphore(%run_scoped3A : memref<!tpu.dma_semaphore, #tpu.memory_space<semaphore_mem>>) src(%dma_wait3A_197 : memref<128x128xf32, #tpu.memory_space<vmem>>) dst(%dma_wait3A_203 : memref<10240x128xf32, #tpu.memory_space<vmem_shared>>)
          tpu.yield
        }) : () -> ()
        %add3A_99 = arith.constant 2 : i32
        %add3A_100 = arith.addi %add3A_81, %add3A_99 : i32
        %lt3A = arith.constant 40 : i32
        %lt3A_101 = arith.cmpi slt, %add3A_100, %lt3A : i32
        %convert_element_type3A_102 = arith.extui %lt3A_101 : i1 to i32
        %cond3A_103 = arith.constant 0 : i32
        %cond3A_104 = arith.cmpi ne, %convert_element_type3A_102, %cond3A_103 : i32
        scf.if %cond3A_104 {
          %add3A_186 = arith.constant 2 : i32
          %add3A_187 = arith.addi %add3A_81, %add3A_186 : i32
          %dma_start3A_188 = arith.constant 0 : i32
          %dma_start3A_189 = arith.constant 0 : i32
          %dma_start3A_190 = tpu.memref_slice %arg10[%dma_start3A_188, %dma_start3A_189] : memref<256x128xf32, #tpu.memory_space<vmem>> -> memref<64x128xf32, #tpu.memory_space<vmem>>
          %dma_start3A_191 = arith.constant 0 : i32
          %dma_start3A_192 = tpu.memref_slice %arg8[%add3A_187, %dma_start3A_191] : memref<40x128xi32, #tpu.memory_space<vmem>> -> memref<1x64xi32, #tpu.memory_space<vmem>>
          %dma_start3A_193 = tpu.memref_squeeze %dma_start3A_192 : memref<1x64xi32, #tpu.memory_space<vmem>> -> memref<64xi32, #tpu.memory_space<vmem>>
          %dma_start3A_194 = arith.constant 0 : i32
          %dma_start3A_195 = arith.constant 0 : i32
          %dma_start3A_196 = tpu.memref_slice %arg2[%dma_start3A_194, %dma_start3A_195] : memref<10240x128xf32, #tpu.memory_space<hbm>> -> memref<10240x128xf32, #tpu.memory_space<hbm>>
          tpu.enqueue_indirect_dma source(%dma_start3A_196 : memref<10240x128xf32, #tpu.memory_space<hbm>>) target(%dma_start3A_190 : memref<64x128xf32, #tpu.memory_space<vmem>>) offsets(%dma_start3A_193 : memref<64xi32, #tpu.memory_space<vmem>>) semaphore(%arg12 : memref<!tpu.dma_semaphore, #tpu.memory_space<semaphore_mem>>)
          %dma_start3A_197 = arith.constant 64 : i32
          %dma_start3A_198 = arith.constant 0 : i32
          %dma_start3A_199 = tpu.memref_slice %arg10[%dma_start3A_197, %dma_start3A_198] : memref<256x128xf32, #tpu.memory_space<vmem>> -> memref<64x128xf32, #tpu.memory_space<vmem>>
          %dma_start3A_200 = arith.constant 64 : i32
          %dma_start3A_201 = tpu.memref_slice %arg8[%add3A_187, %dma_start3A_200] : memref<40x128xi32, #tpu.memory_space<vmem>> -> memref<1x64xi32, #tpu.memory_space<vmem>>
          %dma_start3A_202 = tpu.memref_squeeze %dma_start3A_201 : memref<1x64xi32, #tpu.memory_space<vmem>> -> memref<64xi32, #tpu.memory_space<vmem>>
          %dma_start3A_203 = arith.constant 0 : i32
          %dma_start3A_204 = arith.constant 0 : i32
          %dma_start3A_205 = tpu.memref_slice %arg2[%dma_start3A_203, %dma_start3A_204] : memref<10240x128xf32, #tpu.memory_space<hbm>> -> memref<10240x128xf32, #tpu.memory_space<hbm>>
          tpu.enqueue_indirect_dma source(%dma_start3A_205 : memref<10240x128xf32, #tpu.memory_space<hbm>>) target(%dma_start3A_199 : memref<64x128xf32, #tpu.memory_space<vmem>>) offsets(%dma_start3A_202 : memref<64xi32, #tpu.memory_space<vmem>>) semaphore(%arg13 : memref<!tpu.dma_semaphore, #tpu.memory_space<semaphore_mem>>)
        } else {
        }
        %add3A_105 = arith.constant 1 : i32
        %add3A_106 = arith.addi %mul3A_79, %add3A_105 : i32
        %dma_wait3A_107 = arith.constant 128 : i32
        %dma_wait3A_108 = arith.constant 0 : i32
        %dma_wait3A_109 = tpu.memref_slice %arg10[%dma_wait3A_107, %dma_wait3A_108] : memref<256x128xf32, #tpu.memory_space<vmem>> -> memref<64x128xf32, #tpu.memory_space<vmem>>
        %dma_wait3A_110 = arith.constant 0 : i32
        %dma_wait3A_111 = tpu.memref_slice %arg8[%add3A_106, %dma_wait3A_110] : memref<40x128xi32, #tpu.memory_space<vmem>> -> memref<1x64xi32, #tpu.memory_space<vmem>>
        %dma_wait3A_112 = tpu.memref_squeeze %dma_wait3A_111 : memref<1x64xi32, #tpu.memory_space<vmem>> -> memref<64xi32, #tpu.memory_space<vmem>>
        %dma_wait3A_113 = arith.constant 0 : i32
        %dma_wait3A_114 = arith.constant 0 : i32
        %dma_wait3A_115 = tpu.memref_slice %arg2[%dma_wait3A_113, %dma_wait3A_114] : memref<10240x128xf32, #tpu.memory_space<hbm>> -> memref<10240x128xf32, #tpu.memory_space<hbm>>
        tpu.wait_indirect_dma semaphore(%arg14 : memref<!tpu.dma_semaphore, #tpu.memory_space<semaphore_mem>>) src(%dma_wait3A_115 : memref<10240x128xf32, #tpu.memory_space<hbm>>) dst(%dma_wait3A_109 : memref<64x128xf32, #tpu.memory_space<vmem>>)
        %dma_wait3A_116 = arith.constant 192 : i32
        %dma_wait3A_117 = arith.constant 0 : i32
        %dma_wait3A_118 = tpu.memref_slice %arg10[%dma_wait3A_116, %dma_wait3A_117] : memref<256x128xf32, #tpu.memory_space<vmem>> -> memref<64x128xf32, #tpu.memory_space<vmem>>
        %dma_wait3A_119 = arith.constant 64 : i32
        %dma_wait3A_120 = tpu.memref_slice %arg8[%add3A_106, %dma_wait3A_119] : memref<40x128xi32, #tpu.memory_space<vmem>> -> memref<1x64xi32, #tpu.memory_space<vmem>>
        %dma_wait3A_121 = tpu.memref_squeeze %dma_wait3A_120 : memref<1x64xi32, #tpu.memory_space<vmem>> -> memref<64xi32, #tpu.memory_space<vmem>>
        %dma_wait3A_122 = arith.constant 0 : i32
        %dma_wait3A_123 = arith.constant 0 : i32
        %dma_wait3A_124 = tpu.memref_slice %arg2[%dma_wait3A_122, %dma_wait3A_123] : memref<10240x128xf32, #tpu.memory_space<hbm>> -> memref<10240x128xf32, #tpu.memory_space<hbm>>
        tpu.wait_indirect_dma semaphore(%arg15 : memref<!tpu.dma_semaphore, #tpu.memory_space<semaphore_mem>>) src(%dma_wait3A_124 : memref<10240x128xf32, #tpu.memory_space<hbm>>) dst(%dma_wait3A_118 : memref<64x128xf32, #tpu.memory_space<vmem>>)
        "tpu.region"() ({
          %run_scoped3A = tpu.sem_alloc : memref<!tpu.dma_semaphore, #tpu.memory_space<semaphore_mem>>
          %dma_start3A_186 = arith.constant 128 : i32
          %dma_start3A_187 = arith.constant 0 : i32
          %dma_start3A_188 = tpu.memref_slice %arg10[%dma_start3A_186, %dma_start3A_187] : memref<256x128xf32, #tpu.memory_space<vmem>> -> memref<128x128xf32, #tpu.memory_space<vmem>>
          %dma_start3A_189 = arith.constant 0 : i32
          %dma_start3A_190 = tpu.memref_slice %arg9[%add3A_106, %dma_start3A_189] : memref<40x128xi32, #tpu.memory_space<vmem>> -> memref<1x128xi32, #tpu.memory_space<vmem>>
          %dma_start3A_191 = tpu.memref_squeeze %dma_start3A_190 : memref<1x128xi32, #tpu.memory_space<vmem>> -> memref<128xi32, #tpu.memory_space<vmem>>
          %dma_start3A_192 = arith.constant 0 : i32
          %dma_start3A_193 = arith.constant 0 : i32
          %dma_start3A_194 = tpu.memref_slice %arg11[%dma_start3A_192, %dma_start3A_193] : memref<10240x128xf32, #tpu.memory_space<vmem_shared>> -> memref<10240x128xf32, #tpu.memory_space<vmem_shared>>
          tpu.enqueue_indirect_dma source(%dma_start3A_188 : memref<128x128xf32, #tpu.memory_space<vmem>>) target(%dma_start3A_194 : memref<10240x128xf32, #tpu.memory_space<vmem_shared>>) offsets(%dma_start3A_191 : memref<128xi32, #tpu.memory_space<vmem>>) semaphore(%run_scoped3A : memref<!tpu.dma_semaphore, #tpu.memory_space<semaphore_mem>>) {add = true}
          %dma_wait3A_195 = arith.constant 128 : i32
          %dma_wait3A_196 = arith.constant 0 : i32
          %dma_wait3A_197 = tpu.memref_slice %arg10[%dma_wait3A_195, %dma_wait3A_196] : memref<256x128xf32, #tpu.memory_space<vmem>> -> memref<128x128xf32, #tpu.memory_space<vmem>>
          %dma_wait3A_198 = arith.constant 0 : i32
          %dma_wait3A_199 = tpu.memref_slice %arg9[%add3A_106, %dma_wait3A_198] : memref<40x128xi32, #tpu.memory_space<vmem>> -> memref<1x128xi32, #tpu.memory_space<vmem>>
          %dma_wait3A_200 = tpu.memref_squeeze %dma_wait3A_199 : memref<1x128xi32, #tpu.memory_space<vmem>> -> memref<128xi32, #tpu.memory_space<vmem>>
          %dma_wait3A_201 = arith.constant 0 : i32
          %dma_wait3A_202 = arith.constant 0 : i32
          %dma_wait3A_203 = tpu.memref_slice %arg11[%dma_wait3A_201, %dma_wait3A_202] : memref<10240x128xf32, #tpu.memory_space<vmem_shared>> -> memref<10240x128xf32, #tpu.memory_space<vmem_shared>>
          tpu.wait_indirect_dma semaphore(%run_scoped3A : memref<!tpu.dma_semaphore, #tpu.memory_space<semaphore_mem>>) src(%dma_wait3A_197 : memref<128x128xf32, #tpu.memory_space<vmem>>) dst(%dma_wait3A_203 : memref<10240x128xf32, #tpu.memory_space<vmem_shared>>)
          tpu.yield
        }) : () -> ()
        %add3A_125 = arith.constant 2 : i32
        %add3A_126 = arith.addi %add3A_106, %add3A_125 : i32
        %lt3A_127 = arith.constant 40 : i32
        %lt3A_128 = arith.cmpi slt, %add3A_126, %lt3A_127 : i32
        %convert_element_type3A_129 = arith.extui %lt3A_128 : i1 to i32
        %cond3A_130 = arith.constant 0 : i32
        %cond3A_131 = arith.cmpi ne, %convert_element_type3A_129, %cond3A_130 : i32
        scf.if %cond3A_131 {
          %add3A_186 = arith.constant 2 : i32
          %add3A_187 = arith.addi %add3A_106, %add3A_186 : i32
          %dma_start3A_188 = arith.constant 128 : i32
          %dma_start3A_189 = arith.constant 0 : i32
          %dma_start3A_190 = tpu.memref_slice %arg10[%dma_start3A_188, %dma_start3A_189] : memref<256x128xf32, #tpu.memory_space<vmem>> -> memref<64x128xf32, #tpu.memory_space<vmem>>
          %dma_start3A_191 = arith.constant 0 : i32
          %dma_start3A_192 = tpu.memref_slice %arg8[%add3A_187, %dma_start3A_191] : memref<40x128xi32, #tpu.memory_space<vmem>> -> memref<1x64xi32, #tpu.memory_space<vmem>>
          %dma_start3A_193 = tpu.memref_squeeze %dma_start3A_192 : memref<1x64xi32, #tpu.memory_space<vmem>> -> memref<64xi32, #tpu.memory_space<vmem>>
          %dma_start3A_194 = arith.constant 0 : i32
          %dma_start3A_195 = arith.constant 0 : i32
          %dma_start3A_196 = tpu.memref_slice %arg2[%dma_start3A_194, %dma_start3A_195] : memref<10240x128xf32, #tpu.memory_space<hbm>> -> memref<10240x128xf32, #tpu.memory_space<hbm>>
          tpu.enqueue_indirect_dma source(%dma_start3A_196 : memref<10240x128xf32, #tpu.memory_space<hbm>>) target(%dma_start3A_190 : memref<64x128xf32, #tpu.memory_space<vmem>>) offsets(%dma_start3A_193 : memref<64xi32, #tpu.memory_space<vmem>>) semaphore(%arg14 : memref<!tpu.dma_semaphore, #tpu.memory_space<semaphore_mem>>)
          %dma_start3A_197 = arith.constant 192 : i32
          %dma_start3A_198 = arith.constant 0 : i32
          %dma_start3A_199 = tpu.memref_slice %arg10[%dma_start3A_197, %dma_start3A_198] : memref<256x128xf32, #tpu.memory_space<vmem>> -> memref<64x128xf32, #tpu.memory_space<vmem>>
          %dma_start3A_200 = arith.constant 64 : i32
          %dma_start3A_201 = tpu.memref_slice %arg8[%add3A_187, %dma_start3A_200] : memref<40x128xi32, #tpu.memory_space<vmem>> -> memref<1x64xi32, #tpu.memory_space<vmem>>
          %dma_start3A_202 = tpu.memref_squeeze %dma_start3A_201 : memref<1x64xi32, #tpu.memory_space<vmem>> -> memref<64xi32, #tpu.memory_space<vmem>>
          %dma_start3A_203 = arith.constant 0 : i32
          %dma_start3A_204 = arith.constant 0 : i32
          %dma_start3A_205 = tpu.memref_slice %arg2[%dma_start3A_203, %dma_start3A_204] : memref<10240x128xf32, #tpu.memory_space<hbm>> -> memref<10240x128xf32, #tpu.memory_space<hbm>>
          tpu.enqueue_indirect_dma source(%dma_start3A_205 : memref<10240x128xf32, #tpu.memory_space<hbm>>) target(%dma_start3A_199 : memref<64x128xf32, #tpu.memory_space<vmem>>) offsets(%dma_start3A_202 : memref<64xi32, #tpu.memory_space<vmem>>) semaphore(%arg15 : memref<!tpu.dma_semaphore, #tpu.memory_space<semaphore_mem>>)
        } else {
        }
        %add3A_132 = arith.constant 2 : i32
        %add3A_133 = arith.addi %mul3A_79, %add3A_132 : i32
        %dma_wait3A_134 = arith.constant 0 : i32
        %dma_wait3A_135 = arith.constant 0 : i32
        %dma_wait3A_136 = tpu.memref_slice %arg10[%dma_wait3A_134, %dma_wait3A_135] : memref<256x128xf32, #tpu.memory_space<vmem>> -> memref<64x128xf32, #tpu.memory_space<vmem>>
        %dma_wait3A_137 = arith.constant 0 : i32
        %dma_wait3A_138 = tpu.memref_slice %arg8[%add3A_133, %dma_wait3A_137] : memref<40x128xi32, #tpu.memory_space<vmem>> -> memref<1x64xi32, #tpu.memory_space<vmem>>
        %dma_wait3A_139 = tpu.memref_squeeze %dma_wait3A_138 : memref<1x64xi32, #tpu.memory_space<vmem>> -> memref<64xi32, #tpu.memory_space<vmem>>
        %dma_wait3A_140 = arith.constant 0 : i32
        %dma_wait3A_141 = arith.constant 0 : i32
        %dma_wait3A_142 = tpu.memref_slice %arg2[%dma_wait3A_140, %dma_wait3A_141] : memref<10240x128xf32, #tpu.memory_space<hbm>> -> memref<10240x128xf32, #tpu.memory_space<hbm>>
        tpu.wait_indirect_dma semaphore(%arg12 : memref<!tpu.dma_semaphore, #tpu.memory_space<semaphore_mem>>) src(%dma_wait3A_142 : memref<10240x128xf32, #tpu.memory_space<hbm>>) dst(%dma_wait3A_136 : memref<64x128xf32, #tpu.memory_space<vmem>>)
        %dma_wait3A_143 = arith.constant 64 : i32
        %dma_wait3A_144 = arith.constant 0 : i32
        %dma_wait3A_145 = tpu.memref_slice %arg10[%dma_wait3A_143, %dma_wait3A_144] : memref<256x128xf32, #tpu.memory_space<vmem>> -> memref<64x128xf32, #tpu.memory_space<vmem>>
        %dma_wait3A_146 = arith.constant 64 : i32
        %dma_wait3A_147 = tpu.memref_slice %arg8[%add3A_133, %dma_wait3A_146] : memref<40x128xi32, #tpu.memory_space<vmem>> -> memref<1x64xi32, #tpu.memory_space<vmem>>
        %dma_wait3A_148 = tpu.memref_squeeze %dma_wait3A_147 : memref<1x64xi32, #tpu.memory_space<vmem>> -> memref<64xi32, #tpu.memory_space<vmem>>
        %dma_wait3A_149 = arith.constant 0 : i32
        %dma_wait3A_150 = arith.constant 0 : i32
        %dma_wait3A_151 = tpu.memref_slice %arg2[%dma_wait3A_149, %dma_wait3A_150] : memref<10240x128xf32, #tpu.memory_space<hbm>> -> memref<10240x128xf32, #tpu.memory_space<hbm>>
        tpu.wait_indirect_dma semaphore(%arg13 : memref<!tpu.dma_semaphore, #tpu.memory_space<semaphore_mem>>) src(%dma_wait3A_151 : memref<10240x128xf32, #tpu.memory_space<hbm>>) dst(%dma_wait3A_145 : memref<64x128xf32, #tpu.memory_space<vmem>>)
        "tpu.region"() ({
          %run_scoped3A = tpu.sem_alloc : memref<!tpu.dma_semaphore, #tpu.memory_space<semaphore_mem>>
          %dma_start3A_186 = arith.constant 0 : i32
          %dma_start3A_187 = arith.constant 0 : i32
          %dma_start3A_188 = tpu.memref_slice %arg10[%dma_start3A_186, %dma_start3A_187] : memref<256x128xf32, #tpu.memory_space<vmem>> -> memref<128x128xf32, #tpu.memory_space<vmem>>
          %dma_start3A_189 = arith.constant 0 : i32
          %dma_start3A_190 = tpu.memref_slice %arg9[%add3A_133, %dma_start3A_189] : memref<40x128xi32, #tpu.memory_space<vmem>> -> memref<1x128xi32, #tpu.memory_space<vmem>>
          %dma_start3A_191 = tpu.memref_squeeze %dma_start3A_190 : memref<1x128xi32, #tpu.memory_space<vmem>> -> memref<128xi32, #tpu.memory_space<vmem>>
          %dma_start3A_192 = arith.constant 0 : i32
          %dma_start3A_193 = arith.constant 0 : i32
          %dma_start3A_194 = tpu.memref_slice %arg11[%dma_start3A_192, %dma_start3A_193] : memref<10240x128xf32, #tpu.memory_space<vmem_shared>> -> memref<10240x128xf32, #tpu.memory_space<vmem_shared>>
          tpu.enqueue_indirect_dma source(%dma_start3A_188 : memref<128x128xf32, #tpu.memory_space<vmem>>) target(%dma_start3A_194 : memref<10240x128xf32, #tpu.memory_space<vmem_shared>>) offsets(%dma_start3A_191 : memref<128xi32, #tpu.memory_space<vmem>>) semaphore(%run_scoped3A : memref<!tpu.dma_semaphore, #tpu.memory_space<semaphore_mem>>) {add = true}
          %dma_wait3A_195 = arith.constant 0 : i32
          %dma_wait3A_196 = arith.constant 0 : i32
          %dma_wait3A_197 = tpu.memref_slice %arg10[%dma_wait3A_195, %dma_wait3A_196] : memref<256x128xf32, #tpu.memory_space<vmem>> -> memref<128x128xf32, #tpu.memory_space<vmem>>
          %dma_wait3A_198 = arith.constant 0 : i32
          %dma_wait3A_199 = tpu.memref_slice %arg9[%add3A_133, %dma_wait3A_198] : memref<40x128xi32, #tpu.memory_space<vmem>> -> memref<1x128xi32, #tpu.memory_space<vmem>>
          %dma_wait3A_200 = tpu.memref_squeeze %dma_wait3A_199 : memref<1x128xi32, #tpu.memory_space<vmem>> -> memref<128xi32, #tpu.memory_space<vmem>>
          %dma_wait3A_201 = arith.constant 0 : i32
          %dma_wait3A_202 = arith.constant 0 : i32
          %dma_wait3A_203 = tpu.memref_slice %arg11[%dma_wait3A_201, %dma_wait3A_202] : memref<10240x128xf32, #tpu.memory_space<vmem_shared>> -> memref<10240x128xf32, #tpu.memory_space<vmem_shared>>
          tpu.wait_indirect_dma semaphore(%run_scoped3A : memref<!tpu.dma_semaphore, #tpu.memory_space<semaphore_mem>>) src(%dma_wait3A_197 : memref<128x128xf32, #tpu.memory_space<vmem>>) dst(%dma_wait3A_203 : memref<10240x128xf32, #tpu.memory_space<vmem_shared>>)
          tpu.yield
        }) : () -> ()
        %add3A_152 = arith.constant 2 : i32
        %add3A_153 = arith.addi %add3A_133, %add3A_152 : i32
        %lt3A_154 = arith.constant 40 : i32
        %lt3A_155 = arith.cmpi slt, %add3A_153, %lt3A_154 : i32
        %convert_element_type3A_156 = arith.extui %lt3A_155 : i1 to i32
        %cond3A_157 = arith.constant 0 : i32
        %cond3A_158 = arith.cmpi ne, %convert_element_type3A_156, %cond3A_157 : i32
        scf.if %cond3A_158 {
          %add3A_186 = arith.constant 2 : i32
          %add3A_187 = arith.addi %add3A_133, %add3A_186 : i32
          %dma_start3A_188 = arith.constant 0 : i32
          %dma_start3A_189 = arith.constant 0 : i32
          %dma_start3A_190 = tpu.memref_slice %arg10[%dma_start3A_188, %dma_start3A_189] : memref<256x128xf32, #tpu.memory_space<vmem>> -> memref<64x128xf32, #tpu.memory_space<vmem>>
          %dma_start3A_191 = arith.constant 0 : i32
          %dma_start3A_192 = tpu.memref_slice %arg8[%add3A_187, %dma_start3A_191] : memref<40x128xi32, #tpu.memory_space<vmem>> -> memref<1x64xi32, #tpu.memory_space<vmem>>
          %dma_start3A_193 = tpu.memref_squeeze %dma_start3A_192 : memref<1x64xi32, #tpu.memory_space<vmem>> -> memref<64xi32, #tpu.memory_space<vmem>>
          %dma_start3A_194 = arith.constant 0 : i32
          %dma_start3A_195 = arith.constant 0 : i32
          %dma_start3A_196 = tpu.memref_slice %arg2[%dma_start3A_194, %dma_start3A_195] : memref<10240x128xf32, #tpu.memory_space<hbm>> -> memref<10240x128xf32, #tpu.memory_space<hbm>>
          tpu.enqueue_indirect_dma source(%dma_start3A_196 : memref<10240x128xf32, #tpu.memory_space<hbm>>) target(%dma_start3A_190 : memref<64x128xf32, #tpu.memory_space<vmem>>) offsets(%dma_start3A_193 : memref<64xi32, #tpu.memory_space<vmem>>) semaphore(%arg12 : memref<!tpu.dma_semaphore, #tpu.memory_space<semaphore_mem>>)
          %dma_start3A_197 = arith.constant 64 : i32
          %dma_start3A_198 = arith.constant 0 : i32
          %dma_start3A_199 = tpu.memref_slice %arg10[%dma_start3A_197, %dma_start3A_198] : memref<256x128xf32, #tpu.memory_space<vmem>> -> memref<64x128xf32, #tpu.memory_space<vmem>>
          %dma_start3A_200 = arith.constant 64 : i32
          %dma_start3A_201 = tpu.memref_slice %arg8[%add3A_187, %dma_start3A_200] : memref<40x128xi32, #tpu.memory_space<vmem>> -> memref<1x64xi32, #tpu.memory_space<vmem>>
          %dma_start3A_202 = tpu.memref_squeeze %dma_start3A_201 : memref<1x64xi32, #tpu.memory_space<vmem>> -> memref<64xi32, #tpu.memory_space<vmem>>
          %dma_start3A_203 = arith.constant 0 : i32
          %dma_start3A_204 = arith.constant 0 : i32
          %dma_start3A_205 = tpu.memref_slice %arg2[%dma_start3A_203, %dma_start3A_204] : memref<10240x128xf32, #tpu.memory_space<hbm>> -> memref<10240x128xf32, #tpu.memory_space<hbm>>
          tpu.enqueue_indirect_dma source(%dma_start3A_205 : memref<10240x128xf32, #tpu.memory_space<hbm>>) target(%dma_start3A_199 : memref<64x128xf32, #tpu.memory_space<vmem>>) offsets(%dma_start3A_202 : memref<64xi32, #tpu.memory_space<vmem>>) semaphore(%arg13 : memref<!tpu.dma_semaphore, #tpu.memory_space<semaphore_mem>>)
        } else {
        }
        %add3A_159 = arith.constant 3 : i32
        %add3A_160 = arith.addi %mul3A_79, %add3A_159 : i32
        %dma_wait3A_161 = arith.constant 128 : i32
        %dma_wait3A_162 = arith.constant 0 : i32
        %dma_wait3A_163 = tpu.memref_slice %arg10[%dma_wait3A_161, %dma_wait3A_162] : memref<256x128xf32, #tpu.memory_space<vmem>> -> memref<64x128xf32, #tpu.memory_space<vmem>>
        %dma_wait3A_164 = arith.constant 0 : i32
        %dma_wait3A_165 = tpu.memref_slice %arg8[%add3A_160, %dma_wait3A_164] : memref<40x128xi32, #tpu.memory_space<vmem>> -> memref<1x64xi32, #tpu.memory_space<vmem>>
        %dma_wait3A_166 = tpu.memref_squeeze %dma_wait3A_165 : memref<1x64xi32, #tpu.memory_space<vmem>> -> memref<64xi32, #tpu.memory_space<vmem>>
        %dma_wait3A_167 = arith.constant 0 : i32
        %dma_wait3A_168 = arith.constant 0 : i32
        %dma_wait3A_169 = tpu.memref_slice %arg2[%dma_wait3A_167, %dma_wait3A_168] : memref<10240x128xf32, #tpu.memory_space<hbm>> -> memref<10240x128xf32, #tpu.memory_space<hbm>>
        tpu.wait_indirect_dma semaphore(%arg14 : memref<!tpu.dma_semaphore, #tpu.memory_space<semaphore_mem>>) src(%dma_wait3A_169 : memref<10240x128xf32, #tpu.memory_space<hbm>>) dst(%dma_wait3A_163 : memref<64x128xf32, #tpu.memory_space<vmem>>)
        %dma_wait3A_170 = arith.constant 192 : i32
        %dma_wait3A_171 = arith.constant 0 : i32
        %dma_wait3A_172 = tpu.memref_slice %arg10[%dma_wait3A_170, %dma_wait3A_171] : memref<256x128xf32, #tpu.memory_space<vmem>> -> memref<64x128xf32, #tpu.memory_space<vmem>>
        %dma_wait3A_173 = arith.constant 64 : i32
        %dma_wait3A_174 = tpu.memref_slice %arg8[%add3A_160, %dma_wait3A_173] : memref<40x128xi32, #tpu.memory_space<vmem>> -> memref<1x64xi32, #tpu.memory_space<vmem>>
        %dma_wait3A_175 = tpu.memref_squeeze %dma_wait3A_174 : memref<1x64xi32, #tpu.memory_space<vmem>> -> memref<64xi32, #tpu.memory_space<vmem>>
        %dma_wait3A_176 = arith.constant 0 : i32
        %dma_wait3A_177 = arith.constant 0 : i32
        %dma_wait3A_178 = tpu.memref_slice %arg2[%dma_wait3A_176, %dma_wait3A_177] : memref<10240x128xf32, #tpu.memory_space<hbm>> -> memref<10240x128xf32, #tpu.memory_space<hbm>>
        tpu.wait_indirect_dma semaphore(%arg15 : memref<!tpu.dma_semaphore, #tpu.memory_space<semaphore_mem>>) src(%dma_wait3A_178 : memref<10240x128xf32, #tpu.memory_space<hbm>>) dst(%dma_wait3A_172 : memref<64x128xf32, #tpu.memory_space<vmem>>)
        "tpu.region"() ({
          %run_scoped3A = tpu.sem_alloc : memref<!tpu.dma_semaphore, #tpu.memory_space<semaphore_mem>>
          %dma_start3A_186 = arith.constant 128 : i32
          %dma_start3A_187 = arith.constant 0 : i32
          %dma_start3A_188 = tpu.memref_slice %arg10[%dma_start3A_186, %dma_start3A_187] : memref<256x128xf32, #tpu.memory_space<vmem>> -> memref<128x128xf32, #tpu.memory_space<vmem>>
          %dma_start3A_189 = arith.constant 0 : i32
          %dma_start3A_190 = tpu.memref_slice %arg9[%add3A_160, %dma_start3A_189] : memref<40x128xi32, #tpu.memory_space<vmem>> -> memref<1x128xi32, #tpu.memory_space<vmem>>
          %dma_start3A_191 = tpu.memref_squeeze %dma_start3A_190 : memref<1x128xi32, #tpu.memory_space<vmem>> -> memref<128xi32, #tpu.memory_space<vmem>>
          %dma_start3A_192 = arith.constant 0 : i32
          %dma_start3A_193 = arith.constant 0 : i32
          %dma_start3A_194 = tpu.memref_slice %arg11[%dma_start3A_192, %dma_start3A_193] : memref<10240x128xf32, #tpu.memory_space<vmem_shared>> -> memref<10240x128xf32, #tpu.memory_space<vmem_shared>>
          tpu.enqueue_indirect_dma source(%dma_start3A_188 : memref<128x128xf32, #tpu.memory_space<vmem>>) target(%dma_start3A_194 : memref<10240x128xf32, #tpu.memory_space<vmem_shared>>) offsets(%dma_start3A_191 : memref<128xi32, #tpu.memory_space<vmem>>) semaphore(%run_scoped3A : memref<!tpu.dma_semaphore, #tpu.memory_space<semaphore_mem>>) {add = true}
          %dma_wait3A_195 = arith.constant 128 : i32
          %dma_wait3A_196 = arith.constant 0 : i32
          %dma_wait3A_197 = tpu.memref_slice %arg10[%dma_wait3A_195, %dma_wait3A_196] : memref<256x128xf32, #tpu.memory_space<vmem>> -> memref<128x128xf32, #tpu.memory_space<vmem>>
          %dma_wait3A_198 = arith.constant 0 : i32
          %dma_wait3A_199 = tpu.memref_slice %arg9[%add3A_160, %dma_wait3A_198] : memref<40x128xi32, #tpu.memory_space<vmem>> -> memref<1x128xi32, #tpu.memory_space<vmem>>
          %dma_wait3A_200 = tpu.memref_squeeze %dma_wait3A_199 : memref<1x128xi32, #tpu.memory_space<vmem>> -> memref<128xi32, #tpu.memory_space<vmem>>
          %dma_wait3A_201 = arith.constant 0 : i32
          %dma_wait3A_202 = arith.constant 0 : i32
          %dma_wait3A_203 = tpu.memref_slice %arg11[%dma_wait3A_201, %dma_wait3A_202] : memref<10240x128xf32, #tpu.memory_space<vmem_shared>> -> memref<10240x128xf32, #tpu.memory_space<vmem_shared>>
          tpu.wait_indirect_dma semaphore(%run_scoped3A : memref<!tpu.dma_semaphore, #tpu.memory_space<semaphore_mem>>) src(%dma_wait3A_197 : memref<128x128xf32, #tpu.memory_space<vmem>>) dst(%dma_wait3A_203 : memref<10240x128xf32, #tpu.memory_space<vmem_shared>>)
          tpu.yield
        }) : () -> ()
        %add3A_179 = arith.constant 2 : i32
        %add3A_180 = arith.addi %add3A_160, %add3A_179 : i32
        %lt3A_181 = arith.constant 40 : i32
        %lt3A_182 = arith.cmpi slt, %add3A_180, %lt3A_181 : i32
        %convert_element_type3A_183 = arith.extui %lt3A_182 : i1 to i32
        %cond3A_184 = arith.constant 0 : i32
        %cond3A_185 = arith.cmpi ne, %convert_element_type3A_183, %cond3A_184 : i32
        scf.if %cond3A_185 {
          %add3A_186 = arith.constant 2 : i32
          %add3A_187 = arith.addi %add3A_160, %add3A_186 : i32
          %dma_start3A_188 = arith.constant 128 : i32
          %dma_start3A_189 = arith.constant 0 : i32
          %dma_start3A_190 = tpu.memref_slice %arg10[%dma_start3A_188, %dma_start3A_189] : memref<256x128xf32, #tpu.memory_space<vmem>> -> memref<64x128xf32, #tpu.memory_space<vmem>>
          %dma_start3A_191 = arith.constant 0 : i32
          %dma_start3A_192 = tpu.memref_slice %arg8[%add3A_187, %dma_start3A_191] : memref<40x128xi32, #tpu.memory_space<vmem>> -> memref<1x64xi32, #tpu.memory_space<vmem>>
          %dma_start3A_193 = tpu.memref_squeeze %dma_start3A_192 : memref<1x64xi32, #tpu.memory_space<vmem>> -> memref<64xi32, #tpu.memory_space<vmem>>
          %dma_start3A_194 = arith.constant 0 : i32
          %dma_start3A_195 = arith.constant 0 : i32
          %dma_start3A_196 = tpu.memref_slice %arg2[%dma_start3A_194, %dma_start3A_195] : memref<10240x128xf32, #tpu.memory_space<hbm>> -> memref<10240x128xf32, #tpu.memory_space<hbm>>
          tpu.enqueue_indirect_dma source(%dma_start3A_196 : memref<10240x128xf32, #tpu.memory_space<hbm>>) target(%dma_start3A_190 : memref<64x128xf32, #tpu.memory_space<vmem>>) offsets(%dma_start3A_193 : memref<64xi32, #tpu.memory_space<vmem>>) semaphore(%arg14 : memref<!tpu.dma_semaphore, #tpu.memory_space<semaphore_mem>>)
          %dma_start3A_197 = arith.constant 192 : i32
          %dma_start3A_198 = arith.constant 0 : i32
          %dma_start3A_199 = tpu.memref_slice %arg10[%dma_start3A_197, %dma_start3A_198] : memref<256x128xf32, #tpu.memory_space<vmem>> -> memref<64x128xf32, #tpu.memory_space<vmem>>
          %dma_start3A_200 = arith.constant 64 : i32
          %dma_start3A_201 = tpu.memref_slice %arg8[%add3A_187, %dma_start3A_200] : memref<40x128xi32, #tpu.memory_space<vmem>> -> memref<1x64xi32, #tpu.memory_space<vmem>>
          %dma_start3A_202 = tpu.memref_squeeze %dma_start3A_201 : memref<1x64xi32, #tpu.memory_space<vmem>> -> memref<64xi32, #tpu.memory_space<vmem>>
          %dma_start3A_203 = arith.constant 0 : i32
          %dma_start3A_204 = arith.constant 0 : i32
          %dma_start3A_205 = tpu.memref_slice %arg2[%dma_start3A_203, %dma_start3A_204] : memref<10240x128xf32, #tpu.memory_space<hbm>> -> memref<10240x128xf32, #tpu.memory_space<hbm>>
          tpu.enqueue_indirect_dma source(%dma_start3A_205 : memref<10240x128xf32, #tpu.memory_space<hbm>>) target(%dma_start3A_199 : memref<64x128xf32, #tpu.memory_space<vmem>>) offsets(%dma_start3A_202 : memref<64xi32, #tpu.memory_space<vmem>>) semaphore(%arg15 : memref<!tpu.dma_semaphore, #tpu.memory_space<semaphore_mem>>)
        } else {
        }
      }
      %scan3A_76 = arith.constant 10 : i32
    }
    %barrier3A_20 = arith.constant 0 : index
    tpu.barrier barrier_id(%barrier3A_20)
    %eq3A_21 = arith.constant 0 : i32
    %eq3A_22 = arith.cmpi eq, %arg0, %eq3A_21 : i32
    %convert_element_type3A = arith.extui %eq3A_22 : i1 to i32
    %cond3A = arith.constant 0 : i32
    %cond3A_23 = arith.cmpi ne, %convert_element_type3A, %cond3A : i32
    scf.if %cond3A_23 {
      %mul3A_29 = arith.constant 640 : i32
      %mul3A_30 = arith.muli %arg1, %mul3A_29 : i32
      %mul3A_31 = arith.constant 640 : i32
      %mul3A_32 = arith.muli %arg1, %mul3A_31 : i32
      "tpu.region"() ({
        %run_scoped3A = tpu.sem_alloc : memref<!tpu.dma_semaphore, #tpu.memory_space<semaphore_mem>>
        %dma_start3A = arith.constant 0 : i32
        %dma_start3A_33 = tpu.memref_slice %arg6[%mul3A_32, %dma_start3A] : memref<10240x128xf32, #tpu.memory_space<hbm>> -> memref<640x128xf32, #tpu.memory_space<hbm>>
        %dma_start3A_34 = arith.constant 0 : i32
        %dma_start3A_35 = tpu.memref_slice %arg11[%mul3A_30, %dma_start3A_34] : memref<10240x128xf32, #tpu.memory_space<vmem_shared>> -> memref<640x128xf32, #tpu.memory_space<vmem_shared>>
        tpu.enqueue_dma source(%dma_start3A_35 : memref<640x128xf32, #tpu.memory_space<vmem_shared>>) target(%dma_start3A_33 : memref<640x128xf32, #tpu.memory_space<hbm>>) target_semaphore(%run_scoped3A : memref<!tpu.dma_semaphore, #tpu.memory_space<semaphore_mem>>)
        %dma_wait3A = arith.constant 0 : i32
        %dma_wait3A_36 = tpu.memref_slice %arg6[%mul3A_32, %dma_wait3A] : memref<10240x128xf32, #tpu.memory_space<hbm>> -> memref<640x128xf32, #tpu.memory_space<hbm>>
        %dma_wait3A_37 = arith.constant 0 : i32
        %dma_wait3A_38 = tpu.memref_slice %arg11[%mul3A_30, %dma_wait3A_37] : memref<10240x128xf32, #tpu.memory_space<vmem_shared>> -> memref<640x128xf32, #tpu.memory_space<vmem_shared>>
        tpu.wait_dma2 semaphore(%run_scoped3A : memref<!tpu.dma_semaphore, #tpu.memory_space<semaphore_mem>>) src(%dma_wait3A_38 : memref<640x128xf32, #tpu.memory_space<vmem_shared>>) dst(%dma_wait3A_36 : memref<640x128xf32, #tpu.memory_space<hbm>>)
        tpu.yield
      }) : () -> ()
    } else {
    }
    %eq3A_24 = arith.constant 1 : i32
    %eq3A_25 = arith.cmpi eq, %arg0, %eq3A_24 : i32
    %convert_element_type3A_26 = arith.extui %eq3A_25 : i1 to i32
    %cond3A_27 = arith.constant 0 : i32
    %cond3A_28 = arith.cmpi ne, %convert_element_type3A_26, %cond3A_27 : i32
    scf.if %cond3A_28 {
      %mul3A_29 = arith.constant 640 : i32
      %mul3A_30 = arith.muli %arg1, %mul3A_29 : i32
      %mul3A_31 = arith.constant 640 : i32
      %mul3A_32 = arith.muli %arg1, %mul3A_31 : i32
      "tpu.region"() ({
        %run_scoped3A = tpu.sem_alloc : memref<!tpu.dma_semaphore, #tpu.memory_space<semaphore_mem>>
        %dma_start3A = arith.constant 0 : i32
        %dma_start3A_33 = tpu.memref_slice %arg7[%mul3A_32, %dma_start3A] : memref<10240x128xf32, #tpu.memory_space<hbm>> -> memref<640x128xf32, #tpu.memory_space<hbm>>
        %dma_start3A_34 = arith.constant 0 : i32
        %dma_start3A_35 = tpu.memref_slice %arg11[%mul3A_30, %dma_start3A_34] : memref<10240x128xf32, #tpu.memory_space<vmem_shared>> -> memref<640x128xf32, #tpu.memory_space<vmem_shared>>
        tpu.enqueue_dma source(%dma_start3A_35 : memref<640x128xf32, #tpu.memory_space<vmem_shared>>) target(%dma_start3A_33 : memref<640x128xf32, #tpu.memory_space<hbm>>) target_semaphore(%run_scoped3A : memref<!tpu.dma_semaphore, #tpu.memory_space<semaphore_mem>>)
        %dma_wait3A = arith.constant 0 : i32
        %dma_wait3A_36 = tpu.memref_slice %arg7[%mul3A_32, %dma_wait3A] : memref<10240x128xf32, #tpu.memory_space<hbm>> -> memref<640x128xf32, #tpu.memory_space<hbm>>
        %dma_wait3A_37 = arith.constant 0 : i32
        %dma_wait3A_38 = tpu.memref_slice %arg11[%mul3A_30, %dma_wait3A_37] : memref<10240x128xf32, #tpu.memory_space<vmem_shared>> -> memref<640x128xf32, #tpu.memory_space<vmem_shared>>
        tpu.wait_dma2 semaphore(%run_scoped3A : memref<!tpu.dma_semaphore, #tpu.memory_space<semaphore_mem>>) src(%dma_wait3A_38 : memref<640x128xf32, #tpu.memory_space<vmem_shared>>) dst(%dma_wait3A_36 : memref<640x128xf32, #tpu.memory_space<hbm>>)
        tpu.yield
      }) : () -> ()
    } else {
    }
    return
  }
}

#map = affine_map<(d0, d1) -> (0, 0)>
module attributes {stable_mosaic.version = 14 : i64} {
  func.func @run(%arg0: i32, %arg1: i32, %arg2: memref<10240x128xf32, #tpu.memory_space<hbm>>, %arg3: memref<2560x128xi32, #tpu.memory_space<hbm>>, %arg4: memref<2560x128xi32, #tpu.memory_space<hbm>>, %arg5: memref<640x128xf32, #tpu.memory_space<hbm>>, %arg6: memref<10240x128xf32, #tpu.memory_space<hbm>>, %arg7: memref<10240x128xf32, #tpu.memory_space<hbm>>, %arg8: memref<40x128xi32, #tpu.memory_space<vmem>>, %arg9: memref<40x128xi32, #tpu.memory_space<vmem>>, %arg10: memref<256x128xf32, #tpu.memory_space<vmem>>, %arg11: memref<10240x128xf32, #tpu.memory_space<vmem_shared>>, %arg12: memref<!tpu.dma_semaphore, #tpu.memory_space<semaphore_mem>>, %arg13: memref<!tpu.dma_semaphore, #tpu.memory_space<semaphore_mem>>, %arg14: memref<!tpu.dma_semaphore, #tpu.memory_space<semaphore_mem>>, %arg15: memref<!tpu.dma_semaphore, #tpu.memory_space<semaphore_mem>>) attributes {dimension_semantics = [#tpu.dimension_semantics<core_parallel>, #tpu.dimension_semantics<subcore_parallel>], iteration_bounds = array<i64: 2, 16>, scalar_prefetch = 0 : i64, scratch_operands = 8 : i64, tpu.core_type = #tpu.core_type<sc_vector_subcore>, window_params = [{transform_indices = #map}, {transform_indices = #map}, {transform_indices = #map}, {transform_indices = #map}, {transform_indices = #map}, {transform_indices = #map}]} {
    %eq3A = arith.constant 0 : i32
    %eq3A_0 = arith.cmpi eq, %arg0, %eq3A : i32
    %mul3A = arith.constant 80 : i32
    %mul3A_1 = arith.muli %arg1, %mul3A : i32
    %mul3A_2 = arith.constant 80 : i32
    %mul3A_3 = arith.muli %arg1, %mul3A_2 : i32
    %add3A = arith.constant 1280 : i32
    %add3A_4 = arith.addi %add3A, %mul3A_3 : i32
    %select_n3A = arith.select %eq3A_0, %mul3A_1, %add3A_4 : i32
    %eq3A_5 = arith.constant 0 : i32
    %eq3A_6 = arith.cmpi eq, %arg0, %eq3A_5 : i32
    %jit3A = arith.constant 2 : i32
    %jit3A_7 = arith.constant 2 : i32
    %select_n3A_8 = arith.select %eq3A_6, %jit3A, %jit3A_7 : i32
    %mul3A_9 = arith.constant 640 : i32
    %mul3A_10 = arith.muli %arg1, %mul3A_9 : i32
    "tpu.region"() ({
      %run_scoped3A = tpu.sem_alloc : memref<!tpu.dma_semaphore, #tpu.memory_space<semaphore_mem>>
      %dma_start3A = arith.constant 0 : i32
      %dma_start3A_29 = tpu.memref_slice %arg11[%mul3A_10, %dma_start3A] : memref<10240x128xf32, #tpu.memory_space<vmem_shared>> -> memref<640x128xf32, #tpu.memory_space<vmem_shared>>
      tpu.enqueue_dma source(%arg5 : memref<640x128xf32, #tpu.memory_space<hbm>>) target(%dma_start3A_29 : memref<640x128xf32, #tpu.memory_space<vmem_shared>>) target_semaphore(%run_scoped3A : memref<!tpu.dma_semaphore, #tpu.memory_space<semaphore_mem>>)
      %dma_wait3A = arith.constant 0 : i32
      %dma_wait3A_30 = tpu.memref_slice %arg11[%mul3A_10, %dma_wait3A] : memref<10240x128xf32, #tpu.memory_space<vmem_shared>> -> memref<640x128xf32, #tpu.memory_space<vmem_shared>>
      tpu.wait_dma2 semaphore(%run_scoped3A : memref<!tpu.dma_semaphore, #tpu.memory_space<semaphore_mem>>) src(%arg5 : memref<640x128xf32, #tpu.memory_space<hbm>>) dst(%dma_wait3A_30 : memref<640x128xf32, #tpu.memory_space<vmem_shared>>)
      tpu.yield
    }) : () -> ()
    %barrier3A = arith.constant 0 : index
    tpu.barrier barrier_id(%barrier3A)
    %while3A = arith.constant 0 : i32
    %while3A_11 = arith.constant 0 : i32
    %while3A_12 = arith.subi %select_n3A_8, %while3A_11 : i32
    %while3A_13 = arith.addi %while3A_11, %while3A_12 : i32
    %while3A_14 = arith.constant 1 : i32
    %while3A_15 = arith.divsi %while3A_12, %while3A_14 : i32
    %while3A_16 = arith.muli %while3A_15, %while3A_14 : i32
    %while3A_17 = arith.addi %while3A_11, %while3A_16 : i32
    %while3A_18 = arith.constant 1 : i32
    scf.for %while3A_29 = %while3A_11 to %while3A_17 step %while3A_18  : i32 {
      %mul3A_30 = arith.constant 40 : i32
      %mul3A_31 = arith.muli %while3A_29, %mul3A_30 : i32
      %add3A_32 = arith.addi %select_n3A, %mul3A_31 : i32
      "tpu.region"() ({
        %run_scoped3A = tpu.sem_alloc : memref<!tpu.dma_semaphore, #tpu.memory_space<semaphore_mem>>
        %dma_start3A_77 = arith.constant 0 : i32
        %dma_start3A_78 = tpu.memref_slice %arg3[%add3A_32, %dma_start3A_77] : memref<2560x128xi32, #tpu.memory_space<hbm>> -> memref<40x128xi32, #tpu.memory_space<hbm>>
        %dma_start3A_79 = arith.constant 0 : i32
        %dma_start3A_80 = tpu.memref_slice %arg3[%add3A_32, %dma_start3A_79] : memref<2560x128xi32, #tpu.memory_space<hbm>> -> memref<40x128xi32, #tpu.memory_space<hbm>>
        tpu.enqueue_dma source(%dma_start3A_80 : memref<40x128xi32, #tpu.memory_space<hbm>>) target(%arg8 : memref<40x128xi32, #tpu.memory_space<vmem>>) target_semaphore(%run_scoped3A : memref<!tpu.dma_semaphore, #tpu.memory_space<semaphore_mem>>)
        %dma_wait3A = arith.constant 0 : i32
        %dma_wait3A_81 = tpu.memref_slice %arg3[%add3A_32, %dma_wait3A] : memref<2560x128xi32, #tpu.memory_space<hbm>> -> memref<40x128xi32, #tpu.memory_space<hbm>>
        %dma_wait3A_82 = arith.constant 0 : i32
        %dma_wait3A_83 = tpu.memref_slice %arg3[%add3A_32, %dma_wait3A_82] : memref<2560x128xi32, #tpu.memory_space<hbm>> -> memref<40x128xi32, #tpu.memory_space<hbm>>
        tpu.wait_dma2 semaphore(%run_scoped3A : memref<!tpu.dma_semaphore, #tpu.memory_space<semaphore_mem>>) src(%dma_wait3A_83 : memref<40x128xi32, #tpu.memory_space<hbm>>) dst(%arg8 : memref<40x128xi32, #tpu.memory_space<vmem>>)
        tpu.yield
      }) : () -> ()
      "tpu.region"() ({
        %run_scoped3A = tpu.sem_alloc : memref<!tpu.dma_semaphore, #tpu.memory_space<semaphore_mem>>
        %dma_start3A_77 = arith.constant 0 : i32
        %dma_start3A_78 = tpu.memref_slice %arg4[%add3A_32, %dma_start3A_77] : memref<2560x128xi32, #tpu.memory_space<hbm>> -> memref<40x128xi32, #tpu.memory_space<hbm>>
        %dma_start3A_79 = arith.constant 0 : i32
        %dma_start3A_80 = tpu.memref_slice %arg4[%add3A_32, %dma_start3A_79] : memref<2560x128xi32, #tpu.memory_space<hbm>> -> memref<40x128xi32, #tpu.memory_space<hbm>>
        tpu.enqueue_dma source(%dma_start3A_80 : memref<40x128xi32, #tpu.memory_space<hbm>>) target(%arg9 : memref<40x128xi32, #tpu.memory_space<vmem>>) target_semaphore(%run_scoped3A : memref<!tpu.dma_semaphore, #tpu.memory_space<semaphore_mem>>)
        %dma_wait3A = arith.constant 0 : i32
        %dma_wait3A_81 = tpu.memref_slice %arg4[%add3A_32, %dma_wait3A] : memref<2560x128xi32, #tpu.memory_space<hbm>> -> memref<40x128xi32, #tpu.memory_space<hbm>>
        %dma_wait3A_82 = arith.constant 0 : i32
        %dma_wait3A_83 = tpu.memref_slice %arg4[%add3A_32, %dma_wait3A_82] : memref<2560x128xi32, #tpu.memory_space<hbm>> -> memref<40x128xi32, #tpu.memory_space<hbm>>
        tpu.wait_dma2 semaphore(%run_scoped3A : memref<!tpu.dma_semaphore, #tpu.memory_space<semaphore_mem>>) src(%dma_wait3A_83 : memref<40x128xi32, #tpu.memory_space<hbm>>) dst(%arg9 : memref<40x128xi32, #tpu.memory_space<vmem>>)
        tpu.yield
      }) : () -> ()
      %dma_start3A = arith.constant 0 : i32
      %dma_start3A_33 = arith.constant 0 : i32
      %dma_start3A_34 = arith.constant 0 : i32
      %dma_start3A_35 = tpu.memref_slice %arg10[%dma_start3A_33, %dma_start3A_34] : memref<256x128xf32, #tpu.memory_space<vmem>> -> memref<64x128xf32, #tpu.memory_space<vmem>>
      %dma_start3A_36 = arith.constant 0 : i32
      %dma_start3A_37 = tpu.memref_slice %arg8[%dma_start3A, %dma_start3A_36] : memref<40x128xi32, #tpu.memory_space<vmem>> -> memref<1x64xi32, #tpu.memory_space<vmem>>
      %dma_start3A_38 = tpu.memref_squeeze %dma_start3A_37 : memref<1x64xi32, #tpu.memory_space<vmem>> -> memref<64xi32, #tpu.memory_space<vmem>>
      %dma_start3A_39 = arith.constant 0 : i32
      %dma_start3A_40 = arith.constant 0 : i32
      %dma_start3A_41 = tpu.memref_slice %arg2[%dma_start3A_39, %dma_start3A_40] : memref<10240x128xf32, #tpu.memory_space<hbm>> -> memref<10240x128xf32, #tpu.memory_space<hbm>>
      tpu.enqueue_indirect_dma source(%dma_start3A_41 : memref<10240x128xf32, #tpu.memory_space<hbm>>) target(%dma_start3A_35 : memref<64x128xf32, #tpu.memory_space<vmem>>) offsets(%dma_start3A_38 : memref<64xi32, #tpu.memory_space<vmem>>) semaphore(%arg12 : memref<!tpu.dma_semaphore, #tpu.memory_space<semaphore_mem>>)
      %dma_start3A_42 = arith.constant 0 : i32
      %dma_start3A_43 = arith.constant 64 : i32
      %dma_start3A_44 = arith.constant 0 : i32
      %dma_start3A_45 = tpu.memref_slice %arg10[%dma_start3A_43, %dma_start3A_44] : memref<256x128xf32, #tpu.memory_space<vmem>> -> memref<64x128xf32, #tpu.memory_space<vmem>>
      %dma_start3A_46 = arith.constant 64 : i32
      %dma_start3A_47 = tpu.memref_slice %arg8[%dma_start3A_42, %dma_start3A_46] : memref<40x128xi32, #tpu.memory_space<vmem>> -> memref<1x64xi32, #tpu.memory_space<vmem>>
      %dma_start3A_48 = tpu.memref_squeeze %dma_start3A_47 : memref<1x64xi32, #tpu.memory_space<vmem>> -> memref<64xi32, #tpu.memory_space<vmem>>
      %dma_start3A_49 = arith.constant 0 : i32
      %dma_start3A_50 = arith.constant 0 : i32
      %dma_start3A_51 = tpu.memref_slice %arg2[%dma_start3A_49, %dma_start3A_50] : memref<10240x128xf32, #tpu.memory_space<hbm>> -> memref<10240x128xf32, #tpu.memory_space<hbm>>
      tpu.enqueue_indirect_dma source(%dma_start3A_51 : memref<10240x128xf32, #tpu.memory_space<hbm>>) target(%dma_start3A_45 : memref<64x128xf32, #tpu.memory_space<vmem>>) offsets(%dma_start3A_48 : memref<64xi32, #tpu.memory_space<vmem>>) semaphore(%arg13 : memref<!tpu.dma_semaphore, #tpu.memory_space<semaphore_mem>>)
      %dma_start3A_52 = arith.constant 1 : i32
      %dma_start3A_53 = arith.constant 128 : i32
      %dma_start3A_54 = arith.constant 0 : i32
      %dma_start3A_55 = tpu.memref_slice %arg10[%dma_start3A_53, %dma_start3A_54] : memref<256x128xf32, #tpu.memory_space<vmem>> -> memref<64x128xf32, #tpu.memory_space<vmem>>
      %dma_start3A_56 = arith.constant 0 : i32
      %dma_start3A_57 = tpu.memref_slice %arg8[%dma_start3A_52, %dma_start3A_56] : memref<40x128xi32, #tpu.memory_space<vmem>> -> memref<1x64xi32, #tpu.memory_space<vmem>>
      %dma_start3A_58 = tpu.memref_squeeze %dma_start3A_57 : memref<1x64xi32, #tpu.memory_space<vmem>> -> memref<64xi32, #tpu.memory_space<vmem>>
      %dma_start3A_59 = arith.constant 0 : i32
      %dma_start3A_60 = arith.constant 0 : i32
      %dma_start3A_61 = tpu.memref_slice %arg2[%dma_start3A_59, %dma_start3A_60] : memref<10240x128xf32, #tpu.memory_space<hbm>> -> memref<10240x128xf32, #tpu.memory_space<hbm>>
      tpu.enqueue_indirect_dma source(%dma_start3A_61 : memref<10240x128xf32, #tpu.memory_space<hbm>>) target(%dma_start3A_55 : memref<64x128xf32, #tpu.memory_space<vmem>>) offsets(%dma_start3A_58 : memref<64xi32, #tpu.memory_space<vmem>>) semaphore(%arg14 : memref<!tpu.dma_semaphore, #tpu.memory_space<semaphore_mem>>)
      %dma_start3A_62 = arith.constant 1 : i32
      %dma_start3A_63 = arith.constant 192 : i32
      %dma_start3A_64 = arith.constant 0 : i32
      %dma_start3A_65 = tpu.memref_slice %arg10[%dma_start3A_63, %dma_start3A_64] : memref<256x128xf32, #tpu.memory_space<vmem>> -> memref<64x128xf32, #tpu.memory_space<vmem>>
      %dma_start3A_66 = arith.constant 64 : i32
      %dma_start3A_67 = tpu.memref_slice %arg8[%dma_start3A_62, %dma_start3A_66] : memref<40x128xi32, #tpu.memory_space<vmem>> -> memref<1x64xi32, #tpu.memory_space<vmem>>
      %dma_start3A_68 = tpu.memref_squeeze %dma_start3A_67 : memref<1x64xi32, #tpu.memory_space<vmem>> -> memref<64xi32, #tpu.memory_space<vmem>>
      %dma_start3A_69 = arith.constant 0 : i32
      %dma_start3A_70 = arith.constant 0 : i32
      %dma_start3A_71 = tpu.memref_slice %arg2[%dma_start3A_69, %dma_start3A_70] : memref<10240x128xf32, #tpu.memory_space<hbm>> -> memref<10240x128xf32, #tpu.memory_space<hbm>>
      tpu.enqueue_indirect_dma source(%dma_start3A_71 : memref<10240x128xf32, #tpu.memory_space<hbm>>) target(%dma_start3A_65 : memref<64x128xf32, #tpu.memory_space<vmem>>) offsets(%dma_start3A_68 : memref<64xi32, #tpu.memory_space<vmem>>) semaphore(%arg15 : memref<!tpu.dma_semaphore, #tpu.memory_space<semaphore_mem>>)
      %scan3A = arith.constant 0 : i32
      %scan3A_72 = arith.constant 0 : i32
      %scan3A_73 = arith.constant 10 : i32
      %scan3A_74 = arith.addi %scan3A_72, %scan3A_73 : i32
      %scan3A_75 = arith.constant 1 : i32
      scf.for %scan3A_77 = %scan3A_72 to %scan3A_74 step %scan3A_75  : i32 {
        %mul3A_78 = arith.constant 4 : i32
        %mul3A_79 = arith.muli %mul3A_78, %scan3A_77 : i32
        %add3A_80 = arith.constant 0 : i32
        %add3A_81 = arith.addi %mul3A_79, %add3A_80 : i32
        %dma_wait3A = arith.constant 0 : i32
        %dma_wait3A_82 = arith.constant 0 : i32
        %dma_wait3A_83 = tpu.memref_slice %arg10[%dma_wait3A, %dma_wait3A_82] : memref<256x128xf32, #tpu.memory_space<vmem>> -> memref<64x128xf32, #tpu.memory_space<vmem>>
        %dma_wait3A_84 = arith.constant 0 : i32
        %dma_wait3A_85 = tpu.memref_slice %arg8[%add3A_81, %dma_wait3A_84] : memref<40x128xi32, #tpu.memory_space<vmem>> -> memref<1x64xi32, #tpu.memory_space<vmem>>
        %dma_wait3A_86 = tpu.memref_squeeze %dma_wait3A_85 : memref<1x64xi32, #tpu.memory_space<vmem>> -> memref<64xi32, #tpu.memory_space<vmem>>
        %dma_wait3A_87 = arith.constant 0 : i32
        %dma_wait3A_88 = arith.constant 0 : i32
        %dma_wait3A_89 = tpu.memref_slice %arg2[%dma_wait3A_87, %dma_wait3A_88] : memref<10240x128xf32, #tpu.memory_space<hbm>> -> memref<10240x128xf32, #tpu.memory_space<hbm>>
        tpu.wait_indirect_dma semaphore(%arg12 : memref<!tpu.dma_semaphore, #tpu.memory_space<semaphore_mem>>) src(%dma_wait3A_89 : memref<10240x128xf32, #tpu.memory_space<hbm>>) dst(%dma_wait3A_83 : memref<64x128xf32, #tpu.memory_space<vmem>>)
        %dma_wait3A_90 = arith.constant 64 : i32
        %dma_wait3A_91 = arith.constant 0 : i32
        %dma_wait3A_92 = tpu.memref_slice %arg10[%dma_wait3A_90, %dma_wait3A_91] : memref<256x128xf32, #tpu.memory_space<vmem>> -> memref<64x128xf32, #tpu.memory_space<vmem>>
        %dma_wait3A_93 = arith.constant 64 : i32
        %dma_wait3A_94 = tpu.memref_slice %arg8[%add3A_81, %dma_wait3A_93] : memref<40x128xi32, #tpu.memory_space<vmem>> -> memref<1x64xi32, #tpu.memory_space<vmem>>
        %dma_wait3A_95 = tpu.memref_squeeze %dma_wait3A_94 : memref<1x64xi32, #tpu.memory_space<vmem>> -> memref<64xi32, #tpu.memory_space<vmem>>
        %dma_wait3A_96 = arith.constant 0 : i32
        %dma_wait3A_97 = arith.constant 0 : i32
        %dma_wait3A_98 = tpu.memref_slice %arg2[%dma_wait3A_96, %dma_wait3A_97] : memref<10240x128xf32, #tpu.memory_space<hbm>> -> memref<10240x128xf32, #tpu.memory_space<hbm>>
        tpu.wait_indirect_dma semaphore(%arg13 : memref<!tpu.dma_semaphore, #tpu.memory_space<semaphore_mem>>) src(%dma_wait3A_98 : memref<10240x128xf32, #tpu.memory_space<hbm>>) dst(%dma_wait3A_92 : memref<64x128xf32, #tpu.memory_space<vmem>>)
        "tpu.region"() ({
          %run_scoped3A = tpu.sem_alloc : memref<!tpu.dma_semaphore, #tpu.memory_space<semaphore_mem>>
          %dma_start3A_186 = arith.constant 0 : i32
          %dma_start3A_187 = arith.constant 0 : i32
          %dma_start3A_188 = tpu.memref_slice %arg10[%dma_start3A_186, %dma_start3A_187] : memref<256x128xf32, #tpu.memory_space<vmem>> -> memref<128x128xf32, #tpu.memory_space<vmem>>
          %dma_start3A_189 = arith.constant 0 : i32
          %dma_start3A_190 = tpu.memref_slice %arg9[%add3A_81, %dma_start3A_189] : memref<40x128xi32, #tpu.memory_space<vmem>> -> memref<1x128xi32, #tpu.memory_space<vmem>>
          %dma_start3A_191 = tpu.memref_squeeze %dma_start3A_190 : memref<1x128xi32, #tpu.memory_space<vmem>> -> memref<128xi32, #tpu.memory_space<vmem>>
          %dma_start3A_192 = arith.constant 0 : i32
          %dma_start3A_193 = arith.constant 0 : i32
          %dma_start3A_194 = tpu.memref_slice %arg11[%dma_start3A_192, %dma_start3A_193] : memref<10240x128xf32, #tpu.memory_space<vmem_shared>> -> memref<10240x128xf32, #tpu.memory_space<vmem_shared>>
          tpu.enqueue_indirect_dma source(%dma_start3A_188 : memref<128x128xf32, #tpu.memory_space<vmem>>) target(%dma_start3A_194 : memref<10240x128xf32, #tpu.memory_space<vmem_shared>>) offsets(%dma_start3A_191 : memref<128xi32, #tpu.memory_space<vmem>>) semaphore(%run_scoped3A : memref<!tpu.dma_semaphore, #tpu.memory_space<semaphore_mem>>) {add = true}
          %dma_wait3A_195 = arith.constant 0 : i32
          %dma_wait3A_196 = arith.constant 0 : i32
          %dma_wait3A_197 = tpu.memref_slice %arg10[%dma_wait3A_195, %dma_wait3A_196] : memref<256x128xf32, #tpu.memory_space<vmem>> -> memref<128x128xf32, #tpu.memory_space<vmem>>
          %dma_wait3A_198 = arith.constant 0 : i32
          %dma_wait3A_199 = tpu.memref_slice %arg9[%add3A_81, %dma_wait3A_198] : memref<40x128xi32, #tpu.memory_space<vmem>> -> memref<1x128xi32, #tpu.memory_space<vmem>>
          %dma_wait3A_200 = tpu.memref_squeeze %dma_wait3A_199 : memref<1x128xi32, #tpu.memory_space<vmem>> -> memref<128xi32, #tpu.memory_space<vmem>>
          %dma_wait3A_201 = arith.constant 0 : i32
          %dma_wait3A_202 = arith.constant 0 : i32
          %dma_wait3A_203 = tpu.memref_slice %arg11[%dma_wait3A_201, %dma_wait3A_202] : memref<10240x128xf32, #tpu.memory_space<vmem_shared>> -> memref<10240x128xf32, #tpu.memory_space<vmem_shared>>
          tpu.wait_indirect_dma semaphore(%run_scoped3A : memref<!tpu.dma_semaphore, #tpu.memory_space<semaphore_mem>>) src(%dma_wait3A_197 : memref<128x128xf32, #tpu.memory_space<vmem>>) dst(%dma_wait3A_203 : memref<10240x128xf32, #tpu.memory_space<vmem_shared>>)
          tpu.yield
        }) : () -> ()
        %add3A_99 = arith.constant 2 : i32
        %add3A_100 = arith.addi %add3A_81, %add3A_99 : i32
        %lt3A = arith.constant 40 : i32
        %lt3A_101 = arith.cmpi slt, %add3A_100, %lt3A : i32
        %convert_element_type3A_102 = arith.extui %lt3A_101 : i1 to i32
        %cond3A_103 = arith.constant 0 : i32
        %cond3A_104 = arith.cmpi ne, %convert_element_type3A_102, %cond3A_103 : i32
        scf.if %cond3A_104 {
          %add3A_186 = arith.constant 2 : i32
          %add3A_187 = arith.addi %add3A_81, %add3A_186 : i32
          %dma_start3A_188 = arith.constant 0 : i32
          %dma_start3A_189 = arith.constant 0 : i32
          %dma_start3A_190 = tpu.memref_slice %arg10[%dma_start3A_188, %dma_start3A_189] : memref<256x128xf32, #tpu.memory_space<vmem>> -> memref<64x128xf32, #tpu.memory_space<vmem>>
          %dma_start3A_191 = arith.constant 0 : i32
          %dma_start3A_192 = tpu.memref_slice %arg8[%add3A_187, %dma_start3A_191] : memref<40x128xi32, #tpu.memory_space<vmem>> -> memref<1x64xi32, #tpu.memory_space<vmem>>
          %dma_start3A_193 = tpu.memref_squeeze %dma_start3A_192 : memref<1x64xi32, #tpu.memory_space<vmem>> -> memref<64xi32, #tpu.memory_space<vmem>>
          %dma_start3A_194 = arith.constant 0 : i32
          %dma_start3A_195 = arith.constant 0 : i32
          %dma_start3A_196 = tpu.memref_slice %arg2[%dma_start3A_194, %dma_start3A_195] : memref<10240x128xf32, #tpu.memory_space<hbm>> -> memref<10240x128xf32, #tpu.memory_space<hbm>>
          tpu.enqueue_indirect_dma source(%dma_start3A_196 : memref<10240x128xf32, #tpu.memory_space<hbm>>) target(%dma_start3A_190 : memref<64x128xf32, #tpu.memory_space<vmem>>) offsets(%dma_start3A_193 : memref<64xi32, #tpu.memory_space<vmem>>) semaphore(%arg12 : memref<!tpu.dma_semaphore, #tpu.memory_space<semaphore_mem>>)
          %dma_start3A_197 = arith.constant 64 : i32
          %dma_start3A_198 = arith.constant 0 : i32
          %dma_start3A_199 = tpu.memref_slice %arg10[%dma_start3A_197, %dma_start3A_198] : memref<256x128xf32, #tpu.memory_space<vmem>> -> memref<64x128xf32, #tpu.memory_space<vmem>>
          %dma_start3A_200 = arith.constant 64 : i32
          %dma_start3A_201 = tpu.memref_slice %arg8[%add3A_187, %dma_start3A_200] : memref<40x128xi32, #tpu.memory_space<vmem>> -> memref<1x64xi32, #tpu.memory_space<vmem>>
          %dma_start3A_202 = tpu.memref_squeeze %dma_start3A_201 : memref<1x64xi32, #tpu.memory_space<vmem>> -> memref<64xi32, #tpu.memory_space<vmem>>
          %dma_start3A_203 = arith.constant 0 : i32
          %dma_start3A_204 = arith.constant 0 : i32
          %dma_start3A_205 = tpu.memref_slice %arg2[%dma_start3A_203, %dma_start3A_204] : memref<10240x128xf32, #tpu.memory_space<hbm>> -> memref<10240x128xf32, #tpu.memory_space<hbm>>
          tpu.enqueue_indirect_dma source(%dma_start3A_205 : memref<10240x128xf32, #tpu.memory_space<hbm>>) target(%dma_start3A_199 : memref<64x128xf32, #tpu.memory_space<vmem>>) offsets(%dma_start3A_202 : memref<64xi32, #tpu.memory_space<vmem>>) semaphore(%arg13 : memref<!tpu.dma_semaphore, #tpu.memory_space<semaphore_mem>>)
        } else {
        }
        %add3A_105 = arith.constant 1 : i32
        %add3A_106 = arith.addi %mul3A_79, %add3A_105 : i32
        %dma_wait3A_107 = arith.constant 128 : i32
        %dma_wait3A_108 = arith.constant 0 : i32
        %dma_wait3A_109 = tpu.memref_slice %arg10[%dma_wait3A_107, %dma_wait3A_108] : memref<256x128xf32, #tpu.memory_space<vmem>> -> memref<64x128xf32, #tpu.memory_space<vmem>>
        %dma_wait3A_110 = arith.constant 0 : i32
        %dma_wait3A_111 = tpu.memref_slice %arg8[%add3A_106, %dma_wait3A_110] : memref<40x128xi32, #tpu.memory_space<vmem>> -> memref<1x64xi32, #tpu.memory_space<vmem>>
        %dma_wait3A_112 = tpu.memref_squeeze %dma_wait3A_111 : memref<1x64xi32, #tpu.memory_space<vmem>> -> memref<64xi32, #tpu.memory_space<vmem>>
        %dma_wait3A_113 = arith.constant 0 : i32
        %dma_wait3A_114 = arith.constant 0 : i32
        %dma_wait3A_115 = tpu.memref_slice %arg2[%dma_wait3A_113, %dma_wait3A_114] : memref<10240x128xf32, #tpu.memory_space<hbm>> -> memref<10240x128xf32, #tpu.memory_space<hbm>>
        tpu.wait_indirect_dma semaphore(%arg14 : memref<!tpu.dma_semaphore, #tpu.memory_space<semaphore_mem>>) src(%dma_wait3A_115 : memref<10240x128xf32, #tpu.memory_space<hbm>>) dst(%dma_wait3A_109 : memref<64x128xf32, #tpu.memory_space<vmem>>)
        %dma_wait3A_116 = arith.constant 192 : i32
        %dma_wait3A_117 = arith.constant 0 : i32
        %dma_wait3A_118 = tpu.memref_slice %arg10[%dma_wait3A_116, %dma_wait3A_117] : memref<256x128xf32, #tpu.memory_space<vmem>> -> memref<64x128xf32, #tpu.memory_space<vmem>>
        %dma_wait3A_119 = arith.constant 64 : i32
        %dma_wait3A_120 = tpu.memref_slice %arg8[%add3A_106, %dma_wait3A_119] : memref<40x128xi32, #tpu.memory_space<vmem>> -> memref<1x64xi32, #tpu.memory_space<vmem>>
        %dma_wait3A_121 = tpu.memref_squeeze %dma_wait3A_120 : memref<1x64xi32, #tpu.memory_space<vmem>> -> memref<64xi32, #tpu.memory_space<vmem>>
        %dma_wait3A_122 = arith.constant 0 : i32
        %dma_wait3A_123 = arith.constant 0 : i32
        %dma_wait3A_124 = tpu.memref_slice %arg2[%dma_wait3A_122, %dma_wait3A_123] : memref<10240x128xf32, #tpu.memory_space<hbm>> -> memref<10240x128xf32, #tpu.memory_space<hbm>>
        tpu.wait_indirect_dma semaphore(%arg15 : memref<!tpu.dma_semaphore, #tpu.memory_space<semaphore_mem>>) src(%dma_wait3A_124 : memref<10240x128xf32, #tpu.memory_space<hbm>>) dst(%dma_wait3A_118 : memref<64x128xf32, #tpu.memory_space<vmem>>)
        "tpu.region"() ({
          %run_scoped3A = tpu.sem_alloc : memref<!tpu.dma_semaphore, #tpu.memory_space<semaphore_mem>>
          %dma_start3A_186 = arith.constant 128 : i32
          %dma_start3A_187 = arith.constant 0 : i32
          %dma_start3A_188 = tpu.memref_slice %arg10[%dma_start3A_186, %dma_start3A_187] : memref<256x128xf32, #tpu.memory_space<vmem>> -> memref<128x128xf32, #tpu.memory_space<vmem>>
          %dma_start3A_189 = arith.constant 0 : i32
          %dma_start3A_190 = tpu.memref_slice %arg9[%add3A_106, %dma_start3A_189] : memref<40x128xi32, #tpu.memory_space<vmem>> -> memref<1x128xi32, #tpu.memory_space<vmem>>
          %dma_start3A_191 = tpu.memref_squeeze %dma_start3A_190 : memref<1x128xi32, #tpu.memory_space<vmem>> -> memref<128xi32, #tpu.memory_space<vmem>>
          %dma_start3A_192 = arith.constant 0 : i32
          %dma_start3A_193 = arith.constant 0 : i32
          %dma_start3A_194 = tpu.memref_slice %arg11[%dma_start3A_192, %dma_start3A_193] : memref<10240x128xf32, #tpu.memory_space<vmem_shared>> -> memref<10240x128xf32, #tpu.memory_space<vmem_shared>>
          tpu.enqueue_indirect_dma source(%dma_start3A_188 : memref<128x128xf32, #tpu.memory_space<vmem>>) target(%dma_start3A_194 : memref<10240x128xf32, #tpu.memory_space<vmem_shared>>) offsets(%dma_start3A_191 : memref<128xi32, #tpu.memory_space<vmem>>) semaphore(%run_scoped3A : memref<!tpu.dma_semaphore, #tpu.memory_space<semaphore_mem>>) {add = true}
          %dma_wait3A_195 = arith.constant 128 : i32
          %dma_wait3A_196 = arith.constant 0 : i32
          %dma_wait3A_197 = tpu.memref_slice %arg10[%dma_wait3A_195, %dma_wait3A_196] : memref<256x128xf32, #tpu.memory_space<vmem>> -> memref<128x128xf32, #tpu.memory_space<vmem>>
          %dma_wait3A_198 = arith.constant 0 : i32
          %dma_wait3A_199 = tpu.memref_slice %arg9[%add3A_106, %dma_wait3A_198] : memref<40x128xi32, #tpu.memory_space<vmem>> -> memref<1x128xi32, #tpu.memory_space<vmem>>
          %dma_wait3A_200 = tpu.memref_squeeze %dma_wait3A_199 : memref<1x128xi32, #tpu.memory_space<vmem>> -> memref<128xi32, #tpu.memory_space<vmem>>
          %dma_wait3A_201 = arith.constant 0 : i32
          %dma_wait3A_202 = arith.constant 0 : i32
          %dma_wait3A_203 = tpu.memref_slice %arg11[%dma_wait3A_201, %dma_wait3A_202] : memref<10240x128xf32, #tpu.memory_space<vmem_shared>> -> memref<10240x128xf32, #tpu.memory_space<vmem_shared>>
          tpu.wait_indirect_dma semaphore(%run_scoped3A : memref<!tpu.dma_semaphore, #tpu.memory_space<semaphore_mem>>) src(%dma_wait3A_197 : memref<128x128xf32, #tpu.memory_space<vmem>>) dst(%dma_wait3A_203 : memref<10240x128xf32, #tpu.memory_space<vmem_shared>>)
          tpu.yield
        }) : () -> ()
        %add3A_125 = arith.constant 2 : i32
        %add3A_126 = arith.addi %add3A_106, %add3A_125 : i32
        %lt3A_127 = arith.constant 40 : i32
        %lt3A_128 = arith.cmpi slt, %add3A_126, %lt3A_127 : i32
        %convert_element_type3A_129 = arith.extui %lt3A_128 : i1 to i32
        %cond3A_130 = arith.constant 0 : i32
        %cond3A_131 = arith.cmpi ne, %convert_element_type3A_129, %cond3A_130 : i32
        scf.if %cond3A_131 {
          %add3A_186 = arith.constant 2 : i32
          %add3A_187 = arith.addi %add3A_106, %add3A_186 : i32
          %dma_start3A_188 = arith.constant 128 : i32
          %dma_start3A_189 = arith.constant 0 : i32
          %dma_start3A_190 = tpu.memref_slice %arg10[%dma_start3A_188, %dma_start3A_189] : memref<256x128xf32, #tpu.memory_space<vmem>> -> memref<64x128xf32, #tpu.memory_space<vmem>>
          %dma_start3A_191 = arith.constant 0 : i32
          %dma_start3A_192 = tpu.memref_slice %arg8[%add3A_187, %dma_start3A_191] : memref<40x128xi32, #tpu.memory_space<vmem>> -> memref<1x64xi32, #tpu.memory_space<vmem>>
          %dma_start3A_193 = tpu.memref_squeeze %dma_start3A_192 : memref<1x64xi32, #tpu.memory_space<vmem>> -> memref<64xi32, #tpu.memory_space<vmem>>
          %dma_start3A_194 = arith.constant 0 : i32
          %dma_start3A_195 = arith.constant 0 : i32
          %dma_start3A_196 = tpu.memref_slice %arg2[%dma_start3A_194, %dma_start3A_195] : memref<10240x128xf32, #tpu.memory_space<hbm>> -> memref<10240x128xf32, #tpu.memory_space<hbm>>
          tpu.enqueue_indirect_dma source(%dma_start3A_196 : memref<10240x128xf32, #tpu.memory_space<hbm>>) target(%dma_start3A_190 : memref<64x128xf32, #tpu.memory_space<vmem>>) offsets(%dma_start3A_193 : memref<64xi32, #tpu.memory_space<vmem>>) semaphore(%arg14 : memref<!tpu.dma_semaphore, #tpu.memory_space<semaphore_mem>>)
          %dma_start3A_197 = arith.constant 192 : i32
          %dma_start3A_198 = arith.constant 0 : i32
          %dma_start3A_199 = tpu.memref_slice %arg10[%dma_start3A_197, %dma_start3A_198] : memref<256x128xf32, #tpu.memory_space<vmem>> -> memref<64x128xf32, #tpu.memory_space<vmem>>
          %dma_start3A_200 = arith.constant 64 : i32
          %dma_start3A_201 = tpu.memref_slice %arg8[%add3A_187, %dma_start3A_200] : memref<40x128xi32, #tpu.memory_space<vmem>> -> memref<1x64xi32, #tpu.memory_space<vmem>>
          %dma_start3A_202 = tpu.memref_squeeze %dma_start3A_201 : memref<1x64xi32, #tpu.memory_space<vmem>> -> memref<64xi32, #tpu.memory_space<vmem>>
          %dma_start3A_203 = arith.constant 0 : i32
          %dma_start3A_204 = arith.constant 0 : i32
          %dma_start3A_205 = tpu.memref_slice %arg2[%dma_start3A_203, %dma_start3A_204] : memref<10240x128xf32, #tpu.memory_space<hbm>> -> memref<10240x128xf32, #tpu.memory_space<hbm>>
          tpu.enqueue_indirect_dma source(%dma_start3A_205 : memref<10240x128xf32, #tpu.memory_space<hbm>>) target(%dma_start3A_199 : memref<64x128xf32, #tpu.memory_space<vmem>>) offsets(%dma_start3A_202 : memref<64xi32, #tpu.memory_space<vmem>>) semaphore(%arg15 : memref<!tpu.dma_semaphore, #tpu.memory_space<semaphore_mem>>)
        } else {
        }
        %add3A_132 = arith.constant 2 : i32
        %add3A_133 = arith.addi %mul3A_79, %add3A_132 : i32
        %dma_wait3A_134 = arith.constant 0 : i32
        %dma_wait3A_135 = arith.constant 0 : i32
        %dma_wait3A_136 = tpu.memref_slice %arg10[%dma_wait3A_134, %dma_wait3A_135] : memref<256x128xf32, #tpu.memory_space<vmem>> -> memref<64x128xf32, #tpu.memory_space<vmem>>
        %dma_wait3A_137 = arith.constant 0 : i32
        %dma_wait3A_138 = tpu.memref_slice %arg8[%add3A_133, %dma_wait3A_137] : memref<40x128xi32, #tpu.memory_space<vmem>> -> memref<1x64xi32, #tpu.memory_space<vmem>>
        %dma_wait3A_139 = tpu.memref_squeeze %dma_wait3A_138 : memref<1x64xi32, #tpu.memory_space<vmem>> -> memref<64xi32, #tpu.memory_space<vmem>>
        %dma_wait3A_140 = arith.constant 0 : i32
        %dma_wait3A_141 = arith.constant 0 : i32
        %dma_wait3A_142 = tpu.memref_slice %arg2[%dma_wait3A_140, %dma_wait3A_141] : memref<10240x128xf32, #tpu.memory_space<hbm>> -> memref<10240x128xf32, #tpu.memory_space<hbm>>
        tpu.wait_indirect_dma semaphore(%arg12 : memref<!tpu.dma_semaphore, #tpu.memory_space<semaphore_mem>>) src(%dma_wait3A_142 : memref<10240x128xf32, #tpu.memory_space<hbm>>) dst(%dma_wait3A_136 : memref<64x128xf32, #tpu.memory_space<vmem>>)
        %dma_wait3A_143 = arith.constant 64 : i32
        %dma_wait3A_144 = arith.constant 0 : i32
        %dma_wait3A_145 = tpu.memref_slice %arg10[%dma_wait3A_143, %dma_wait3A_144] : memref<256x128xf32, #tpu.memory_space<vmem>> -> memref<64x128xf32, #tpu.memory_space<vmem>>
        %dma_wait3A_146 = arith.constant 64 : i32
        %dma_wait3A_147 = tpu.memref_slice %arg8[%add3A_133, %dma_wait3A_146] : memref<40x128xi32, #tpu.memory_space<vmem>> -> memref<1x64xi32, #tpu.memory_space<vmem>>
        %dma_wait3A_148 = tpu.memref_squeeze %dma_wait3A_147 : memref<1x64xi32, #tpu.memory_space<vmem>> -> memref<64xi32, #tpu.memory_space<vmem>>
        %dma_wait3A_149 = arith.constant 0 : i32
        %dma_wait3A_150 = arith.constant 0 : i32
        %dma_wait3A_151 = tpu.memref_slice %arg2[%dma_wait3A_149, %dma_wait3A_150] : memref<10240x128xf32, #tpu.memory_space<hbm>> -> memref<10240x128xf32, #tpu.memory_space<hbm>>
        tpu.wait_indirect_dma semaphore(%arg13 : memref<!tpu.dma_semaphore, #tpu.memory_space<semaphore_mem>>) src(%dma_wait3A_151 : memref<10240x128xf32, #tpu.memory_space<hbm>>) dst(%dma_wait3A_145 : memref<64x128xf32, #tpu.memory_space<vmem>>)
        "tpu.region"() ({
          %run_scoped3A = tpu.sem_alloc : memref<!tpu.dma_semaphore, #tpu.memory_space<semaphore_mem>>
          %dma_start3A_186 = arith.constant 0 : i32
          %dma_start3A_187 = arith.constant 0 : i32
          %dma_start3A_188 = tpu.memref_slice %arg10[%dma_start3A_186, %dma_start3A_187] : memref<256x128xf32, #tpu.memory_space<vmem>> -> memref<128x128xf32, #tpu.memory_space<vmem>>
          %dma_start3A_189 = arith.constant 0 : i32
          %dma_start3A_190 = tpu.memref_slice %arg9[%add3A_133, %dma_start3A_189] : memref<40x128xi32, #tpu.memory_space<vmem>> -> memref<1x128xi32, #tpu.memory_space<vmem>>
          %dma_start3A_191 = tpu.memref_squeeze %dma_start3A_190 : memref<1x128xi32, #tpu.memory_space<vmem>> -> memref<128xi32, #tpu.memory_space<vmem>>
          %dma_start3A_192 = arith.constant 0 : i32
          %dma_start3A_193 = arith.constant 0 : i32
          %dma_start3A_194 = tpu.memref_slice %arg11[%dma_start3A_192, %dma_start3A_193] : memref<10240x128xf32, #tpu.memory_space<vmem_shared>> -> memref<10240x128xf32, #tpu.memory_space<vmem_shared>>
          tpu.enqueue_indirect_dma source(%dma_start3A_188 : memref<128x128xf32, #tpu.memory_space<vmem>>) target(%dma_start3A_194 : memref<10240x128xf32, #tpu.memory_space<vmem_shared>>) offsets(%dma_start3A_191 : memref<128xi32, #tpu.memory_space<vmem>>) semaphore(%run_scoped3A : memref<!tpu.dma_semaphore, #tpu.memory_space<semaphore_mem>>) {add = true}
          %dma_wait3A_195 = arith.constant 0 : i32
          %dma_wait3A_196 = arith.constant 0 : i32
          %dma_wait3A_197 = tpu.memref_slice %arg10[%dma_wait3A_195, %dma_wait3A_196] : memref<256x128xf32, #tpu.memory_space<vmem>> -> memref<128x128xf32, #tpu.memory_space<vmem>>
          %dma_wait3A_198 = arith.constant 0 : i32
          %dma_wait3A_199 = tpu.memref_slice %arg9[%add3A_133, %dma_wait3A_198] : memref<40x128xi32, #tpu.memory_space<vmem>> -> memref<1x128xi32, #tpu.memory_space<vmem>>
          %dma_wait3A_200 = tpu.memref_squeeze %dma_wait3A_199 : memref<1x128xi32, #tpu.memory_space<vmem>> -> memref<128xi32, #tpu.memory_space<vmem>>
          %dma_wait3A_201 = arith.constant 0 : i32
          %dma_wait3A_202 = arith.constant 0 : i32
          %dma_wait3A_203 = tpu.memref_slice %arg11[%dma_wait3A_201, %dma_wait3A_202] : memref<10240x128xf32, #tpu.memory_space<vmem_shared>> -> memref<10240x128xf32, #tpu.memory_space<vmem_shared>>
          tpu.wait_indirect_dma semaphore(%run_scoped3A : memref<!tpu.dma_semaphore, #tpu.memory_space<semaphore_mem>>) src(%dma_wait3A_197 : memref<128x128xf32, #tpu.memory_space<vmem>>) dst(%dma_wait3A_203 : memref<10240x128xf32, #tpu.memory_space<vmem_shared>>)
          tpu.yield
        }) : () -> ()
        %add3A_152 = arith.constant 2 : i32
        %add3A_153 = arith.addi %add3A_133, %add3A_152 : i32
        %lt3A_154 = arith.constant 40 : i32
        %lt3A_155 = arith.cmpi slt, %add3A_153, %lt3A_154 : i32
        %convert_element_type3A_156 = arith.extui %lt3A_155 : i1 to i32
        %cond3A_157 = arith.constant 0 : i32
        %cond3A_158 = arith.cmpi ne, %convert_element_type3A_156, %cond3A_157 : i32
        scf.if %cond3A_158 {
          %add3A_186 = arith.constant 2 : i32
          %add3A_187 = arith.addi %add3A_133, %add3A_186 : i32
          %dma_start3A_188 = arith.constant 0 : i32
          %dma_start3A_189 = arith.constant 0 : i32
          %dma_start3A_190 = tpu.memref_slice %arg10[%dma_start3A_188, %dma_start3A_189] : memref<256x128xf32, #tpu.memory_space<vmem>> -> memref<64x128xf32, #tpu.memory_space<vmem>>
          %dma_start3A_191 = arith.constant 0 : i32
          %dma_start3A_192 = tpu.memref_slice %arg8[%add3A_187, %dma_start3A_191] : memref<40x128xi32, #tpu.memory_space<vmem>> -> memref<1x64xi32, #tpu.memory_space<vmem>>
          %dma_start3A_193 = tpu.memref_squeeze %dma_start3A_192 : memref<1x64xi32, #tpu.memory_space<vmem>> -> memref<64xi32, #tpu.memory_space<vmem>>
          %dma_start3A_194 = arith.constant 0 : i32
          %dma_start3A_195 = arith.constant 0 : i32
          %dma_start3A_196 = tpu.memref_slice %arg2[%dma_start3A_194, %dma_start3A_195] : memref<10240x128xf32, #tpu.memory_space<hbm>> -> memref<10240x128xf32, #tpu.memory_space<hbm>>
          tpu.enqueue_indirect_dma source(%dma_start3A_196 : memref<10240x128xf32, #tpu.memory_space<hbm>>) target(%dma_start3A_190 : memref<64x128xf32, #tpu.memory_space<vmem>>) offsets(%dma_start3A_193 : memref<64xi32, #tpu.memory_space<vmem>>) semaphore(%arg12 : memref<!tpu.dma_semaphore, #tpu.memory_space<semaphore_mem>>)
          %dma_start3A_197 = arith.constant 64 : i32
          %dma_start3A_198 = arith.constant 0 : i32
          %dma_start3A_199 = tpu.memref_slice %arg10[%dma_start3A_197, %dma_start3A_198] : memref<256x128xf32, #tpu.memory_space<vmem>> -> memref<64x128xf32, #tpu.memory_space<vmem>>
          %dma_start3A_200 = arith.constant 64 : i32
          %dma_start3A_201 = tpu.memref_slice %arg8[%add3A_187, %dma_start3A_200] : memref<40x128xi32, #tpu.memory_space<vmem>> -> memref<1x64xi32, #tpu.memory_space<vmem>>
          %dma_start3A_202 = tpu.memref_squeeze %dma_start3A_201 : memref<1x64xi32, #tpu.memory_space<vmem>> -> memref<64xi32, #tpu.memory_space<vmem>>
          %dma_start3A_203 = arith.constant 0 : i32
          %dma_start3A_204 = arith.constant 0 : i32
          %dma_start3A_205 = tpu.memref_slice %arg2[%dma_start3A_203, %dma_start3A_204] : memref<10240x128xf32, #tpu.memory_space<hbm>> -> memref<10240x128xf32, #tpu.memory_space<hbm>>
          tpu.enqueue_indirect_dma source(%dma_start3A_205 : memref<10240x128xf32, #tpu.memory_space<hbm>>) target(%dma_start3A_199 : memref<64x128xf32, #tpu.memory_space<vmem>>) offsets(%dma_start3A_202 : memref<64xi32, #tpu.memory_space<vmem>>) semaphore(%arg13 : memref<!tpu.dma_semaphore, #tpu.memory_space<semaphore_mem>>)
        } else {
        }
        %add3A_159 = arith.constant 3 : i32
        %add3A_160 = arith.addi %mul3A_79, %add3A_159 : i32
        %dma_wait3A_161 = arith.constant 128 : i32
        %dma_wait3A_162 = arith.constant 0 : i32
        %dma_wait3A_163 = tpu.memref_slice %arg10[%dma_wait3A_161, %dma_wait3A_162] : memref<256x128xf32, #tpu.memory_space<vmem>> -> memref<64x128xf32, #tpu.memory_space<vmem>>
        %dma_wait3A_164 = arith.constant 0 : i32
        %dma_wait3A_165 = tpu.memref_slice %arg8[%add3A_160, %dma_wait3A_164] : memref<40x128xi32, #tpu.memory_space<vmem>> -> memref<1x64xi32, #tpu.memory_space<vmem>>
        %dma_wait3A_166 = tpu.memref_squeeze %dma_wait3A_165 : memref<1x64xi32, #tpu.memory_space<vmem>> -> memref<64xi32, #tpu.memory_space<vmem>>
        %dma_wait3A_167 = arith.constant 0 : i32
        %dma_wait3A_168 = arith.constant 0 : i32
        %dma_wait3A_169 = tpu.memref_slice %arg2[%dma_wait3A_167, %dma_wait3A_168] : memref<10240x128xf32, #tpu.memory_space<hbm>> -> memref<10240x128xf32, #tpu.memory_space<hbm>>
        tpu.wait_indirect_dma semaphore(%arg14 : memref<!tpu.dma_semaphore, #tpu.memory_space<semaphore_mem>>) src(%dma_wait3A_169 : memref<10240x128xf32, #tpu.memory_space<hbm>>) dst(%dma_wait3A_163 : memref<64x128xf32, #tpu.memory_space<vmem>>)
        %dma_wait3A_170 = arith.constant 192 : i32
        %dma_wait3A_171 = arith.constant 0 : i32
        %dma_wait3A_172 = tpu.memref_slice %arg10[%dma_wait3A_170, %dma_wait3A_171] : memref<256x128xf32, #tpu.memory_space<vmem>> -> memref<64x128xf32, #tpu.memory_space<vmem>>
        %dma_wait3A_173 = arith.constant 64 : i32
        %dma_wait3A_174 = tpu.memref_slice %arg8[%add3A_160, %dma_wait3A_173] : memref<40x128xi32, #tpu.memory_space<vmem>> -> memref<1x64xi32, #tpu.memory_space<vmem>>
        %dma_wait3A_175 = tpu.memref_squeeze %dma_wait3A_174 : memref<1x64xi32, #tpu.memory_space<vmem>> -> memref<64xi32, #tpu.memory_space<vmem>>
        %dma_wait3A_176 = arith.constant 0 : i32
        %dma_wait3A_177 = arith.constant 0 : i32
        %dma_wait3A_178 = tpu.memref_slice %arg2[%dma_wait3A_176, %dma_wait3A_177] : memref<10240x128xf32, #tpu.memory_space<hbm>> -> memref<10240x128xf32, #tpu.memory_space<hbm>>
        tpu.wait_indirect_dma semaphore(%arg15 : memref<!tpu.dma_semaphore, #tpu.memory_space<semaphore_mem>>) src(%dma_wait3A_178 : memref<10240x128xf32, #tpu.memory_space<hbm>>) dst(%dma_wait3A_172 : memref<64x128xf32, #tpu.memory_space<vmem>>)
        "tpu.region"() ({
          %run_scoped3A = tpu.sem_alloc : memref<!tpu.dma_semaphore, #tpu.memory_space<semaphore_mem>>
          %dma_start3A_186 = arith.constant 128 : i32
          %dma_start3A_187 = arith.constant 0 : i32
          %dma_start3A_188 = tpu.memref_slice %arg10[%dma_start3A_186, %dma_start3A_187] : memref<256x128xf32, #tpu.memory_space<vmem>> -> memref<128x128xf32, #tpu.memory_space<vmem>>
          %dma_start3A_189 = arith.constant 0 : i32
          %dma_start3A_190 = tpu.memref_slice %arg9[%add3A_160, %dma_start3A_189] : memref<40x128xi32, #tpu.memory_space<vmem>> -> memref<1x128xi32, #tpu.memory_space<vmem>>
          %dma_start3A_191 = tpu.memref_squeeze %dma_start3A_190 : memref<1x128xi32, #tpu.memory_space<vmem>> -> memref<128xi32, #tpu.memory_space<vmem>>
          %dma_start3A_192 = arith.constant 0 : i32
          %dma_start3A_193 = arith.constant 0 : i32
          %dma_start3A_194 = tpu.memref_slice %arg11[%dma_start3A_192, %dma_start3A_193] : memref<10240x128xf32, #tpu.memory_space<vmem_shared>> -> memref<10240x128xf32, #tpu.memory_space<vmem_shared>>
          tpu.enqueue_indirect_dma source(%dma_start3A_188 : memref<128x128xf32, #tpu.memory_space<vmem>>) target(%dma_start3A_194 : memref<10240x128xf32, #tpu.memory_space<vmem_shared>>) offsets(%dma_start3A_191 : memref<128xi32, #tpu.memory_space<vmem>>) semaphore(%run_scoped3A : memref<!tpu.dma_semaphore, #tpu.memory_space<semaphore_mem>>) {add = true}
          %dma_wait3A_195 = arith.constant 128 : i32
          %dma_wait3A_196 = arith.constant 0 : i32
          %dma_wait3A_197 = tpu.memref_slice %arg10[%dma_wait3A_195, %dma_wait3A_196] : memref<256x128xf32, #tpu.memory_space<vmem>> -> memref<128x128xf32, #tpu.memory_space<vmem>>
          %dma_wait3A_198 = arith.constant 0 : i32
          %dma_wait3A_199 = tpu.memref_slice %arg9[%add3A_160, %dma_wait3A_198] : memref<40x128xi32, #tpu.memory_space<vmem>> -> memref<1x128xi32, #tpu.memory_space<vmem>>
          %dma_wait3A_200 = tpu.memref_squeeze %dma_wait3A_199 : memref<1x128xi32, #tpu.memory_space<vmem>> -> memref<128xi32, #tpu.memory_space<vmem>>
          %dma_wait3A_201 = arith.constant 0 : i32
          %dma_wait3A_202 = arith.constant 0 : i32
          %dma_wait3A_203 = tpu.memref_slice %arg11[%dma_wait3A_201, %dma_wait3A_202] : memref<10240x128xf32, #tpu.memory_space<vmem_shared>> -> memref<10240x128xf32, #tpu.memory_space<vmem_shared>>
          tpu.wait_indirect_dma semaphore(%run_scoped3A : memref<!tpu.dma_semaphore, #tpu.memory_space<semaphore_mem>>) src(%dma_wait3A_197 : memref<128x128xf32, #tpu.memory_space<vmem>>) dst(%dma_wait3A_203 : memref<10240x128xf32, #tpu.memory_space<vmem_shared>>)
          tpu.yield
        }) : () -> ()
        %add3A_179 = arith.constant 2 : i32
        %add3A_180 = arith.addi %add3A_160, %add3A_179 : i32
        %lt3A_181 = arith.constant 40 : i32
        %lt3A_182 = arith.cmpi slt, %add3A_180, %lt3A_181 : i32
        %convert_element_type3A_183 = arith.extui %lt3A_182 : i1 to i32
        %cond3A_184 = arith.constant 0 : i32
        %cond3A_185 = arith.cmpi ne, %convert_element_type3A_183, %cond3A_184 : i32
        scf.if %cond3A_185 {
          %add3A_186 = arith.constant 2 : i32
          %add3A_187 = arith.addi %add3A_160, %add3A_186 : i32
          %dma_start3A_188 = arith.constant 128 : i32
          %dma_start3A_189 = arith.constant 0 : i32
          %dma_start3A_190 = tpu.memref_slice %arg10[%dma_start3A_188, %dma_start3A_189] : memref<256x128xf32, #tpu.memory_space<vmem>> -> memref<64x128xf32, #tpu.memory_space<vmem>>
          %dma_start3A_191 = arith.constant 0 : i32
          %dma_start3A_192 = tpu.memref_slice %arg8[%add3A_187, %dma_start3A_191] : memref<40x128xi32, #tpu.memory_space<vmem>> -> memref<1x64xi32, #tpu.memory_space<vmem>>
          %dma_start3A_193 = tpu.memref_squeeze %dma_start3A_192 : memref<1x64xi32, #tpu.memory_space<vmem>> -> memref<64xi32, #tpu.memory_space<vmem>>
          %dma_start3A_194 = arith.constant 0 : i32
          %dma_start3A_195 = arith.constant 0 : i32
          %dma_start3A_196 = tpu.memref_slice %arg2[%dma_start3A_194, %dma_start3A_195] : memref<10240x128xf32, #tpu.memory_space<hbm>> -> memref<10240x128xf32, #tpu.memory_space<hbm>>
          tpu.enqueue_indirect_dma source(%dma_start3A_196 : memref<10240x128xf32, #tpu.memory_space<hbm>>) target(%dma_start3A_190 : memref<64x128xf32, #tpu.memory_space<vmem>>) offsets(%dma_start3A_193 : memref<64xi32, #tpu.memory_space<vmem>>) semaphore(%arg14 : memref<!tpu.dma_semaphore, #tpu.memory_space<semaphore_mem>>)
          %dma_start3A_197 = arith.constant 192 : i32
          %dma_start3A_198 = arith.constant 0 : i32
          %dma_start3A_199 = tpu.memref_slice %arg10[%dma_start3A_197, %dma_start3A_198] : memref<256x128xf32, #tpu.memory_space<vmem>> -> memref<64x128xf32, #tpu.memory_space<vmem>>
          %dma_start3A_200 = arith.constant 64 : i32
          %dma_start3A_201 = tpu.memref_slice %arg8[%add3A_187, %dma_start3A_200] : memref<40x128xi32, #tpu.memory_space<vmem>> -> memref<1x64xi32, #tpu.memory_space<vmem>>
          %dma_start3A_202 = tpu.memref_squeeze %dma_start3A_201 : memref<1x64xi32, #tpu.memory_space<vmem>> -> memref<64xi32, #tpu.memory_space<vmem>>
          %dma_start3A_203 = arith.constant 0 : i32
          %dma_start3A_204 = arith.constant 0 : i32
          %dma_start3A_205 = tpu.memref_slice %arg2[%dma_start3A_203, %dma_start3A_204] : memref<10240x128xf32, #tpu.memory_space<hbm>> -> memref<10240x128xf32, #tpu.memory_space<hbm>>
          tpu.enqueue_indirect_dma source(%dma_start3A_205 : memref<10240x128xf32, #tpu.memory_space<hbm>>) target(%dma_start3A_199 : memref<64x128xf32, #tpu.memory_space<vmem>>) offsets(%dma_start3A_202 : memref<64xi32, #tpu.memory_space<vmem>>) semaphore(%arg15 : memref<!tpu.dma_semaphore, #tpu.memory_space<semaphore_mem>>)
        } else {
        }
      }
      %scan3A_76 = arith.constant 10 : i32
    }
    %while3A_19 = arith.constant 1 : i32
    scf.for %while3A_29 = %while3A_17 to %while3A_13 step %while3A_19  : i32 {
      %mul3A_30 = arith.constant 40 : i32
      %mul3A_31 = arith.muli %while3A_29, %mul3A_30 : i32
      %add3A_32 = arith.addi %select_n3A, %mul3A_31 : i32
      "tpu.region"() ({
        %run_scoped3A = tpu.sem_alloc : memref<!tpu.dma_semaphore, #tpu.memory_space<semaphore_mem>>
        %dma_start3A_77 = arith.constant 0 : i32
        %dma_start3A_78 = tpu.memref_slice %arg3[%add3A_32, %dma_start3A_77] : memref<2560x128xi32, #tpu.memory_space<hbm>> -> memref<40x128xi32, #tpu.memory_space<hbm>>
        %dma_start3A_79 = arith.constant 0 : i32
        %dma_start3A_80 = tpu.memref_slice %arg3[%add3A_32, %dma_start3A_79] : memref<2560x128xi32, #tpu.memory_space<hbm>> -> memref<40x128xi32, #tpu.memory_space<hbm>>
        tpu.enqueue_dma source(%dma_start3A_80 : memref<40x128xi32, #tpu.memory_space<hbm>>) target(%arg8 : memref<40x128xi32, #tpu.memory_space<vmem>>) target_semaphore(%run_scoped3A : memref<!tpu.dma_semaphore, #tpu.memory_space<semaphore_mem>>)
        %dma_wait3A = arith.constant 0 : i32
        %dma_wait3A_81 = tpu.memref_slice %arg3[%add3A_32, %dma_wait3A] : memref<2560x128xi32, #tpu.memory_space<hbm>> -> memref<40x128xi32, #tpu.memory_space<hbm>>
        %dma_wait3A_82 = arith.constant 0 : i32
        %dma_wait3A_83 = tpu.memref_slice %arg3[%add3A_32, %dma_wait3A_82] : memref<2560x128xi32, #tpu.memory_space<hbm>> -> memref<40x128xi32, #tpu.memory_space<hbm>>
        tpu.wait_dma2 semaphore(%run_scoped3A : memref<!tpu.dma_semaphore, #tpu.memory_space<semaphore_mem>>) src(%dma_wait3A_83 : memref<40x128xi32, #tpu.memory_space<hbm>>) dst(%arg8 : memref<40x128xi32, #tpu.memory_space<vmem>>)
        tpu.yield
      }) : () -> ()
      "tpu.region"() ({
        %run_scoped3A = tpu.sem_alloc : memref<!tpu.dma_semaphore, #tpu.memory_space<semaphore_mem>>
        %dma_start3A_77 = arith.constant 0 : i32
        %dma_start3A_78 = tpu.memref_slice %arg4[%add3A_32, %dma_start3A_77] : memref<2560x128xi32, #tpu.memory_space<hbm>> -> memref<40x128xi32, #tpu.memory_space<hbm>>
        %dma_start3A_79 = arith.constant 0 : i32
        %dma_start3A_80 = tpu.memref_slice %arg4[%add3A_32, %dma_start3A_79] : memref<2560x128xi32, #tpu.memory_space<hbm>> -> memref<40x128xi32, #tpu.memory_space<hbm>>
        tpu.enqueue_dma source(%dma_start3A_80 : memref<40x128xi32, #tpu.memory_space<hbm>>) target(%arg9 : memref<40x128xi32, #tpu.memory_space<vmem>>) target_semaphore(%run_scoped3A : memref<!tpu.dma_semaphore, #tpu.memory_space<semaphore_mem>>)
        %dma_wait3A = arith.constant 0 : i32
        %dma_wait3A_81 = tpu.memref_slice %arg4[%add3A_32, %dma_wait3A] : memref<2560x128xi32, #tpu.memory_space<hbm>> -> memref<40x128xi32, #tpu.memory_space<hbm>>
        %dma_wait3A_82 = arith.constant 0 : i32
        %dma_wait3A_83 = tpu.memref_slice %arg4[%add3A_32, %dma_wait3A_82] : memref<2560x128xi32, #tpu.memory_space<hbm>> -> memref<40x128xi32, #tpu.memory_space<hbm>>
        tpu.wait_dma2 semaphore(%run_scoped3A : memref<!tpu.dma_semaphore, #tpu.memory_space<semaphore_mem>>) src(%dma_wait3A_83 : memref<40x128xi32, #tpu.memory_space<hbm>>) dst(%arg9 : memref<40x128xi32, #tpu.memory_space<vmem>>)
        tpu.yield
      }) : () -> ()
      %dma_start3A = arith.constant 0 : i32
      %dma_start3A_33 = arith.constant 0 : i32
      %dma_start3A_34 = arith.constant 0 : i32
      %dma_start3A_35 = tpu.memref_slice %arg10[%dma_start3A_33, %dma_start3A_34] : memref<256x128xf32, #tpu.memory_space<vmem>> -> memref<64x128xf32, #tpu.memory_space<vmem>>
      %dma_start3A_36 = arith.constant 0 : i32
      %dma_start3A_37 = tpu.memref_slice %arg8[%dma_start3A, %dma_start3A_36] : memref<40x128xi32, #tpu.memory_space<vmem>> -> memref<1x64xi32, #tpu.memory_space<vmem>>
      %dma_start3A_38 = tpu.memref_squeeze %dma_start3A_37 : memref<1x64xi32, #tpu.memory_space<vmem>> -> memref<64xi32, #tpu.memory_space<vmem>>
      %dma_start3A_39 = arith.constant 0 : i32
      %dma_start3A_40 = arith.constant 0 : i32
      %dma_start3A_41 = tpu.memref_slice %arg2[%dma_start3A_39, %dma_start3A_40] : memref<10240x128xf32, #tpu.memory_space<hbm>> -> memref<10240x128xf32, #tpu.memory_space<hbm>>
      tpu.enqueue_indirect_dma source(%dma_start3A_41 : memref<10240x128xf32, #tpu.memory_space<hbm>>) target(%dma_start3A_35 : memref<64x128xf32, #tpu.memory_space<vmem>>) offsets(%dma_start3A_38 : memref<64xi32, #tpu.memory_space<vmem>>) semaphore(%arg12 : memref<!tpu.dma_semaphore, #tpu.memory_space<semaphore_mem>>)
      %dma_start3A_42 = arith.constant 0 : i32
      %dma_start3A_43 = arith.constant 64 : i32
      %dma_start3A_44 = arith.constant 0 : i32
      %dma_start3A_45 = tpu.memref_slice %arg10[%dma_start3A_43, %dma_start3A_44] : memref<256x128xf32, #tpu.memory_space<vmem>> -> memref<64x128xf32, #tpu.memory_space<vmem>>
      %dma_start3A_46 = arith.constant 64 : i32
      %dma_start3A_47 = tpu.memref_slice %arg8[%dma_start3A_42, %dma_start3A_46] : memref<40x128xi32, #tpu.memory_space<vmem>> -> memref<1x64xi32, #tpu.memory_space<vmem>>
      %dma_start3A_48 = tpu.memref_squeeze %dma_start3A_47 : memref<1x64xi32, #tpu.memory_space<vmem>> -> memref<64xi32, #tpu.memory_space<vmem>>
      %dma_start3A_49 = arith.constant 0 : i32
      %dma_start3A_50 = arith.constant 0 : i32
      %dma_start3A_51 = tpu.memref_slice %arg2[%dma_start3A_49, %dma_start3A_50] : memref<10240x128xf32, #tpu.memory_space<hbm>> -> memref<10240x128xf32, #tpu.memory_space<hbm>>
      tpu.enqueue_indirect_dma source(%dma_start3A_51 : memref<10240x128xf32, #tpu.memory_space<hbm>>) target(%dma_start3A_45 : memref<64x128xf32, #tpu.memory_space<vmem>>) offsets(%dma_start3A_48 : memref<64xi32, #tpu.memory_space<vmem>>) semaphore(%arg13 : memref<!tpu.dma_semaphore, #tpu.memory_space<semaphore_mem>>)
      %dma_start3A_52 = arith.constant 1 : i32
      %dma_start3A_53 = arith.constant 128 : i32
      %dma_start3A_54 = arith.constant 0 : i32
      %dma_start3A_55 = tpu.memref_slice %arg10[%dma_start3A_53, %dma_start3A_54] : memref<256x128xf32, #tpu.memory_space<vmem>> -> memref<64x128xf32, #tpu.memory_space<vmem>>
      %dma_start3A_56 = arith.constant 0 : i32
      %dma_start3A_57 = tpu.memref_slice %arg8[%dma_start3A_52, %dma_start3A_56] : memref<40x128xi32, #tpu.memory_space<vmem>> -> memref<1x64xi32, #tpu.memory_space<vmem>>
      %dma_start3A_58 = tpu.memref_squeeze %dma_start3A_57 : memref<1x64xi32, #tpu.memory_space<vmem>> -> memref<64xi32, #tpu.memory_space<vmem>>
      %dma_start3A_59 = arith.constant 0 : i32
      %dma_start3A_60 = arith.constant 0 : i32
      %dma_start3A_61 = tpu.memref_slice %arg2[%dma_start3A_59, %dma_start3A_60] : memref<10240x128xf32, #tpu.memory_space<hbm>> -> memref<10240x128xf32, #tpu.memory_space<hbm>>
      tpu.enqueue_indirect_dma source(%dma_start3A_61 : memref<10240x128xf32, #tpu.memory_space<hbm>>) target(%dma_start3A_55 : memref<64x128xf32, #tpu.memory_space<vmem>>) offsets(%dma_start3A_58 : memref<64xi32, #tpu.memory_space<vmem>>) semaphore(%arg14 : memref<!tpu.dma_semaphore, #tpu.memory_space<semaphore_mem>>)
      %dma_start3A_62 = arith.constant 1 : i32
      %dma_start3A_63 = arith.constant 192 : i32
      %dma_start3A_64 = arith.constant 0 : i32
      %dma_start3A_65 = tpu.memref_slice %arg10[%dma_start3A_63, %dma_start3A_64] : memref<256x128xf32, #tpu.memory_space<vmem>> -> memref<64x128xf32, #tpu.memory_space<vmem>>
      %dma_start3A_66 = arith.constant 64 : i32
      %dma_start3A_67 = tpu.memref_slice %arg8[%dma_start3A_62, %dma_start3A_66] : memref<40x128xi32, #tpu.memory_space<vmem>> -> memref<1x64xi32, #tpu.memory_space<vmem>>
      %dma_start3A_68 = tpu.memref_squeeze %dma_start3A_67 : memref<1x64xi32, #tpu.memory_space<vmem>> -> memref<64xi32, #tpu.memory_space<vmem>>
      %dma_start3A_69 = arith.constant 0 : i32
      %dma_start3A_70 = arith.constant 0 : i32
      %dma_start3A_71 = tpu.memref_slice %arg2[%dma_start3A_69, %dma_start3A_70] : memref<10240x128xf32, #tpu.memory_space<hbm>> -> memref<10240x128xf32, #tpu.memory_space<hbm>>
      tpu.enqueue_indirect_dma source(%dma_start3A_71 : memref<10240x128xf32, #tpu.memory_space<hbm>>) target(%dma_start3A_65 : memref<64x128xf32, #tpu.memory_space<vmem>>) offsets(%dma_start3A_68 : memref<64xi32, #tpu.memory_space<vmem>>) semaphore(%arg15 : memref<!tpu.dma_semaphore, #tpu.memory_space<semaphore_mem>>)
      %scan3A = arith.constant 0 : i32
      %scan3A_72 = arith.constant 0 : i32
      %scan3A_73 = arith.constant 10 : i32
      %scan3A_74 = arith.addi %scan3A_72, %scan3A_73 : i32
      %scan3A_75 = arith.constant 1 : i32
      scf.for %scan3A_77 = %scan3A_72 to %scan3A_74 step %scan3A_75  : i32 {
        %mul3A_78 = arith.constant 4 : i32
        %mul3A_79 = arith.muli %mul3A_78, %scan3A_77 : i32
        %add3A_80 = arith.constant 0 : i32
        %add3A_81 = arith.addi %mul3A_79, %add3A_80 : i32
        %dma_wait3A = arith.constant 0 : i32
        %dma_wait3A_82 = arith.constant 0 : i32
        %dma_wait3A_83 = tpu.memref_slice %arg10[%dma_wait3A, %dma_wait3A_82] : memref<256x128xf32, #tpu.memory_space<vmem>> -> memref<64x128xf32, #tpu.memory_space<vmem>>
        %dma_wait3A_84 = arith.constant 0 : i32
        %dma_wait3A_85 = tpu.memref_slice %arg8[%add3A_81, %dma_wait3A_84] : memref<40x128xi32, #tpu.memory_space<vmem>> -> memref<1x64xi32, #tpu.memory_space<vmem>>
        %dma_wait3A_86 = tpu.memref_squeeze %dma_wait3A_85 : memref<1x64xi32, #tpu.memory_space<vmem>> -> memref<64xi32, #tpu.memory_space<vmem>>
        %dma_wait3A_87 = arith.constant 0 : i32
        %dma_wait3A_88 = arith.constant 0 : i32
        %dma_wait3A_89 = tpu.memref_slice %arg2[%dma_wait3A_87, %dma_wait3A_88] : memref<10240x128xf32, #tpu.memory_space<hbm>> -> memref<10240x128xf32, #tpu.memory_space<hbm>>
        tpu.wait_indirect_dma semaphore(%arg12 : memref<!tpu.dma_semaphore, #tpu.memory_space<semaphore_mem>>) src(%dma_wait3A_89 : memref<10240x128xf32, #tpu.memory_space<hbm>>) dst(%dma_wait3A_83 : memref<64x128xf32, #tpu.memory_space<vmem>>)
        %dma_wait3A_90 = arith.constant 64 : i32
        %dma_wait3A_91 = arith.constant 0 : i32
        %dma_wait3A_92 = tpu.memref_slice %arg10[%dma_wait3A_90, %dma_wait3A_91] : memref<256x128xf32, #tpu.memory_space<vmem>> -> memref<64x128xf32, #tpu.memory_space<vmem>>
        %dma_wait3A_93 = arith.constant 64 : i32
        %dma_wait3A_94 = tpu.memref_slice %arg8[%add3A_81, %dma_wait3A_93] : memref<40x128xi32, #tpu.memory_space<vmem>> -> memref<1x64xi32, #tpu.memory_space<vmem>>
        %dma_wait3A_95 = tpu.memref_squeeze %dma_wait3A_94 : memref<1x64xi32, #tpu.memory_space<vmem>> -> memref<64xi32, #tpu.memory_space<vmem>>
        %dma_wait3A_96 = arith.constant 0 : i32
        %dma_wait3A_97 = arith.constant 0 : i32
        %dma_wait3A_98 = tpu.memref_slice %arg2[%dma_wait3A_96, %dma_wait3A_97] : memref<10240x128xf32, #tpu.memory_space<hbm>> -> memref<10240x128xf32, #tpu.memory_space<hbm>>
        tpu.wait_indirect_dma semaphore(%arg13 : memref<!tpu.dma_semaphore, #tpu.memory_space<semaphore_mem>>) src(%dma_wait3A_98 : memref<10240x128xf32, #tpu.memory_space<hbm>>) dst(%dma_wait3A_92 : memref<64x128xf32, #tpu.memory_space<vmem>>)
        "tpu.region"() ({
          %run_scoped3A = tpu.sem_alloc : memref<!tpu.dma_semaphore, #tpu.memory_space<semaphore_mem>>
          %dma_start3A_186 = arith.constant 0 : i32
          %dma_start3A_187 = arith.constant 0 : i32
          %dma_start3A_188 = tpu.memref_slice %arg10[%dma_start3A_186, %dma_start3A_187] : memref<256x128xf32, #tpu.memory_space<vmem>> -> memref<128x128xf32, #tpu.memory_space<vmem>>
          %dma_start3A_189 = arith.constant 0 : i32
          %dma_start3A_190 = tpu.memref_slice %arg9[%add3A_81, %dma_start3A_189] : memref<40x128xi32, #tpu.memory_space<vmem>> -> memref<1x128xi32, #tpu.memory_space<vmem>>
          %dma_start3A_191 = tpu.memref_squeeze %dma_start3A_190 : memref<1x128xi32, #tpu.memory_space<vmem>> -> memref<128xi32, #tpu.memory_space<vmem>>
          %dma_start3A_192 = arith.constant 0 : i32
          %dma_start3A_193 = arith.constant 0 : i32
          %dma_start3A_194 = tpu.memref_slice %arg11[%dma_start3A_192, %dma_start3A_193] : memref<10240x128xf32, #tpu.memory_space<vmem_shared>> -> memref<10240x128xf32, #tpu.memory_space<vmem_shared>>
          tpu.enqueue_indirect_dma source(%dma_start3A_188 : memref<128x128xf32, #tpu.memory_space<vmem>>) target(%dma_start3A_194 : memref<10240x128xf32, #tpu.memory_space<vmem_shared>>) offsets(%dma_start3A_191 : memref<128xi32, #tpu.memory_space<vmem>>) semaphore(%run_scoped3A : memref<!tpu.dma_semaphore, #tpu.memory_space<semaphore_mem>>) {add = true}
          %dma_wait3A_195 = arith.constant 0 : i32
          %dma_wait3A_196 = arith.constant 0 : i32
          %dma_wait3A_197 = tpu.memref_slice %arg10[%dma_wait3A_195, %dma_wait3A_196] : memref<256x128xf32, #tpu.memory_space<vmem>> -> memref<128x128xf32, #tpu.memory_space<vmem>>
          %dma_wait3A_198 = arith.constant 0 : i32
          %dma_wait3A_199 = tpu.memref_slice %arg9[%add3A_81, %dma_wait3A_198] : memref<40x128xi32, #tpu.memory_space<vmem>> -> memref<1x128xi32, #tpu.memory_space<vmem>>
          %dma_wait3A_200 = tpu.memref_squeeze %dma_wait3A_199 : memref<1x128xi32, #tpu.memory_space<vmem>> -> memref<128xi32, #tpu.memory_space<vmem>>
          %dma_wait3A_201 = arith.constant 0 : i32
          %dma_wait3A_202 = arith.constant 0 : i32
          %dma_wait3A_203 = tpu.memref_slice %arg11[%dma_wait3A_201, %dma_wait3A_202] : memref<10240x128xf32, #tpu.memory_space<vmem_shared>> -> memref<10240x128xf32, #tpu.memory_space<vmem_shared>>
          tpu.wait_indirect_dma semaphore(%run_scoped3A : memref<!tpu.dma_semaphore, #tpu.memory_space<semaphore_mem>>) src(%dma_wait3A_197 : memref<128x128xf32, #tpu.memory_space<vmem>>) dst(%dma_wait3A_203 : memref<10240x128xf32, #tpu.memory_space<vmem_shared>>)
          tpu.yield
        }) : () -> ()
        %add3A_99 = arith.constant 2 : i32
        %add3A_100 = arith.addi %add3A_81, %add3A_99 : i32
        %lt3A = arith.constant 40 : i32
        %lt3A_101 = arith.cmpi slt, %add3A_100, %lt3A : i32
        %convert_element_type3A_102 = arith.extui %lt3A_101 : i1 to i32
        %cond3A_103 = arith.constant 0 : i32
        %cond3A_104 = arith.cmpi ne, %convert_element_type3A_102, %cond3A_103 : i32
        scf.if %cond3A_104 {
          %add3A_186 = arith.constant 2 : i32
          %add3A_187 = arith.addi %add3A_81, %add3A_186 : i32
          %dma_start3A_188 = arith.constant 0 : i32
          %dma_start3A_189 = arith.constant 0 : i32
          %dma_start3A_190 = tpu.memref_slice %arg10[%dma_start3A_188, %dma_start3A_189] : memref<256x128xf32, #tpu.memory_space<vmem>> -> memref<64x128xf32, #tpu.memory_space<vmem>>
          %dma_start3A_191 = arith.constant 0 : i32
          %dma_start3A_192 = tpu.memref_slice %arg8[%add3A_187, %dma_start3A_191] : memref<40x128xi32, #tpu.memory_space<vmem>> -> memref<1x64xi32, #tpu.memory_space<vmem>>
          %dma_start3A_193 = tpu.memref_squeeze %dma_start3A_192 : memref<1x64xi32, #tpu.memory_space<vmem>> -> memref<64xi32, #tpu.memory_space<vmem>>
          %dma_start3A_194 = arith.constant 0 : i32
          %dma_start3A_195 = arith.constant 0 : i32
          %dma_start3A_196 = tpu.memref_slice %arg2[%dma_start3A_194, %dma_start3A_195] : memref<10240x128xf32, #tpu.memory_space<hbm>> -> memref<10240x128xf32, #tpu.memory_space<hbm>>
          tpu.enqueue_indirect_dma source(%dma_start3A_196 : memref<10240x128xf32, #tpu.memory_space<hbm>>) target(%dma_start3A_190 : memref<64x128xf32, #tpu.memory_space<vmem>>) offsets(%dma_start3A_193 : memref<64xi32, #tpu.memory_space<vmem>>) semaphore(%arg12 : memref<!tpu.dma_semaphore, #tpu.memory_space<semaphore_mem>>)
          %dma_start3A_197 = arith.constant 64 : i32
          %dma_start3A_198 = arith.constant 0 : i32
          %dma_start3A_199 = tpu.memref_slice %arg10[%dma_start3A_197, %dma_start3A_198] : memref<256x128xf32, #tpu.memory_space<vmem>> -> memref<64x128xf32, #tpu.memory_space<vmem>>
          %dma_start3A_200 = arith.constant 64 : i32
          %dma_start3A_201 = tpu.memref_slice %arg8[%add3A_187, %dma_start3A_200] : memref<40x128xi32, #tpu.memory_space<vmem>> -> memref<1x64xi32, #tpu.memory_space<vmem>>
          %dma_start3A_202 = tpu.memref_squeeze %dma_start3A_201 : memref<1x64xi32, #tpu.memory_space<vmem>> -> memref<64xi32, #tpu.memory_space<vmem>>
          %dma_start3A_203 = arith.constant 0 : i32
          %dma_start3A_204 = arith.constant 0 : i32
          %dma_start3A_205 = tpu.memref_slice %arg2[%dma_start3A_203, %dma_start3A_204] : memref<10240x128xf32, #tpu.memory_space<hbm>> -> memref<10240x128xf32, #tpu.memory_space<hbm>>
          tpu.enqueue_indirect_dma source(%dma_start3A_205 : memref<10240x128xf32, #tpu.memory_space<hbm>>) target(%dma_start3A_199 : memref<64x128xf32, #tpu.memory_space<vmem>>) offsets(%dma_start3A_202 : memref<64xi32, #tpu.memory_space<vmem>>) semaphore(%arg13 : memref<!tpu.dma_semaphore, #tpu.memory_space<semaphore_mem>>)
        } else {
        }
        %add3A_105 = arith.constant 1 : i32
        %add3A_106 = arith.addi %mul3A_79, %add3A_105 : i32
        %dma_wait3A_107 = arith.constant 128 : i32
        %dma_wait3A_108 = arith.constant 0 : i32
        %dma_wait3A_109 = tpu.memref_slice %arg10[%dma_wait3A_107, %dma_wait3A_108] : memref<256x128xf32, #tpu.memory_space<vmem>> -> memref<64x128xf32, #tpu.memory_space<vmem>>
        %dma_wait3A_110 = arith.constant 0 : i32
        %dma_wait3A_111 = tpu.memref_slice %arg8[%add3A_106, %dma_wait3A_110] : memref<40x128xi32, #tpu.memory_space<vmem>> -> memref<1x64xi32, #tpu.memory_space<vmem>>
        %dma_wait3A_112 = tpu.memref_squeeze %dma_wait3A_111 : memref<1x64xi32, #tpu.memory_space<vmem>> -> memref<64xi32, #tpu.memory_space<vmem>>
        %dma_wait3A_113 = arith.constant 0 : i32
        %dma_wait3A_114 = arith.constant 0 : i32
        %dma_wait3A_115 = tpu.memref_slice %arg2[%dma_wait3A_113, %dma_wait3A_114] : memref<10240x128xf32, #tpu.memory_space<hbm>> -> memref<10240x128xf32, #tpu.memory_space<hbm>>
        tpu.wait_indirect_dma semaphore(%arg14 : memref<!tpu.dma_semaphore, #tpu.memory_space<semaphore_mem>>) src(%dma_wait3A_115 : memref<10240x128xf32, #tpu.memory_space<hbm>>) dst(%dma_wait3A_109 : memref<64x128xf32, #tpu.memory_space<vmem>>)
        %dma_wait3A_116 = arith.constant 192 : i32
        %dma_wait3A_117 = arith.constant 0 : i32
        %dma_wait3A_118 = tpu.memref_slice %arg10[%dma_wait3A_116, %dma_wait3A_117] : memref<256x128xf32, #tpu.memory_space<vmem>> -> memref<64x128xf32, #tpu.memory_space<vmem>>
        %dma_wait3A_119 = arith.constant 64 : i32
        %dma_wait3A_120 = tpu.memref_slice %arg8[%add3A_106, %dma_wait3A_119] : memref<40x128xi32, #tpu.memory_space<vmem>> -> memref<1x64xi32, #tpu.memory_space<vmem>>
        %dma_wait3A_121 = tpu.memref_squeeze %dma_wait3A_120 : memref<1x64xi32, #tpu.memory_space<vmem>> -> memref<64xi32, #tpu.memory_space<vmem>>
        %dma_wait3A_122 = arith.constant 0 : i32
        %dma_wait3A_123 = arith.constant 0 : i32
        %dma_wait3A_124 = tpu.memref_slice %arg2[%dma_wait3A_122, %dma_wait3A_123] : memref<10240x128xf32, #tpu.memory_space<hbm>> -> memref<10240x128xf32, #tpu.memory_space<hbm>>
        tpu.wait_indirect_dma semaphore(%arg15 : memref<!tpu.dma_semaphore, #tpu.memory_space<semaphore_mem>>) src(%dma_wait3A_124 : memref<10240x128xf32, #tpu.memory_space<hbm>>) dst(%dma_wait3A_118 : memref<64x128xf32, #tpu.memory_space<vmem>>)
        "tpu.region"() ({
          %run_scoped3A = tpu.sem_alloc : memref<!tpu.dma_semaphore, #tpu.memory_space<semaphore_mem>>
          %dma_start3A_186 = arith.constant 128 : i32
          %dma_start3A_187 = arith.constant 0 : i32
          %dma_start3A_188 = tpu.memref_slice %arg10[%dma_start3A_186, %dma_start3A_187] : memref<256x128xf32, #tpu.memory_space<vmem>> -> memref<128x128xf32, #tpu.memory_space<vmem>>
          %dma_start3A_189 = arith.constant 0 : i32
          %dma_start3A_190 = tpu.memref_slice %arg9[%add3A_106, %dma_start3A_189] : memref<40x128xi32, #tpu.memory_space<vmem>> -> memref<1x128xi32, #tpu.memory_space<vmem>>
          %dma_start3A_191 = tpu.memref_squeeze %dma_start3A_190 : memref<1x128xi32, #tpu.memory_space<vmem>> -> memref<128xi32, #tpu.memory_space<vmem>>
          %dma_start3A_192 = arith.constant 0 : i32
          %dma_start3A_193 = arith.constant 0 : i32
          %dma_start3A_194 = tpu.memref_slice %arg11[%dma_start3A_192, %dma_start3A_193] : memref<10240x128xf32, #tpu.memory_space<vmem_shared>> -> memref<10240x128xf32, #tpu.memory_space<vmem_shared>>
          tpu.enqueue_indirect_dma source(%dma_start3A_188 : memref<128x128xf32, #tpu.memory_space<vmem>>) target(%dma_start3A_194 : memref<10240x128xf32, #tpu.memory_space<vmem_shared>>) offsets(%dma_start3A_191 : memref<128xi32, #tpu.memory_space<vmem>>) semaphore(%run_scoped3A : memref<!tpu.dma_semaphore, #tpu.memory_space<semaphore_mem>>) {add = true}
          %dma_wait3A_195 = arith.constant 128 : i32
          %dma_wait3A_196 = arith.constant 0 : i32
          %dma_wait3A_197 = tpu.memref_slice %arg10[%dma_wait3A_195, %dma_wait3A_196] : memref<256x128xf32, #tpu.memory_space<vmem>> -> memref<128x128xf32, #tpu.memory_space<vmem>>
          %dma_wait3A_198 = arith.constant 0 : i32
          %dma_wait3A_199 = tpu.memref_slice %arg9[%add3A_106, %dma_wait3A_198] : memref<40x128xi32, #tpu.memory_space<vmem>> -> memref<1x128xi32, #tpu.memory_space<vmem>>
          %dma_wait3A_200 = tpu.memref_squeeze %dma_wait3A_199 : memref<1x128xi32, #tpu.memory_space<vmem>> -> memref<128xi32, #tpu.memory_space<vmem>>
          %dma_wait3A_201 = arith.constant 0 : i32
          %dma_wait3A_202 = arith.constant 0 : i32
          %dma_wait3A_203 = tpu.memref_slice %arg11[%dma_wait3A_201, %dma_wait3A_202] : memref<10240x128xf32, #tpu.memory_space<vmem_shared>> -> memref<10240x128xf32, #tpu.memory_space<vmem_shared>>
          tpu.wait_indirect_dma semaphore(%run_scoped3A : memref<!tpu.dma_semaphore, #tpu.memory_space<semaphore_mem>>) src(%dma_wait3A_197 : memref<128x128xf32, #tpu.memory_space<vmem>>) dst(%dma_wait3A_203 : memref<10240x128xf32, #tpu.memory_space<vmem_shared>>)
          tpu.yield
        }) : () -> ()
        %add3A_125 = arith.constant 2 : i32
        %add3A_126 = arith.addi %add3A_106, %add3A_125 : i32
        %lt3A_127 = arith.constant 40 : i32
        %lt3A_128 = arith.cmpi slt, %add3A_126, %lt3A_127 : i32
        %convert_element_type3A_129 = arith.extui %lt3A_128 : i1 to i32
        %cond3A_130 = arith.constant 0 : i32
        %cond3A_131 = arith.cmpi ne, %convert_element_type3A_129, %cond3A_130 : i32
        scf.if %cond3A_131 {
          %add3A_186 = arith.constant 2 : i32
          %add3A_187 = arith.addi %add3A_106, %add3A_186 : i32
          %dma_start3A_188 = arith.constant 128 : i32
          %dma_start3A_189 = arith.constant 0 : i32
          %dma_start3A_190 = tpu.memref_slice %arg10[%dma_start3A_188, %dma_start3A_189] : memref<256x128xf32, #tpu.memory_space<vmem>> -> memref<64x128xf32, #tpu.memory_space<vmem>>
          %dma_start3A_191 = arith.constant 0 : i32
          %dma_start3A_192 = tpu.memref_slice %arg8[%add3A_187, %dma_start3A_191] : memref<40x128xi32, #tpu.memory_space<vmem>> -> memref<1x64xi32, #tpu.memory_space<vmem>>
          %dma_start3A_193 = tpu.memref_squeeze %dma_start3A_192 : memref<1x64xi32, #tpu.memory_space<vmem>> -> memref<64xi32, #tpu.memory_space<vmem>>
          %dma_start3A_194 = arith.constant 0 : i32
          %dma_start3A_195 = arith.constant 0 : i32
          %dma_start3A_196 = tpu.memref_slice %arg2[%dma_start3A_194, %dma_start3A_195] : memref<10240x128xf32, #tpu.memory_space<hbm>> -> memref<10240x128xf32, #tpu.memory_space<hbm>>
          tpu.enqueue_indirect_dma source(%dma_start3A_196 : memref<10240x128xf32, #tpu.memory_space<hbm>>) target(%dma_start3A_190 : memref<64x128xf32, #tpu.memory_space<vmem>>) offsets(%dma_start3A_193 : memref<64xi32, #tpu.memory_space<vmem>>) semaphore(%arg14 : memref<!tpu.dma_semaphore, #tpu.memory_space<semaphore_mem>>)
          %dma_start3A_197 = arith.constant 192 : i32
          %dma_start3A_198 = arith.constant 0 : i32
          %dma_start3A_199 = tpu.memref_slice %arg10[%dma_start3A_197, %dma_start3A_198] : memref<256x128xf32, #tpu.memory_space<vmem>> -> memref<64x128xf32, #tpu.memory_space<vmem>>
          %dma_start3A_200 = arith.constant 64 : i32
          %dma_start3A_201 = tpu.memref_slice %arg8[%add3A_187, %dma_start3A_200] : memref<40x128xi32, #tpu.memory_space<vmem>> -> memref<1x64xi32, #tpu.memory_space<vmem>>
          %dma_start3A_202 = tpu.memref_squeeze %dma_start3A_201 : memref<1x64xi32, #tpu.memory_space<vmem>> -> memref<64xi32, #tpu.memory_space<vmem>>
          %dma_start3A_203 = arith.constant 0 : i32
          %dma_start3A_204 = arith.constant 0 : i32
          %dma_start3A_205 = tpu.memref_slice %arg2[%dma_start3A_203, %dma_start3A_204] : memref<10240x128xf32, #tpu.memory_space<hbm>> -> memref<10240x128xf32, #tpu.memory_space<hbm>>
          tpu.enqueue_indirect_dma source(%dma_start3A_205 : memref<10240x128xf32, #tpu.memory_space<hbm>>) target(%dma_start3A_199 : memref<64x128xf32, #tpu.memory_space<vmem>>) offsets(%dma_start3A_202 : memref<64xi32, #tpu.memory_space<vmem>>) semaphore(%arg15 : memref<!tpu.dma_semaphore, #tpu.memory_space<semaphore_mem>>)
        } else {
        }
        %add3A_132 = arith.constant 2 : i32
        %add3A_133 = arith.addi %mul3A_79, %add3A_132 : i32
        %dma_wait3A_134 = arith.constant 0 : i32
        %dma_wait3A_135 = arith.constant 0 : i32
        %dma_wait3A_136 = tpu.memref_slice %arg10[%dma_wait3A_134, %dma_wait3A_135] : memref<256x128xf32, #tpu.memory_space<vmem>> -> memref<64x128xf32, #tpu.memory_space<vmem>>
        %dma_wait3A_137 = arith.constant 0 : i32
        %dma_wait3A_138 = tpu.memref_slice %arg8[%add3A_133, %dma_wait3A_137] : memref<40x128xi32, #tpu.memory_space<vmem>> -> memref<1x64xi32, #tpu.memory_space<vmem>>
        %dma_wait3A_139 = tpu.memref_squeeze %dma_wait3A_138 : memref<1x64xi32, #tpu.memory_space<vmem>> -> memref<64xi32, #tpu.memory_space<vmem>>
        %dma_wait3A_140 = arith.constant 0 : i32
        %dma_wait3A_141 = arith.constant 0 : i32
        %dma_wait3A_142 = tpu.memref_slice %arg2[%dma_wait3A_140, %dma_wait3A_141] : memref<10240x128xf32, #tpu.memory_space<hbm>> -> memref<10240x128xf32, #tpu.memory_space<hbm>>
        tpu.wait_indirect_dma semaphore(%arg12 : memref<!tpu.dma_semaphore, #tpu.memory_space<semaphore_mem>>) src(%dma_wait3A_142 : memref<10240x128xf32, #tpu.memory_space<hbm>>) dst(%dma_wait3A_136 : memref<64x128xf32, #tpu.memory_space<vmem>>)
        %dma_wait3A_143 = arith.constant 64 : i32
        %dma_wait3A_144 = arith.constant 0 : i32
        %dma_wait3A_145 = tpu.memref_slice %arg10[%dma_wait3A_143, %dma_wait3A_144] : memref<256x128xf32, #tpu.memory_space<vmem>> -> memref<64x128xf32, #tpu.memory_space<vmem>>
        %dma_wait3A_146 = arith.constant 64 : i32
        %dma_wait3A_147 = tpu.memref_slice %arg8[%add3A_133, %dma_wait3A_146] : memref<40x128xi32, #tpu.memory_space<vmem>> -> memref<1x64xi32, #tpu.memory_space<vmem>>
        %dma_wait3A_148 = tpu.memref_squeeze %dma_wait3A_147 : memref<1x64xi32, #tpu.memory_space<vmem>> -> memref<64xi32, #tpu.memory_space<vmem>>
        %dma_wait3A_149 = arith.constant 0 : i32
        %dma_wait3A_150 = arith.constant 0 : i32
        %dma_wait3A_151 = tpu.memref_slice %arg2[%dma_wait3A_149, %dma_wait3A_150] : memref<10240x128xf32, #tpu.memory_space<hbm>> -> memref<10240x128xf32, #tpu.memory_space<hbm>>
        tpu.wait_indirect_dma semaphore(%arg13 : memref<!tpu.dma_semaphore, #tpu.memory_space<semaphore_mem>>) src(%dma_wait3A_151 : memref<10240x128xf32, #tpu.memory_space<hbm>>) dst(%dma_wait3A_145 : memref<64x128xf32, #tpu.memory_space<vmem>>)
        "tpu.region"() ({
          %run_scoped3A = tpu.sem_alloc : memref<!tpu.dma_semaphore, #tpu.memory_space<semaphore_mem>>
          %dma_start3A_186 = arith.constant 0 : i32
          %dma_start3A_187 = arith.constant 0 : i32
          %dma_start3A_188 = tpu.memref_slice %arg10[%dma_start3A_186, %dma_start3A_187] : memref<256x128xf32, #tpu.memory_space<vmem>> -> memref<128x128xf32, #tpu.memory_space<vmem>>
          %dma_start3A_189 = arith.constant 0 : i32
          %dma_start3A_190 = tpu.memref_slice %arg9[%add3A_133, %dma_start3A_189] : memref<40x128xi32, #tpu.memory_space<vmem>> -> memref<1x128xi32, #tpu.memory_space<vmem>>
          %dma_start3A_191 = tpu.memref_squeeze %dma_start3A_190 : memref<1x128xi32, #tpu.memory_space<vmem>> -> memref<128xi32, #tpu.memory_space<vmem>>
          %dma_start3A_192 = arith.constant 0 : i32
          %dma_start3A_193 = arith.constant 0 : i32
          %dma_start3A_194 = tpu.memref_slice %arg11[%dma_start3A_192, %dma_start3A_193] : memref<10240x128xf32, #tpu.memory_space<vmem_shared>> -> memref<10240x128xf32, #tpu.memory_space<vmem_shared>>
          tpu.enqueue_indirect_dma source(%dma_start3A_188 : memref<128x128xf32, #tpu.memory_space<vmem>>) target(%dma_start3A_194 : memref<10240x128xf32, #tpu.memory_space<vmem_shared>>) offsets(%dma_start3A_191 : memref<128xi32, #tpu.memory_space<vmem>>) semaphore(%run_scoped3A : memref<!tpu.dma_semaphore, #tpu.memory_space<semaphore_mem>>) {add = true}
          %dma_wait3A_195 = arith.constant 0 : i32
          %dma_wait3A_196 = arith.constant 0 : i32
          %dma_wait3A_197 = tpu.memref_slice %arg10[%dma_wait3A_195, %dma_wait3A_196] : memref<256x128xf32, #tpu.memory_space<vmem>> -> memref<128x128xf32, #tpu.memory_space<vmem>>
          %dma_wait3A_198 = arith.constant 0 : i32
          %dma_wait3A_199 = tpu.memref_slice %arg9[%add3A_133, %dma_wait3A_198] : memref<40x128xi32, #tpu.memory_space<vmem>> -> memref<1x128xi32, #tpu.memory_space<vmem>>
          %dma_wait3A_200 = tpu.memref_squeeze %dma_wait3A_199 : memref<1x128xi32, #tpu.memory_space<vmem>> -> memref<128xi32, #tpu.memory_space<vmem>>
          %dma_wait3A_201 = arith.constant 0 : i32
          %dma_wait3A_202 = arith.constant 0 : i32
          %dma_wait3A_203 = tpu.memref_slice %arg11[%dma_wait3A_201, %dma_wait3A_202] : memref<10240x128xf32, #tpu.memory_space<vmem_shared>> -> memref<10240x128xf32, #tpu.memory_space<vmem_shared>>
          tpu.wait_indirect_dma semaphore(%run_scoped3A : memref<!tpu.dma_semaphore, #tpu.memory_space<semaphore_mem>>) src(%dma_wait3A_197 : memref<128x128xf32, #tpu.memory_space<vmem>>) dst(%dma_wait3A_203 : memref<10240x128xf32, #tpu.memory_space<vmem_shared>>)
          tpu.yield
        }) : () -> ()
        %add3A_152 = arith.constant 2 : i32
        %add3A_153 = arith.addi %add3A_133, %add3A_152 : i32
        %lt3A_154 = arith.constant 40 : i32
        %lt3A_155 = arith.cmpi slt, %add3A_153, %lt3A_154 : i32
        %convert_element_type3A_156 = arith.extui %lt3A_155 : i1 to i32
        %cond3A_157 = arith.constant 0 : i32
        %cond3A_158 = arith.cmpi ne, %convert_element_type3A_156, %cond3A_157 : i32
        scf.if %cond3A_158 {
          %add3A_186 = arith.constant 2 : i32
          %add3A_187 = arith.addi %add3A_133, %add3A_186 : i32
          %dma_start3A_188 = arith.constant 0 : i32
          %dma_start3A_189 = arith.constant 0 : i32
          %dma_start3A_190 = tpu.memref_slice %arg10[%dma_start3A_188, %dma_start3A_189] : memref<256x128xf32, #tpu.memory_space<vmem>> -> memref<64x128xf32, #tpu.memory_space<vmem>>
          %dma_start3A_191 = arith.constant 0 : i32
          %dma_start3A_192 = tpu.memref_slice %arg8[%add3A_187, %dma_start3A_191] : memref<40x128xi32, #tpu.memory_space<vmem>> -> memref<1x64xi32, #tpu.memory_space<vmem>>
          %dma_start3A_193 = tpu.memref_squeeze %dma_start3A_192 : memref<1x64xi32, #tpu.memory_space<vmem>> -> memref<64xi32, #tpu.memory_space<vmem>>
          %dma_start3A_194 = arith.constant 0 : i32
          %dma_start3A_195 = arith.constant 0 : i32
          %dma_start3A_196 = tpu.memref_slice %arg2[%dma_start3A_194, %dma_start3A_195] : memref<10240x128xf32, #tpu.memory_space<hbm>> -> memref<10240x128xf32, #tpu.memory_space<hbm>>
          tpu.enqueue_indirect_dma source(%dma_start3A_196 : memref<10240x128xf32, #tpu.memory_space<hbm>>) target(%dma_start3A_190 : memref<64x128xf32, #tpu.memory_space<vmem>>) offsets(%dma_start3A_193 : memref<64xi32, #tpu.memory_space<vmem>>) semaphore(%arg12 : memref<!tpu.dma_semaphore, #tpu.memory_space<semaphore_mem>>)
          %dma_start3A_197 = arith.constant 64 : i32
          %dma_start3A_198 = arith.constant 0 : i32
          %dma_start3A_199 = tpu.memref_slice %arg10[%dma_start3A_197, %dma_start3A_198] : memref<256x128xf32, #tpu.memory_space<vmem>> -> memref<64x128xf32, #tpu.memory_space<vmem>>
          %dma_start3A_200 = arith.constant 64 : i32
          %dma_start3A_201 = tpu.memref_slice %arg8[%add3A_187, %dma_start3A_200] : memref<40x128xi32, #tpu.memory_space<vmem>> -> memref<1x64xi32, #tpu.memory_space<vmem>>
          %dma_start3A_202 = tpu.memref_squeeze %dma_start3A_201 : memref<1x64xi32, #tpu.memory_space<vmem>> -> memref<64xi32, #tpu.memory_space<vmem>>
          %dma_start3A_203 = arith.constant 0 : i32
          %dma_start3A_204 = arith.constant 0 : i32
          %dma_start3A_205 = tpu.memref_slice %arg2[%dma_start3A_203, %dma_start3A_204] : memref<10240x128xf32, #tpu.memory_space<hbm>> -> memref<10240x128xf32, #tpu.memory_space<hbm>>
          tpu.enqueue_indirect_dma source(%dma_start3A_205 : memref<10240x128xf32, #tpu.memory_space<hbm>>) target(%dma_start3A_199 : memref<64x128xf32, #tpu.memory_space<vmem>>) offsets(%dma_start3A_202 : memref<64xi32, #tpu.memory_space<vmem>>) semaphore(%arg13 : memref<!tpu.dma_semaphore, #tpu.memory_space<semaphore_mem>>)
        } else {
        }
        %add3A_159 = arith.constant 3 : i32
        %add3A_160 = arith.addi %mul3A_79, %add3A_159 : i32
        %dma_wait3A_161 = arith.constant 128 : i32
        %dma_wait3A_162 = arith.constant 0 : i32
        %dma_wait3A_163 = tpu.memref_slice %arg10[%dma_wait3A_161, %dma_wait3A_162] : memref<256x128xf32, #tpu.memory_space<vmem>> -> memref<64x128xf32, #tpu.memory_space<vmem>>
        %dma_wait3A_164 = arith.constant 0 : i32
        %dma_wait3A_165 = tpu.memref_slice %arg8[%add3A_160, %dma_wait3A_164] : memref<40x128xi32, #tpu.memory_space<vmem>> -> memref<1x64xi32, #tpu.memory_space<vmem>>
        %dma_wait3A_166 = tpu.memref_squeeze %dma_wait3A_165 : memref<1x64xi32, #tpu.memory_space<vmem>> -> memref<64xi32, #tpu.memory_space<vmem>>
        %dma_wait3A_167 = arith.constant 0 : i32
        %dma_wait3A_168 = arith.constant 0 : i32
        %dma_wait3A_169 = tpu.memref_slice %arg2[%dma_wait3A_167, %dma_wait3A_168] : memref<10240x128xf32, #tpu.memory_space<hbm>> -> memref<10240x128xf32, #tpu.memory_space<hbm>>
        tpu.wait_indirect_dma semaphore(%arg14 : memref<!tpu.dma_semaphore, #tpu.memory_space<semaphore_mem>>) src(%dma_wait3A_169 : memref<10240x128xf32, #tpu.memory_space<hbm>>) dst(%dma_wait3A_163 : memref<64x128xf32, #tpu.memory_space<vmem>>)
        %dma_wait3A_170 = arith.constant 192 : i32
        %dma_wait3A_171 = arith.constant 0 : i32
        %dma_wait3A_172 = tpu.memref_slice %arg10[%dma_wait3A_170, %dma_wait3A_171] : memref<256x128xf32, #tpu.memory_space<vmem>> -> memref<64x128xf32, #tpu.memory_space<vmem>>
        %dma_wait3A_173 = arith.constant 64 : i32
        %dma_wait3A_174 = tpu.memref_slice %arg8[%add3A_160, %dma_wait3A_173] : memref<40x128xi32, #tpu.memory_space<vmem>> -> memref<1x64xi32, #tpu.memory_space<vmem>>
        %dma_wait3A_175 = tpu.memref_squeeze %dma_wait3A_174 : memref<1x64xi32, #tpu.memory_space<vmem>> -> memref<64xi32, #tpu.memory_space<vmem>>
        %dma_wait3A_176 = arith.constant 0 : i32
        %dma_wait3A_177 = arith.constant 0 : i32
        %dma_wait3A_178 = tpu.memref_slice %arg2[%dma_wait3A_176, %dma_wait3A_177] : memref<10240x128xf32, #tpu.memory_space<hbm>> -> memref<10240x128xf32, #tpu.memory_space<hbm>>
        tpu.wait_indirect_dma semaphore(%arg15 : memref<!tpu.dma_semaphore, #tpu.memory_space<semaphore_mem>>) src(%dma_wait3A_178 : memref<10240x128xf32, #tpu.memory_space<hbm>>) dst(%dma_wait3A_172 : memref<64x128xf32, #tpu.memory_space<vmem>>)
        "tpu.region"() ({
          %run_scoped3A = tpu.sem_alloc : memref<!tpu.dma_semaphore, #tpu.memory_space<semaphore_mem>>
          %dma_start3A_186 = arith.constant 128 : i32
          %dma_start3A_187 = arith.constant 0 : i32
          %dma_start3A_188 = tpu.memref_slice %arg10[%dma_start3A_186, %dma_start3A_187] : memref<256x128xf32, #tpu.memory_space<vmem>> -> memref<128x128xf32, #tpu.memory_space<vmem>>
          %dma_start3A_189 = arith.constant 0 : i32
          %dma_start3A_190 = tpu.memref_slice %arg9[%add3A_160, %dma_start3A_189] : memref<40x128xi32, #tpu.memory_space<vmem>> -> memref<1x128xi32, #tpu.memory_space<vmem>>
          %dma_start3A_191 = tpu.memref_squeeze %dma_start3A_190 : memref<1x128xi32, #tpu.memory_space<vmem>> -> memref<128xi32, #tpu.memory_space<vmem>>
          %dma_start3A_192 = arith.constant 0 : i32
          %dma_start3A_193 = arith.constant 0 : i32
          %dma_start3A_194 = tpu.memref_slice %arg11[%dma_start3A_192, %dma_start3A_193] : memref<10240x128xf32, #tpu.memory_space<vmem_shared>> -> memref<10240x128xf32, #tpu.memory_space<vmem_shared>>
          tpu.enqueue_indirect_dma source(%dma_start3A_188 : memref<128x128xf32, #tpu.memory_space<vmem>>) target(%dma_start3A_194 : memref<10240x128xf32, #tpu.memory_space<vmem_shared>>) offsets(%dma_start3A_191 : memref<128xi32, #tpu.memory_space<vmem>>) semaphore(%run_scoped3A : memref<!tpu.dma_semaphore, #tpu.memory_space<semaphore_mem>>) {add = true}
          %dma_wait3A_195 = arith.constant 128 : i32
          %dma_wait3A_196 = arith.constant 0 : i32
          %dma_wait3A_197 = tpu.memref_slice %arg10[%dma_wait3A_195, %dma_wait3A_196] : memref<256x128xf32, #tpu.memory_space<vmem>> -> memref<128x128xf32, #tpu.memory_space<vmem>>
          %dma_wait3A_198 = arith.constant 0 : i32
          %dma_wait3A_199 = tpu.memref_slice %arg9[%add3A_160, %dma_wait3A_198] : memref<40x128xi32, #tpu.memory_space<vmem>> -> memref<1x128xi32, #tpu.memory_space<vmem>>
          %dma_wait3A_200 = tpu.memref_squeeze %dma_wait3A_199 : memref<1x128xi32, #tpu.memory_space<vmem>> -> memref<128xi32, #tpu.memory_space<vmem>>
          %dma_wait3A_201 = arith.constant 0 : i32
          %dma_wait3A_202 = arith.constant 0 : i32
          %dma_wait3A_203 = tpu.memref_slice %arg11[%dma_wait3A_201, %dma_wait3A_202] : memref<10240x128xf32, #tpu.memory_space<vmem_shared>> -> memref<10240x128xf32, #tpu.memory_space<vmem_shared>>
          tpu.wait_indirect_dma semaphore(%run_scoped3A : memref<!tpu.dma_semaphore, #tpu.memory_space<semaphore_mem>>) src(%dma_wait3A_197 : memref<128x128xf32, #tpu.memory_space<vmem>>) dst(%dma_wait3A_203 : memref<10240x128xf32, #tpu.memory_space<vmem_shared>>)
          tpu.yield
        }) : () -> ()
        %add3A_179 = arith.constant 2 : i32
        %add3A_180 = arith.addi %add3A_160, %add3A_179 : i32
        %lt3A_181 = arith.constant 40 : i32
        %lt3A_182 = arith.cmpi slt, %add3A_180, %lt3A_181 : i32
        %convert_element_type3A_183 = arith.extui %lt3A_182 : i1 to i32
        %cond3A_184 = arith.constant 0 : i32
        %cond3A_185 = arith.cmpi ne, %convert_element_type3A_183, %cond3A_184 : i32
        scf.if %cond3A_185 {
          %add3A_186 = arith.constant 2 : i32
          %add3A_187 = arith.addi %add3A_160, %add3A_186 : i32
          %dma_start3A_188 = arith.constant 128 : i32
          %dma_start3A_189 = arith.constant 0 : i32
          %dma_start3A_190 = tpu.memref_slice %arg10[%dma_start3A_188, %dma_start3A_189] : memref<256x128xf32, #tpu.memory_space<vmem>> -> memref<64x128xf32, #tpu.memory_space<vmem>>
          %dma_start3A_191 = arith.constant 0 : i32
          %dma_start3A_192 = tpu.memref_slice %arg8[%add3A_187, %dma_start3A_191] : memref<40x128xi32, #tpu.memory_space<vmem>> -> memref<1x64xi32, #tpu.memory_space<vmem>>
          %dma_start3A_193 = tpu.memref_squeeze %dma_start3A_192 : memref<1x64xi32, #tpu.memory_space<vmem>> -> memref<64xi32, #tpu.memory_space<vmem>>
          %dma_start3A_194 = arith.constant 0 : i32
          %dma_start3A_195 = arith.constant 0 : i32
          %dma_start3A_196 = tpu.memref_slice %arg2[%dma_start3A_194, %dma_start3A_195] : memref<10240x128xf32, #tpu.memory_space<hbm>> -> memref<10240x128xf32, #tpu.memory_space<hbm>>
          tpu.enqueue_indirect_dma source(%dma_start3A_196 : memref<10240x128xf32, #tpu.memory_space<hbm>>) target(%dma_start3A_190 : memref<64x128xf32, #tpu.memory_space<vmem>>) offsets(%dma_start3A_193 : memref<64xi32, #tpu.memory_space<vmem>>) semaphore(%arg14 : memref<!tpu.dma_semaphore, #tpu.memory_space<semaphore_mem>>)
          %dma_start3A_197 = arith.constant 192 : i32
          %dma_start3A_198 = arith.constant 0 : i32
          %dma_start3A_199 = tpu.memref_slice %arg10[%dma_start3A_197, %dma_start3A_198] : memref<256x128xf32, #tpu.memory_space<vmem>> -> memref<64x128xf32, #tpu.memory_space<vmem>>
          %dma_start3A_200 = arith.constant 64 : i32
          %dma_start3A_201 = tpu.memref_slice %arg8[%add3A_187, %dma_start3A_200] : memref<40x128xi32, #tpu.memory_space<vmem>> -> memref<1x64xi32, #tpu.memory_space<vmem>>
          %dma_start3A_202 = tpu.memref_squeeze %dma_start3A_201 : memref<1x64xi32, #tpu.memory_space<vmem>> -> memref<64xi32, #tpu.memory_space<vmem>>
          %dma_start3A_203 = arith.constant 0 : i32
          %dma_start3A_204 = arith.constant 0 : i32
          %dma_start3A_205 = tpu.memref_slice %arg2[%dma_start3A_203, %dma_start3A_204] : memref<10240x128xf32, #tpu.memory_space<hbm>> -> memref<10240x128xf32, #tpu.memory_space<hbm>>
          tpu.enqueue_indirect_dma source(%dma_start3A_205 : memref<10240x128xf32, #tpu.memory_space<hbm>>) target(%dma_start3A_199 : memref<64x128xf32, #tpu.memory_space<vmem>>) offsets(%dma_start3A_202 : memref<64xi32, #tpu.memory_space<vmem>>) semaphore(%arg15 : memref<!tpu.dma_semaphore, #tpu.memory_space<semaphore_mem>>)
        } else {
        }
      }
      %scan3A_76 = arith.constant 10 : i32
    }
    %barrier3A_20 = arith.constant 0 : index
    tpu.barrier barrier_id(%barrier3A_20)
    %eq3A_21 = arith.constant 0 : i32
    %eq3A_22 = arith.cmpi eq, %arg0, %eq3A_21 : i32
    %convert_element_type3A = arith.extui %eq3A_22 : i1 to i32
    %cond3A = arith.constant 0 : i32
    %cond3A_23 = arith.cmpi ne, %convert_element_type3A, %cond3A : i32
    scf.if %cond3A_23 {
      %mul3A_29 = arith.constant 640 : i32
      %mul3A_30 = arith.muli %arg1, %mul3A_29 : i32
      %mul3A_31 = arith.constant 640 : i32
      %mul3A_32 = arith.muli %arg1, %mul3A_31 : i32
      "tpu.region"() ({
        %run_scoped3A = tpu.sem_alloc : memref<!tpu.dma_semaphore, #tpu.memory_space<semaphore_mem>>
        %dma_start3A = arith.constant 0 : i32
        %dma_start3A_33 = tpu.memref_slice %arg6[%mul3A_32, %dma_start3A] : memref<10240x128xf32, #tpu.memory_space<hbm>> -> memref<640x128xf32, #tpu.memory_space<hbm>>
        %dma_start3A_34 = arith.constant 0 : i32
        %dma_start3A_35 = tpu.memref_slice %arg11[%mul3A_30, %dma_start3A_34] : memref<10240x128xf32, #tpu.memory_space<vmem_shared>> -> memref<640x128xf32, #tpu.memory_space<vmem_shared>>
        tpu.enqueue_dma source(%dma_start3A_35 : memref<640x128xf32, #tpu.memory_space<vmem_shared>>) target(%dma_start3A_33 : memref<640x128xf32, #tpu.memory_space<hbm>>) target_semaphore(%run_scoped3A : memref<!tpu.dma_semaphore, #tpu.memory_space<semaphore_mem>>)
        %dma_wait3A = arith.constant 0 : i32
        %dma_wait3A_36 = tpu.memref_slice %arg6[%mul3A_32, %dma_wait3A] : memref<10240x128xf32, #tpu.memory_space<hbm>> -> memref<640x128xf32, #tpu.memory_space<hbm>>
        %dma_wait3A_37 = arith.constant 0 : i32
        %dma_wait3A_38 = tpu.memref_slice %arg11[%mul3A_30, %dma_wait3A_37] : memref<10240x128xf32, #tpu.memory_space<vmem_shared>> -> memref<640x128xf32, #tpu.memory_space<vmem_shared>>
        tpu.wait_dma2 semaphore(%run_scoped3A : memref<!tpu.dma_semaphore, #tpu.memory_space<semaphore_mem>>) src(%dma_wait3A_38 : memref<640x128xf32, #tpu.memory_space<vmem_shared>>) dst(%dma_wait3A_36 : memref<640x128xf32, #tpu.memory_space<hbm>>)
        tpu.yield
      }) : () -> ()
    } else {
    }
    %eq3A_24 = arith.constant 1 : i32
    %eq3A_25 = arith.cmpi eq, %arg0, %eq3A_24 : i32
    %convert_element_type3A_26 = arith.extui %eq3A_25 : i1 to i32
    %cond3A_27 = arith.constant 0 : i32
    %cond3A_28 = arith.cmpi ne, %convert_element_type3A_26, %cond3A_27 : i32
    scf.if %cond3A_28 {
      %mul3A_29 = arith.constant 640 : i32
      %mul3A_30 = arith.muli %arg1, %mul3A_29 : i32
      %mul3A_31 = arith.constant 640 : i32
      %mul3A_32 = arith.muli %arg1, %mul3A_31 : i32
      "tpu.region"() ({
        %run_scoped3A = tpu.sem_alloc : memref<!tpu.dma_semaphore, #tpu.memory_space<semaphore_mem>>
        %dma_start3A = arith.constant 0 : i32
        %dma_start3A_33 = tpu.memref_slice %arg7[%mul3A_32, %dma_start3A] : memref<10240x128xf32, #tpu.memory_space<hbm>> -> memref<640x128xf32, #tpu.memory_space<hbm>>
        %dma_start3A_34 = arith.constant 0 : i32
        %dma_start3A_35 = tpu.memref_slice %arg11[%mul3A_30, %dma_start3A_34] : memref<10240x128xf32, #tpu.memory_space<vmem_shared>> -> memref<640x128xf32, #tpu.memory_space<vmem_shared>>
        tpu.enqueue_dma source(%dma_start3A_35 : memref<640x128xf32, #tpu.memory_space<vmem_shared>>) target(%dma_start3A_33 : memref<640x128xf32, #tpu.memory_space<hbm>>) target_semaphore(%run_scoped3A : memref<!tpu.dma_semaphore, #tpu.memory_space<semaphore_mem>>)
        %dma_wait3A = arith.constant 0 : i32
        %dma_wait3A_36 = tpu.memref_slice %arg7[%mul3A_32, %dma_wait3A] : memref<10240x128xf32, #tpu.memory_space<hbm>> -> memref<640x128xf32, #tpu.memory_space<hbm>>
        %dma_wait3A_37 = arith.constant 0 : i32
        %dma_wait3A_38 = tpu.memref_slice %arg11[%mul3A_30, %dma_wait3A_37] : memref<10240x128xf32, #tpu.memory_space<vmem_shared>> -> memref<640x128xf32, #tpu.memory_space<vmem_shared>>
        tpu.wait_dma2 semaphore(%run_scoped3A : memref<!tpu.dma_semaphore, #tpu.memory_space<semaphore_mem>>) src(%dma_wait3A_38 : memref<640x128xf32, #tpu.memory_space<vmem_shared>>) dst(%dma_wait3A_36 : memref<640x128xf32, #tpu.memory_space<hbm>>)
        tpu.yield
      }) : () -> ()
    } else {
    }
    return
  }
}

#map = affine_map<(d0, d1) -> (0, 0)>
#map1 = affine_map<(d0, d1) -> (0)>
module attributes {stable_mosaic.version = 14 : i64} {
  func.func @run(%arg0: i32, %arg1: i32, %arg2: memref<2560x128xi32, #tpu.memory_space<hbm>>, %arg3: memref<128xf32, #tpu.memory_space<hbm>>, %arg4: memref<640xf32, #tpu.memory_space<hbm>>, %arg5: memref<10240x128xf32, #tpu.memory_space<hbm>>, %arg6: memref<10240x128xf32, #tpu.memory_space<hbm>>, %arg7: memref<80x128xi32, #tpu.memory_space<vmem>>, %arg8: memref<128xf32, #tpu.memory_space<vmem>>, %arg9: memref<640xf32, #tpu.memory_space<vmem>>, %arg10: memref<640x128xf32, #tpu.memory_space<vmem>>, %arg11: memref<10240xf32, #tpu.memory_space<vmem_shared>>) attributes {dimension_semantics = [#tpu.dimension_semantics<core_parallel>, #tpu.dimension_semantics<subcore_parallel>], iteration_bounds = array<i64: 2, 16>, scalar_prefetch = 0 : i64, scratch_operands = 5 : i64, tpu.core_type = #tpu.core_type<sc_vector_subcore>, window_params = [{transform_indices = #map}, {transform_indices = #map1}, {transform_indices = #map1}, {transform_indices = #map}, {transform_indices = #map}]} {
    %mul3A = arith.constant 16 : i32
    %mul3A_0 = arith.muli %arg0, %mul3A : i32
    %add3A = arith.addi %mul3A_0, %arg1 : i32
    %mul3A_1 = arith.constant 640 : i32
    %mul3A_2 = arith.muli %arg1, %mul3A_1 : i32
    "tpu.region"() ({
      %run_scoped3A = tpu.sem_alloc : memref<!tpu.dma_semaphore, #tpu.memory_space<semaphore_mem>>
      %dma_start3A = tpu.memref_slice %arg11[%mul3A_2] : memref<10240xf32, #tpu.memory_space<vmem_shared>> -> memref<640xf32, #tpu.memory_space<vmem_shared>>
      tpu.enqueue_dma source(%arg4 : memref<640xf32, #tpu.memory_space<hbm>>) target(%dma_start3A : memref<640xf32, #tpu.memory_space<vmem_shared>>) target_semaphore(%run_scoped3A : memref<!tpu.dma_semaphore, #tpu.memory_space<semaphore_mem>>)
      %dma_wait3A = tpu.memref_slice %arg11[%mul3A_2] : memref<10240xf32, #tpu.memory_space<vmem_shared>> -> memref<640xf32, #tpu.memory_space<vmem_shared>>
      tpu.wait_dma2 semaphore(%run_scoped3A : memref<!tpu.dma_semaphore, #tpu.memory_space<semaphore_mem>>) src(%arg4 : memref<640xf32, #tpu.memory_space<hbm>>) dst(%dma_wait3A : memref<640xf32, #tpu.memory_space<vmem_shared>>)
      tpu.yield
    }) : () -> ()
    %mul3A_3 = arith.constant 80 : i32
    %mul3A_4 = arith.muli %add3A, %mul3A_3 : i32
    "tpu.region"() ({
      %run_scoped3A = tpu.sem_alloc : memref<!tpu.dma_semaphore, #tpu.memory_space<semaphore_mem>>
      %dma_start3A = arith.constant 0 : i32
      %dma_start3A_26 = tpu.memref_slice %arg2[%mul3A_4, %dma_start3A] : memref<2560x128xi32, #tpu.memory_space<hbm>> -> memref<80x128xi32, #tpu.memory_space<hbm>>
      %dma_start3A_27 = arith.constant 0 : i32
      %dma_start3A_28 = tpu.memref_slice %arg2[%mul3A_4, %dma_start3A_27] : memref<2560x128xi32, #tpu.memory_space<hbm>> -> memref<80x128xi32, #tpu.memory_space<hbm>>
      tpu.enqueue_dma source(%dma_start3A_28 : memref<80x128xi32, #tpu.memory_space<hbm>>) target(%arg7 : memref<80x128xi32, #tpu.memory_space<vmem>>) target_semaphore(%run_scoped3A : memref<!tpu.dma_semaphore, #tpu.memory_space<semaphore_mem>>)
      %dma_wait3A = arith.constant 0 : i32
      %dma_wait3A_29 = tpu.memref_slice %arg2[%mul3A_4, %dma_wait3A] : memref<2560x128xi32, #tpu.memory_space<hbm>> -> memref<80x128xi32, #tpu.memory_space<hbm>>
      %dma_wait3A_30 = arith.constant 0 : i32
      %dma_wait3A_31 = tpu.memref_slice %arg2[%mul3A_4, %dma_wait3A_30] : memref<2560x128xi32, #tpu.memory_space<hbm>> -> memref<80x128xi32, #tpu.memory_space<hbm>>
      tpu.wait_dma2 semaphore(%run_scoped3A : memref<!tpu.dma_semaphore, #tpu.memory_space<semaphore_mem>>) src(%dma_wait3A_31 : memref<80x128xi32, #tpu.memory_space<hbm>>) dst(%arg7 : memref<80x128xi32, #tpu.memory_space<vmem>>)
      tpu.yield
    }) : () -> ()
    "tpu.region"() ({
      %run_scoped3A = tpu.sem_alloc : memref<!tpu.dma_semaphore, #tpu.memory_space<semaphore_mem>>
      tpu.enqueue_dma source(%arg3 : memref<128xf32, #tpu.memory_space<hbm>>) target(%arg8 : memref<128xf32, #tpu.memory_space<vmem>>) target_semaphore(%run_scoped3A : memref<!tpu.dma_semaphore, #tpu.memory_space<semaphore_mem>>)
      tpu.wait_dma2 semaphore(%run_scoped3A : memref<!tpu.dma_semaphore, #tpu.memory_space<semaphore_mem>>) src(%arg3 : memref<128xf32, #tpu.memory_space<hbm>>) dst(%arg8 : memref<128xf32, #tpu.memory_space<vmem>>)
      tpu.yield
    }) : () -> ()
    %barrier3A = arith.constant 0 : index
    tpu.barrier barrier_id(%barrier3A)
    %scan3A = arith.constant 0 : i32
    %scan3A_5 = arith.constant 0 : i32
    %scan3A_6 = arith.constant 80 : i32
    %scan3A_7 = arith.addi %scan3A_5, %scan3A_6 : i32
    %scan3A_8 = arith.constant 1 : i32
    scf.for %scan3A_26 = %scan3A_5 to %scan3A_7 step %scan3A_8  : i32 {
      "tpu.region"() ({
        %run_scoped3A = tpu.sem_alloc : memref<!tpu.dma_semaphore, #tpu.memory_space<semaphore_mem>>
        %dma_start3A = arith.constant 0 : i32
        %dma_start3A_27 = tpu.memref_slice %arg7[%scan3A_26, %dma_start3A] : memref<80x128xi32, #tpu.memory_space<vmem>> -> memref<1x128xi32, #tpu.memory_space<vmem>>
        %dma_start3A_28 = tpu.memref_squeeze %dma_start3A_27 : memref<1x128xi32, #tpu.memory_space<vmem>> -> memref<128xi32, #tpu.memory_space<vmem>>
        %dma_start3A_29 = arith.constant 0 : i32
        %dma_start3A_30 = tpu.memref_slice %arg11[%dma_start3A_29] : memref<10240xf32, #tpu.memory_space<vmem_shared>> -> memref<10240xf32, #tpu.memory_space<vmem_shared>>
        tpu.enqueue_indirect_dma source(%arg8 : memref<128xf32, #tpu.memory_space<vmem>>) target(%dma_start3A_30 : memref<10240xf32, #tpu.memory_space<vmem_shared>>) offsets(%dma_start3A_28 : memref<128xi32, #tpu.memory_space<vmem>>) semaphore(%run_scoped3A : memref<!tpu.dma_semaphore, #tpu.memory_space<semaphore_mem>>) {add = true}
        %dma_wait3A = arith.constant 0 : i32
        %dma_wait3A_31 = tpu.memref_slice %arg7[%scan3A_26, %dma_wait3A] : memref<80x128xi32, #tpu.memory_space<vmem>> -> memref<1x128xi32, #tpu.memory_space<vmem>>
        %dma_wait3A_32 = tpu.memref_squeeze %dma_wait3A_31 : memref<1x128xi32, #tpu.memory_space<vmem>> -> memref<128xi32, #tpu.memory_space<vmem>>
        %dma_wait3A_33 = arith.constant 0 : i32
        %dma_wait3A_34 = tpu.memref_slice %arg11[%dma_wait3A_33] : memref<10240xf32, #tpu.memory_space<vmem_shared>> -> memref<10240xf32, #tpu.memory_space<vmem_shared>>
        tpu.wait_indirect_dma semaphore(%run_scoped3A : memref<!tpu.dma_semaphore, #tpu.memory_space<semaphore_mem>>) src(%arg8 : memref<128xf32, #tpu.memory_space<vmem>>) dst(%dma_wait3A_34 : memref<10240xf32, #tpu.memory_space<vmem_shared>>)
        tpu.yield
      }) : () -> ()
    }
    %scan3A_9 = arith.constant 80 : i32
    %barrier3A_10 = arith.constant 0 : index
    tpu.barrier barrier_id(%barrier3A_10)
    %mul3A_11 = arith.constant 640 : i32
    %mul3A_12 = arith.muli %arg1, %mul3A_11 : i32
    "tpu.region"() ({
      %run_scoped3A = tpu.sem_alloc : memref<!tpu.dma_semaphore, #tpu.memory_space<semaphore_mem>>
      %dma_start3A = tpu.memref_slice %arg11[%mul3A_12] : memref<10240xf32, #tpu.memory_space<vmem_shared>> -> memref<640xf32, #tpu.memory_space<vmem_shared>>
      %dma_start3A_26 = tpu.memref_slice %arg11[%mul3A_12] : memref<10240xf32, #tpu.memory_space<vmem_shared>> -> memref<640xf32, #tpu.memory_space<vmem_shared>>
      tpu.enqueue_dma source(%dma_start3A_26 : memref<640xf32, #tpu.memory_space<vmem_shared>>) target(%arg9 : memref<640xf32, #tpu.memory_space<vmem>>) target_semaphore(%run_scoped3A : memref<!tpu.dma_semaphore, #tpu.memory_space<semaphore_mem>>)
      %dma_wait3A = tpu.memref_slice %arg11[%mul3A_12] : memref<10240xf32, #tpu.memory_space<vmem_shared>> -> memref<640xf32, #tpu.memory_space<vmem_shared>>
      %dma_wait3A_27 = tpu.memref_slice %arg11[%mul3A_12] : memref<10240xf32, #tpu.memory_space<vmem_shared>> -> memref<640xf32, #tpu.memory_space<vmem_shared>>
      tpu.wait_dma2 semaphore(%run_scoped3A : memref<!tpu.dma_semaphore, #tpu.memory_space<semaphore_mem>>) src(%dma_wait3A_27 : memref<640xf32, #tpu.memory_space<vmem_shared>>) dst(%arg9 : memref<640xf32, #tpu.memory_space<vmem>>)
      tpu.yield
    }) : () -> ()
    %scan3A_13 = arith.constant 0 : i32
    %scan3A_14 = arith.constant 0 : i32
    %scan3A_15 = arith.constant 40 : i32
    %scan3A_16 = arith.addi %scan3A_14, %scan3A_15 : i32
    %scan3A_17 = arith.constant 1 : i32
    scf.for %scan3A_26 = %scan3A_14 to %scan3A_16 step %scan3A_17  : i32 {
      %mul3A_27 = arith.constant 16 : i32
      %mul3A_28 = arith.muli %mul3A_27, %scan3A_26 : i32
      %get3A = arith.index_cast %mul3A_28 : i32 to index
      %get3A_29 = tpu.vector_load %arg9[%get3A] {strides = array<i32>} : memref<640xf32, #tpu.memory_space<vmem>>, vector<16xf32>,
      %get3A_30 = vector.shape_cast %get3A_29 : vector<16xf32> to vector<16xf32>
      %slice3A = vector.extract_strided_slice %get3A_30 {offsets = [0], sizes = [1], strides = [1]} : vector<16xf32> to vector<1xf32>
      %squeeze3A = vector.extract %slice3A[0] : f32 from vector<1xf32>
      %broadcast_in_dim3A = vector.broadcast %squeeze3A : f32 to vector<16xf32>
      %mul3A_31 = arith.constant 16 : i32
      %mul3A_32 = arith.muli %mul3A_31, %scan3A_26 : i32
      %add3A_33 = arith.constant 0 : i32
      %add3A_34 = arith.addi %mul3A_32, %add3A_33 : i32
      %swap3A = arith.index_cast %add3A_34 : i32 to index
      %swap3A_35 = arith.constant 0 : index
      %swap3A_36 = tpu.vector_load %arg10[%swap3A, %swap3A_35] {strides = array<i32>} : memref<640x128xf32, #tpu.memory_space<vmem>>, vector<1x16xf32>,
      %swap3A_37 = vector.shape_cast %swap3A_36 : vector<1x16xf32> to vector<16xf32>
      %swap3A_38 = vector.shape_cast %broadcast_in_dim3A : vector<16xf32> to vector<1x16xf32>
      tpu.vector_store %arg10[%swap3A, %swap3A_35], %swap3A_38 {strides = array<i32>} : memref<640x128xf32, #tpu.memory_space<vmem>>, vector<1x16xf32>,
      %mul3A_39 = arith.constant 16 : i32
      %mul3A_40 = arith.muli %mul3A_39, %scan3A_26 : i32
      %add3A_41 = arith.constant 0 : i32
      %add3A_42 = arith.addi %mul3A_40, %add3A_41 : i32
      %swap3A_43 = arith.index_cast %add3A_42 : i32 to index
      %swap3A_44 = arith.constant 16 : index
      %swap3A_45 = tpu.vector_load %arg10[%swap3A_43, %swap3A_44] {strides = array<i32>} : memref<640x128xf32, #tpu.memory_space<vmem>>, vector<1x16xf32>,
      %swap3A_46 = vector.shape_cast %swap3A_45 : vector<1x16xf32> to vector<16xf32>
      %swap3A_47 = vector.shape_cast %broadcast_in_dim3A : vector<16xf32> to vector<1x16xf32>
      tpu.vector_store %arg10[%swap3A_43, %swap3A_44], %swap3A_47 {strides = array<i32>} : memref<640x128xf32, #tpu.memory_space<vmem>>, vector<1x16xf32>,
      %mul3A_48 = arith.constant 16 : i32
      %mul3A_49 = arith.muli %mul3A_48, %scan3A_26 : i32
      %add3A_50 = arith.constant 0 : i32
      %add3A_51 = arith.addi %mul3A_49, %add3A_50 : i32
      %swap3A_52 = arith.index_cast %add3A_51 : i32 to index
      %swap3A_53 = arith.constant 32 : index
      %swap3A_54 = tpu.vector_load %arg10[%swap3A_52, %swap3A_53] {strides = array<i32>} : memref<640x128xf32, #tpu.memory_space<vmem>>, vector<1x16xf32>,
      %swap3A_55 = vector.shape_cast %swap3A_54 : vector<1x16xf32> to vector<16xf32>
      %swap3A_56 = vector.shape_cast %broadcast_in_dim3A : vector<16xf32> to vector<1x16xf32>
      tpu.vector_store %arg10[%swap3A_52, %swap3A_53], %swap3A_56 {strides = array<i32>} : memref<640x128xf32, #tpu.memory_space<vmem>>, vector<1x16xf32>,
      %mul3A_57 = arith.constant 16 : i32
      %mul3A_58 = arith.muli %mul3A_57, %scan3A_26 : i32
      %add3A_59 = arith.constant 0 : i32
      %add3A_60 = arith.addi %mul3A_58, %add3A_59 : i32
      %swap3A_61 = arith.index_cast %add3A_60 : i32 to index
      %swap3A_62 = arith.constant 48 : index
      %swap3A_63 = tpu.vector_load %arg10[%swap3A_61, %swap3A_62] {strides = array<i32>} : memref<640x128xf32, #tpu.memory_space<vmem>>, vector<1x16xf32>,
      %swap3A_64 = vector.shape_cast %swap3A_63 : vector<1x16xf32> to vector<16xf32>
      %swap3A_65 = vector.shape_cast %broadcast_in_dim3A : vector<16xf32> to vector<1x16xf32>
      tpu.vector_store %arg10[%swap3A_61, %swap3A_62], %swap3A_65 {strides = array<i32>} : memref<640x128xf32, #tpu.memory_space<vmem>>, vector<1x16xf32>,
      %mul3A_66 = arith.constant 16 : i32
      %mul3A_67 = arith.muli %mul3A_66, %scan3A_26 : i32
      %add3A_68 = arith.constant 0 : i32
      %add3A_69 = arith.addi %mul3A_67, %add3A_68 : i32
      %swap3A_70 = arith.index_cast %add3A_69 : i32 to index
      %swap3A_71 = arith.constant 64 : index
      %swap3A_72 = tpu.vector_load %arg10[%swap3A_70, %swap3A_71] {strides = array<i32>} : memref<640x128xf32, #tpu.memory_space<vmem>>, vector<1x16xf32>,
      %swap3A_73 = vector.shape_cast %swap3A_72 : vector<1x16xf32> to vector<16xf32>
      %swap3A_74 = vector.shape_cast %broadcast_in_dim3A : vector<16xf32> to vector<1x16xf32>
      tpu.vector_store %arg10[%swap3A_70, %swap3A_71], %swap3A_74 {strides = array<i32>} : memref<640x128xf32, #tpu.memory_space<vmem>>, vector<1x16xf32>,
      %mul3A_75 = arith.constant 16 : i32
      %mul3A_76 = arith.muli %mul3A_75, %scan3A_26 : i32
      %add3A_77 = arith.constant 0 : i32
      %add3A_78 = arith.addi %mul3A_76, %add3A_77 : i32
      %swap3A_79 = arith.index_cast %add3A_78 : i32 to index
      %swap3A_80 = arith.constant 80 : index
      %swap3A_81 = tpu.vector_load %arg10[%swap3A_79, %swap3A_80] {strides = array<i32>} : memref<640x128xf32, #tpu.memory_space<vmem>>, vector<1x16xf32>,
      %swap3A_82 = vector.shape_cast %swap3A_81 : vector<1x16xf32> to vector<16xf32>
      %swap3A_83 = vector.shape_cast %broadcast_in_dim3A : vector<16xf32> to vector<1x16xf32>
      tpu.vector_store %arg10[%swap3A_79, %swap3A_80], %swap3A_83 {strides = array<i32>} : memref<640x128xf32, #tpu.memory_space<vmem>>, vector<1x16xf32>,
      %mul3A_84 = arith.constant 16 : i32
      %mul3A_85 = arith.muli %mul3A_84, %scan3A_26 : i32
      %add3A_86 = arith.constant 0 : i32
      %add3A_87 = arith.addi %mul3A_85, %add3A_86 : i32
      %swap3A_88 = arith.index_cast %add3A_87 : i32 to index
      %swap3A_89 = arith.constant 96 : index
      %swap3A_90 = tpu.vector_load %arg10[%swap3A_88, %swap3A_89] {strides = array<i32>} : memref<640x128xf32, #tpu.memory_space<vmem>>, vector<1x16xf32>,
      %swap3A_91 = vector.shape_cast %swap3A_90 : vector<1x16xf32> to vector<16xf32>
      %swap3A_92 = vector.shape_cast %broadcast_in_dim3A : vector<16xf32> to vector<1x16xf32>
      tpu.vector_store %arg10[%swap3A_88, %swap3A_89], %swap3A_92 {strides = array<i32>} : memref<640x128xf32, #tpu.memory_space<vmem>>, vector<1x16xf32>,
      %mul3A_93 = arith.constant 16 : i32
      %mul3A_94 = arith.muli %mul3A_93, %scan3A_26 : i32
      %add3A_95 = arith.constant 0 : i32
      %add3A_96 = arith.addi %mul3A_94, %add3A_95 : i32
      %swap3A_97 = arith.index_cast %add3A_96 : i32 to index
      %swap3A_98 = arith.constant 112 : index
      %swap3A_99 = tpu.vector_load %arg10[%swap3A_97, %swap3A_98] {strides = array<i32>} : memref<640x128xf32, #tpu.memory_space<vmem>>, vector<1x16xf32>,
      %swap3A_100 = vector.shape_cast %swap3A_99 : vector<1x16xf32> to vector<16xf32>
      %swap3A_101 = vector.shape_cast %broadcast_in_dim3A : vector<16xf32> to vector<1x16xf32>
      tpu.vector_store %arg10[%swap3A_97, %swap3A_98], %swap3A_101 {strides = array<i32>} : memref<640x128xf32, #tpu.memory_space<vmem>>, vector<1x16xf32>,
      %slice3A_102 = vector.extract_strided_slice %get3A_30 {offsets = [1], sizes = [1], strides = [1]} : vector<16xf32> to vector<1xf32>
      %squeeze3A_103 = vector.extract %slice3A_102[0] : f32 from vector<1xf32>
      %broadcast_in_dim3A_104 = vector.broadcast %squeeze3A_103 : f32 to vector<16xf32>
      %mul3A_105 = arith.constant 16 : i32
      %mul3A_106 = arith.muli %mul3A_105, %scan3A_26 : i32
      %add3A_107 = arith.constant 1 : i32
      %add3A_108 = arith.addi %mul3A_106, %add3A_107 : i32
      %swap3A_109 = arith.index_cast %add3A_108 : i32 to index
      %swap3A_110 = arith.constant 0 : index
      %swap3A_111 = tpu.vector_load %arg10[%swap3A_109, %swap3A_110] {strides = array<i32>} : memref<640x128xf32, #tpu.memory_space<vmem>>, vector<1x16xf32>,
      %swap3A_112 = vector.shape_cast %swap3A_111 : vector<1x16xf32> to vector<16xf32>
      %swap3A_113 = vector.shape_cast %broadcast_in_dim3A_104 : vector<16xf32> to vector<1x16xf32>
      tpu.vector_store %arg10[%swap3A_109, %swap3A_110], %swap3A_113 {strides = array<i32>} : memref<640x128xf32, #tpu.memory_space<vmem>>, vector<1x16xf32>,
      %mul3A_114 = arith.constant 16 : i32
      %mul3A_115 = arith.muli %mul3A_114, %scan3A_26 : i32
      %add3A_116 = arith.constant 1 : i32
      %add3A_117 = arith.addi %mul3A_115, %add3A_116 : i32
      %swap3A_118 = arith.index_cast %add3A_117 : i32 to index
      %swap3A_119 = arith.constant 16 : index
      %swap3A_120 = tpu.vector_load %arg10[%swap3A_118, %swap3A_119] {strides = array<i32>} : memref<640x128xf32, #tpu.memory_space<vmem>>, vector<1x16xf32>,
      %swap3A_121 = vector.shape_cast %swap3A_120 : vector<1x16xf32> to vector<16xf32>
      %swap3A_122 = vector.shape_cast %broadcast_in_dim3A_104 : vector<16xf32> to vector<1x16xf32>
      tpu.vector_store %arg10[%swap3A_118, %swap3A_119], %swap3A_122 {strides = array<i32>} : memref<640x128xf32, #tpu.memory_space<vmem>>, vector<1x16xf32>,
      %mul3A_123 = arith.constant 16 : i32
      %mul3A_124 = arith.muli %mul3A_123, %scan3A_26 : i32
      %add3A_125 = arith.constant 1 : i32
      %add3A_126 = arith.addi %mul3A_124, %add3A_125 : i32
      %swap3A_127 = arith.index_cast %add3A_126 : i32 to index
      %swap3A_128 = arith.constant 32 : index
      %swap3A_129 = tpu.vector_load %arg10[%swap3A_127, %swap3A_128] {strides = array<i32>} : memref<640x128xf32, #tpu.memory_space<vmem>>, vector<1x16xf32>,
      %swap3A_130 = vector.shape_cast %swap3A_129 : vector<1x16xf32> to vector<16xf32>
      %swap3A_131 = vector.shape_cast %broadcast_in_dim3A_104 : vector<16xf32> to vector<1x16xf32>
      tpu.vector_store %arg10[%swap3A_127, %swap3A_128], %swap3A_131 {strides = array<i32>} : memref<640x128xf32, #tpu.memory_space<vmem>>, vector<1x16xf32>,
      %mul3A_132 = arith.constant 16 : i32
      %mul3A_133 = arith.muli %mul3A_132, %scan3A_26 : i32
      %add3A_134 = arith.constant 1 : i32
      %add3A_135 = arith.addi %mul3A_133, %add3A_134 : i32
      %swap3A_136 = arith.index_cast %add3A_135 : i32 to index
      %swap3A_137 = arith.constant 48 : index
      %swap3A_138 = tpu.vector_load %arg10[%swap3A_136, %swap3A_137] {strides = array<i32>} : memref<640x128xf32, #tpu.memory_space<vmem>>, vector<1x16xf32>,
      %swap3A_139 = vector.shape_cast %swap3A_138 : vector<1x16xf32> to vector<16xf32>
      %swap3A_140 = vector.shape_cast %broadcast_in_dim3A_104 : vector<16xf32> to vector<1x16xf32>
      tpu.vector_store %arg10[%swap3A_136, %swap3A_137], %swap3A_140 {strides = array<i32>} : memref<640x128xf32, #tpu.memory_space<vmem>>, vector<1x16xf32>,
      %mul3A_141 = arith.constant 16 : i32
      %mul3A_142 = arith.muli %mul3A_141, %scan3A_26 : i32
      %add3A_143 = arith.constant 1 : i32
      %add3A_144 = arith.addi %mul3A_142, %add3A_143 : i32
      %swap3A_145 = arith.index_cast %add3A_144 : i32 to index
      %swap3A_146 = arith.constant 64 : index
      %swap3A_147 = tpu.vector_load %arg10[%swap3A_145, %swap3A_146] {strides = array<i32>} : memref<640x128xf32, #tpu.memory_space<vmem>>, vector<1x16xf32>,
      %swap3A_148 = vector.shape_cast %swap3A_147 : vector<1x16xf32> to vector<16xf32>
      %swap3A_149 = vector.shape_cast %broadcast_in_dim3A_104 : vector<16xf32> to vector<1x16xf32>
      tpu.vector_store %arg10[%swap3A_145, %swap3A_146], %swap3A_149 {strides = array<i32>} : memref<640x128xf32, #tpu.memory_space<vmem>>, vector<1x16xf32>,
      %mul3A_150 = arith.constant 16 : i32
      %mul3A_151 = arith.muli %mul3A_150, %scan3A_26 : i32
      %add3A_152 = arith.constant 1 : i32
      %add3A_153 = arith.addi %mul3A_151, %add3A_152 : i32
      %swap3A_154 = arith.index_cast %add3A_153 : i32 to index
      %swap3A_155 = arith.constant 80 : index
      %swap3A_156 = tpu.vector_load %arg10[%swap3A_154, %swap3A_155] {strides = array<i32>} : memref<640x128xf32, #tpu.memory_space<vmem>>, vector<1x16xf32>,
      %swap3A_157 = vector.shape_cast %swap3A_156 : vector<1x16xf32> to vector<16xf32>
      %swap3A_158 = vector.shape_cast %broadcast_in_dim3A_104 : vector<16xf32> to vector<1x16xf32>
      tpu.vector_store %arg10[%swap3A_154, %swap3A_155], %swap3A_158 {strides = array<i32>} : memref<640x128xf32, #tpu.memory_space<vmem>>, vector<1x16xf32>,
      %mul3A_159 = arith.constant 16 : i32
      %mul3A_160 = arith.muli %mul3A_159, %scan3A_26 : i32
      %add3A_161 = arith.constant 1 : i32
      %add3A_162 = arith.addi %mul3A_160, %add3A_161 : i32
      %swap3A_163 = arith.index_cast %add3A_162 : i32 to index
      %swap3A_164 = arith.constant 96 : index
      %swap3A_165 = tpu.vector_load %arg10[%swap3A_163, %swap3A_164] {strides = array<i32>} : memref<640x128xf32, #tpu.memory_space<vmem>>, vector<1x16xf32>,
      %swap3A_166 = vector.shape_cast %swap3A_165 : vector<1x16xf32> to vector<16xf32>
      %swap3A_167 = vector.shape_cast %broadcast_in_dim3A_104 : vector<16xf32> to vector<1x16xf32>
      tpu.vector_store %arg10[%swap3A_163, %swap3A_164], %swap3A_167 {strides = array<i32>} : memref<640x128xf32, #tpu.memory_space<vmem>>, vector<1x16xf32>,
      %mul3A_168 = arith.constant 16 : i32
      %mul3A_169 = arith.muli %mul3A_168, %scan3A_26 : i32
      %add3A_170 = arith.constant 1 : i32
      %add3A_171 = arith.addi %mul3A_169, %add3A_170 : i32
      %swap3A_172 = arith.index_cast %add3A_171 : i32 to index
      %swap3A_173 = arith.constant 112 : index
      %swap3A_174 = tpu.vector_load %arg10[%swap3A_172, %swap3A_173] {strides = array<i32>} : memref<640x128xf32, #tpu.memory_space<vmem>>, vector<1x16xf32>,
      %swap3A_175 = vector.shape_cast %swap3A_174 : vector<1x16xf32> to vector<16xf32>
      %swap3A_176 = vector.shape_cast %broadcast_in_dim3A_104 : vector<16xf32> to vector<1x16xf32>
      tpu.vector_store %arg10[%swap3A_172, %swap3A_173], %swap3A_176 {strides = array<i32>} : memref<640x128xf32, #tpu.memory_space<vmem>>, vector<1x16xf32>,
      %slice3A_177 = vector.extract_strided_slice %get3A_30 {offsets = [2], sizes = [1], strides = [1]} : vector<16xf32> to vector<1xf32>
      %squeeze3A_178 = vector.extract %slice3A_177[0] : f32 from vector<1xf32>
      %broadcast_in_dim3A_179 = vector.broadcast %squeeze3A_178 : f32 to vector<16xf32>
      %mul3A_180 = arith.constant 16 : i32
      %mul3A_181 = arith.muli %mul3A_180, %scan3A_26 : i32
      %add3A_182 = arith.constant 2 : i32
      %add3A_183 = arith.addi %mul3A_181, %add3A_182 : i32
      %swap3A_184 = arith.index_cast %add3A_183 : i32 to index
      %swap3A_185 = arith.constant 0 : index
      %swap3A_186 = tpu.vector_load %arg10[%swap3A_184, %swap3A_185] {strides = array<i32>} : memref<640x128xf32, #tpu.memory_space<vmem>>, vector<1x16xf32>,
      %swap3A_187 = vector.shape_cast %swap3A_186 : vector<1x16xf32> to vector<16xf32>
      %swap3A_188 = vector.shape_cast %broadcast_in_dim3A_179 : vector<16xf32> to vector<1x16xf32>
      tpu.vector_store %arg10[%swap3A_184, %swap3A_185], %swap3A_188 {strides = array<i32>} : memref<640x128xf32, #tpu.memory_space<vmem>>, vector<1x16xf32>,
      %mul3A_189 = arith.constant 16 : i32
      %mul3A_190 = arith.muli %mul3A_189, %scan3A_26 : i32
      %add3A_191 = arith.constant 2 : i32
      %add3A_192 = arith.addi %mul3A_190, %add3A_191 : i32
      %swap3A_193 = arith.index_cast %add3A_192 : i32 to index
      %swap3A_194 = arith.constant 16 : index
      %swap3A_195 = tpu.vector_load %arg10[%swap3A_193, %swap3A_194] {strides = array<i32>} : memref<640x128xf32, #tpu.memory_space<vmem>>, vector<1x16xf32>,
      %swap3A_196 = vector.shape_cast %swap3A_195 : vector<1x16xf32> to vector<16xf32>
      %swap3A_197 = vector.shape_cast %broadcast_in_dim3A_179 : vector<16xf32> to vector<1x16xf32>
      tpu.vector_store %arg10[%swap3A_193, %swap3A_194], %swap3A_197 {strides = array<i32>} : memref<640x128xf32, #tpu.memory_space<vmem>>, vector<1x16xf32>,
      %mul3A_198 = arith.constant 16 : i32
      %mul3A_199 = arith.muli %mul3A_198, %scan3A_26 : i32
      %add3A_200 = arith.constant 2 : i32
      %add3A_201 = arith.addi %mul3A_199, %add3A_200 : i32
      %swap3A_202 = arith.index_cast %add3A_201 : i32 to index
      %swap3A_203 = arith.constant 32 : index
      %swap3A_204 = tpu.vector_load %arg10[%swap3A_202, %swap3A_203] {strides = array<i32>} : memref<640x128xf32, #tpu.memory_space<vmem>>, vector<1x16xf32>,
      %swap3A_205 = vector.shape_cast %swap3A_204 : vector<1x16xf32> to vector<16xf32>
      %swap3A_206 = vector.shape_cast %broadcast_in_dim3A_179 : vector<16xf32> to vector<1x16xf32>
      tpu.vector_store %arg10[%swap3A_202, %swap3A_203], %swap3A_206 {strides = array<i32>} : memref<640x128xf32, #tpu.memory_space<vmem>>, vector<1x16xf32>,
      %mul3A_207 = arith.constant 16 : i32
      %mul3A_208 = arith.muli %mul3A_207, %scan3A_26 : i32
      %add3A_209 = arith.constant 2 : i32
      %add3A_210 = arith.addi %mul3A_208, %add3A_209 : i32
      %swap3A_211 = arith.index_cast %add3A_210 : i32 to index
      %swap3A_212 = arith.constant 48 : index
      %swap3A_213 = tpu.vector_load %arg10[%swap3A_211, %swap3A_212] {strides = array<i32>} : memref<640x128xf32, #tpu.memory_space<vmem>>, vector<1x16xf32>,
      %swap3A_214 = vector.shape_cast %swap3A_213 : vector<1x16xf32> to vector<16xf32>
      %swap3A_215 = vector.shape_cast %broadcast_in_dim3A_179 : vector<16xf32> to vector<1x16xf32>
      tpu.vector_store %arg10[%swap3A_211, %swap3A_212], %swap3A_215 {strides = array<i32>} : memref<640x128xf32, #tpu.memory_space<vmem>>, vector<1x16xf32>,
      %mul3A_216 = arith.constant 16 : i32
      %mul3A_217 = arith.muli %mul3A_216, %scan3A_26 : i32
      %add3A_218 = arith.constant 2 : i32
      %add3A_219 = arith.addi %mul3A_217, %add3A_218 : i32
      %swap3A_220 = arith.index_cast %add3A_219 : i32 to index
      %swap3A_221 = arith.constant 64 : index
      %swap3A_222 = tpu.vector_load %arg10[%swap3A_220, %swap3A_221] {strides = array<i32>} : memref<640x128xf32, #tpu.memory_space<vmem>>, vector<1x16xf32>,
      %swap3A_223 = vector.shape_cast %swap3A_222 : vector<1x16xf32> to vector<16xf32>
      %swap3A_224 = vector.shape_cast %broadcast_in_dim3A_179 : vector<16xf32> to vector<1x16xf32>
      tpu.vector_store %arg10[%swap3A_220, %swap3A_221], %swap3A_224 {strides = array<i32>} : memref<640x128xf32, #tpu.memory_space<vmem>>, vector<1x16xf32>,
      %mul3A_225 = arith.constant 16 : i32
      %mul3A_226 = arith.muli %mul3A_225, %scan3A_26 : i32
      %add3A_227 = arith.constant 2 : i32
      %add3A_228 = arith.addi %mul3A_226, %add3A_227 : i32
      %swap3A_229 = arith.index_cast %add3A_228 : i32 to index
      %swap3A_230 = arith.constant 80 : index
      %swap3A_231 = tpu.vector_load %arg10[%swap3A_229, %swap3A_230] {strides = array<i32>} : memref<640x128xf32, #tpu.memory_space<vmem>>, vector<1x16xf32>,
      %swap3A_232 = vector.shape_cast %swap3A_231 : vector<1x16xf32> to vector<16xf32>
      %swap3A_233 = vector.shape_cast %broadcast_in_dim3A_179 : vector<16xf32> to vector<1x16xf32>
      tpu.vector_store %arg10[%swap3A_229, %swap3A_230], %swap3A_233 {strides = array<i32>} : memref<640x128xf32, #tpu.memory_space<vmem>>, vector<1x16xf32>,
      %mul3A_234 = arith.constant 16 : i32
      %mul3A_235 = arith.muli %mul3A_234, %scan3A_26 : i32
      %add3A_236 = arith.constant 2 : i32
      %add3A_237 = arith.addi %mul3A_235, %add3A_236 : i32
      %swap3A_238 = arith.index_cast %add3A_237 : i32 to index
      %swap3A_239 = arith.constant 96 : index
      %swap3A_240 = tpu.vector_load %arg10[%swap3A_238, %swap3A_239] {strides = array<i32>} : memref<640x128xf32, #tpu.memory_space<vmem>>, vector<1x16xf32>,
      %swap3A_241 = vector.shape_cast %swap3A_240 : vector<1x16xf32> to vector<16xf32>
      %swap3A_242 = vector.shape_cast %broadcast_in_dim3A_179 : vector<16xf32> to vector<1x16xf32>
      tpu.vector_store %arg10[%swap3A_238, %swap3A_239], %swap3A_242 {strides = array<i32>} : memref<640x128xf32, #tpu.memory_space<vmem>>, vector<1x16xf32>,
      %mul3A_243 = arith.constant 16 : i32
      %mul3A_244 = arith.muli %mul3A_243, %scan3A_26 : i32
      %add3A_245 = arith.constant 2 : i32
      %add3A_246 = arith.addi %mul3A_244, %add3A_245 : i32
      %swap3A_247 = arith.index_cast %add3A_246 : i32 to index
      %swap3A_248 = arith.constant 112 : index
      %swap3A_249 = tpu.vector_load %arg10[%swap3A_247, %swap3A_248] {strides = array<i32>} : memref<640x128xf32, #tpu.memory_space<vmem>>, vector<1x16xf32>,
      %swap3A_250 = vector.shape_cast %swap3A_249 : vector<1x16xf32> to vector<16xf32>
      %swap3A_251 = vector.shape_cast %broadcast_in_dim3A_179 : vector<16xf32> to vector<1x16xf32>
      tpu.vector_store %arg10[%swap3A_247, %swap3A_248], %swap3A_251 {strides = array<i32>} : memref<640x128xf32, #tpu.memory_space<vmem>>, vector<1x16xf32>,
      %slice3A_252 = vector.extract_strided_slice %get3A_30 {offsets = [3], sizes = [1], strides = [1]} : vector<16xf32> to vector<1xf32>
      %squeeze3A_253 = vector.extract %slice3A_252[0] : f32 from vector<1xf32>
      %broadcast_in_dim3A_254 = vector.broadcast %squeeze3A_253 : f32 to vector<16xf32>
      %mul3A_255 = arith.constant 16 : i32
      %mul3A_256 = arith.muli %mul3A_255, %scan3A_26 : i32
      %add3A_257 = arith.constant 3 : i32
      %add3A_258 = arith.addi %mul3A_256, %add3A_257 : i32
      %swap3A_259 = arith.index_cast %add3A_258 : i32 to index
      %swap3A_260 = arith.constant 0 : index
      %swap3A_261 = tpu.vector_load %arg10[%swap3A_259, %swap3A_260] {strides = array<i32>} : memref<640x128xf32, #tpu.memory_space<vmem>>, vector<1x16xf32>,
      %swap3A_262 = vector.shape_cast %swap3A_261 : vector<1x16xf32> to vector<16xf32>
      %swap3A_263 = vector.shape_cast %broadcast_in_dim3A_254 : vector<16xf32> to vector<1x16xf32>
      tpu.vector_store %arg10[%swap3A_259, %swap3A_260], %swap3A_263 {strides = array<i32>} : memref<640x128xf32, #tpu.memory_space<vmem>>, vector<1x16xf32>,
      %mul3A_264 = arith.constant 16 : i32
      %mul3A_265 = arith.muli %mul3A_264, %scan3A_26 : i32
      %add3A_266 = arith.constant 3 : i32
      %add3A_267 = arith.addi %mul3A_265, %add3A_266 : i32
      %swap3A_268 = arith.index_cast %add3A_267 : i32 to index
      %swap3A_269 = arith.constant 16 : index
      %swap3A_270 = tpu.vector_load %arg10[%swap3A_268, %swap3A_269] {strides = array<i32>} : memref<640x128xf32, #tpu.memory_space<vmem>>, vector<1x16xf32>,
      %swap3A_271 = vector.shape_cast %swap3A_270 : vector<1x16xf32> to vector<16xf32>
      %swap3A_272 = vector.shape_cast %broadcast_in_dim3A_254 : vector<16xf32> to vector<1x16xf32>
      tpu.vector_store %arg10[%swap3A_268, %swap3A_269], %swap3A_272 {strides = array<i32>} : memref<640x128xf32, #tpu.memory_space<vmem>>, vector<1x16xf32>,
      %mul3A_273 = arith.constant 16 : i32
      %mul3A_274 = arith.muli %mul3A_273, %scan3A_26 : i32
      %add3A_275 = arith.constant 3 : i32
      %add3A_276 = arith.addi %mul3A_274, %add3A_275 : i32
      %swap3A_277 = arith.index_cast %add3A_276 : i32 to index
      %swap3A_278 = arith.constant 32 : index
      %swap3A_279 = tpu.vector_load %arg10[%swap3A_277, %swap3A_278] {strides = array<i32>} : memref<640x128xf32, #tpu.memory_space<vmem>>, vector<1x16xf32>,
      %swap3A_280 = vector.shape_cast %swap3A_279 : vector<1x16xf32> to vector<16xf32>
      %swap3A_281 = vector.shape_cast %broadcast_in_dim3A_254 : vector<16xf32> to vector<1x16xf32>
      tpu.vector_store %arg10[%swap3A_277, %swap3A_278], %swap3A_281 {strides = array<i32>} : memref<640x128xf32, #tpu.memory_space<vmem>>, vector<1x16xf32>,
      %mul3A_282 = arith.constant 16 : i32
      %mul3A_283 = arith.muli %mul3A_282, %scan3A_26 : i32
      %add3A_284 = arith.constant 3 : i32
      %add3A_285 = arith.addi %mul3A_283, %add3A_284 : i32
      %swap3A_286 = arith.index_cast %add3A_285 : i32 to index
      %swap3A_287 = arith.constant 48 : index
      %swap3A_288 = tpu.vector_load %arg10[%swap3A_286, %swap3A_287] {strides = array<i32>} : memref<640x128xf32, #tpu.memory_space<vmem>>, vector<1x16xf32>,
      %swap3A_289 = vector.shape_cast %swap3A_288 : vector<1x16xf32> to vector<16xf32>
      %swap3A_290 = vector.shape_cast %broadcast_in_dim3A_254 : vector<16xf32> to vector<1x16xf32>
      tpu.vector_store %arg10[%swap3A_286, %swap3A_287], %swap3A_290 {strides = array<i32>} : memref<640x128xf32, #tpu.memory_space<vmem>>, vector<1x16xf32>,
      %mul3A_291 = arith.constant 16 : i32
      %mul3A_292 = arith.muli %mul3A_291, %scan3A_26 : i32
      %add3A_293 = arith.constant 3 : i32
      %add3A_294 = arith.addi %mul3A_292, %add3A_293 : i32
      %swap3A_295 = arith.index_cast %add3A_294 : i32 to index
      %swap3A_296 = arith.constant 64 : index
      %swap3A_297 = tpu.vector_load %arg10[%swap3A_295, %swap3A_296] {strides = array<i32>} : memref<640x128xf32, #tpu.memory_space<vmem>>, vector<1x16xf32>,
      %swap3A_298 = vector.shape_cast %swap3A_297 : vector<1x16xf32> to vector<16xf32>
      %swap3A_299 = vector.shape_cast %broadcast_in_dim3A_254 : vector<16xf32> to vector<1x16xf32>
      tpu.vector_store %arg10[%swap3A_295, %swap3A_296], %swap3A_299 {strides = array<i32>} : memref<640x128xf32, #tpu.memory_space<vmem>>, vector<1x16xf32>,
      %mul3A_300 = arith.constant 16 : i32
      %mul3A_301 = arith.muli %mul3A_300, %scan3A_26 : i32
      %add3A_302 = arith.constant 3 : i32
      %add3A_303 = arith.addi %mul3A_301, %add3A_302 : i32
      %swap3A_304 = arith.index_cast %add3A_303 : i32 to index
      %swap3A_305 = arith.constant 80 : index
      %swap3A_306 = tpu.vector_load %arg10[%swap3A_304, %swap3A_305] {strides = array<i32>} : memref<640x128xf32, #tpu.memory_space<vmem>>, vector<1x16xf32>,
      %swap3A_307 = vector.shape_cast %swap3A_306 : vector<1x16xf32> to vector<16xf32>
      %swap3A_308 = vector.shape_cast %broadcast_in_dim3A_254 : vector<16xf32> to vector<1x16xf32>
      tpu.vector_store %arg10[%swap3A_304, %swap3A_305], %swap3A_308 {strides = array<i32>} : memref<640x128xf32, #tpu.memory_space<vmem>>, vector<1x16xf32>,
      %mul3A_309 = arith.constant 16 : i32
      %mul3A_310 = arith.muli %mul3A_309, %scan3A_26 : i32
      %add3A_311 = arith.constant 3 : i32
      %add3A_312 = arith.addi %mul3A_310, %add3A_311 : i32
      %swap3A_313 = arith.index_cast %add3A_312 : i32 to index
      %swap3A_314 = arith.constant 96 : index
      %swap3A_315 = tpu.vector_load %arg10[%swap3A_313, %swap3A_314] {strides = array<i32>} : memref<640x128xf32, #tpu.memory_space<vmem>>, vector<1x16xf32>,
      %swap3A_316 = vector.shape_cast %swap3A_315 : vector<1x16xf32> to vector<16xf32>
      %swap3A_317 = vector.shape_cast %broadcast_in_dim3A_254 : vector<16xf32> to vector<1x16xf32>
      tpu.vector_store %arg10[%swap3A_313, %swap3A_314], %swap3A_317 {strides = array<i32>} : memref<640x128xf32, #tpu.memory_space<vmem>>, vector<1x16xf32>,
      %mul3A_318 = arith.constant 16 : i32
      %mul3A_319 = arith.muli %mul3A_318, %scan3A_26 : i32
      %add3A_320 = arith.constant 3 : i32
      %add3A_321 = arith.addi %mul3A_319, %add3A_320 : i32
      %swap3A_322 = arith.index_cast %add3A_321 : i32 to index
      %swap3A_323 = arith.constant 112 : index
      %swap3A_324 = tpu.vector_load %arg10[%swap3A_322, %swap3A_323] {strides = array<i32>} : memref<640x128xf32, #tpu.memory_space<vmem>>, vector<1x16xf32>,
      %swap3A_325 = vector.shape_cast %swap3A_324 : vector<1x16xf32> to vector<16xf32>
      %swap3A_326 = vector.shape_cast %broadcast_in_dim3A_254 : vector<16xf32> to vector<1x16xf32>
      tpu.vector_store %arg10[%swap3A_322, %swap3A_323], %swap3A_326 {strides = array<i32>} : memref<640x128xf32, #tpu.memory_space<vmem>>, vector<1x16xf32>,
      %slice3A_327 = vector.extract_strided_slice %get3A_30 {offsets = [4], sizes = [1], strides = [1]} : vector<16xf32> to vector<1xf32>
      %squeeze3A_328 = vector.extract %slice3A_327[0] : f32 from vector<1xf32>
      %broadcast_in_dim3A_329 = vector.broadcast %squeeze3A_328 : f32 to vector<16xf32>
      %mul3A_330 = arith.constant 16 : i32
      %mul3A_331 = arith.muli %mul3A_330, %scan3A_26 : i32
      %add3A_332 = arith.constant 4 : i32
      %add3A_333 = arith.addi %mul3A_331, %add3A_332 : i32
      %swap3A_334 = arith.index_cast %add3A_333 : i32 to index
      %swap3A_335 = arith.constant 0 : index
      %swap3A_336 = tpu.vector_load %arg10[%swap3A_334, %swap3A_335] {strides = array<i32>} : memref<640x128xf32, #tpu.memory_space<vmem>>, vector<1x16xf32>,
      %swap3A_337 = vector.shape_cast %swap3A_336 : vector<1x16xf32> to vector<16xf32>
      %swap3A_338 = vector.shape_cast %broadcast_in_dim3A_329 : vector<16xf32> to vector<1x16xf32>
      tpu.vector_store %arg10[%swap3A_334, %swap3A_335], %swap3A_338 {strides = array<i32>} : memref<640x128xf32, #tpu.memory_space<vmem>>, vector<1x16xf32>,
      %mul3A_339 = arith.constant 16 : i32
      %mul3A_340 = arith.muli %mul3A_339, %scan3A_26 : i32
      %add3A_341 = arith.constant 4 : i32
      %add3A_342 = arith.addi %mul3A_340, %add3A_341 : i32
      %swap3A_343 = arith.index_cast %add3A_342 : i32 to index
      %swap3A_344 = arith.constant 16 : index
      %swap3A_345 = tpu.vector_load %arg10[%swap3A_343, %swap3A_344] {strides = array<i32>} : memref<640x128xf32, #tpu.memory_space<vmem>>, vector<1x16xf32>,
      %swap3A_346 = vector.shape_cast %swap3A_345 : vector<1x16xf32> to vector<16xf32>
      %swap3A_347 = vector.shape_cast %broadcast_in_dim3A_329 : vector<16xf32> to vector<1x16xf32>
      tpu.vector_store %arg10[%swap3A_343, %swap3A_344], %swap3A_347 {strides = array<i32>} : memref<640x128xf32, #tpu.memory_space<vmem>>, vector<1x16xf32>,
      %mul3A_348 = arith.constant 16 : i32
      %mul3A_349 = arith.muli %mul3A_348, %scan3A_26 : i32
      %add3A_350 = arith.constant 4 : i32
      %add3A_351 = arith.addi %mul3A_349, %add3A_350 : i32
      %swap3A_352 = arith.index_cast %add3A_351 : i32 to index
      %swap3A_353 = arith.constant 32 : index
      %swap3A_354 = tpu.vector_load %arg10[%swap3A_352, %swap3A_353] {strides = array<i32>} : memref<640x128xf32, #tpu.memory_space<vmem>>, vector<1x16xf32>,
      %swap3A_355 = vector.shape_cast %swap3A_354 : vector<1x16xf32> to vector<16xf32>
      %swap3A_356 = vector.shape_cast %broadcast_in_dim3A_329 : vector<16xf32> to vector<1x16xf32>
      tpu.vector_store %arg10[%swap3A_352, %swap3A_353], %swap3A_356 {strides = array<i32>} : memref<640x128xf32, #tpu.memory_space<vmem>>, vector<1x16xf32>,
      %mul3A_357 = arith.constant 16 : i32
      %mul3A_358 = arith.muli %mul3A_357, %scan3A_26 : i32
      %add3A_359 = arith.constant 4 : i32
      %add3A_360 = arith.addi %mul3A_358, %add3A_359 : i32
      %swap3A_361 = arith.index_cast %add3A_360 : i32 to index
      %swap3A_362 = arith.constant 48 : index
      %swap3A_363 = tpu.vector_load %arg10[%swap3A_361, %swap3A_362] {strides = array<i32>} : memref<640x128xf32, #tpu.memory_space<vmem>>, vector<1x16xf32>,
      %swap3A_364 = vector.shape_cast %swap3A_363 : vector<1x16xf32> to vector<16xf32>
      %swap3A_365 = vector.shape_cast %broadcast_in_dim3A_329 : vector<16xf32> to vector<1x16xf32>
      tpu.vector_store %arg10[%swap3A_361, %swap3A_362], %swap3A_365 {strides = array<i32>} : memref<640x128xf32, #tpu.memory_space<vmem>>, vector<1x16xf32>,
      %mul3A_366 = arith.constant 16 : i32
      %mul3A_367 = arith.muli %mul3A_366, %scan3A_26 : i32
      %add3A_368 = arith.constant 4 : i32
      %add3A_369 = arith.addi %mul3A_367, %add3A_368 : i32
      %swap3A_370 = arith.index_cast %add3A_369 : i32 to index
      %swap3A_371 = arith.constant 64 : index
      %swap3A_372 = tpu.vector_load %arg10[%swap3A_370, %swap3A_371] {strides = array<i32>} : memref<640x128xf32, #tpu.memory_space<vmem>>, vector<1x16xf32>,
      %swap3A_373 = vector.shape_cast %swap3A_372 : vector<1x16xf32> to vector<16xf32>
      %swap3A_374 = vector.shape_cast %broadcast_in_dim3A_329 : vector<16xf32> to vector<1x16xf32>
      tpu.vector_store %arg10[%swap3A_370, %swap3A_371], %swap3A_374 {strides = array<i32>} : memref<640x128xf32, #tpu.memory_space<vmem>>, vector<1x16xf32>,
      %mul3A_375 = arith.constant 16 : i32
      %mul3A_376 = arith.muli %mul3A_375, %scan3A_26 : i32
      %add3A_377 = arith.constant 4 : i32
      %add3A_378 = arith.addi %mul3A_376, %add3A_377 : i32
      %swap3A_379 = arith.index_cast %add3A_378 : i32 to index
      %swap3A_380 = arith.constant 80 : index
      %swap3A_381 = tpu.vector_load %arg10[%swap3A_379, %swap3A_380] {strides = array<i32>} : memref<640x128xf32, #tpu.memory_space<vmem>>, vector<1x16xf32>,
      %swap3A_382 = vector.shape_cast %swap3A_381 : vector<1x16xf32> to vector<16xf32>
      %swap3A_383 = vector.shape_cast %broadcast_in_dim3A_329 : vector<16xf32> to vector<1x16xf32>
      tpu.vector_store %arg10[%swap3A_379, %swap3A_380], %swap3A_383 {strides = array<i32>} : memref<640x128xf32, #tpu.memory_space<vmem>>, vector<1x16xf32>,
      %mul3A_384 = arith.constant 16 : i32
      %mul3A_385 = arith.muli %mul3A_384, %scan3A_26 : i32
      %add3A_386 = arith.constant 4 : i32
      %add3A_387 = arith.addi %mul3A_385, %add3A_386 : i32
      %swap3A_388 = arith.index_cast %add3A_387 : i32 to index
      %swap3A_389 = arith.constant 96 : index
      %swap3A_390 = tpu.vector_load %arg10[%swap3A_388, %swap3A_389] {strides = array<i32>} : memref<640x128xf32, #tpu.memory_space<vmem>>, vector<1x16xf32>,
      %swap3A_391 = vector.shape_cast %swap3A_390 : vector<1x16xf32> to vector<16xf32>
      %swap3A_392 = vector.shape_cast %broadcast_in_dim3A_329 : vector<16xf32> to vector<1x16xf32>
      tpu.vector_store %arg10[%swap3A_388, %swap3A_389], %swap3A_392 {strides = array<i32>} : memref<640x128xf32, #tpu.memory_space<vmem>>, vector<1x16xf32>,
      %mul3A_393 = arith.constant 16 : i32
      %mul3A_394 = arith.muli %mul3A_393, %scan3A_26 : i32
      %add3A_395 = arith.constant 4 : i32
      %add3A_396 = arith.addi %mul3A_394, %add3A_395 : i32
      %swap3A_397 = arith.index_cast %add3A_396 : i32 to index
      %swap3A_398 = arith.constant 112 : index
      %swap3A_399 = tpu.vector_load %arg10[%swap3A_397, %swap3A_398] {strides = array<i32>} : memref<640x128xf32, #tpu.memory_space<vmem>>, vector<1x16xf32>,
      %swap3A_400 = vector.shape_cast %swap3A_399 : vector<1x16xf32> to vector<16xf32>
      %swap3A_401 = vector.shape_cast %broadcast_in_dim3A_329 : vector<16xf32> to vector<1x16xf32>
      tpu.vector_store %arg10[%swap3A_397, %swap3A_398], %swap3A_401 {strides = array<i32>} : memref<640x128xf32, #tpu.memory_space<vmem>>, vector<1x16xf32>,
      %slice3A_402 = vector.extract_strided_slice %get3A_30 {offsets = [5], sizes = [1], strides = [1]} : vector<16xf32> to vector<1xf32>
      %squeeze3A_403 = vector.extract %slice3A_402[0] : f32 from vector<1xf32>
      %broadcast_in_dim3A_404 = vector.broadcast %squeeze3A_403 : f32 to vector<16xf32>
      %mul3A_405 = arith.constant 16 : i32
      %mul3A_406 = arith.muli %mul3A_405, %scan3A_26 : i32
      %add3A_407 = arith.constant 5 : i32
      %add3A_408 = arith.addi %mul3A_406, %add3A_407 : i32
      %swap3A_409 = arith.index_cast %add3A_408 : i32 to index
      %swap3A_410 = arith.constant 0 : index
      %swap3A_411 = tpu.vector_load %arg10[%swap3A_409, %swap3A_410] {strides = array<i32>} : memref<640x128xf32, #tpu.memory_space<vmem>>, vector<1x16xf32>,
      %swap3A_412 = vector.shape_cast %swap3A_411 : vector<1x16xf32> to vector<16xf32>
      %swap3A_413 = vector.shape_cast %broadcast_in_dim3A_404 : vector<16xf32> to vector<1x16xf32>
      tpu.vector_store %arg10[%swap3A_409, %swap3A_410], %swap3A_413 {strides = array<i32>} : memref<640x128xf32, #tpu.memory_space<vmem>>, vector<1x16xf32>,
      %mul3A_414 = arith.constant 16 : i32
      %mul3A_415 = arith.muli %mul3A_414, %scan3A_26 : i32
      %add3A_416 = arith.constant 5 : i32
      %add3A_417 = arith.addi %mul3A_415, %add3A_416 : i32
      %swap3A_418 = arith.index_cast %add3A_417 : i32 to index
      %swap3A_419 = arith.constant 16 : index
      %swap3A_420 = tpu.vector_load %arg10[%swap3A_418, %swap3A_419] {strides = array<i32>} : memref<640x128xf32, #tpu.memory_space<vmem>>, vector<1x16xf32>,
      %swap3A_421 = vector.shape_cast %swap3A_420 : vector<1x16xf32> to vector<16xf32>
      %swap3A_422 = vector.shape_cast %broadcast_in_dim3A_404 : vector<16xf32> to vector<1x16xf32>
      tpu.vector_store %arg10[%swap3A_418, %swap3A_419], %swap3A_422 {strides = array<i32>} : memref<640x128xf32, #tpu.memory_space<vmem>>, vector<1x16xf32>,
      %mul3A_423 = arith.constant 16 : i32
      %mul3A_424 = arith.muli %mul3A_423, %scan3A_26 : i32
      %add3A_425 = arith.constant 5 : i32
      %add3A_426 = arith.addi %mul3A_424, %add3A_425 : i32
      %swap3A_427 = arith.index_cast %add3A_426 : i32 to index
      %swap3A_428 = arith.constant 32 : index
      %swap3A_429 = tpu.vector_load %arg10[%swap3A_427, %swap3A_428] {strides = array<i32>} : memref<640x128xf32, #tpu.memory_space<vmem>>, vector<1x16xf32>,
      %swap3A_430 = vector.shape_cast %swap3A_429 : vector<1x16xf32> to vector<16xf32>
      %swap3A_431 = vector.shape_cast %broadcast_in_dim3A_404 : vector<16xf32> to vector<1x16xf32>
      tpu.vector_store %arg10[%swap3A_427, %swap3A_428], %swap3A_431 {strides = array<i32>} : memref<640x128xf32, #tpu.memory_space<vmem>>, vector<1x16xf32>,
      %mul3A_432 = arith.constant 16 : i32
      %mul3A_433 = arith.muli %mul3A_432, %scan3A_26 : i32
      %add3A_434 = arith.constant 5 : i32
      %add3A_435 = arith.addi %mul3A_433, %add3A_434 : i32
      %swap3A_436 = arith.index_cast %add3A_435 : i32 to index
      %swap3A_437 = arith.constant 48 : index
      %swap3A_438 = tpu.vector_load %arg10[%swap3A_436, %swap3A_437] {strides = array<i32>} : memref<640x128xf32, #tpu.memory_space<vmem>>, vector<1x16xf32>,
      %swap3A_439 = vector.shape_cast %swap3A_438 : vector<1x16xf32> to vector<16xf32>
      %swap3A_440 = vector.shape_cast %broadcast_in_dim3A_404 : vector<16xf32> to vector<1x16xf32>
      tpu.vector_store %arg10[%swap3A_436, %swap3A_437], %swap3A_440 {strides = array<i32>} : memref<640x128xf32, #tpu.memory_space<vmem>>, vector<1x16xf32>,
      %mul3A_441 = arith.constant 16 : i32
      %mul3A_442 = arith.muli %mul3A_441, %scan3A_26 : i32
      %add3A_443 = arith.constant 5 : i32
      %add3A_444 = arith.addi %mul3A_442, %add3A_443 : i32
      %swap3A_445 = arith.index_cast %add3A_444 : i32 to index
      %swap3A_446 = arith.constant 64 : index
      %swap3A_447 = tpu.vector_load %arg10[%swap3A_445, %swap3A_446] {strides = array<i32>} : memref<640x128xf32, #tpu.memory_space<vmem>>, vector<1x16xf32>,
      %swap3A_448 = vector.shape_cast %swap3A_447 : vector<1x16xf32> to vector<16xf32>
      %swap3A_449 = vector.shape_cast %broadcast_in_dim3A_404 : vector<16xf32> to vector<1x16xf32>
      tpu.vector_store %arg10[%swap3A_445, %swap3A_446], %swap3A_449 {strides = array<i32>} : memref<640x128xf32, #tpu.memory_space<vmem>>, vector<1x16xf32>,
      %mul3A_450 = arith.constant 16 : i32
      %mul3A_451 = arith.muli %mul3A_450, %scan3A_26 : i32
      %add3A_452 = arith.constant 5 : i32
      %add3A_453 = arith.addi %mul3A_451, %add3A_452 : i32
      %swap3A_454 = arith.index_cast %add3A_453 : i32 to index
      %swap3A_455 = arith.constant 80 : index
      %swap3A_456 = tpu.vector_load %arg10[%swap3A_454, %swap3A_455] {strides = array<i32>} : memref<640x128xf32, #tpu.memory_space<vmem>>, vector<1x16xf32>,
      %swap3A_457 = vector.shape_cast %swap3A_456 : vector<1x16xf32> to vector<16xf32>
      %swap3A_458 = vector.shape_cast %broadcast_in_dim3A_404 : vector<16xf32> to vector<1x16xf32>
      tpu.vector_store %arg10[%swap3A_454, %swap3A_455], %swap3A_458 {strides = array<i32>} : memref<640x128xf32, #tpu.memory_space<vmem>>, vector<1x16xf32>,
      %mul3A_459 = arith.constant 16 : i32
      %mul3A_460 = arith.muli %mul3A_459, %scan3A_26 : i32
      %add3A_461 = arith.constant 5 : i32
      %add3A_462 = arith.addi %mul3A_460, %add3A_461 : i32
      %swap3A_463 = arith.index_cast %add3A_462 : i32 to index
      %swap3A_464 = arith.constant 96 : index
      %swap3A_465 = tpu.vector_load %arg10[%swap3A_463, %swap3A_464] {strides = array<i32>} : memref<640x128xf32, #tpu.memory_space<vmem>>, vector<1x16xf32>,
      %swap3A_466 = vector.shape_cast %swap3A_465 : vector<1x16xf32> to vector<16xf32>
      %swap3A_467 = vector.shape_cast %broadcast_in_dim3A_404 : vector<16xf32> to vector<1x16xf32>
      tpu.vector_store %arg10[%swap3A_463, %swap3A_464], %swap3A_467 {strides = array<i32>} : memref<640x128xf32, #tpu.memory_space<vmem>>, vector<1x16xf32>,
      %mul3A_468 = arith.constant 16 : i32
      %mul3A_469 = arith.muli %mul3A_468, %scan3A_26 : i32
      %add3A_470 = arith.constant 5 : i32
      %add3A_471 = arith.addi %mul3A_469, %add3A_470 : i32
      %swap3A_472 = arith.index_cast %add3A_471 : i32 to index
      %swap3A_473 = arith.constant 112 : index
      %swap3A_474 = tpu.vector_load %arg10[%swap3A_472, %swap3A_473] {strides = array<i32>} : memref<640x128xf32, #tpu.memory_space<vmem>>, vector<1x16xf32>,
      %swap3A_475 = vector.shape_cast %swap3A_474 : vector<1x16xf32> to vector<16xf32>
      %swap3A_476 = vector.shape_cast %broadcast_in_dim3A_404 : vector<16xf32> to vector<1x16xf32>
      tpu.vector_store %arg10[%swap3A_472, %swap3A_473], %swap3A_476 {strides = array<i32>} : memref<640x128xf32, #tpu.memory_space<vmem>>, vector<1x16xf32>,
      %slice3A_477 = vector.extract_strided_slice %get3A_30 {offsets = [6], sizes = [1], strides = [1]} : vector<16xf32> to vector<1xf32>
      %squeeze3A_478 = vector.extract %slice3A_477[0] : f32 from vector<1xf32>
      %broadcast_in_dim3A_479 = vector.broadcast %squeeze3A_478 : f32 to vector<16xf32>
      %mul3A_480 = arith.constant 16 : i32
      %mul3A_481 = arith.muli %mul3A_480, %scan3A_26 : i32
      %add3A_482 = arith.constant 6 : i32
      %add3A_483 = arith.addi %mul3A_481, %add3A_482 : i32
      %swap3A_484 = arith.index_cast %add3A_483 : i32 to index
      %swap3A_485 = arith.constant 0 : index
      %swap3A_486 = tpu.vector_load %arg10[%swap3A_484, %swap3A_485] {strides = array<i32>} : memref<640x128xf32, #tpu.memory_space<vmem>>, vector<1x16xf32>,
      %swap3A_487 = vector.shape_cast %swap3A_486 : vector<1x16xf32> to vector<16xf32>
      %swap3A_488 = vector.shape_cast %broadcast_in_dim3A_479 : vector<16xf32> to vector<1x16xf32>
      tpu.vector_store %arg10[%swap3A_484, %swap3A_485], %swap3A_488 {strides = array<i32>} : memref<640x128xf32, #tpu.memory_space<vmem>>, vector<1x16xf32>,
      %mul3A_489 = arith.constant 16 : i32
      %mul3A_490 = arith.muli %mul3A_489, %scan3A_26 : i32
      %add3A_491 = arith.constant 6 : i32
      %add3A_492 = arith.addi %mul3A_490, %add3A_491 : i32
      %swap3A_493 = arith.index_cast %add3A_492 : i32 to index
      %swap3A_494 = arith.constant 16 : index
      %swap3A_495 = tpu.vector_load %arg10[%swap3A_493, %swap3A_494] {strides = array<i32>} : memref<640x128xf32, #tpu.memory_space<vmem>>, vector<1x16xf32>,
      %swap3A_496 = vector.shape_cast %swap3A_495 : vector<1x16xf32> to vector<16xf32>
      %swap3A_497 = vector.shape_cast %broadcast_in_dim3A_479 : vector<16xf32> to vector<1x16xf32>
      tpu.vector_store %arg10[%swap3A_493, %swap3A_494], %swap3A_497 {strides = array<i32>} : memref<640x128xf32, #tpu.memory_space<vmem>>, vector<1x16xf32>,
      %mul3A_498 = arith.constant 16 : i32
      %mul3A_499 = arith.muli %mul3A_498, %scan3A_26 : i32
      %add3A_500 = arith.constant 6 : i32
      %add3A_501 = arith.addi %mul3A_499, %add3A_500 : i32
      %swap3A_502 = arith.index_cast %add3A_501 : i32 to index
      %swap3A_503 = arith.constant 32 : index
      %swap3A_504 = tpu.vector_load %arg10[%swap3A_502, %swap3A_503] {strides = array<i32>} : memref<640x128xf32, #tpu.memory_space<vmem>>, vector<1x16xf32>,
      %swap3A_505 = vector.shape_cast %swap3A_504 : vector<1x16xf32> to vector<16xf32>
      %swap3A_506 = vector.shape_cast %broadcast_in_dim3A_479 : vector<16xf32> to vector<1x16xf32>
      tpu.vector_store %arg10[%swap3A_502, %swap3A_503], %swap3A_506 {strides = array<i32>} : memref<640x128xf32, #tpu.memory_space<vmem>>, vector<1x16xf32>,
      %mul3A_507 = arith.constant 16 : i32
      %mul3A_508 = arith.muli %mul3A_507, %scan3A_26 : i32
      %add3A_509 = arith.constant 6 : i32
      %add3A_510 = arith.addi %mul3A_508, %add3A_509 : i32
      %swap3A_511 = arith.index_cast %add3A_510 : i32 to index
      %swap3A_512 = arith.constant 48 : index
      %swap3A_513 = tpu.vector_load %arg10[%swap3A_511, %swap3A_512] {strides = array<i32>} : memref<640x128xf32, #tpu.memory_space<vmem>>, vector<1x16xf32>,
      %swap3A_514 = vector.shape_cast %swap3A_513 : vector<1x16xf32> to vector<16xf32>
      %swap3A_515 = vector.shape_cast %broadcast_in_dim3A_479 : vector<16xf32> to vector<1x16xf32>
      tpu.vector_store %arg10[%swap3A_511, %swap3A_512], %swap3A_515 {strides = array<i32>} : memref<640x128xf32, #tpu.memory_space<vmem>>, vector<1x16xf32>,
      %mul3A_516 = arith.constant 16 : i32
      %mul3A_517 = arith.muli %mul3A_516, %scan3A_26 : i32
      %add3A_518 = arith.constant 6 : i32
      %add3A_519 = arith.addi %mul3A_517, %add3A_518 : i32
      %swap3A_520 = arith.index_cast %add3A_519 : i32 to index
      %swap3A_521 = arith.constant 64 : index
      %swap3A_522 = tpu.vector_load %arg10[%swap3A_520, %swap3A_521] {strides = array<i32>} : memref<640x128xf32, #tpu.memory_space<vmem>>, vector<1x16xf32>,
      %swap3A_523 = vector.shape_cast %swap3A_522 : vector<1x16xf32> to vector<16xf32>
      %swap3A_524 = vector.shape_cast %broadcast_in_dim3A_479 : vector<16xf32> to vector<1x16xf32>
      tpu.vector_store %arg10[%swap3A_520, %swap3A_521], %swap3A_524 {strides = array<i32>} : memref<640x128xf32, #tpu.memory_space<vmem>>, vector<1x16xf32>,
      %mul3A_525 = arith.constant 16 : i32
      %mul3A_526 = arith.muli %mul3A_525, %scan3A_26 : i32
      %add3A_527 = arith.constant 6 : i32
      %add3A_528 = arith.addi %mul3A_526, %add3A_527 : i32
      %swap3A_529 = arith.index_cast %add3A_528 : i32 to index
      %swap3A_530 = arith.constant 80 : index
      %swap3A_531 = tpu.vector_load %arg10[%swap3A_529, %swap3A_530] {strides = array<i32>} : memref<640x128xf32, #tpu.memory_space<vmem>>, vector<1x16xf32>,
      %swap3A_532 = vector.shape_cast %swap3A_531 : vector<1x16xf32> to vector<16xf32>
      %swap3A_533 = vector.shape_cast %broadcast_in_dim3A_479 : vector<16xf32> to vector<1x16xf32>
      tpu.vector_store %arg10[%swap3A_529, %swap3A_530], %swap3A_533 {strides = array<i32>} : memref<640x128xf32, #tpu.memory_space<vmem>>, vector<1x16xf32>,
      %mul3A_534 = arith.constant 16 : i32
      %mul3A_535 = arith.muli %mul3A_534, %scan3A_26 : i32
      %add3A_536 = arith.constant 6 : i32
      %add3A_537 = arith.addi %mul3A_535, %add3A_536 : i32
      %swap3A_538 = arith.index_cast %add3A_537 : i32 to index
      %swap3A_539 = arith.constant 96 : index
      %swap3A_540 = tpu.vector_load %arg10[%swap3A_538, %swap3A_539] {strides = array<i32>} : memref<640x128xf32, #tpu.memory_space<vmem>>, vector<1x16xf32>,
      %swap3A_541 = vector.shape_cast %swap3A_540 : vector<1x16xf32> to vector<16xf32>
      %swap3A_542 = vector.shape_cast %broadcast_in_dim3A_479 : vector<16xf32> to vector<1x16xf32>
      tpu.vector_store %arg10[%swap3A_538, %swap3A_539], %swap3A_542 {strides = array<i32>} : memref<640x128xf32, #tpu.memory_space<vmem>>, vector<1x16xf32>,
      %mul3A_543 = arith.constant 16 : i32
      %mul3A_544 = arith.muli %mul3A_543, %scan3A_26 : i32
      %add3A_545 = arith.constant 6 : i32
      %add3A_546 = arith.addi %mul3A_544, %add3A_545 : i32
      %swap3A_547 = arith.index_cast %add3A_546 : i32 to index
      %swap3A_548 = arith.constant 112 : index
      %swap3A_549 = tpu.vector_load %arg10[%swap3A_547, %swap3A_548] {strides = array<i32>} : memref<640x128xf32, #tpu.memory_space<vmem>>, vector<1x16xf32>,
      %swap3A_550 = vector.shape_cast %swap3A_549 : vector<1x16xf32> to vector<16xf32>
      %swap3A_551 = vector.shape_cast %broadcast_in_dim3A_479 : vector<16xf32> to vector<1x16xf32>
      tpu.vector_store %arg10[%swap3A_547, %swap3A_548], %swap3A_551 {strides = array<i32>} : memref<640x128xf32, #tpu.memory_space<vmem>>, vector<1x16xf32>,
      %slice3A_552 = vector.extract_strided_slice %get3A_30 {offsets = [7], sizes = [1], strides = [1]} : vector<16xf32> to vector<1xf32>
      %squeeze3A_553 = vector.extract %slice3A_552[0] : f32 from vector<1xf32>
      %broadcast_in_dim3A_554 = vector.broadcast %squeeze3A_553 : f32 to vector<16xf32>
      %mul3A_555 = arith.constant 16 : i32
      %mul3A_556 = arith.muli %mul3A_555, %scan3A_26 : i32
      %add3A_557 = arith.constant 7 : i32
      %add3A_558 = arith.addi %mul3A_556, %add3A_557 : i32
      %swap3A_559 = arith.index_cast %add3A_558 : i32 to index
      %swap3A_560 = arith.constant 0 : index
      %swap3A_561 = tpu.vector_load %arg10[%swap3A_559, %swap3A_560] {strides = array<i32>} : memref<640x128xf32, #tpu.memory_space<vmem>>, vector<1x16xf32>,
      %swap3A_562 = vector.shape_cast %swap3A_561 : vector<1x16xf32> to vector<16xf32>
      %swap3A_563 = vector.shape_cast %broadcast_in_dim3A_554 : vector<16xf32> to vector<1x16xf32>
      tpu.vector_store %arg10[%swap3A_559, %swap3A_560], %swap3A_563 {strides = array<i32>} : memref<640x128xf32, #tpu.memory_space<vmem>>, vector<1x16xf32>,
      %mul3A_564 = arith.constant 16 : i32
      %mul3A_565 = arith.muli %mul3A_564, %scan3A_26 : i32
      %add3A_566 = arith.constant 7 : i32
      %add3A_567 = arith.addi %mul3A_565, %add3A_566 : i32
      %swap3A_568 = arith.index_cast %add3A_567 : i32 to index
      %swap3A_569 = arith.constant 16 : index
      %swap3A_570 = tpu.vector_load %arg10[%swap3A_568, %swap3A_569] {strides = array<i32>} : memref<640x128xf32, #tpu.memory_space<vmem>>, vector<1x16xf32>,
      %swap3A_571 = vector.shape_cast %swap3A_570 : vector<1x16xf32> to vector<16xf32>
      %swap3A_572 = vector.shape_cast %broadcast_in_dim3A_554 : vector<16xf32> to vector<1x16xf32>
      tpu.vector_store %arg10[%swap3A_568, %swap3A_569], %swap3A_572 {strides = array<i32>} : memref<640x128xf32, #tpu.memory_space<vmem>>, vector<1x16xf32>,
      %mul3A_573 = arith.constant 16 : i32
      %mul3A_574 = arith.muli %mul3A_573, %scan3A_26 : i32
      %add3A_575 = arith.constant 7 : i32
      %add3A_576 = arith.addi %mul3A_574, %add3A_575 : i32
      %swap3A_577 = arith.index_cast %add3A_576 : i32 to index
      %swap3A_578 = arith.constant 32 : index
      %swap3A_579 = tpu.vector_load %arg10[%swap3A_577, %swap3A_578] {strides = array<i32>} : memref<640x128xf32, #tpu.memory_space<vmem>>, vector<1x16xf32>,
      %swap3A_580 = vector.shape_cast %swap3A_579 : vector<1x16xf32> to vector<16xf32>
      %swap3A_581 = vector.shape_cast %broadcast_in_dim3A_554 : vector<16xf32> to vector<1x16xf32>
      tpu.vector_store %arg10[%swap3A_577, %swap3A_578], %swap3A_581 {strides = array<i32>} : memref<640x128xf32, #tpu.memory_space<vmem>>, vector<1x16xf32>,
      %mul3A_582 = arith.constant 16 : i32
      %mul3A_583 = arith.muli %mul3A_582, %scan3A_26 : i32
      %add3A_584 = arith.constant 7 : i32
      %add3A_585 = arith.addi %mul3A_583, %add3A_584 : i32
      %swap3A_586 = arith.index_cast %add3A_585 : i32 to index
      %swap3A_587 = arith.constant 48 : index
      %swap3A_588 = tpu.vector_load %arg10[%swap3A_586, %swap3A_587] {strides = array<i32>} : memref<640x128xf32, #tpu.memory_space<vmem>>, vector<1x16xf32>,
      %swap3A_589 = vector.shape_cast %swap3A_588 : vector<1x16xf32> to vector<16xf32>
      %swap3A_590 = vector.shape_cast %broadcast_in_dim3A_554 : vector<16xf32> to vector<1x16xf32>
      tpu.vector_store %arg10[%swap3A_586, %swap3A_587], %swap3A_590 {strides = array<i32>} : memref<640x128xf32, #tpu.memory_space<vmem>>, vector<1x16xf32>,
      %mul3A_591 = arith.constant 16 : i32
      %mul3A_592 = arith.muli %mul3A_591, %scan3A_26 : i32
      %add3A_593 = arith.constant 7 : i32
      %add3A_594 = arith.addi %mul3A_592, %add3A_593 : i32
      %swap3A_595 = arith.index_cast %add3A_594 : i32 to index
      %swap3A_596 = arith.constant 64 : index
      %swap3A_597 = tpu.vector_load %arg10[%swap3A_595, %swap3A_596] {strides = array<i32>} : memref<640x128xf32, #tpu.memory_space<vmem>>, vector<1x16xf32>,
      %swap3A_598 = vector.shape_cast %swap3A_597 : vector<1x16xf32> to vector<16xf32>
      %swap3A_599 = vector.shape_cast %broadcast_in_dim3A_554 : vector<16xf32> to vector<1x16xf32>
      tpu.vector_store %arg10[%swap3A_595, %swap3A_596], %swap3A_599 {strides = array<i32>} : memref<640x128xf32, #tpu.memory_space<vmem>>, vector<1x16xf32>,
      %mul3A_600 = arith.constant 16 : i32
      %mul3A_601 = arith.muli %mul3A_600, %scan3A_26 : i32
      %add3A_602 = arith.constant 7 : i32
      %add3A_603 = arith.addi %mul3A_601, %add3A_602 : i32
      %swap3A_604 = arith.index_cast %add3A_603 : i32 to index
      %swap3A_605 = arith.constant 80 : index
      %swap3A_606 = tpu.vector_load %arg10[%swap3A_604, %swap3A_605] {strides = array<i32>} : memref<640x128xf32, #tpu.memory_space<vmem>>, vector<1x16xf32>,
      %swap3A_607 = vector.shape_cast %swap3A_606 : vector<1x16xf32> to vector<16xf32>
      %swap3A_608 = vector.shape_cast %broadcast_in_dim3A_554 : vector<16xf32> to vector<1x16xf32>
      tpu.vector_store %arg10[%swap3A_604, %swap3A_605], %swap3A_608 {strides = array<i32>} : memref<640x128xf32, #tpu.memory_space<vmem>>, vector<1x16xf32>,
      %mul3A_609 = arith.constant 16 : i32
      %mul3A_610 = arith.muli %mul3A_609, %scan3A_26 : i32
      %add3A_611 = arith.constant 7 : i32
      %add3A_612 = arith.addi %mul3A_610, %add3A_611 : i32
      %swap3A_613 = arith.index_cast %add3A_612 : i32 to index
      %swap3A_614 = arith.constant 96 : index
      %swap3A_615 = tpu.vector_load %arg10[%swap3A_613, %swap3A_614] {strides = array<i32>} : memref<640x128xf32, #tpu.memory_space<vmem>>, vector<1x16xf32>,
      %swap3A_616 = vector.shape_cast %swap3A_615 : vector<1x16xf32> to vector<16xf32>
      %swap3A_617 = vector.shape_cast %broadcast_in_dim3A_554 : vector<16xf32> to vector<1x16xf32>
      tpu.vector_store %arg10[%swap3A_613, %swap3A_614], %swap3A_617 {strides = array<i32>} : memref<640x128xf32, #tpu.memory_space<vmem>>, vector<1x16xf32>,
      %mul3A_618 = arith.constant 16 : i32
      %mul3A_619 = arith.muli %mul3A_618, %scan3A_26 : i32
      %add3A_620 = arith.constant 7 : i32
      %add3A_621 = arith.addi %mul3A_619, %add3A_620 : i32
      %swap3A_622 = arith.index_cast %add3A_621 : i32 to index
      %swap3A_623 = arith.constant 112 : index
      %swap3A_624 = tpu.vector_load %arg10[%swap3A_622, %swap3A_623] {strides = array<i32>} : memref<640x128xf32, #tpu.memory_space<vmem>>, vector<1x16xf32>,
      %swap3A_625 = vector.shape_cast %swap3A_624 : vector<1x16xf32> to vector<16xf32>
      %swap3A_626 = vector.shape_cast %broadcast_in_dim3A_554 : vector<16xf32> to vector<1x16xf32>
      tpu.vector_store %arg10[%swap3A_622, %swap3A_623], %swap3A_626 {strides = array<i32>} : memref<640x128xf32, #tpu.memory_space<vmem>>, vector<1x16xf32>,
      %slice3A_627 = vector.extract_strided_slice %get3A_30 {offsets = [8], sizes = [1], strides = [1]} : vector<16xf32> to vector<1xf32>
      %squeeze3A_628 = vector.extract %slice3A_627[0] : f32 from vector<1xf32>
      %broadcast_in_dim3A_629 = vector.broadcast %squeeze3A_628 : f32 to vector<16xf32>
      %mul3A_630 = arith.constant 16 : i32
      %mul3A_631 = arith.muli %mul3A_630, %scan3A_26 : i32
      %add3A_632 = arith.constant 8 : i32
      %add3A_633 = arith.addi %mul3A_631, %add3A_632 : i32
      %swap3A_634 = arith.index_cast %add3A_633 : i32 to index
      %swap3A_635 = arith.constant 0 : index
      %swap3A_636 = tpu.vector_load %arg10[%swap3A_634, %swap3A_635] {strides = array<i32>} : memref<640x128xf32, #tpu.memory_space<vmem>>, vector<1x16xf32>,
      %swap3A_637 = vector.shape_cast %swap3A_636 : vector<1x16xf32> to vector<16xf32>
      %swap3A_638 = vector.shape_cast %broadcast_in_dim3A_629 : vector<16xf32> to vector<1x16xf32>
      tpu.vector_store %arg10[%swap3A_634, %swap3A_635], %swap3A_638 {strides = array<i32>} : memref<640x128xf32, #tpu.memory_space<vmem>>, vector<1x16xf32>,
      %mul3A_639 = arith.constant 16 : i32
      %mul3A_640 = arith.muli %mul3A_639, %scan3A_26 : i32
      %add3A_641 = arith.constant 8 : i32
      %add3A_642 = arith.addi %mul3A_640, %add3A_641 : i32
      %swap3A_643 = arith.index_cast %add3A_642 : i32 to index
      %swap3A_644 = arith.constant 16 : index
      %swap3A_645 = tpu.vector_load %arg10[%swap3A_643, %swap3A_644] {strides = array<i32>} : memref<640x128xf32, #tpu.memory_space<vmem>>, vector<1x16xf32>,
      %swap3A_646 = vector.shape_cast %swap3A_645 : vector<1x16xf32> to vector<16xf32>
      %swap3A_647 = vector.shape_cast %broadcast_in_dim3A_629 : vector<16xf32> to vector<1x16xf32>
      tpu.vector_store %arg10[%swap3A_643, %swap3A_644], %swap3A_647 {strides = array<i32>} : memref<640x128xf32, #tpu.memory_space<vmem>>, vector<1x16xf32>,
      %mul3A_648 = arith.constant 16 : i32
      %mul3A_649 = arith.muli %mul3A_648, %scan3A_26 : i32
      %add3A_650 = arith.constant 8 : i32
      %add3A_651 = arith.addi %mul3A_649, %add3A_650 : i32
      %swap3A_652 = arith.index_cast %add3A_651 : i32 to index
      %swap3A_653 = arith.constant 32 : index
      %swap3A_654 = tpu.vector_load %arg10[%swap3A_652, %swap3A_653] {strides = array<i32>} : memref<640x128xf32, #tpu.memory_space<vmem>>, vector<1x16xf32>,
      %swap3A_655 = vector.shape_cast %swap3A_654 : vector<1x16xf32> to vector<16xf32>
      %swap3A_656 = vector.shape_cast %broadcast_in_dim3A_629 : vector<16xf32> to vector<1x16xf32>
      tpu.vector_store %arg10[%swap3A_652, %swap3A_653], %swap3A_656 {strides = array<i32>} : memref<640x128xf32, #tpu.memory_space<vmem>>, vector<1x16xf32>,
      %mul3A_657 = arith.constant 16 : i32
      %mul3A_658 = arith.muli %mul3A_657, %scan3A_26 : i32
      %add3A_659 = arith.constant 8 : i32
      %add3A_660 = arith.addi %mul3A_658, %add3A_659 : i32
      %swap3A_661 = arith.index_cast %add3A_660 : i32 to index
      %swap3A_662 = arith.constant 48 : index
      %swap3A_663 = tpu.vector_load %arg10[%swap3A_661, %swap3A_662] {strides = array<i32>} : memref<640x128xf32, #tpu.memory_space<vmem>>, vector<1x16xf32>,
      %swap3A_664 = vector.shape_cast %swap3A_663 : vector<1x16xf32> to vector<16xf32>
      %swap3A_665 = vector.shape_cast %broadcast_in_dim3A_629 : vector<16xf32> to vector<1x16xf32>
      tpu.vector_store %arg10[%swap3A_661, %swap3A_662], %swap3A_665 {strides = array<i32>} : memref<640x128xf32, #tpu.memory_space<vmem>>, vector<1x16xf32>,
      %mul3A_666 = arith.constant 16 : i32
      %mul3A_667 = arith.muli %mul3A_666, %scan3A_26 : i32
      %add3A_668 = arith.constant 8 : i32
      %add3A_669 = arith.addi %mul3A_667, %add3A_668 : i32
      %swap3A_670 = arith.index_cast %add3A_669 : i32 to index
      %swap3A_671 = arith.constant 64 : index
      %swap3A_672 = tpu.vector_load %arg10[%swap3A_670, %swap3A_671] {strides = array<i32>} : memref<640x128xf32, #tpu.memory_space<vmem>>, vector<1x16xf32>,
      %swap3A_673 = vector.shape_cast %swap3A_672 : vector<1x16xf32> to vector<16xf32>
      %swap3A_674 = vector.shape_cast %broadcast_in_dim3A_629 : vector<16xf32> to vector<1x16xf32>
      tpu.vector_store %arg10[%swap3A_670, %swap3A_671], %swap3A_674 {strides = array<i32>} : memref<640x128xf32, #tpu.memory_space<vmem>>, vector<1x16xf32>,
      %mul3A_675 = arith.constant 16 : i32
      %mul3A_676 = arith.muli %mul3A_675, %scan3A_26 : i32
      %add3A_677 = arith.constant 8 : i32
      %add3A_678 = arith.addi %mul3A_676, %add3A_677 : i32
      %swap3A_679 = arith.index_cast %add3A_678 : i32 to index
      %swap3A_680 = arith.constant 80 : index
      %swap3A_681 = tpu.vector_load %arg10[%swap3A_679, %swap3A_680] {strides = array<i32>} : memref<640x128xf32, #tpu.memory_space<vmem>>, vector<1x16xf32>,
      %swap3A_682 = vector.shape_cast %swap3A_681 : vector<1x16xf32> to vector<16xf32>
      %swap3A_683 = vector.shape_cast %broadcast_in_dim3A_629 : vector<16xf32> to vector<1x16xf32>
      tpu.vector_store %arg10[%swap3A_679, %swap3A_680], %swap3A_683 {strides = array<i32>} : memref<640x128xf32, #tpu.memory_space<vmem>>, vector<1x16xf32>,
      %mul3A_684 = arith.constant 16 : i32
      %mul3A_685 = arith.muli %mul3A_684, %scan3A_26 : i32
      %add3A_686 = arith.constant 8 : i32
      %add3A_687 = arith.addi %mul3A_685, %add3A_686 : i32
      %swap3A_688 = arith.index_cast %add3A_687 : i32 to index
      %swap3A_689 = arith.constant 96 : index
      %swap3A_690 = tpu.vector_load %arg10[%swap3A_688, %swap3A_689] {strides = array<i32>} : memref<640x128xf32, #tpu.memory_space<vmem>>, vector<1x16xf32>,
      %swap3A_691 = vector.shape_cast %swap3A_690 : vector<1x16xf32> to vector<16xf32>
      %swap3A_692 = vector.shape_cast %broadcast_in_dim3A_629 : vector<16xf32> to vector<1x16xf32>
      tpu.vector_store %arg10[%swap3A_688, %swap3A_689], %swap3A_692 {strides = array<i32>} : memref<640x128xf32, #tpu.memory_space<vmem>>, vector<1x16xf32>,
      %mul3A_693 = arith.constant 16 : i32
      %mul3A_694 = arith.muli %mul3A_693, %scan3A_26 : i32
      %add3A_695 = arith.constant 8 : i32
      %add3A_696 = arith.addi %mul3A_694, %add3A_695 : i32
      %swap3A_697 = arith.index_cast %add3A_696 : i32 to index
      %swap3A_698 = arith.constant 112 : index
      %swap3A_699 = tpu.vector_load %arg10[%swap3A_697, %swap3A_698] {strides = array<i32>} : memref<640x128xf32, #tpu.memory_space<vmem>>, vector<1x16xf32>,
      %swap3A_700 = vector.shape_cast %swap3A_699 : vector<1x16xf32> to vector<16xf32>
      %swap3A_701 = vector.shape_cast %broadcast_in_dim3A_629 : vector<16xf32> to vector<1x16xf32>
      tpu.vector_store %arg10[%swap3A_697, %swap3A_698], %swap3A_701 {strides = array<i32>} : memref<640x128xf32, #tpu.memory_space<vmem>>, vector<1x16xf32>,
      %slice3A_702 = vector.extract_strided_slice %get3A_30 {offsets = [9], sizes = [1], strides = [1]} : vector<16xf32> to vector<1xf32>
      %squeeze3A_703 = vector.extract %slice3A_702[0] : f32 from vector<1xf32>
      %broadcast_in_dim3A_704 = vector.broadcast %squeeze3A_703 : f32 to vector<16xf32>
      %mul3A_705 = arith.constant 16 : i32
      %mul3A_706 = arith.muli %mul3A_705, %scan3A_26 : i32
      %add3A_707 = arith.constant 9 : i32
      %add3A_708 = arith.addi %mul3A_706, %add3A_707 : i32
      %swap3A_709 = arith.index_cast %add3A_708 : i32 to index
      %swap3A_710 = arith.constant 0 : index
      %swap3A_711 = tpu.vector_load %arg10[%swap3A_709, %swap3A_710] {strides = array<i32>} : memref<640x128xf32, #tpu.memory_space<vmem>>, vector<1x16xf32>,
      %swap3A_712 = vector.shape_cast %swap3A_711 : vector<1x16xf32> to vector<16xf32>
      %swap3A_713 = vector.shape_cast %broadcast_in_dim3A_704 : vector<16xf32> to vector<1x16xf32>
      tpu.vector_store %arg10[%swap3A_709, %swap3A_710], %swap3A_713 {strides = array<i32>} : memref<640x128xf32, #tpu.memory_space<vmem>>, vector<1x16xf32>,
      %mul3A_714 = arith.constant 16 : i32
      %mul3A_715 = arith.muli %mul3A_714, %scan3A_26 : i32
      %add3A_716 = arith.constant 9 : i32
      %add3A_717 = arith.addi %mul3A_715, %add3A_716 : i32
      %swap3A_718 = arith.index_cast %add3A_717 : i32 to index
      %swap3A_719 = arith.constant 16 : index
      %swap3A_720 = tpu.vector_load %arg10[%swap3A_718, %swap3A_719] {strides = array<i32>} : memref<640x128xf32, #tpu.memory_space<vmem>>, vector<1x16xf32>,
      %swap3A_721 = vector.shape_cast %swap3A_720 : vector<1x16xf32> to vector<16xf32>
      %swap3A_722 = vector.shape_cast %broadcast_in_dim3A_704 : vector<16xf32> to vector<1x16xf32>
      tpu.vector_store %arg10[%swap3A_718, %swap3A_719], %swap3A_722 {strides = array<i32>} : memref<640x128xf32, #tpu.memory_space<vmem>>, vector<1x16xf32>,
      %mul3A_723 = arith.constant 16 : i32
      %mul3A_724 = arith.muli %mul3A_723, %scan3A_26 : i32
      %add3A_725 = arith.constant 9 : i32
      %add3A_726 = arith.addi %mul3A_724, %add3A_725 : i32
      %swap3A_727 = arith.index_cast %add3A_726 : i32 to index
      %swap3A_728 = arith.constant 32 : index
      %swap3A_729 = tpu.vector_load %arg10[%swap3A_727, %swap3A_728] {strides = array<i32>} : memref<640x128xf32, #tpu.memory_space<vmem>>, vector<1x16xf32>,
      %swap3A_730 = vector.shape_cast %swap3A_729 : vector<1x16xf32> to vector<16xf32>
      %swap3A_731 = vector.shape_cast %broadcast_in_dim3A_704 : vector<16xf32> to vector<1x16xf32>
      tpu.vector_store %arg10[%swap3A_727, %swap3A_728], %swap3A_731 {strides = array<i32>} : memref<640x128xf32, #tpu.memory_space<vmem>>, vector<1x16xf32>,
      %mul3A_732 = arith.constant 16 : i32
      %mul3A_733 = arith.muli %mul3A_732, %scan3A_26 : i32
      %add3A_734 = arith.constant 9 : i32
      %add3A_735 = arith.addi %mul3A_733, %add3A_734 : i32
      %swap3A_736 = arith.index_cast %add3A_735 : i32 to index
      %swap3A_737 = arith.constant 48 : index
      %swap3A_738 = tpu.vector_load %arg10[%swap3A_736, %swap3A_737] {strides = array<i32>} : memref<640x128xf32, #tpu.memory_space<vmem>>, vector<1x16xf32>,
      %swap3A_739 = vector.shape_cast %swap3A_738 : vector<1x16xf32> to vector<16xf32>
      %swap3A_740 = vector.shape_cast %broadcast_in_dim3A_704 : vector<16xf32> to vector<1x16xf32>
      tpu.vector_store %arg10[%swap3A_736, %swap3A_737], %swap3A_740 {strides = array<i32>} : memref<640x128xf32, #tpu.memory_space<vmem>>, vector<1x16xf32>,
      %mul3A_741 = arith.constant 16 : i32
      %mul3A_742 = arith.muli %mul3A_741, %scan3A_26 : i32
      %add3A_743 = arith.constant 9 : i32
      %add3A_744 = arith.addi %mul3A_742, %add3A_743 : i32
      %swap3A_745 = arith.index_cast %add3A_744 : i32 to index
      %swap3A_746 = arith.constant 64 : index
      %swap3A_747 = tpu.vector_load %arg10[%swap3A_745, %swap3A_746] {strides = array<i32>} : memref<640x128xf32, #tpu.memory_space<vmem>>, vector<1x16xf32>,
      %swap3A_748 = vector.shape_cast %swap3A_747 : vector<1x16xf32> to vector<16xf32>
      %swap3A_749 = vector.shape_cast %broadcast_in_dim3A_704 : vector<16xf32> to vector<1x16xf32>
      tpu.vector_store %arg10[%swap3A_745, %swap3A_746], %swap3A_749 {strides = array<i32>} : memref<640x128xf32, #tpu.memory_space<vmem>>, vector<1x16xf32>,
      %mul3A_750 = arith.constant 16 : i32
      %mul3A_751 = arith.muli %mul3A_750, %scan3A_26 : i32
      %add3A_752 = arith.constant 9 : i32
      %add3A_753 = arith.addi %mul3A_751, %add3A_752 : i32
      %swap3A_754 = arith.index_cast %add3A_753 : i32 to index
      %swap3A_755 = arith.constant 80 : index
      %swap3A_756 = tpu.vector_load %arg10[%swap3A_754, %swap3A_755] {strides = array<i32>} : memref<640x128xf32, #tpu.memory_space<vmem>>, vector<1x16xf32>,
      %swap3A_757 = vector.shape_cast %swap3A_756 : vector<1x16xf32> to vector<16xf32>
      %swap3A_758 = vector.shape_cast %broadcast_in_dim3A_704 : vector<16xf32> to vector<1x16xf32>
      tpu.vector_store %arg10[%swap3A_754, %swap3A_755], %swap3A_758 {strides = array<i32>} : memref<640x128xf32, #tpu.memory_space<vmem>>, vector<1x16xf32>,
      %mul3A_759 = arith.constant 16 : i32
      %mul3A_760 = arith.muli %mul3A_759, %scan3A_26 : i32
      %add3A_761 = arith.constant 9 : i32
      %add3A_762 = arith.addi %mul3A_760, %add3A_761 : i32
      %swap3A_763 = arith.index_cast %add3A_762 : i32 to index
      %swap3A_764 = arith.constant 96 : index
      %swap3A_765 = tpu.vector_load %arg10[%swap3A_763, %swap3A_764] {strides = array<i32>} : memref<640x128xf32, #tpu.memory_space<vmem>>, vector<1x16xf32>,
      %swap3A_766 = vector.shape_cast %swap3A_765 : vector<1x16xf32> to vector<16xf32>
      %swap3A_767 = vector.shape_cast %broadcast_in_dim3A_704 : vector<16xf32> to vector<1x16xf32>
      tpu.vector_store %arg10[%swap3A_763, %swap3A_764], %swap3A_767 {strides = array<i32>} : memref<640x128xf32, #tpu.memory_space<vmem>>, vector<1x16xf32>,
      %mul3A_768 = arith.constant 16 : i32
      %mul3A_769 = arith.muli %mul3A_768, %scan3A_26 : i32
      %add3A_770 = arith.constant 9 : i32
      %add3A_771 = arith.addi %mul3A_769, %add3A_770 : i32
      %swap3A_772 = arith.index_cast %add3A_771 : i32 to index
      %swap3A_773 = arith.constant 112 : index
      %swap3A_774 = tpu.vector_load %arg10[%swap3A_772, %swap3A_773] {strides = array<i32>} : memref<640x128xf32, #tpu.memory_space<vmem>>, vector<1x16xf32>,
      %swap3A_775 = vector.shape_cast %swap3A_774 : vector<1x16xf32> to vector<16xf32>
      %swap3A_776 = vector.shape_cast %broadcast_in_dim3A_704 : vector<16xf32> to vector<1x16xf32>
      tpu.vector_store %arg10[%swap3A_772, %swap3A_773], %swap3A_776 {strides = array<i32>} : memref<640x128xf32, #tpu.memory_space<vmem>>, vector<1x16xf32>,
      %slice3A_777 = vector.extract_strided_slice %get3A_30 {offsets = [10], sizes = [1], strides = [1]} : vector<16xf32> to vector<1xf32>
      %squeeze3A_778 = vector.extract %slice3A_777[0] : f32 from vector<1xf32>
      %broadcast_in_dim3A_779 = vector.broadcast %squeeze3A_778 : f32 to vector<16xf32>
      %mul3A_780 = arith.constant 16 : i32
      %mul3A_781 = arith.muli %mul3A_780, %scan3A_26 : i32
      %add3A_782 = arith.constant 10 : i32
      %add3A_783 = arith.addi %mul3A_781, %add3A_782 : i32
      %swap3A_784 = arith.index_cast %add3A_783 : i32 to index
      %swap3A_785 = arith.constant 0 : index
      %swap3A_786 = tpu.vector_load %arg10[%swap3A_784, %swap3A_785] {strides = array<i32>} : memref<640x128xf32, #tpu.memory_space<vmem>>, vector<1x16xf32>,
      %swap3A_787 = vector.shape_cast %swap3A_786 : vector<1x16xf32> to vector<16xf32>
      %swap3A_788 = vector.shape_cast %broadcast_in_dim3A_779 : vector<16xf32> to vector<1x16xf32>
      tpu.vector_store %arg10[%swap3A_784, %swap3A_785], %swap3A_788 {strides = array<i32>} : memref<640x128xf32, #tpu.memory_space<vmem>>, vector<1x16xf32>,
      %mul3A_789 = arith.constant 16 : i32
      %mul3A_790 = arith.muli %mul3A_789, %scan3A_26 : i32
      %add3A_791 = arith.constant 10 : i32
      %add3A_792 = arith.addi %mul3A_790, %add3A_791 : i32
      %swap3A_793 = arith.index_cast %add3A_792 : i32 to index
      %swap3A_794 = arith.constant 16 : index
      %swap3A_795 = tpu.vector_load %arg10[%swap3A_793, %swap3A_794] {strides = array<i32>} : memref<640x128xf32, #tpu.memory_space<vmem>>, vector<1x16xf32>,
      %swap3A_796 = vector.shape_cast %swap3A_795 : vector<1x16xf32> to vector<16xf32>
      %swap3A_797 = vector.shape_cast %broadcast_in_dim3A_779 : vector<16xf32> to vector<1x16xf32>
      tpu.vector_store %arg10[%swap3A_793, %swap3A_794], %swap3A_797 {strides = array<i32>} : memref<640x128xf32, #tpu.memory_space<vmem>>, vector<1x16xf32>,
      %mul3A_798 = arith.constant 16 : i32
      %mul3A_799 = arith.muli %mul3A_798, %scan3A_26 : i32
      %add3A_800 = arith.constant 10 : i32
      %add3A_801 = arith.addi %mul3A_799, %add3A_800 : i32
      %swap3A_802 = arith.index_cast %add3A_801 : i32 to index
      %swap3A_803 = arith.constant 32 : index
      %swap3A_804 = tpu.vector_load %arg10[%swap3A_802, %swap3A_803] {strides = array<i32>} : memref<640x128xf32, #tpu.memory_space<vmem>>, vector<1x16xf32>,
      %swap3A_805 = vector.shape_cast %swap3A_804 : vector<1x16xf32> to vector<16xf32>
      %swap3A_806 = vector.shape_cast %broadcast_in_dim3A_779 : vector<16xf32> to vector<1x16xf32>
      tpu.vector_store %arg10[%swap3A_802, %swap3A_803], %swap3A_806 {strides = array<i32>} : memref<640x128xf32, #tpu.memory_space<vmem>>, vector<1x16xf32>,
      %mul3A_807 = arith.constant 16 : i32
      %mul3A_808 = arith.muli %mul3A_807, %scan3A_26 : i32
      %add3A_809 = arith.constant 10 : i32
      %add3A_810 = arith.addi %mul3A_808, %add3A_809 : i32
      %swap3A_811 = arith.index_cast %add3A_810 : i32 to index
      %swap3A_812 = arith.constant 48 : index
      %swap3A_813 = tpu.vector_load %arg10[%swap3A_811, %swap3A_812] {strides = array<i32>} : memref<640x128xf32, #tpu.memory_space<vmem>>, vector<1x16xf32>,
      %swap3A_814 = vector.shape_cast %swap3A_813 : vector<1x16xf32> to vector<16xf32>
      %swap3A_815 = vector.shape_cast %broadcast_in_dim3A_779 : vector<16xf32> to vector<1x16xf32>
      tpu.vector_store %arg10[%swap3A_811, %swap3A_812], %swap3A_815 {strides = array<i32>} : memref<640x128xf32, #tpu.memory_space<vmem>>, vector<1x16xf32>,
      %mul3A_816 = arith.constant 16 : i32
      %mul3A_817 = arith.muli %mul3A_816, %scan3A_26 : i32
      %add3A_818 = arith.constant 10 : i32
      %add3A_819 = arith.addi %mul3A_817, %add3A_818 : i32
      %swap3A_820 = arith.index_cast %add3A_819 : i32 to index
      %swap3A_821 = arith.constant 64 : index
      %swap3A_822 = tpu.vector_load %arg10[%swap3A_820, %swap3A_821] {strides = array<i32>} : memref<640x128xf32, #tpu.memory_space<vmem>>, vector<1x16xf32>,
      %swap3A_823 = vector.shape_cast %swap3A_822 : vector<1x16xf32> to vector<16xf32>
      %swap3A_824 = vector.shape_cast %broadcast_in_dim3A_779 : vector<16xf32> to vector<1x16xf32>
      tpu.vector_store %arg10[%swap3A_820, %swap3A_821], %swap3A_824 {strides = array<i32>} : memref<640x128xf32, #tpu.memory_space<vmem>>, vector<1x16xf32>,
      %mul3A_825 = arith.constant 16 : i32
      %mul3A_826 = arith.muli %mul3A_825, %scan3A_26 : i32
      %add3A_827 = arith.constant 10 : i32
      %add3A_828 = arith.addi %mul3A_826, %add3A_827 : i32
      %swap3A_829 = arith.index_cast %add3A_828 : i32 to index
      %swap3A_830 = arith.constant 80 : index
      %swap3A_831 = tpu.vector_load %arg10[%swap3A_829, %swap3A_830] {strides = array<i32>} : memref<640x128xf32, #tpu.memory_space<vmem>>, vector<1x16xf32>,
      %swap3A_832 = vector.shape_cast %swap3A_831 : vector<1x16xf32> to vector<16xf32>
      %swap3A_833 = vector.shape_cast %broadcast_in_dim3A_779 : vector<16xf32> to vector<1x16xf32>
      tpu.vector_store %arg10[%swap3A_829, %swap3A_830], %swap3A_833 {strides = array<i32>} : memref<640x128xf32, #tpu.memory_space<vmem>>, vector<1x16xf32>,
      %mul3A_834 = arith.constant 16 : i32
      %mul3A_835 = arith.muli %mul3A_834, %scan3A_26 : i32
      %add3A_836 = arith.constant 10 : i32
      %add3A_837 = arith.addi %mul3A_835, %add3A_836 : i32
      %swap3A_838 = arith.index_cast %add3A_837 : i32 to index
      %swap3A_839 = arith.constant 96 : index
      %swap3A_840 = tpu.vector_load %arg10[%swap3A_838, %swap3A_839] {strides = array<i32>} : memref<640x128xf32, #tpu.memory_space<vmem>>, vector<1x16xf32>,
      %swap3A_841 = vector.shape_cast %swap3A_840 : vector<1x16xf32> to vector<16xf32>
      %swap3A_842 = vector.shape_cast %broadcast_in_dim3A_779 : vector<16xf32> to vector<1x16xf32>
      tpu.vector_store %arg10[%swap3A_838, %swap3A_839], %swap3A_842 {strides = array<i32>} : memref<640x128xf32, #tpu.memory_space<vmem>>, vector<1x16xf32>,
      %mul3A_843 = arith.constant 16 : i32
      %mul3A_844 = arith.muli %mul3A_843, %scan3A_26 : i32
      %add3A_845 = arith.constant 10 : i32
      %add3A_846 = arith.addi %mul3A_844, %add3A_845 : i32
      %swap3A_847 = arith.index_cast %add3A_846 : i32 to index
      %swap3A_848 = arith.constant 112 : index
      %swap3A_849 = tpu.vector_load %arg10[%swap3A_847, %swap3A_848] {strides = array<i32>} : memref<640x128xf32, #tpu.memory_space<vmem>>, vector<1x16xf32>,
      %swap3A_850 = vector.shape_cast %swap3A_849 : vector<1x16xf32> to vector<16xf32>
      %swap3A_851 = vector.shape_cast %broadcast_in_dim3A_779 : vector<16xf32> to vector<1x16xf32>
      tpu.vector_store %arg10[%swap3A_847, %swap3A_848], %swap3A_851 {strides = array<i32>} : memref<640x128xf32, #tpu.memory_space<vmem>>, vector<1x16xf32>,
      %slice3A_852 = vector.extract_strided_slice %get3A_30 {offsets = [11], sizes = [1], strides = [1]} : vector<16xf32> to vector<1xf32>
      %squeeze3A_853 = vector.extract %slice3A_852[0] : f32 from vector<1xf32>
      %broadcast_in_dim3A_854 = vector.broadcast %squeeze3A_853 : f32 to vector<16xf32>
      %mul3A_855 = arith.constant 16 : i32
      %mul3A_856 = arith.muli %mul3A_855, %scan3A_26 : i32
      %add3A_857 = arith.constant 11 : i32
      %add3A_858 = arith.addi %mul3A_856, %add3A_857 : i32
      %swap3A_859 = arith.index_cast %add3A_858 : i32 to index
      %swap3A_860 = arith.constant 0 : index
      %swap3A_861 = tpu.vector_load %arg10[%swap3A_859, %swap3A_860] {strides = array<i32>} : memref<640x128xf32, #tpu.memory_space<vmem>>, vector<1x16xf32>,
      %swap3A_862 = vector.shape_cast %swap3A_861 : vector<1x16xf32> to vector<16xf32>
      %swap3A_863 = vector.shape_cast %broadcast_in_dim3A_854 : vector<16xf32> to vector<1x16xf32>
      tpu.vector_store %arg10[%swap3A_859, %swap3A_860], %swap3A_863 {strides = array<i32>} : memref<640x128xf32, #tpu.memory_space<vmem>>, vector<1x16xf32>,
      %mul3A_864 = arith.constant 16 : i32
      %mul3A_865 = arith.muli %mul3A_864, %scan3A_26 : i32
      %add3A_866 = arith.constant 11 : i32
      %add3A_867 = arith.addi %mul3A_865, %add3A_866 : i32
      %swap3A_868 = arith.index_cast %add3A_867 : i32 to index
      %swap3A_869 = arith.constant 16 : index
      %swap3A_870 = tpu.vector_load %arg10[%swap3A_868, %swap3A_869] {strides = array<i32>} : memref<640x128xf32, #tpu.memory_space<vmem>>, vector<1x16xf32>,
      %swap3A_871 = vector.shape_cast %swap3A_870 : vector<1x16xf32> to vector<16xf32>
      %swap3A_872 = vector.shape_cast %broadcast_in_dim3A_854 : vector<16xf32> to vector<1x16xf32>
      tpu.vector_store %arg10[%swap3A_868, %swap3A_869], %swap3A_872 {strides = array<i32>} : memref<640x128xf32, #tpu.memory_space<vmem>>, vector<1x16xf32>,
      %mul3A_873 = arith.constant 16 : i32
      %mul3A_874 = arith.muli %mul3A_873, %scan3A_26 : i32
      %add3A_875 = arith.constant 11 : i32
      %add3A_876 = arith.addi %mul3A_874, %add3A_875 : i32
      %swap3A_877 = arith.index_cast %add3A_876 : i32 to index
      %swap3A_878 = arith.constant 32 : index
      %swap3A_879 = tpu.vector_load %arg10[%swap3A_877, %swap3A_878] {strides = array<i32>} : memref<640x128xf32, #tpu.memory_space<vmem>>, vector<1x16xf32>,
      %swap3A_880 = vector.shape_cast %swap3A_879 : vector<1x16xf32> to vector<16xf32>
      %swap3A_881 = vector.shape_cast %broadcast_in_dim3A_854 : vector<16xf32> to vector<1x16xf32>
      tpu.vector_store %arg10[%swap3A_877, %swap3A_878], %swap3A_881 {strides = array<i32>} : memref<640x128xf32, #tpu.memory_space<vmem>>, vector<1x16xf32>,
      %mul3A_882 = arith.constant 16 : i32
      %mul3A_883 = arith.muli %mul3A_882, %scan3A_26 : i32
      %add3A_884 = arith.constant 11 : i32
      %add3A_885 = arith.addi %mul3A_883, %add3A_884 : i32
      %swap3A_886 = arith.index_cast %add3A_885 : i32 to index
      %swap3A_887 = arith.constant 48 : index
      %swap3A_888 = tpu.vector_load %arg10[%swap3A_886, %swap3A_887] {strides = array<i32>} : memref<640x128xf32, #tpu.memory_space<vmem>>, vector<1x16xf32>,
      %swap3A_889 = vector.shape_cast %swap3A_888 : vector<1x16xf32> to vector<16xf32>
      %swap3A_890 = vector.shape_cast %broadcast_in_dim3A_854 : vector<16xf32> to vector<1x16xf32>
      tpu.vector_store %arg10[%swap3A_886, %swap3A_887], %swap3A_890 {strides = array<i32>} : memref<640x128xf32, #tpu.memory_space<vmem>>, vector<1x16xf32>,
      %mul3A_891 = arith.constant 16 : i32
      %mul3A_892 = arith.muli %mul3A_891, %scan3A_26 : i32
      %add3A_893 = arith.constant 11 : i32
      %add3A_894 = arith.addi %mul3A_892, %add3A_893 : i32
      %swap3A_895 = arith.index_cast %add3A_894 : i32 to index
      %swap3A_896 = arith.constant 64 : index
      %swap3A_897 = tpu.vector_load %arg10[%swap3A_895, %swap3A_896] {strides = array<i32>} : memref<640x128xf32, #tpu.memory_space<vmem>>, vector<1x16xf32>,
      %swap3A_898 = vector.shape_cast %swap3A_897 : vector<1x16xf32> to vector<16xf32>
      %swap3A_899 = vector.shape_cast %broadcast_in_dim3A_854 : vector<16xf32> to vector<1x16xf32>
      tpu.vector_store %arg10[%swap3A_895, %swap3A_896], %swap3A_899 {strides = array<i32>} : memref<640x128xf32, #tpu.memory_space<vmem>>, vector<1x16xf32>,
      %mul3A_900 = arith.constant 16 : i32
      %mul3A_901 = arith.muli %mul3A_900, %scan3A_26 : i32
      %add3A_902 = arith.constant 11 : i32
      %add3A_903 = arith.addi %mul3A_901, %add3A_902 : i32
      %swap3A_904 = arith.index_cast %add3A_903 : i32 to index
      %swap3A_905 = arith.constant 80 : index
      %swap3A_906 = tpu.vector_load %arg10[%swap3A_904, %swap3A_905] {strides = array<i32>} : memref<640x128xf32, #tpu.memory_space<vmem>>, vector<1x16xf32>,
      %swap3A_907 = vector.shape_cast %swap3A_906 : vector<1x16xf32> to vector<16xf32>
      %swap3A_908 = vector.shape_cast %broadcast_in_dim3A_854 : vector<16xf32> to vector<1x16xf32>
      tpu.vector_store %arg10[%swap3A_904, %swap3A_905], %swap3A_908 {strides = array<i32>} : memref<640x128xf32, #tpu.memory_space<vmem>>, vector<1x16xf32>,
      %mul3A_909 = arith.constant 16 : i32
      %mul3A_910 = arith.muli %mul3A_909, %scan3A_26 : i32
      %add3A_911 = arith.constant 11 : i32
      %add3A_912 = arith.addi %mul3A_910, %add3A_911 : i32
      %swap3A_913 = arith.index_cast %add3A_912 : i32 to index
      %swap3A_914 = arith.constant 96 : index
      %swap3A_915 = tpu.vector_load %arg10[%swap3A_913, %swap3A_914] {strides = array<i32>} : memref<640x128xf32, #tpu.memory_space<vmem>>, vector<1x16xf32>,
      %swap3A_916 = vector.shape_cast %swap3A_915 : vector<1x16xf32> to vector<16xf32>
      %swap3A_917 = vector.shape_cast %broadcast_in_dim3A_854 : vector<16xf32> to vector<1x16xf32>
      tpu.vector_store %arg10[%swap3A_913, %swap3A_914], %swap3A_917 {strides = array<i32>} : memref<640x128xf32, #tpu.memory_space<vmem>>, vector<1x16xf32>,
      %mul3A_918 = arith.constant 16 : i32
      %mul3A_919 = arith.muli %mul3A_918, %scan3A_26 : i32
      %add3A_920 = arith.constant 11 : i32
      %add3A_921 = arith.addi %mul3A_919, %add3A_920 : i32
      %swap3A_922 = arith.index_cast %add3A_921 : i32 to index
      %swap3A_923 = arith.constant 112 : index
      %swap3A_924 = tpu.vector_load %arg10[%swap3A_922, %swap3A_923] {strides = array<i32>} : memref<640x128xf32, #tpu.memory_space<vmem>>, vector<1x16xf32>,
      %swap3A_925 = vector.shape_cast %swap3A_924 : vector<1x16xf32> to vector<16xf32>
      %swap3A_926 = vector.shape_cast %broadcast_in_dim3A_854 : vector<16xf32> to vector<1x16xf32>
      tpu.vector_store %arg10[%swap3A_922, %swap3A_923], %swap3A_926 {strides = array<i32>} : memref<640x128xf32, #tpu.memory_space<vmem>>, vector<1x16xf32>,
      %slice3A_927 = vector.extract_strided_slice %get3A_30 {offsets = [12], sizes = [1], strides = [1]} : vector<16xf32> to vector<1xf32>
      %squeeze3A_928 = vector.extract %slice3A_927[0] : f32 from vector<1xf32>
      %broadcast_in_dim3A_929 = vector.broadcast %squeeze3A_928 : f32 to vector<16xf32>
      %mul3A_930 = arith.constant 16 : i32
      %mul3A_931 = arith.muli %mul3A_930, %scan3A_26 : i32
      %add3A_932 = arith.constant 12 : i32
      %add3A_933 = arith.addi %mul3A_931, %add3A_932 : i32
      %swap3A_934 = arith.index_cast %add3A_933 : i32 to index
      %swap3A_935 = arith.constant 0 : index
      %swap3A_936 = tpu.vector_load %arg10[%swap3A_934, %swap3A_935] {strides = array<i32>} : memref<640x128xf32, #tpu.memory_space<vmem>>, vector<1x16xf32>,
      %swap3A_937 = vector.shape_cast %swap3A_936 : vector<1x16xf32> to vector<16xf32>
      %swap3A_938 = vector.shape_cast %broadcast_in_dim3A_929 : vector<16xf32> to vector<1x16xf32>
      tpu.vector_store %arg10[%swap3A_934, %swap3A_935], %swap3A_938 {strides = array<i32>} : memref<640x128xf32, #tpu.memory_space<vmem>>, vector<1x16xf32>,
      %mul3A_939 = arith.constant 16 : i32
      %mul3A_940 = arith.muli %mul3A_939, %scan3A_26 : i32
      %add3A_941 = arith.constant 12 : i32
      %add3A_942 = arith.addi %mul3A_940, %add3A_941 : i32
      %swap3A_943 = arith.index_cast %add3A_942 : i32 to index
      %swap3A_944 = arith.constant 16 : index
      %swap3A_945 = tpu.vector_load %arg10[%swap3A_943, %swap3A_944] {strides = array<i32>} : memref<640x128xf32, #tpu.memory_space<vmem>>, vector<1x16xf32>,
      %swap3A_946 = vector.shape_cast %swap3A_945 : vector<1x16xf32> to vector<16xf32>
      %swap3A_947 = vector.shape_cast %broadcast_in_dim3A_929 : vector<16xf32> to vector<1x16xf32>
      tpu.vector_store %arg10[%swap3A_943, %swap3A_944], %swap3A_947 {strides = array<i32>} : memref<640x128xf32, #tpu.memory_space<vmem>>, vector<1x16xf32>,
      %mul3A_948 = arith.constant 16 : i32
      %mul3A_949 = arith.muli %mul3A_948, %scan3A_26 : i32
      %add3A_950 = arith.constant 12 : i32
      %add3A_951 = arith.addi %mul3A_949, %add3A_950 : i32
      %swap3A_952 = arith.index_cast %add3A_951 : i32 to index
      %swap3A_953 = arith.constant 32 : index
      %swap3A_954 = tpu.vector_load %arg10[%swap3A_952, %swap3A_953] {strides = array<i32>} : memref<640x128xf32, #tpu.memory_space<vmem>>, vector<1x16xf32>,
      %swap3A_955 = vector.shape_cast %swap3A_954 : vector<1x16xf32> to vector<16xf32>
      %swap3A_956 = vector.shape_cast %broadcast_in_dim3A_929 : vector<16xf32> to vector<1x16xf32>
      tpu.vector_store %arg10[%swap3A_952, %swap3A_953], %swap3A_956 {strides = array<i32>} : memref<640x128xf32, #tpu.memory_space<vmem>>, vector<1x16xf32>,
      %mul3A_957 = arith.constant 16 : i32
      %mul3A_958 = arith.muli %mul3A_957, %scan3A_26 : i32
      %add3A_959 = arith.constant 12 : i32
      %add3A_960 = arith.addi %mul3A_958, %add3A_959 : i32
      %swap3A_961 = arith.index_cast %add3A_960 : i32 to index
      %swap3A_962 = arith.constant 48 : index
      %swap3A_963 = tpu.vector_load %arg10[%swap3A_961, %swap3A_962] {strides = array<i32>} : memref<640x128xf32, #tpu.memory_space<vmem>>, vector<1x16xf32>,
      %swap3A_964 = vector.shape_cast %swap3A_963 : vector<1x16xf32> to vector<16xf32>
      %swap3A_965 = vector.shape_cast %broadcast_in_dim3A_929 : vector<16xf32> to vector<1x16xf32>
      tpu.vector_store %arg10[%swap3A_961, %swap3A_962], %swap3A_965 {strides = array<i32>} : memref<640x128xf32, #tpu.memory_space<vmem>>, vector<1x16xf32>,
      %mul3A_966 = arith.constant 16 : i32
      %mul3A_967 = arith.muli %mul3A_966, %scan3A_26 : i32
      %add3A_968 = arith.constant 12 : i32
      %add3A_969 = arith.addi %mul3A_967, %add3A_968 : i32
      %swap3A_970 = arith.index_cast %add3A_969 : i32 to index
      %swap3A_971 = arith.constant 64 : index
      %swap3A_972 = tpu.vector_load %arg10[%swap3A_970, %swap3A_971] {strides = array<i32>} : memref<640x128xf32, #tpu.memory_space<vmem>>, vector<1x16xf32>,
      %swap3A_973 = vector.shape_cast %swap3A_972 : vector<1x16xf32> to vector<16xf32>
      %swap3A_974 = vector.shape_cast %broadcast_in_dim3A_929 : vector<16xf32> to vector<1x16xf32>
      tpu.vector_store %arg10[%swap3A_970, %swap3A_971], %swap3A_974 {strides = array<i32>} : memref<640x128xf32, #tpu.memory_space<vmem>>, vector<1x16xf32>,
      %mul3A_975 = arith.constant 16 : i32
      %mul3A_976 = arith.muli %mul3A_975, %scan3A_26 : i32
      %add3A_977 = arith.constant 12 : i32
      %add3A_978 = arith.addi %mul3A_976, %add3A_977 : i32
      %swap3A_979 = arith.index_cast %add3A_978 : i32 to index
      %swap3A_980 = arith.constant 80 : index
      %swap3A_981 = tpu.vector_load %arg10[%swap3A_979, %swap3A_980] {strides = array<i32>} : memref<640x128xf32, #tpu.memory_space<vmem>>, vector<1x16xf32>,
      %swap3A_982 = vector.shape_cast %swap3A_981 : vector<1x16xf32> to vector<16xf32>
      %swap3A_983 = vector.shape_cast %broadcast_in_dim3A_929 : vector<16xf32> to vector<1x16xf32>
      tpu.vector_store %arg10[%swap3A_979, %swap3A_980], %swap3A_983 {strides = array<i32>} : memref<640x128xf32, #tpu.memory_space<vmem>>, vector<1x16xf32>,
      %mul3A_984 = arith.constant 16 : i32
      %mul3A_985 = arith.muli %mul3A_984, %scan3A_26 : i32
      %add3A_986 = arith.constant 12 : i32
      %add3A_987 = arith.addi %mul3A_985, %add3A_986 : i32
      %swap3A_988 = arith.index_cast %add3A_987 : i32 to index
      %swap3A_989 = arith.constant 96 : index
      %swap3A_990 = tpu.vector_load %arg10[%swap3A_988, %swap3A_989] {strides = array<i32>} : memref<640x128xf32, #tpu.memory_space<vmem>>, vector<1x16xf32>,
      %swap3A_991 = vector.shape_cast %swap3A_990 : vector<1x16xf32> to vector<16xf32>
      %swap3A_992 = vector.shape_cast %broadcast_in_dim3A_929 : vector<16xf32> to vector<1x16xf32>
      tpu.vector_store %arg10[%swap3A_988, %swap3A_989], %swap3A_992 {strides = array<i32>} : memref<640x128xf32, #tpu.memory_space<vmem>>, vector<1x16xf32>,
      %mul3A_993 = arith.constant 16 : i32
      %mul3A_994 = arith.muli %mul3A_993, %scan3A_26 : i32
      %add3A_995 = arith.constant 12 : i32
      %add3A_996 = arith.addi %mul3A_994, %add3A_995 : i32
      %swap3A_997 = arith.index_cast %add3A_996 : i32 to index
      %swap3A_998 = arith.constant 112 : index
      %swap3A_999 = tpu.vector_load %arg10[%swap3A_997, %swap3A_998] {strides = array<i32>} : memref<640x128xf32, #tpu.memory_space<vmem>>, vector<1x16xf32>,
      %swap3A_1000 = vector.shape_cast %swap3A_999 : vector<1x16xf32> to vector<16xf32>
      %swap3A_1001 = vector.shape_cast %broadcast_in_dim3A_929 : vector<16xf32> to vector<1x16xf32>
      tpu.vector_store %arg10[%swap3A_997, %swap3A_998], %swap3A_1001 {strides = array<i32>} : memref<640x128xf32, #tpu.memory_space<vmem>>, vector<1x16xf32>,
      %slice3A_1002 = vector.extract_strided_slice %get3A_30 {offsets = [13], sizes = [1], strides = [1]} : vector<16xf32> to vector<1xf32>
      %squeeze3A_1003 = vector.extract %slice3A_1002[0] : f32 from vector<1xf32>
      %broadcast_in_dim3A_1004 = vector.broadcast %squeeze3A_1003 : f32 to vector<16xf32>
      %mul3A_1005 = arith.constant 16 : i32
      %mul3A_1006 = arith.muli %mul3A_1005, %scan3A_26 : i32
      %add3A_1007 = arith.constant 13 : i32
      %add3A_1008 = arith.addi %mul3A_1006, %add3A_1007 : i32
      %swap3A_1009 = arith.index_cast %add3A_1008 : i32 to index
      %swap3A_1010 = arith.constant 0 : index
      %swap3A_1011 = tpu.vector_load %arg10[%swap3A_1009, %swap3A_1010] {strides = array<i32>} : memref<640x128xf32, #tpu.memory_space<vmem>>, vector<1x16xf32>,
      %swap3A_1012 = vector.shape_cast %swap3A_1011 : vector<1x16xf32> to vector<16xf32>
      %swap3A_1013 = vector.shape_cast %broadcast_in_dim3A_1004 : vector<16xf32> to vector<1x16xf32>
      tpu.vector_store %arg10[%swap3A_1009, %swap3A_1010], %swap3A_1013 {strides = array<i32>} : memref<640x128xf32, #tpu.memory_space<vmem>>, vector<1x16xf32>,
      %mul3A_1014 = arith.constant 16 : i32
      %mul3A_1015 = arith.muli %mul3A_1014, %scan3A_26 : i32
      %add3A_1016 = arith.constant 13 : i32
      %add3A_1017 = arith.addi %mul3A_1015, %add3A_1016 : i32
      %swap3A_1018 = arith.index_cast %add3A_1017 : i32 to index
      %swap3A_1019 = arith.constant 16 : index
      %swap3A_1020 = tpu.vector_load %arg10[%swap3A_1018, %swap3A_1019] {strides = array<i32>} : memref<640x128xf32, #tpu.memory_space<vmem>>, vector<1x16xf32>,
      %swap3A_1021 = vector.shape_cast %swap3A_1020 : vector<1x16xf32> to vector<16xf32>
      %swap3A_1022 = vector.shape_cast %broadcast_in_dim3A_1004 : vector<16xf32> to vector<1x16xf32>
      tpu.vector_store %arg10[%swap3A_1018, %swap3A_1019], %swap3A_1022 {strides = array<i32>} : memref<640x128xf32, #tpu.memory_space<vmem>>, vector<1x16xf32>,
      %mul3A_1023 = arith.constant 16 : i32
      %mul3A_1024 = arith.muli %mul3A_1023, %scan3A_26 : i32
      %add3A_1025 = arith.constant 13 : i32
      %add3A_1026 = arith.addi %mul3A_1024, %add3A_1025 : i32
      %swap3A_1027 = arith.index_cast %add3A_1026 : i32 to index
      %swap3A_1028 = arith.constant 32 : index
      %swap3A_1029 = tpu.vector_load %arg10[%swap3A_1027, %swap3A_1028] {strides = array<i32>} : memref<640x128xf32, #tpu.memory_space<vmem>>, vector<1x16xf32>,
      %swap3A_1030 = vector.shape_cast %swap3A_1029 : vector<1x16xf32> to vector<16xf32>
      %swap3A_1031 = vector.shape_cast %broadcast_in_dim3A_1004 : vector<16xf32> to vector<1x16xf32>
      tpu.vector_store %arg10[%swap3A_1027, %swap3A_1028], %swap3A_1031 {strides = array<i32>} : memref<640x128xf32, #tpu.memory_space<vmem>>, vector<1x16xf32>,
      %mul3A_1032 = arith.constant 16 : i32
      %mul3A_1033 = arith.muli %mul3A_1032, %scan3A_26 : i32
      %add3A_1034 = arith.constant 13 : i32
      %add3A_1035 = arith.addi %mul3A_1033, %add3A_1034 : i32
      %swap3A_1036 = arith.index_cast %add3A_1035 : i32 to index
      %swap3A_1037 = arith.constant 48 : index
      %swap3A_1038 = tpu.vector_load %arg10[%swap3A_1036, %swap3A_1037] {strides = array<i32>} : memref<640x128xf32, #tpu.memory_space<vmem>>, vector<1x16xf32>,
      %swap3A_1039 = vector.shape_cast %swap3A_1038 : vector<1x16xf32> to vector<16xf32>
      %swap3A_1040 = vector.shape_cast %broadcast_in_dim3A_1004 : vector<16xf32> to vector<1x16xf32>
      tpu.vector_store %arg10[%swap3A_1036, %swap3A_1037], %swap3A_1040 {strides = array<i32>} : memref<640x128xf32, #tpu.memory_space<vmem>>, vector<1x16xf32>,
      %mul3A_1041 = arith.constant 16 : i32
      %mul3A_1042 = arith.muli %mul3A_1041, %scan3A_26 : i32
      %add3A_1043 = arith.constant 13 : i32
      %add3A_1044 = arith.addi %mul3A_1042, %add3A_1043 : i32
      %swap3A_1045 = arith.index_cast %add3A_1044 : i32 to index
      %swap3A_1046 = arith.constant 64 : index
      %swap3A_1047 = tpu.vector_load %arg10[%swap3A_1045, %swap3A_1046] {strides = array<i32>} : memref<640x128xf32, #tpu.memory_space<vmem>>, vector<1x16xf32>,
      %swap3A_1048 = vector.shape_cast %swap3A_1047 : vector<1x16xf32> to vector<16xf32>
      %swap3A_1049 = vector.shape_cast %broadcast_in_dim3A_1004 : vector<16xf32> to vector<1x16xf32>
      tpu.vector_store %arg10[%swap3A_1045, %swap3A_1046], %swap3A_1049 {strides = array<i32>} : memref<640x128xf32, #tpu.memory_space<vmem>>, vector<1x16xf32>,
      %mul3A_1050 = arith.constant 16 : i32
      %mul3A_1051 = arith.muli %mul3A_1050, %scan3A_26 : i32
      %add3A_1052 = arith.constant 13 : i32
      %add3A_1053 = arith.addi %mul3A_1051, %add3A_1052 : i32
      %swap3A_1054 = arith.index_cast %add3A_1053 : i32 to index
      %swap3A_1055 = arith.constant 80 : index
      %swap3A_1056 = tpu.vector_load %arg10[%swap3A_1054, %swap3A_1055] {strides = array<i32>} : memref<640x128xf32, #tpu.memory_space<vmem>>, vector<1x16xf32>,
      %swap3A_1057 = vector.shape_cast %swap3A_1056 : vector<1x16xf32> to vector<16xf32>
      %swap3A_1058 = vector.shape_cast %broadcast_in_dim3A_1004 : vector<16xf32> to vector<1x16xf32>
      tpu.vector_store %arg10[%swap3A_1054, %swap3A_1055], %swap3A_1058 {strides = array<i32>} : memref<640x128xf32, #tpu.memory_space<vmem>>, vector<1x16xf32>,
      %mul3A_1059 = arith.constant 16 : i32
      %mul3A_1060 = arith.muli %mul3A_1059, %scan3A_26 : i32
      %add3A_1061 = arith.constant 13 : i32
      %add3A_1062 = arith.addi %mul3A_1060, %add3A_1061 : i32
      %swap3A_1063 = arith.index_cast %add3A_1062 : i32 to index
      %swap3A_1064 = arith.constant 96 : index
      %swap3A_1065 = tpu.vector_load %arg10[%swap3A_1063, %swap3A_1064] {strides = array<i32>} : memref<640x128xf32, #tpu.memory_space<vmem>>, vector<1x16xf32>,
      %swap3A_1066 = vector.shape_cast %swap3A_1065 : vector<1x16xf32> to vector<16xf32>
      %swap3A_1067 = vector.shape_cast %broadcast_in_dim3A_1004 : vector<16xf32> to vector<1x16xf32>
      tpu.vector_store %arg10[%swap3A_1063, %swap3A_1064], %swap3A_1067 {strides = array<i32>} : memref<640x128xf32, #tpu.memory_space<vmem>>, vector<1x16xf32>,
      %mul3A_1068 = arith.constant 16 : i32
      %mul3A_1069 = arith.muli %mul3A_1068, %scan3A_26 : i32
      %add3A_1070 = arith.constant 13 : i32
      %add3A_1071 = arith.addi %mul3A_1069, %add3A_1070 : i32
      %swap3A_1072 = arith.index_cast %add3A_1071 : i32 to index
      %swap3A_1073 = arith.constant 112 : index
      %swap3A_1074 = tpu.vector_load %arg10[%swap3A_1072, %swap3A_1073] {strides = array<i32>} : memref<640x128xf32, #tpu.memory_space<vmem>>, vector<1x16xf32>,
      %swap3A_1075 = vector.shape_cast %swap3A_1074 : vector<1x16xf32> to vector<16xf32>
      %swap3A_1076 = vector.shape_cast %broadcast_in_dim3A_1004 : vector<16xf32> to vector<1x16xf32>
      tpu.vector_store %arg10[%swap3A_1072, %swap3A_1073], %swap3A_1076 {strides = array<i32>} : memref<640x128xf32, #tpu.memory_space<vmem>>, vector<1x16xf32>,
      %slice3A_1077 = vector.extract_strided_slice %get3A_30 {offsets = [14], sizes = [1], strides = [1]} : vector<16xf32> to vector<1xf32>
      %squeeze3A_1078 = vector.extract %slice3A_1077[0] : f32 from vector<1xf32>
      %broadcast_in_dim3A_1079 = vector.broadcast %squeeze3A_1078 : f32 to vector<16xf32>
      %mul3A_1080 = arith.constant 16 : i32
      %mul3A_1081 = arith.muli %mul3A_1080, %scan3A_26 : i32
      %add3A_1082 = arith.constant 14 : i32
      %add3A_1083 = arith.addi %mul3A_1081, %add3A_1082 : i32
      %swap3A_1084 = arith.index_cast %add3A_1083 : i32 to index
      %swap3A_1085 = arith.constant 0 : index
      %swap3A_1086 = tpu.vector_load %arg10[%swap3A_1084, %swap3A_1085] {strides = array<i32>} : memref<640x128xf32, #tpu.memory_space<vmem>>, vector<1x16xf32>,
      %swap3A_1087 = vector.shape_cast %swap3A_1086 : vector<1x16xf32> to vector<16xf32>
      %swap3A_1088 = vector.shape_cast %broadcast_in_dim3A_1079 : vector<16xf32> to vector<1x16xf32>
      tpu.vector_store %arg10[%swap3A_1084, %swap3A_1085], %swap3A_1088 {strides = array<i32>} : memref<640x128xf32, #tpu.memory_space<vmem>>, vector<1x16xf32>,
      %mul3A_1089 = arith.constant 16 : i32
      %mul3A_1090 = arith.muli %mul3A_1089, %scan3A_26 : i32
      %add3A_1091 = arith.constant 14 : i32
      %add3A_1092 = arith.addi %mul3A_1090, %add3A_1091 : i32
      %swap3A_1093 = arith.index_cast %add3A_1092 : i32 to index
      %swap3A_1094 = arith.constant 16 : index
      %swap3A_1095 = tpu.vector_load %arg10[%swap3A_1093, %swap3A_1094] {strides = array<i32>} : memref<640x128xf32, #tpu.memory_space<vmem>>, vector<1x16xf32>,
      %swap3A_1096 = vector.shape_cast %swap3A_1095 : vector<1x16xf32> to vector<16xf32>
      %swap3A_1097 = vector.shape_cast %broadcast_in_dim3A_1079 : vector<16xf32> to vector<1x16xf32>
      tpu.vector_store %arg10[%swap3A_1093, %swap3A_1094], %swap3A_1097 {strides = array<i32>} : memref<640x128xf32, #tpu.memory_space<vmem>>, vector<1x16xf32>,
      %mul3A_1098 = arith.constant 16 : i32
      %mul3A_1099 = arith.muli %mul3A_1098, %scan3A_26 : i32
      %add3A_1100 = arith.constant 14 : i32
      %add3A_1101 = arith.addi %mul3A_1099, %add3A_1100 : i32
      %swap3A_1102 = arith.index_cast %add3A_1101 : i32 to index
      %swap3A_1103 = arith.constant 32 : index
      %swap3A_1104 = tpu.vector_load %arg10[%swap3A_1102, %swap3A_1103] {strides = array<i32>} : memref<640x128xf32, #tpu.memory_space<vmem>>, vector<1x16xf32>,
      %swap3A_1105 = vector.shape_cast %swap3A_1104 : vector<1x16xf32> to vector<16xf32>
      %swap3A_1106 = vector.shape_cast %broadcast_in_dim3A_1079 : vector<16xf32> to vector<1x16xf32>
      tpu.vector_store %arg10[%swap3A_1102, %swap3A_1103], %swap3A_1106 {strides = array<i32>} : memref<640x128xf32, #tpu.memory_space<vmem>>, vector<1x16xf32>,
      %mul3A_1107 = arith.constant 16 : i32
      %mul3A_1108 = arith.muli %mul3A_1107, %scan3A_26 : i32
      %add3A_1109 = arith.constant 14 : i32
      %add3A_1110 = arith.addi %mul3A_1108, %add3A_1109 : i32
      %swap3A_1111 = arith.index_cast %add3A_1110 : i32 to index
      %swap3A_1112 = arith.constant 48 : index
      %swap3A_1113 = tpu.vector_load %arg10[%swap3A_1111, %swap3A_1112] {strides = array<i32>} : memref<640x128xf32, #tpu.memory_space<vmem>>, vector<1x16xf32>,
      %swap3A_1114 = vector.shape_cast %swap3A_1113 : vector<1x16xf32> to vector<16xf32>
      %swap3A_1115 = vector.shape_cast %broadcast_in_dim3A_1079 : vector<16xf32> to vector<1x16xf32>
      tpu.vector_store %arg10[%swap3A_1111, %swap3A_1112], %swap3A_1115 {strides = array<i32>} : memref<640x128xf32, #tpu.memory_space<vmem>>, vector<1x16xf32>,
      %mul3A_1116 = arith.constant 16 : i32
      %mul3A_1117 = arith.muli %mul3A_1116, %scan3A_26 : i32
      %add3A_1118 = arith.constant 14 : i32
      %add3A_1119 = arith.addi %mul3A_1117, %add3A_1118 : i32
      %swap3A_1120 = arith.index_cast %add3A_1119 : i32 to index
      %swap3A_1121 = arith.constant 64 : index
      %swap3A_1122 = tpu.vector_load %arg10[%swap3A_1120, %swap3A_1121] {strides = array<i32>} : memref<640x128xf32, #tpu.memory_space<vmem>>, vector<1x16xf32>,
      %swap3A_1123 = vector.shape_cast %swap3A_1122 : vector<1x16xf32> to vector<16xf32>
      %swap3A_1124 = vector.shape_cast %broadcast_in_dim3A_1079 : vector<16xf32> to vector<1x16xf32>
      tpu.vector_store %arg10[%swap3A_1120, %swap3A_1121], %swap3A_1124 {strides = array<i32>} : memref<640x128xf32, #tpu.memory_space<vmem>>, vector<1x16xf32>,
      %mul3A_1125 = arith.constant 16 : i32
      %mul3A_1126 = arith.muli %mul3A_1125, %scan3A_26 : i32
      %add3A_1127 = arith.constant 14 : i32
      %add3A_1128 = arith.addi %mul3A_1126, %add3A_1127 : i32
      %swap3A_1129 = arith.index_cast %add3A_1128 : i32 to index
      %swap3A_1130 = arith.constant 80 : index
      %swap3A_1131 = tpu.vector_load %arg10[%swap3A_1129, %swap3A_1130] {strides = array<i32>} : memref<640x128xf32, #tpu.memory_space<vmem>>, vector<1x16xf32>,
      %swap3A_1132 = vector.shape_cast %swap3A_1131 : vector<1x16xf32> to vector<16xf32>
      %swap3A_1133 = vector.shape_cast %broadcast_in_dim3A_1079 : vector<16xf32> to vector<1x16xf32>
      tpu.vector_store %arg10[%swap3A_1129, %swap3A_1130], %swap3A_1133 {strides = array<i32>} : memref<640x128xf32, #tpu.memory_space<vmem>>, vector<1x16xf32>,
      %mul3A_1134 = arith.constant 16 : i32
      %mul3A_1135 = arith.muli %mul3A_1134, %scan3A_26 : i32
      %add3A_1136 = arith.constant 14 : i32
      %add3A_1137 = arith.addi %mul3A_1135, %add3A_1136 : i32
      %swap3A_1138 = arith.index_cast %add3A_1137 : i32 to index
      %swap3A_1139 = arith.constant 96 : index
      %swap3A_1140 = tpu.vector_load %arg10[%swap3A_1138, %swap3A_1139] {strides = array<i32>} : memref<640x128xf32, #tpu.memory_space<vmem>>, vector<1x16xf32>,
      %swap3A_1141 = vector.shape_cast %swap3A_1140 : vector<1x16xf32> to vector<16xf32>
      %swap3A_1142 = vector.shape_cast %broadcast_in_dim3A_1079 : vector<16xf32> to vector<1x16xf32>
      tpu.vector_store %arg10[%swap3A_1138, %swap3A_1139], %swap3A_1142 {strides = array<i32>} : memref<640x128xf32, #tpu.memory_space<vmem>>, vector<1x16xf32>,
      %mul3A_1143 = arith.constant 16 : i32
      %mul3A_1144 = arith.muli %mul3A_1143, %scan3A_26 : i32
      %add3A_1145 = arith.constant 14 : i32
      %add3A_1146 = arith.addi %mul3A_1144, %add3A_1145 : i32
      %swap3A_1147 = arith.index_cast %add3A_1146 : i32 to index
      %swap3A_1148 = arith.constant 112 : index
      %swap3A_1149 = tpu.vector_load %arg10[%swap3A_1147, %swap3A_1148] {strides = array<i32>} : memref<640x128xf32, #tpu.memory_space<vmem>>, vector<1x16xf32>,
      %swap3A_1150 = vector.shape_cast %swap3A_1149 : vector<1x16xf32> to vector<16xf32>
      %swap3A_1151 = vector.shape_cast %broadcast_in_dim3A_1079 : vector<16xf32> to vector<1x16xf32>
      tpu.vector_store %arg10[%swap3A_1147, %swap3A_1148], %swap3A_1151 {strides = array<i32>} : memref<640x128xf32, #tpu.memory_space<vmem>>, vector<1x16xf32>,
      %slice3A_1152 = vector.extract_strided_slice %get3A_30 {offsets = [15], sizes = [1], strides = [1]} : vector<16xf32> to vector<1xf32>
      %squeeze3A_1153 = vector.extract %slice3A_1152[0] : f32 from vector<1xf32>
      %broadcast_in_dim3A_1154 = vector.broadcast %squeeze3A_1153 : f32 to vector<16xf32>
      %mul3A_1155 = arith.constant 16 : i32
      %mul3A_1156 = arith.muli %mul3A_1155, %scan3A_26 : i32
      %add3A_1157 = arith.constant 15 : i32
      %add3A_1158 = arith.addi %mul3A_1156, %add3A_1157 : i32
      %swap3A_1159 = arith.index_cast %add3A_1158 : i32 to index
      %swap3A_1160 = arith.constant 0 : index
      %swap3A_1161 = tpu.vector_load %arg10[%swap3A_1159, %swap3A_1160] {strides = array<i32>} : memref<640x128xf32, #tpu.memory_space<vmem>>, vector<1x16xf32>,
      %swap3A_1162 = vector.shape_cast %swap3A_1161 : vector<1x16xf32> to vector<16xf32>
      %swap3A_1163 = vector.shape_cast %broadcast_in_dim3A_1154 : vector<16xf32> to vector<1x16xf32>
      tpu.vector_store %arg10[%swap3A_1159, %swap3A_1160], %swap3A_1163 {strides = array<i32>} : memref<640x128xf32, #tpu.memory_space<vmem>>, vector<1x16xf32>,
      %mul3A_1164 = arith.constant 16 : i32
      %mul3A_1165 = arith.muli %mul3A_1164, %scan3A_26 : i32
      %add3A_1166 = arith.constant 15 : i32
      %add3A_1167 = arith.addi %mul3A_1165, %add3A_1166 : i32
      %swap3A_1168 = arith.index_cast %add3A_1167 : i32 to index
      %swap3A_1169 = arith.constant 16 : index
      %swap3A_1170 = tpu.vector_load %arg10[%swap3A_1168, %swap3A_1169] {strides = array<i32>} : memref<640x128xf32, #tpu.memory_space<vmem>>, vector<1x16xf32>,
      %swap3A_1171 = vector.shape_cast %swap3A_1170 : vector<1x16xf32> to vector<16xf32>
      %swap3A_1172 = vector.shape_cast %broadcast_in_dim3A_1154 : vector<16xf32> to vector<1x16xf32>
      tpu.vector_store %arg10[%swap3A_1168, %swap3A_1169], %swap3A_1172 {strides = array<i32>} : memref<640x128xf32, #tpu.memory_space<vmem>>, vector<1x16xf32>,
      %mul3A_1173 = arith.constant 16 : i32
      %mul3A_1174 = arith.muli %mul3A_1173, %scan3A_26 : i32
      %add3A_1175 = arith.constant 15 : i32
      %add3A_1176 = arith.addi %mul3A_1174, %add3A_1175 : i32
      %swap3A_1177 = arith.index_cast %add3A_1176 : i32 to index
      %swap3A_1178 = arith.constant 32 : index
      %swap3A_1179 = tpu.vector_load %arg10[%swap3A_1177, %swap3A_1178] {strides = array<i32>} : memref<640x128xf32, #tpu.memory_space<vmem>>, vector<1x16xf32>,
      %swap3A_1180 = vector.shape_cast %swap3A_1179 : vector<1x16xf32> to vector<16xf32>
      %swap3A_1181 = vector.shape_cast %broadcast_in_dim3A_1154 : vector<16xf32> to vector<1x16xf32>
      tpu.vector_store %arg10[%swap3A_1177, %swap3A_1178], %swap3A_1181 {strides = array<i32>} : memref<640x128xf32, #tpu.memory_space<vmem>>, vector<1x16xf32>,
      %mul3A_1182 = arith.constant 16 : i32
      %mul3A_1183 = arith.muli %mul3A_1182, %scan3A_26 : i32
      %add3A_1184 = arith.constant 15 : i32
      %add3A_1185 = arith.addi %mul3A_1183, %add3A_1184 : i32
      %swap3A_1186 = arith.index_cast %add3A_1185 : i32 to index
      %swap3A_1187 = arith.constant 48 : index
      %swap3A_1188 = tpu.vector_load %arg10[%swap3A_1186, %swap3A_1187] {strides = array<i32>} : memref<640x128xf32, #tpu.memory_space<vmem>>, vector<1x16xf32>,
      %swap3A_1189 = vector.shape_cast %swap3A_1188 : vector<1x16xf32> to vector<16xf32>
      %swap3A_1190 = vector.shape_cast %broadcast_in_dim3A_1154 : vector<16xf32> to vector<1x16xf32>
      tpu.vector_store %arg10[%swap3A_1186, %swap3A_1187], %swap3A_1190 {strides = array<i32>} : memref<640x128xf32, #tpu.memory_space<vmem>>, vector<1x16xf32>,
      %mul3A_1191 = arith.constant 16 : i32
      %mul3A_1192 = arith.muli %mul3A_1191, %scan3A_26 : i32
      %add3A_1193 = arith.constant 15 : i32
      %add3A_1194 = arith.addi %mul3A_1192, %add3A_1193 : i32
      %swap3A_1195 = arith.index_cast %add3A_1194 : i32 to index
      %swap3A_1196 = arith.constant 64 : index
      %swap3A_1197 = tpu.vector_load %arg10[%swap3A_1195, %swap3A_1196] {strides = array<i32>} : memref<640x128xf32, #tpu.memory_space<vmem>>, vector<1x16xf32>,
      %swap3A_1198 = vector.shape_cast %swap3A_1197 : vector<1x16xf32> to vector<16xf32>
      %swap3A_1199 = vector.shape_cast %broadcast_in_dim3A_1154 : vector<16xf32> to vector<1x16xf32>
      tpu.vector_store %arg10[%swap3A_1195, %swap3A_1196], %swap3A_1199 {strides = array<i32>} : memref<640x128xf32, #tpu.memory_space<vmem>>, vector<1x16xf32>,
      %mul3A_1200 = arith.constant 16 : i32
      %mul3A_1201 = arith.muli %mul3A_1200, %scan3A_26 : i32
      %add3A_1202 = arith.constant 15 : i32
      %add3A_1203 = arith.addi %mul3A_1201, %add3A_1202 : i32
      %swap3A_1204 = arith.index_cast %add3A_1203 : i32 to index
      %swap3A_1205 = arith.constant 80 : index
      %swap3A_1206 = tpu.vector_load %arg10[%swap3A_1204, %swap3A_1205] {strides = array<i32>} : memref<640x128xf32, #tpu.memory_space<vmem>>, vector<1x16xf32>,
      %swap3A_1207 = vector.shape_cast %swap3A_1206 : vector<1x16xf32> to vector<16xf32>
      %swap3A_1208 = vector.shape_cast %broadcast_in_dim3A_1154 : vector<16xf32> to vector<1x16xf32>
      tpu.vector_store %arg10[%swap3A_1204, %swap3A_1205], %swap3A_1208 {strides = array<i32>} : memref<640x128xf32, #tpu.memory_space<vmem>>, vector<1x16xf32>,
      %mul3A_1209 = arith.constant 16 : i32
      %mul3A_1210 = arith.muli %mul3A_1209, %scan3A_26 : i32
      %add3A_1211 = arith.constant 15 : i32
      %add3A_1212 = arith.addi %mul3A_1210, %add3A_1211 : i32
      %swap3A_1213 = arith.index_cast %add3A_1212 : i32 to index
      %swap3A_1214 = arith.constant 96 : index
      %swap3A_1215 = tpu.vector_load %arg10[%swap3A_1213, %swap3A_1214] {strides = array<i32>} : memref<640x128xf32, #tpu.memory_space<vmem>>, vector<1x16xf32>,
      %swap3A_1216 = vector.shape_cast %swap3A_1215 : vector<1x16xf32> to vector<16xf32>
      %swap3A_1217 = vector.shape_cast %broadcast_in_dim3A_1154 : vector<16xf32> to vector<1x16xf32>
      tpu.vector_store %arg10[%swap3A_1213, %swap3A_1214], %swap3A_1217 {strides = array<i32>} : memref<640x128xf32, #tpu.memory_space<vmem>>, vector<1x16xf32>,
      %mul3A_1218 = arith.constant 16 : i32
      %mul3A_1219 = arith.muli %mul3A_1218, %scan3A_26 : i32
      %add3A_1220 = arith.constant 15 : i32
      %add3A_1221 = arith.addi %mul3A_1219, %add3A_1220 : i32
      %swap3A_1222 = arith.index_cast %add3A_1221 : i32 to index
      %swap3A_1223 = arith.constant 112 : index
      %swap3A_1224 = tpu.vector_load %arg10[%swap3A_1222, %swap3A_1223] {strides = array<i32>} : memref<640x128xf32, #tpu.memory_space<vmem>>, vector<1x16xf32>,
      %swap3A_1225 = vector.shape_cast %swap3A_1224 : vector<1x16xf32> to vector<16xf32>
      %swap3A_1226 = vector.shape_cast %broadcast_in_dim3A_1154 : vector<16xf32> to vector<1x16xf32>
      tpu.vector_store %arg10[%swap3A_1222, %swap3A_1223], %swap3A_1226 {strides = array<i32>} : memref<640x128xf32, #tpu.memory_space<vmem>>, vector<1x16xf32>,
    }
    %scan3A_18 = arith.constant 40 : i32
    %eq3A = arith.constant 0 : i32
    %eq3A_19 = arith.cmpi eq, %arg0, %eq3A : i32
    %convert_element_type3A = arith.extui %eq3A_19 : i1 to i32
    %cond3A = arith.constant 0 : i32
    %cond3A_20 = arith.cmpi ne, %convert_element_type3A, %cond3A : i32
    scf.if %cond3A_20 {
      %mul3A_26 = arith.constant 640 : i32
      %mul3A_27 = arith.muli %arg1, %mul3A_26 : i32
      "tpu.region"() ({
        %run_scoped3A = tpu.sem_alloc : memref<!tpu.dma_semaphore, #tpu.memory_space<semaphore_mem>>
        %dma_start3A = arith.constant 0 : i32
        %dma_start3A_28 = tpu.memref_slice %arg5[%mul3A_27, %dma_start3A] : memref<10240x128xf32, #tpu.memory_space<hbm>> -> memref<640x128xf32, #tpu.memory_space<hbm>>
        %dma_start3A_29 = arith.constant 0 : i32
        %dma_start3A_30 = tpu.memref_slice %arg5[%mul3A_27, %dma_start3A_29] : memref<10240x128xf32, #tpu.memory_space<hbm>> -> memref<640x128xf32, #tpu.memory_space<hbm>>
        tpu.enqueue_dma source(%arg10 : memref<640x128xf32, #tpu.memory_space<vmem>>) target(%dma_start3A_30 : memref<640x128xf32, #tpu.memory_space<hbm>>) target_semaphore(%run_scoped3A : memref<!tpu.dma_semaphore, #tpu.memory_space<semaphore_mem>>)
        %dma_wait3A = arith.constant 0 : i32
        %dma_wait3A_31 = tpu.memref_slice %arg5[%mul3A_27, %dma_wait3A] : memref<10240x128xf32, #tpu.memory_space<hbm>> -> memref<640x128xf32, #tpu.memory_space<hbm>>
        %dma_wait3A_32 = arith.constant 0 : i32
        %dma_wait3A_33 = tpu.memref_slice %arg5[%mul3A_27, %dma_wait3A_32] : memref<10240x128xf32, #tpu.memory_space<hbm>> -> memref<640x128xf32, #tpu.memory_space<hbm>>
        tpu.wait_dma2 semaphore(%run_scoped3A : memref<!tpu.dma_semaphore, #tpu.memory_space<semaphore_mem>>) src(%arg10 : memref<640x128xf32, #tpu.memory_space<vmem>>) dst(%dma_wait3A_33 : memref<640x128xf32, #tpu.memory_space<hbm>>)
        tpu.yield
      }) : () -> ()
    } else {
    }
    %eq3A_21 = arith.constant 1 : i32
    %eq3A_22 = arith.cmpi eq, %arg0, %eq3A_21 : i32
    %convert_element_type3A_23 = arith.extui %eq3A_22 : i1 to i32
    %cond3A_24 = arith.constant 0 : i32
    %cond3A_25 = arith.cmpi ne, %convert_element_type3A_23, %cond3A_24 : i32
    scf.if %cond3A_25 {
      %mul3A_26 = arith.constant 640 : i32
      %mul3A_27 = arith.muli %arg1, %mul3A_26 : i32
      "tpu.region"() ({
        %run_scoped3A = tpu.sem_alloc : memref<!tpu.dma_semaphore, #tpu.memory_space<semaphore_mem>>
        %dma_start3A = arith.constant 0 : i32
        %dma_start3A_28 = tpu.memref_slice %arg6[%mul3A_27, %dma_start3A] : memref<10240x128xf32, #tpu.memory_space<hbm>> -> memref<640x128xf32, #tpu.memory_space<hbm>>
        %dma_start3A_29 = arith.constant 0 : i32
        %dma_start3A_30 = tpu.memref_slice %arg6[%mul3A_27, %dma_start3A_29] : memref<10240x128xf32, #tpu.memory_space<hbm>> -> memref<640x128xf32, #tpu.memory_space<hbm>>
        tpu.enqueue_dma source(%arg10 : memref<640x128xf32, #tpu.memory_space<vmem>>) target(%dma_start3A_30 : memref<640x128xf32, #tpu.memory_space<hbm>>) target_semaphore(%run_scoped3A : memref<!tpu.dma_semaphore, #tpu.memory_space<semaphore_mem>>)
        %dma_wait3A = arith.constant 0 : i32
        %dma_wait3A_31 = tpu.memref_slice %arg6[%mul3A_27, %dma_wait3A] : memref<10240x128xf32, #tpu.memory_space<hbm>> -> memref<640x128xf32, #tpu.memory_space<hbm>>
        %dma_wait3A_32 = arith.constant 0 : i32
        %dma_wait3A_33 = tpu.memref_slice %arg6[%mul3A_27, %dma_wait3A_32] : memref<10240x128xf32, #tpu.memory_space<hbm>> -> memref<640x128xf32, #tpu.memory_space<hbm>>
        tpu.wait_dma2 semaphore(%run_scoped3A : memref<!tpu.dma_semaphore, #tpu.memory_space<semaphore_mem>>) src(%arg10 : memref<640x128xf32, #tpu.memory_space<vmem>>) dst(%dma_wait3A_33 : memref<640x128xf32, #tpu.memory_space<hbm>>)
        tpu.yield
      }) : () -> ()
    } else {
    }
    return
  }
}

module attributes {stable_mosaic.version = 14 : i64} {
  func.func @_tc1a_body(%arg0: i32, %arg1: memref<512x128xf32, #tpu.memory_space<vmem>>, %arg2: memref<128x128xf32, #tpu.memory_space<vmem>>, %arg3: memref<512x128xf32, #tpu.memory_space<vmem>>) attributes {dimension_semantics = [#tpu.dimension_semantics<arbitrary>], iteration_bounds = array<i64: 20>, scalar_prefetch = 0 : i64, scratch_operands = 0 : i64, tpu.core_type = #tpu.core_type<tc>, window_params = [{transform_indices = @transform_0, window_bounds = array<i64: 512, 128>}, {pipeline_mode = #tpu.pipeline_mode<synchronous>, transform_indices = @transform_1, window_bounds = array<i64: 128, 128>}, {transform_indices = @transform_2, window_bounds = array<i64: 512, 128>}]} {
    %get3A = arith.constant 0 : index
    %get3A_0 = arith.constant 0 : index
    %get3A_1 = vector.load %arg1[%get3A, %get3A_0] : memref<512x128xf32, #tpu.memory_space<vmem>>, vector<512x128xf32>
    %get3A_2 = arith.constant 0 : index
    %get3A_3 = arith.constant 0 : index
    %get3A_4 = vector.load %arg2[%get3A_2, %get3A_3] : memref<128x128xf32, #tpu.memory_space<vmem>>, vector<128x128xf32>
    %dot_general3A = arith.constant dense<0.000000e+00> : vector<512x128xf32>
    %dot_general3A_5 = tpu.matmul %get3A_1, %get3A_4, %dot_general3A {dimension_numbers = #tpu.dot_dimension_numbers<[1], [0], [0], [1], [0, 0, 1, 1], [], []>, transpose_lhs_hint = false} : vector<512x128xf32>, vector<128x128xf32>, vector<512x128xf32> -> vector<512x128xf32>
    %swap3A = arith.constant 0 : index
    %swap3A_6 = arith.constant 0 : index
    %swap3A_7 = vector.load %arg3[%swap3A, %swap3A_6] : memref<512x128xf32, #tpu.memory_space<vmem>>, vector<512x128xf32>
    tpu.vector_store %arg3[%swap3A, %swap3A_6], %dot_general3A_5 {strides = array<i32>} : memref<512x128xf32, #tpu.memory_space<vmem>>, vector<512x128xf32>,
    return
  }
  func.func @transform_0(%arg0: i32) -> (i32, i32) {
    %c0_i32 = arith.constant 0 : i32
    %c0_i32_0 = arith.constant 0 : i32
    return %arg0, %c0_i32 : i32, i32
  }
  func.func @transform_1(%arg0: i32) -> (i32, i32) {
    %c0_i32 = arith.constant 0 : i32
    %c0_i32_0 = arith.constant 0 : i32
    %c0_i32_1 = arith.constant 0 : i32
    return %c0_i32, %c0_i32_0 : i32, i32
  }
  func.func @transform_2(%arg0: i32) -> (i32, i32) {
    %c0_i32 = arith.constant 0 : i32
    %c0_i32_0 = arith.constant 0 : i32
    return %arg0, %c0_i32 : i32, i32
  }
}

module attributes {stable_mosaic.version = 14 : i64} {
  func.func @_tc1b_body(%arg0: i32, %arg1: memref<512x128xf32, #tpu.memory_space<vmem>>, %arg2: memref<512x128xf32, #tpu.memory_space<vmem>>, %arg3: memref<512x128xf32, #tpu.memory_space<vmem>>, %arg4: memref<512x128xf32, #tpu.memory_space<vmem>>) attributes {dimension_semantics = [#tpu.dimension_semantics<arbitrary>], iteration_bounds = array<i64: 20>, scalar_prefetch = 0 : i64, scratch_operands = 0 : i64, tpu.core_type = #tpu.core_type<tc>, window_params = [{transform_indices = @transform_0, window_bounds = array<i64: 512, 128>}, {transform_indices = @transform_1, window_bounds = array<i64: 512, 128>}, {transform_indices = @transform_2, window_bounds = array<i64: 512, 128>}, {transform_indices = @transform_3, window_bounds = array<i64: 512, 128>}]} {
    %get3A = arith.constant 0 : index
    %get3A_0 = arith.constant 0 : index
    %get3A_1 = vector.load %arg2[%get3A, %get3A_0] : memref<512x128xf32, #tpu.memory_space<vmem>>, vector<512x128xf32>
    %get3A_2 = arith.constant 0 : index
    %get3A_3 = arith.constant 0 : index
    %get3A_4 = vector.load %arg3[%get3A_2, %get3A_3] : memref<512x128xf32, #tpu.memory_space<vmem>>, vector<512x128xf32>
    %add3A = arith.constant 1.000000e+00 : f32
    %add3A_5 = vector.broadcast %add3A : f32 to vector<512x128xf32>
    %add3A_6 = arith.addf %add3A_5, %get3A_1 : vector<512x128xf32>
    %add3A_7 = arith.addf %add3A_6, %get3A_4 : vector<512x128xf32>
    %rsqrt3A = math.rsqrt %add3A_7 : vector<512x128xf32>
    %iota3A = tpu.iota {dimensions = array<i32: 0>} : vector<512x1xi32>
    %mul3A = arith.constant 512 : i32
    %mul3A_8 = arith.muli %arg0, %mul3A : i32
    %add3A_9 = vector.broadcast %mul3A_8 : i32 to vector<512x1xi32>
    %add3A_10 = arith.addi %iota3A, %add3A_9 : vector<512x1xi32>
    %lt3A = arith.constant 10000 : i32
    %lt3A_11 = vector.broadcast %lt3A : i32 to vector<512x1xi32>
    %lt3A_12 = arith.cmpi slt, %add3A_10, %lt3A_11 : vector<512x1xi32>
    %jit3A = arith.constant 0.000000e+00 : f32
    %broadcast_in_dim3A = vector.shape_cast %lt3A_12 : vector<512x1xi1> to vector<512x1xi1>
    %broadcast_in_dim3A_13 = vector.broadcast %broadcast_in_dim3A : vector<512x1xi1> to vector<512x128xi1>
    %broadcast_in_dim3A_14 = vector.broadcast %jit3A : f32 to vector<512x128xf32>
    %select_n3A = arith.select %broadcast_in_dim3A_13, %rsqrt3A, %broadcast_in_dim3A_14 : vector<512x128xi1>, vector<512x128xf32>
    %get3A_15 = arith.constant 0 : index
    %get3A_16 = arith.constant 0 : index
    %get3A_17 = vector.load %arg1[%get3A_15, %get3A_16] : memref<512x128xf32, #tpu.memory_space<vmem>>, vector<512x128xf32>
    %mul3A_18 = arith.mulf %get3A_17, %select_n3A : vector<512x128xf32>
    %swap3A = arith.constant 0 : index
    %swap3A_19 = arith.constant 0 : index
    %swap3A_20 = vector.load %arg4[%swap3A, %swap3A_19] : memref<512x128xf32, #tpu.memory_space<vmem>>, vector<512x128xf32>
    tpu.vector_store %arg4[%swap3A, %swap3A_19], %mul3A_18 {strides = array<i32>} : memref<512x128xf32, #tpu.memory_space<vmem>>, vector<512x128xf32>,
    return
  }
  func.func @transform_0(%arg0: i32) -> (i32, i32) {
    %c0_i32 = arith.constant 0 : i32
    %c0_i32_0 = arith.constant 0 : i32
    return %arg0, %c0_i32 : i32, i32
  }
  func.func @transform_1(%arg0: i32) -> (i32, i32) {
    %c0_i32 = arith.constant 0 : i32
    %c0_i32_0 = arith.constant 0 : i32
    return %arg0, %c0_i32 : i32, i32
  }
  func.func @transform_2(%arg0: i32) -> (i32, i32) {
    %c0_i32 = arith.constant 0 : i32
    %c0_i32_0 = arith.constant 0 : i32
    return %arg0, %c0_i32 : i32, i32
  }
  func.func @transform_3(%arg0: i32) -> (i32, i32) {
    %c0_i32 = arith.constant 0 : i32
    %c0_i32_0 = arith.constant 0 : i32
    return %arg0, %c0_i32 : i32, i32
  }
}

module attributes {stable_mosaic.version = 14 : i64} {
  func.func @_tc2_body(%arg0: i32, %arg1: memref<512x128xf32, #tpu.memory_space<vmem>>, %arg2: memref<512x128xf32, #tpu.memory_space<vmem>>, %arg3: memref<512x128xf32, #tpu.memory_space<vmem>>, %arg4: memref<512x128xf32, #tpu.memory_space<vmem>>, %arg5: memref<512x128xf32, #tpu.memory_space<vmem>>, %arg6: memref<128x128xf32, #tpu.memory_space<vmem>>, %arg7: memref<1x128xf32, #tpu.memory_space<vmem>>, %arg8: memref<512x128xf32, #tpu.memory_space<vmem>>, %arg9: memref<512x128xf32, #tpu.memory_space<vmem>>) attributes {dimension_semantics = [#tpu.dimension_semantics<arbitrary>], iteration_bounds = array<i64: 20>, scalar_prefetch = 0 : i64, scratch_operands = 0 : i64, tpu.core_type = #tpu.core_type<tc>, window_params = [{transform_indices = @transform_0, window_bounds = array<i64: 512, 128>}, {transform_indices = @transform_1, window_bounds = array<i64: 512, 128>}, {transform_indices = @transform_2, window_bounds = array<i64: 512, 128>}, {transform_indices = @transform_3, window_bounds = array<i64: 512, 128>}, {transform_indices = @transform_4, window_bounds = array<i64: 512, 128>}, {pipeline_mode = #tpu.pipeline_mode<synchronous>, transform_indices = @transform_5, window_bounds = array<i64: 128, 128>}, {pipeline_mode = #tpu.pipeline_mode<synchronous>, transform_indices = @transform_6, window_bounds = array<i64: 1, 128>}, {transform_indices = @transform_7, window_bounds = array<i64: 512, 128>}, {transform_indices = @transform_8, window_bounds = array<i64: 512, 128>}]} {
    %get3A = arith.constant 0 : index
    %get3A_0 = arith.constant 0 : index
    %get3A_1 = vector.load %arg4[%get3A, %get3A_0] : memref<512x128xf32, #tpu.memory_space<vmem>>, vector<512x128xf32>
    %get3A_2 = arith.constant 0 : index
    %get3A_3 = arith.constant 0 : index
    %get3A_4 = vector.load %arg5[%get3A_2, %get3A_3] : memref<512x128xf32, #tpu.memory_space<vmem>>, vector<512x128xf32>
    %add3A = arith.constant 1.000000e+00 : f32
    %add3A_5 = vector.broadcast %add3A : f32 to vector<512x128xf32>
    %add3A_6 = arith.addf %add3A_5, %get3A_1 : vector<512x128xf32>
    %add3A_7 = arith.addf %add3A_6, %get3A_4 : vector<512x128xf32>
    %rsqrt3A = math.rsqrt %add3A_7 : vector<512x128xf32>
    %iota3A = tpu.iota {dimensions = array<i32: 0>} : vector<512x1xi32>
    %mul3A = arith.constant 512 : i32
    %mul3A_8 = arith.muli %arg0, %mul3A : i32
    %add3A_9 = vector.broadcast %mul3A_8 : i32 to vector<512x1xi32>
    %add3A_10 = arith.addi %iota3A, %add3A_9 : vector<512x1xi32>
    %lt3A = arith.constant 10000 : i32
    %lt3A_11 = vector.broadcast %lt3A : i32 to vector<512x1xi32>
    %lt3A_12 = arith.cmpi slt, %add3A_10, %lt3A_11 : vector<512x1xi32>
    %jit3A = arith.constant 0.000000e+00 : f32
    %broadcast_in_dim3A = vector.shape_cast %lt3A_12 : vector<512x1xi1> to vector<512x1xi1>
    %broadcast_in_dim3A_13 = vector.broadcast %broadcast_in_dim3A : vector<512x1xi1> to vector<512x128xi1>
    %broadcast_in_dim3A_14 = vector.broadcast %jit3A : f32 to vector<512x128xf32>
    %select_n3A = arith.select %broadcast_in_dim3A_13, %rsqrt3A, %broadcast_in_dim3A_14 : vector<512x128xi1>, vector<512x128xf32>
    %get3A_15 = arith.constant 0 : index
    %get3A_16 = arith.constant 0 : index
    %get3A_17 = vector.load %arg1[%get3A_15, %get3A_16] : memref<512x128xf32, #tpu.memory_space<vmem>>, vector<512x128xf32>
    %get3A_18 = arith.constant 0 : index
    %get3A_19 = arith.constant 0 : index
    %get3A_20 = vector.load %arg2[%get3A_18, %get3A_19] : memref<512x128xf32, #tpu.memory_space<vmem>>, vector<512x128xf32>
    %add3A_21 = arith.addf %get3A_17, %get3A_20 : vector<512x128xf32>
    %mul3A_22 = arith.mulf %select_n3A, %add3A_21 : vector<512x128xf32>
    %mul3A_23 = arith.mulf %select_n3A, %select_n3A : vector<512x128xf32>
    %get3A_24 = arith.constant 0 : index
    %get3A_25 = arith.constant 0 : index
    %get3A_26 = vector.load %arg3[%get3A_24, %get3A_25] : memref<512x128xf32, #tpu.memory_space<vmem>>, vector<512x128xf32>
    %mul3A_27 = arith.mulf %mul3A_23, %get3A_26 : vector<512x128xf32>
    %add3A_28 = arith.addf %mul3A_22, %mul3A_27 : vector<512x128xf32>
    %get3A_29 = arith.constant 0 : index
    %get3A_30 = arith.constant 0 : index
    %get3A_31 = vector.load %arg7[%get3A_29, %get3A_30] : memref<1x128xf32, #tpu.memory_space<vmem>>, vector<1x128xf32>
    %add3A_32 = vector.broadcast %get3A_31 : vector<1x128xf32> to vector<512x128xf32>
    %add3A_33 = arith.addf %add3A_28, %add3A_32 : vector<512x128xf32>
    %max3A = arith.constant 0.000000e+00 : f32
    %max3A_34 = vector.broadcast %max3A : f32 to vector<512x128xf32>
    %max3A_35 = arith.maximumf %add3A_33, %max3A_34 : vector<512x128xf32>
    %get3A_36 = arith.constant 0 : index
    %get3A_37 = arith.constant 0 : index
    %get3A_38 = vector.load %arg6[%get3A_36, %get3A_37] : memref<128x128xf32, #tpu.memory_space<vmem>>, vector<128x128xf32>
    %dot_general3A = arith.constant dense<0.000000e+00> : vector<512x128xf32>
    %dot_general3A_39 = tpu.matmul %max3A_35, %get3A_38, %dot_general3A {dimension_numbers = #tpu.dot_dimension_numbers<[1], [0], [0], [1], [0, 0, 1, 1], [], []>, transpose_lhs_hint = false} : vector<512x128xf32>, vector<128x128xf32>, vector<512x128xf32> -> vector<512x128xf32>
    %swap3A = arith.constant 0 : index
    %swap3A_40 = arith.constant 0 : index
    %swap3A_41 = vector.load %arg8[%swap3A, %swap3A_40] : memref<512x128xf32, #tpu.memory_space<vmem>>, vector<512x128xf32>
    tpu.vector_store %arg8[%swap3A, %swap3A_40], %dot_general3A_39 {strides = array<i32>} : memref<512x128xf32, #tpu.memory_space<vmem>>, vector<512x128xf32>,
    %mul3A_42 = arith.mulf %dot_general3A_39, %select_n3A : vector<512x128xf32>
    %swap3A_43 = arith.constant 0 : index
    %swap3A_44 = arith.constant 0 : index
    %swap3A_45 = vector.load %arg9[%swap3A_43, %swap3A_44] : memref<512x128xf32, #tpu.memory_space<vmem>>, vector<512x128xf32>
    tpu.vector_store %arg9[%swap3A_43, %swap3A_44], %mul3A_42 {strides = array<i32>} : memref<512x128xf32, #tpu.memory_space<vmem>>, vector<512x128xf32>,
    return
  }
  func.func @transform_0(%arg0: i32) -> (i32, i32) {
    %c0_i32 = arith.constant 0 : i32
    %c0_i32_0 = arith.constant 0 : i32
    return %arg0, %c0_i32 : i32, i32
  }
  func.func @transform_1(%arg0: i32) -> (i32, i32) {
    %c0_i32 = arith.constant 0 : i32
    %c0_i32_0 = arith.constant 0 : i32
    return %arg0, %c0_i32 : i32, i32
  }
  func.func @transform_2(%arg0: i32) -> (i32, i32) {
    %c0_i32 = arith.constant 0 : i32
    %c0_i32_0 = arith.constant 0 : i32
    return %arg0, %c0_i32 : i32, i32
  }
  func.func @transform_3(%arg0: i32) -> (i32, i32) {
    %c0_i32 = arith.constant 0 : i32
    %c0_i32_0 = arith.constant 0 : i32
    return %arg0, %c0_i32 : i32, i32
  }
  func.func @transform_4(%arg0: i32) -> (i32, i32) {
    %c0_i32 = arith.constant 0 : i32
    %c0_i32_0 = arith.constant 0 : i32
    return %arg0, %c0_i32 : i32, i32
  }
  func.func @transform_5(%arg0: i32) -> (i32, i32) {
    %c0_i32 = arith.constant 0 : i32
    %c0_i32_0 = arith.constant 0 : i32
    %c0_i32_1 = arith.constant 0 : i32
    return %c0_i32, %c0_i32_0 : i32, i32
  }
  func.func @transform_6(%arg0: i32) -> (i32, i32) {
    %c0_i32 = arith.constant 0 : i32
    %c0_i32_0 = arith.constant 0 : i32
    %c0_i32_1 = arith.constant 0 : i32
    return %c0_i32, %c0_i32_0 : i32, i32
  }
  func.func @transform_7(%arg0: i32) -> (i32, i32) {
    %c0_i32 = arith.constant 0 : i32
    %c0_i32_0 = arith.constant 0 : i32
    return %arg0, %c0_i32 : i32, i32
  }
  func.func @transform_8(%arg0: i32) -> (i32, i32) {
    %c0_i32 = arith.constant 0 : i32
    %c0_i32_0 = arith.constant 0 : i32
    return %arg0, %c0_i32 : i32, i32
  }
}

module attributes {stable_mosaic.version = 14 : i64} {
  func.func @_tc3_body(%arg0: i32, %arg1: memref<512x128xf32, #tpu.memory_space<vmem>>, %arg2: memref<512x128xf32, #tpu.memory_space<vmem>>, %arg3: memref<512x128xf32, #tpu.memory_space<vmem>>, %arg4: memref<512x128xf32, #tpu.memory_space<vmem>>, %arg5: memref<512x128xf32, #tpu.memory_space<vmem>>, %arg6: memref<1x128xf32, #tpu.memory_space<vmem>>, %arg7: memref<1x512xi32, #tpu.memory_space<vmem>>, %arg8: memref<64x16xf32, #tpu.memory_space<vmem>>, %arg9: memref<128x128xf32, #tpu.memory_space<vmem>>, %arg10: memref<16x128xf32, #tpu.memory_space<vmem>>, %arg11: memref<1x128xf32, #tpu.memory_space<vmem>>, %arg12: memref<128x128xf32, #tpu.memory_space<vmem>>, %arg13: memref<1x128xf32, #tpu.memory_space<vmem>>, %arg14: memref<64x128xf32, #tpu.memory_space<vmem>>, %arg15: memref<64x128xf32, #tpu.memory_space<vmem>>, %arg16: memref<64x1xf32, #tpu.memory_space<vmem>>) attributes {dimension_semantics = [#tpu.dimension_semantics<arbitrary>], iteration_bounds = array<i64: 20>, scalar_prefetch = 0 : i64, scratch_operands = 2 : i64, tpu.core_type = #tpu.core_type<tc>, window_params = [{transform_indices = @transform_0, window_bounds = array<i64: 512, 128>}, {transform_indices = @transform_1, window_bounds = array<i64: 512, 128>}, {transform_indices = @transform_2, window_bounds = array<i64: 512, 128>}, {transform_indices = @transform_3, window_bounds = array<i64: 512, 128>}, {transform_indices = @transform_4, window_bounds = array<i64: 512, 128>}, {pipeline_mode = #tpu.pipeline_mode<synchronous>, transform_indices = @transform_5, window_bounds = array<i64: 1, 128>}, {transform_indices = @transform_6, window_bounds = array<i64: 1, 512>}, {pipeline_mode = #tpu.pipeline_mode<synchronous>, transform_indices = @transform_7, window_bounds = array<i64: 64, 16>}, {pipeline_mode = #tpu.pipeline_mode<synchronous>, transform_indices = @transform_8, window_bounds = array<i64: 128, 128>}, {pipeline_mode = #tpu.pipeline_mode<synchronous>, transform_indices = @transform_9, window_bounds = array<i64: 16, 128>}, {pipeline_mode = #tpu.pipeline_mode<synchronous>, transform_indices = @transform_10, window_bounds = array<i64: 1, 128>}, {pipeline_mode = #tpu.pipeline_mode<synchronous>, transform_indices = @transform_11, window_bounds = array<i64: 128, 128>}, {pipeline_mode = #tpu.pipeline_mode<synchronous>, transform_indices = @transform_12, window_bounds = array<i64: 1, 128>}, {pipeline_mode = #tpu.pipeline_mode<synchronous>, transform_indices = @transform_13, window_bounds = array<i64: 64, 128>}]} {
    %get3A = arith.constant 0 : index
    %get3A_0 = arith.constant 0 : index
    %get3A_1 = vector.load %arg4[%get3A, %get3A_0] : memref<512x128xf32, #tpu.memory_space<vmem>>, vector<512x128xf32>
    %get3A_2 = arith.constant 0 : index
    %get3A_3 = arith.constant 0 : index
    %get3A_4 = vector.load %arg5[%get3A_2, %get3A_3] : memref<512x128xf32, #tpu.memory_space<vmem>>, vector<512x128xf32>
    %add3A = arith.constant 1.000000e+00 : f32
    %add3A_5 = vector.broadcast %add3A : f32 to vector<512x128xf32>
    %add3A_6 = arith.addf %add3A_5, %get3A_1 : vector<512x128xf32>
    %add3A_7 = arith.addf %add3A_6, %get3A_4 : vector<512x128xf32>
    %rsqrt3A = math.rsqrt %add3A_7 : vector<512x128xf32>
    %iota3A = tpu.iota {dimensions = array<i32: 0>} : vector<512x1xi32>
    %mul3A = arith.constant 512 : i32
    %mul3A_8 = arith.muli %arg0, %mul3A : i32
    %add3A_9 = vector.broadcast %mul3A_8 : i32 to vector<512x1xi32>
    %add3A_10 = arith.addi %iota3A, %add3A_9 : vector<512x1xi32>
    %lt3A = arith.constant 10000 : i32
    %lt3A_11 = vector.broadcast %lt3A : i32 to vector<512x1xi32>
    %lt3A_12 = arith.cmpi slt, %add3A_10, %lt3A_11 : vector<512x1xi32>
    %jit3A = arith.constant 0.000000e+00 : f32
    %broadcast_in_dim3A = vector.shape_cast %lt3A_12 : vector<512x1xi1> to vector<512x1xi1>
    %broadcast_in_dim3A_13 = vector.broadcast %broadcast_in_dim3A : vector<512x1xi1> to vector<512x128xi1>
    %broadcast_in_dim3A_14 = vector.broadcast %jit3A : f32 to vector<512x128xf32>
    %select_n3A = arith.select %broadcast_in_dim3A_13, %rsqrt3A, %broadcast_in_dim3A_14 : vector<512x128xi1>, vector<512x128xf32>
    %get3A_15 = arith.constant 0 : index
    %get3A_16 = arith.constant 0 : index
    %get3A_17 = vector.load %arg1[%get3A_15, %get3A_16] : memref<512x128xf32, #tpu.memory_space<vmem>>, vector<512x128xf32>
    %get3A_18 = arith.constant 0 : index
    %get3A_19 = arith.constant 0 : index
    %get3A_20 = vector.load %arg2[%get3A_18, %get3A_19] : memref<512x128xf32, #tpu.memory_space<vmem>>, vector<512x128xf32>
    %add3A_21 = arith.addf %get3A_17, %get3A_20 : vector<512x128xf32>
    %mul3A_22 = arith.mulf %select_n3A, %add3A_21 : vector<512x128xf32>
    %mul3A_23 = arith.mulf %select_n3A, %select_n3A : vector<512x128xf32>
    %get3A_24 = arith.constant 0 : index
    %get3A_25 = arith.constant 0 : index
    %get3A_26 = vector.load %arg3[%get3A_24, %get3A_25] : memref<512x128xf32, #tpu.memory_space<vmem>>, vector<512x128xf32>
    %mul3A_27 = arith.mulf %mul3A_23, %get3A_26 : vector<512x128xf32>
    %add3A_28 = arith.addf %mul3A_22, %mul3A_27 : vector<512x128xf32>
    %get3A_29 = arith.constant 0 : index
    %get3A_30 = arith.constant 0 : index
    %get3A_31 = vector.load %arg6[%get3A_29, %get3A_30] : memref<1x128xf32, #tpu.memory_space<vmem>>, vector<1x128xf32>
    %add3A_32 = vector.broadcast %get3A_31 : vector<1x128xf32> to vector<512x128xf32>
    %add3A_33 = arith.addf %add3A_28, %add3A_32 : vector<512x128xf32>
    %max3A = arith.constant 0.000000e+00 : f32
    %max3A_34 = vector.broadcast %max3A : f32 to vector<512x128xf32>
    %max3A_35 = arith.maximumf %add3A_33, %max3A_34 : vector<512x128xf32>
    %iota3A_36 = tpu.iota {dimensions = array<i32: 0>} : vector<512x1xi32>
    %mul3A_37 = arith.constant 512 : i32
    %mul3A_38 = arith.muli %arg0, %mul3A_37 : i32
    %add3A_39 = vector.broadcast %mul3A_38 : i32 to vector<512x1xi32>
    %add3A_40 = arith.addi %iota3A_36, %add3A_39 : vector<512x1xi32>
    %lt3A_41 = arith.constant 10000 : i32
    %lt3A_42 = vector.broadcast %lt3A_41 : i32 to vector<512x1xi32>
    %lt3A_43 = arith.cmpi slt, %add3A_40, %lt3A_42 : vector<512x1xi32>
    %jit3A_44 = arith.constant 0.000000e+00 : f32
    %broadcast_in_dim3A_45 = vector.shape_cast %lt3A_43 : vector<512x1xi1> to vector<512x1xi1>
    %broadcast_in_dim3A_46 = vector.broadcast %broadcast_in_dim3A_45 : vector<512x1xi1> to vector<512x128xi1>
    %broadcast_in_dim3A_47 = vector.broadcast %jit3A_44 : f32 to vector<512x128xf32>
    %select_n3A_48 = arith.select %broadcast_in_dim3A_46, %max3A_35, %broadcast_in_dim3A_47 : vector<512x128xi1>, vector<512x128xf32>
    %get3A_49 = arith.constant 0 : index
    %get3A_50 = arith.constant 0 : index
    %get3A_51 = vector.load %arg7[%get3A_49, %get3A_50] : memref<1x512xi32, #tpu.memory_space<vmem>>, vector<1x512xi32>
    %iota3A_52 = tpu.iota {dimensions = array<i32: 0>} : vector<64x512xi32>
    %eq3A = vector.broadcast %get3A_51 : vector<1x512xi32> to vector<64x512xi32>
    %eq3A_53 = arith.cmpi eq, %eq3A, %iota3A_52 : vector<64x512xi32>
    %convert_element_type3A = arith.extui %eq3A_53 : vector<64x512xi1> to vector<64x512xi32>
    %convert_element_type3A_54 = arith.sitofp %convert_element_type3A : vector<64x512xi32> to vector<64x512xf32>
    %dot_general3A = arith.constant dense<0.000000e+00> : vector<64x128xf32>
    %dot_general3A_55 = tpu.matmul %convert_element_type3A_54, %select_n3A_48, %dot_general3A {dimension_numbers = #tpu.dot_dimension_numbers<[1], [0], [0], [1], [0, 0, 1, 1], [], []>, transpose_lhs_hint = false} : vector<64x512xf32>, vector<512x128xf32>, vector<64x128xf32> -> vector<64x128xf32>
    %reduce_sum3A = arith.constant dense<0.000000e+00> : vector<64xf32>
    %reduce_sum3A_56 = vector.multi_reduction <add>, %convert_element_type3A_54, %reduce_sum3A [1] : vector<64x512xf32> to vector<64xf32>
    %broadcast_in_dim3A_57 = vector.shape_cast %reduce_sum3A_56 : vector<64xf32> to vector<64x1xf32>
    %eq3A_58 = arith.constant 0 : i32
    %eq3A_59 = arith.cmpi eq, %arg0, %eq3A_58 : i32
    %convert_element_type3A_60 = arith.extui %eq3A_59 : i1 to i32
    %cond3A = arith.constant 0 : i32
    %cond3A_61 = arith.cmpi ne, %convert_element_type3A_60, %cond3A : i32
    scf.if %cond3A_61 {
      %broadcast_in_dim3A_80 = arith.constant 0.000000e+00 : f32
      %broadcast_in_dim3A_81 = vector.broadcast %broadcast_in_dim3A_80 : f32 to vector<64x128xf32>
      %swap3A_82 = arith.constant 0 : index
      %swap3A_83 = arith.constant 0 : index
      %swap3A_84 = vector.load %arg15[%swap3A_82, %swap3A_83] : memref<64x128xf32, #tpu.memory_space<vmem>>, vector<64x128xf32>
      tpu.vector_store %arg15[%swap3A_82, %swap3A_83], %broadcast_in_dim3A_81 {strides = array<i32>} : memref<64x128xf32, #tpu.memory_space<vmem>>, vector<64x128xf32>,
      %broadcast_in_dim3A_85 = arith.constant 0.000000e+00 : f32
      %broadcast_in_dim3A_86 = vector.broadcast %broadcast_in_dim3A_85 : f32 to vector<64x1xf32>
      %swap3A_87 = arith.constant 0 : index
      %swap3A_88 = arith.constant 0 : index
      %swap3A_89 = vector.load %arg16[%swap3A_87, %swap3A_88] : memref<64x1xf32, #tpu.memory_space<vmem>>, vector<64x1xf32>
      tpu.vector_store %arg16[%swap3A_87, %swap3A_88], %broadcast_in_dim3A_86 {strides = array<i32>} : memref<64x1xf32, #tpu.memory_space<vmem>>, vector<64x1xf32>,
    } else {
    }
    %get3A_62 = arith.constant 0 : index
    %get3A_63 = arith.constant 0 : index
    %get3A_64 = vector.load %arg15[%get3A_62, %get3A_63] : memref<64x128xf32, #tpu.memory_space<vmem>>, vector<64x128xf32>
    %add3A_65 = arith.addf %get3A_64, %dot_general3A_55 : vector<64x128xf32>
    %swap3A = arith.constant 0 : index
    %swap3A_66 = arith.constant 0 : index
    %swap3A_67 = vector.load %arg15[%swap3A, %swap3A_66] : memref<64x128xf32, #tpu.memory_space<vmem>>, vector<64x128xf32>
    tpu.vector_store %arg15[%swap3A, %swap3A_66], %add3A_65 {strides = array<i32>} : memref<64x128xf32, #tpu.memory_space<vmem>>, vector<64x128xf32>,
    %get3A_68 = arith.constant 0 : index
    %get3A_69 = arith.constant 0 : index
    %get3A_70 = vector.load %arg16[%get3A_68, %get3A_69] : memref<64x1xf32, #tpu.memory_space<vmem>>, vector<64x1xf32>
    %add3A_71 = arith.addf %get3A_70, %broadcast_in_dim3A_57 : vector<64x1xf32>
    %swap3A_72 = arith.constant 0 : index
    %swap3A_73 = arith.constant 0 : index
    %swap3A_74 = vector.load %arg16[%swap3A_72, %swap3A_73] : memref<64x1xf32, #tpu.memory_space<vmem>>, vector<64x1xf32>
    tpu.vector_store %arg16[%swap3A_72, %swap3A_73], %add3A_71 {strides = array<i32>} : memref<64x1xf32, #tpu.memory_space<vmem>>, vector<64x1xf32>,
    %eq3A_75 = arith.constant 19 : i32
    %eq3A_76 = arith.cmpi eq, %arg0, %eq3A_75 : i32
    %convert_element_type3A_77 = arith.extui %eq3A_76 : i1 to i32
    %cond3A_78 = arith.constant 0 : i32
    %cond3A_79 = arith.cmpi ne, %convert_element_type3A_77, %cond3A_78 : i32
    scf.if %cond3A_79 {
      %get3A_80 = arith.constant 0 : index
      %get3A_81 = arith.constant 0 : index
      %get3A_82 = vector.load %arg15[%get3A_80, %get3A_81] : memref<64x128xf32, #tpu.memory_space<vmem>>, vector<64x128xf32>
      %get3A_83 = arith.constant 0 : index
      %get3A_84 = arith.constant 0 : index
      %get3A_85 = vector.load %arg16[%get3A_83, %get3A_84] : memref<64x1xf32, #tpu.memory_space<vmem>>, vector<64x1xf32>
      %max3A_86 = arith.constant 1.000000e+00 : f32
      %max3A_87 = vector.broadcast %max3A_86 : f32 to vector<64x1xf32>
      %max3A_88 = arith.maximumf %get3A_85, %max3A_87 : vector<64x1xf32>
      %div3A = vector.broadcast %max3A_88 : vector<64x1xf32> to vector<64x128xf32>
      %div3A_89 = arith.divf %get3A_82, %div3A : vector<64x128xf32>
      %get3A_90 = arith.constant 0 : index
      %get3A_91 = arith.constant 0 : index
      %get3A_92 = vector.load %arg9[%get3A_90, %get3A_91] : memref<128x128xf32, #tpu.memory_space<vmem>>, vector<128x128xf32>
      %dot_general3A_93 = arith.constant dense<0.000000e+00> : vector<64x128xf32>
      %dot_general3A_94 = tpu.matmul %div3A_89, %get3A_92, %dot_general3A_93 {dimension_numbers = #tpu.dot_dimension_numbers<[1], [0], [0], [1], [0, 0, 1, 1], [], []>, transpose_lhs_hint = false} : vector<64x128xf32>, vector<128x128xf32>, vector<64x128xf32> -> vector<64x128xf32>
      %get3A_95 = arith.constant 0 : index
      %get3A_96 = arith.constant 0 : index
      %get3A_97 = vector.load %arg8[%get3A_95, %get3A_96] : memref<64x16xf32, #tpu.memory_space<vmem>>, vector<64x16xf32>
      %get3A_98 = arith.constant 0 : index
      %get3A_99 = arith.constant 0 : index
      %get3A_100 = vector.load %arg10[%get3A_98, %get3A_99] : memref<16x128xf32, #tpu.memory_space<vmem>>, vector<16x128xf32>
      %dot_general3A_101 = arith.constant dense<0.000000e+00> : vector<64x128xf32>
      %dot_general3A_102 = tpu.matmul %get3A_97, %get3A_100, %dot_general3A_101 {dimension_numbers = #tpu.dot_dimension_numbers<[1], [0], [0], [1], [0, 0, 1, 1], [], []>, transpose_lhs_hint = false} : vector<64x16xf32>, vector<16x128xf32>, vector<64x128xf32> -> vector<64x128xf32>
      %add3A_103 = arith.addf %dot_general3A_94, %dot_general3A_102 : vector<64x128xf32>
      %get3A_104 = arith.constant 0 : index
      %get3A_105 = arith.constant 0 : index
      %get3A_106 = vector.load %arg11[%get3A_104, %get3A_105] : memref<1x128xf32, #tpu.memory_space<vmem>>, vector<1x128xf32>
      %add3A_107 = vector.broadcast %get3A_106 : vector<1x128xf32> to vector<64x128xf32>
      %add3A_108 = arith.addf %add3A_103, %add3A_107 : vector<64x128xf32>
      %max3A_109 = arith.constant 0.000000e+00 : f32
      %max3A_110 = vector.broadcast %max3A_109 : f32 to vector<64x128xf32>
      %max3A_111 = arith.maximumf %add3A_108, %max3A_110 : vector<64x128xf32>
      %get3A_112 = arith.constant 0 : index
      %get3A_113 = arith.constant 0 : index
      %get3A_114 = vector.load %arg12[%get3A_112, %get3A_113] : memref<128x128xf32, #tpu.memory_space<vmem>>, vector<128x128xf32>
      %dot_general3A_115 = arith.constant dense<0.000000e+00> : vector<64x128xf32>
      %dot_general3A_116 = tpu.matmul %max3A_111, %get3A_114, %dot_general3A_115 {dimension_numbers = #tpu.dot_dimension_numbers<[1], [0], [0], [1], [0, 0, 1, 1], [], []>, transpose_lhs_hint = false} : vector<64x128xf32>, vector<128x128xf32>, vector<64x128xf32> -> vector<64x128xf32>
      %get3A_117 = arith.constant 0 : index
      %get3A_118 = arith.constant 0 : index
      %get3A_119 = vector.load %arg13[%get3A_117, %get3A_118] : memref<1x128xf32, #tpu.memory_space<vmem>>, vector<1x128xf32>
      %add3A_120 = vector.broadcast %get3A_119 : vector<1x128xf32> to vector<64x128xf32>
      %add3A_121 = arith.addf %dot_general3A_116, %add3A_120 : vector<64x128xf32>
      %swap3A_122 = arith.constant 0 : index
      %swap3A_123 = arith.constant 0 : index
      %swap3A_124 = vector.load %arg14[%swap3A_122, %swap3A_123] : memref<64x128xf32, #tpu.memory_space<vmem>>, vector<64x128xf32>
      tpu.vector_store %arg14[%swap3A_122, %swap3A_123], %add3A_121 {strides = array<i32>} : memref<64x128xf32, #tpu.memory_space<vmem>>, vector<64x128xf32>,
    } else {
    }
    return
  }
  func.func @transform_0(%arg0: i32) -> (i32, i32) {
    %c0_i32 = arith.constant 0 : i32
    %c0_i32_0 = arith.constant 0 : i32
    return %arg0, %c0_i32 : i32, i32
  }
  func.func @transform_1(%arg0: i32) -> (i32, i32) {
    %c0_i32 = arith.constant 0 : i32
    %c0_i32_0 = arith.constant 0 : i32
    return %arg0, %c0_i32 : i32, i32
  }
  func.func @transform_2(%arg0: i32) -> (i32, i32) {
    %c0_i32 = arith.constant 0 : i32
    %c0_i32_0 = arith.constant 0 : i32
    return %arg0, %c0_i32 : i32, i32
  }
  func.func @transform_3(%arg0: i32) -> (i32, i32) {
    %c0_i32 = arith.constant 0 : i32
    %c0_i32_0 = arith.constant 0 : i32
    return %arg0, %c0_i32 : i32, i32
  }
  func.func @transform_4(%arg0: i32) -> (i32, i32) {
    %c0_i32 = arith.constant 0 : i32
    %c0_i32_0 = arith.constant 0 : i32
    return %arg0, %c0_i32 : i32, i32
  }
  func.func @transform_5(%arg0: i32) -> (i32, i32) {
    %c0_i32 = arith.constant 0 : i32
    %c0_i32_0 = arith.constant 0 : i32
    %c0_i32_1 = arith.constant 0 : i32
    return %c0_i32, %c0_i32_0 : i32, i32
  }
  func.func @transform_6(%arg0: i32) -> (i32, i32) {
    %c0_i32 = arith.constant 0 : i32
    %c0_i32_0 = arith.constant 0 : i32
    return %c0_i32, %arg0 : i32, i32
  }
  func.func @transform_7(%arg0: i32) -> (i32, i32) {
    %c0_i32 = arith.constant 0 : i32
    %c0_i32_0 = arith.constant 0 : i32
    %c0_i32_1 = arith.constant 0 : i32
    return %c0_i32, %c0_i32_0 : i32, i32
  }
  func.func @transform_8(%arg0: i32) -> (i32, i32) {
    %c0_i32 = arith.constant 0 : i32
    %c0_i32_0 = arith.constant 0 : i32
    %c0_i32_1 = arith.constant 0 : i32
    return %c0_i32, %c0_i32_0 : i32, i32
  }
  func.func @transform_9(%arg0: i32) -> (i32, i32) {
    %c0_i32 = arith.constant 0 : i32
    %c0_i32_0 = arith.constant 0 : i32
    %c0_i32_1 = arith.constant 0 : i32
    return %c0_i32, %c0_i32_0 : i32, i32
  }
  func.func @transform_10(%arg0: i32) -> (i32, i32) {
    %c0_i32 = arith.constant 0 : i32
    %c0_i32_0 = arith.constant 0 : i32
    %c0_i32_1 = arith.constant 0 : i32
    return %c0_i32, %c0_i32_0 : i32, i32
  }
  func.func @transform_11(%arg0: i32) -> (i32, i32) {
    %c0_i32 = arith.constant 0 : i32
    %c0_i32_0 = arith.constant 0 : i32
    %c0_i32_1 = arith.constant 0 : i32
    return %c0_i32, %c0_i32_0 : i32, i32
  }
  func.func @transform_12(%arg0: i32) -> (i32, i32) {
    %c0_i32 = arith.constant 0 : i32
    %c0_i32_0 = arith.constant 0 : i32
    %c0_i32_1 = arith.constant 0 : i32
    return %c0_i32, %c0_i32_0 : i32, i32
  }
  func.func @transform_13(%arg0: i32) -> (i32, i32) {
    %c0_i32 = arith.constant 0 : i32
    %c0_i32_0 = arith.constant 0 : i32
    %c0_i32_1 = arith.constant 0 : i32
    return %c0_i32, %c0_i32_0 : i32, i32
  }
}

</mosaic_0001>

<sc_bundles>
// kernel: kernel.12.cloned.1.call-start
scs
__scs_entry_jumppad:
0x0: {  	(pc) =	sbr.rel $0x88, $3  }
0x1: {  	(tag) =	ssettag $0x0;
	lr =	simm.s32 $0x1  }
0x2: {  	[smem:$0x3F95] =	sst lr;
	_ =	strace $0xD0000000  }
0x3: {  	_ = 	snop  }
0x4: {  	_ = 	snop  }
0x5: {  	_ = 	snop  }
0x6: {  	_ = 	snop  }
0x7: {  	_ = 	snop  }
__scs_overlays_trampoline_lowered:
0x8: {  	[smem:$0x3FA4] =	sst s0  }
0x9: {  	[smem:$0x3FA5] =	sst s1  }
0xa: {  	[smem:$0x3FA6] =	sst s2  }
0xb: {  	[smem:$0x3FA7] =	sst s3  }
0xc: {  	[smem:$0x3FA8] =	sst s4  }
0xd: {  	[smem:$0x3FA9] =	sst s5  }
0xe: {  	[smem:$0x3FAA] =	sst s6  }
0xf: {  	[smem:$0x3FAB] =	sst s7  }
0x10: {  	[smem:$0x3FAC] =	sst s8  }
0x11: {  	[smem:$0x3FAD] =	sst s9;
	s0 =	simm.s32 @!p0 $0x0  }
0x12: {  	s1 =	sld [smem:$0x3F93];
	s0 =	simm.s32 @p0 $0x1  }
0x13: {  	[smem:$0x3FAE] =	sst s0;
	s0 =	simm.s32 @!p1 $0x0  }
0x14: {  	s2 =	sld [smem:$0x3F92];
	s0 =	simm.s32 @p1 $0x1  }
0x15: {  	[smem:$0x3FAF] =	sst s0;
	s0 =	simm.s32 @!p2 $0x0  }
0x16: {  	s3 =	sld [smem:$0x3FDB];
	s0 =	simm.s32 @p2 $0x1  }
0x17: {  	s4 =	simm.s32 $0x1BF5;
	[smem:$0x3FB1] =	sst s0  }
0x18: {  	s0 =	sld [smem:$0x3F94];
	_ =	swait.ge [sflag:s4], $0x0  }
0x19: {  	s7 =	sld [smem:$0x3F95]  }
0x1a: {  	s8 =	sadd.s32 $0xFFFFE003, lr  }
0x1b: {  	s9 =	sadd.s32 $0xFFFFFEF7, lr;
	s5 =	simm.s32 $0xFFFFFFFF;
	p2 =	slt.u32 s8, $0xFFFFF086  }
0x1c: {  	p1 =	slt.u32 s9, $0xF7A;
	s5 =	simm.s32 @!p2 $0x0  }
0x1d: {  	s5 =	simm.s32 @p1 $0x1;
	p0 =	seq.s32 s7, s2  }
0x1e: {  	s7 =	smul.u32 @!p0 $0xF7A, s2;
	p2 =	seq.s32 @!p0 s5, $0x0  }
0x1f: {  	s9 =	smul.u32 $0xF7A, s1;
	s8 =	simm.s32 @!p0 $0x1BF5;
	p2 =	por !p2, p0  }
0x20: {  	[sflag:s8] =	ssyncset.s32 @!p0 $0xFFFFF086;
	s6 =	sadd.s32 @!p0 s3, s7;
	s7 =	simm.s32 @!p0 $0x108  }
0x21: {  	s3 =	sadd.s32 s3, s9;
	s6 =	sadd.s32 @!p0 $0x88, s6;
	s7 =	simm.s32 @p2 $0x1082  }
0x22: {  	[simem:s7], [sflag:s8] =	dma.local @!p0 [hbm:s6], $0xF7A  }
0x23: {  	s9 =	sor.u32 $0xD0000000, s2;
	s6 =	simm.s32 $0x108;
	_ =	swait.ge @!p0 [sflag:s8], $0x0  }
0x24: {  	s3 =	sadd.s32 $0x88, s3;
	s6 =	simm.s32 @!p1 $0x1082;
	[sflag:s4] =	ssyncset.s32 $0xFFFFF086  }
0x25: {  	[simem:s6], [sflag:s4] =	dma.local [hbm:s3], $0xF7A  }
0x26: {  	[smem:$0x3F95] =	sst s1;
	(tag) =	ssettag s2;
	_ =	strace s9  }
0x27: {  	s1 =	sld [smem:$0x3FA5]  }
0x28: {  	s2 =	sld [smem:$0x3FA6]  }
0x29: {  	s4 =	sld [smem:$0x3FA8]  }
0x2a: {  	p0 =	seq.s32 s5, $0x0;
	s5 =	sld [smem:$0x3FA9]  }
0x2b: {  	s6 =	sld [smem:$0x3FAA]  }
0x2c: {  	s7 =	sld [smem:$0x3FAB]  }
0x2d: {  	s3 =	simm.s32 $0x108;
	s8 =	sld [smem:$0x3FAC]  }
0x2e: {  	s3 =	simm.s32 @!p0 $0x1082;
	s9 =	sld [smem:$0x3FAD]  }
0x2f: {  	lr =	sadd.s32 s0, s3;
	s0 =	sld [smem:$0x3FA4]  }
0x30: {  	s3 =	sld [smem:$0x3FA7]  }
0x31: {  	[smem:$0x3FB0] =	sst s10  }
0x32: {  	s10 =	sld [smem:$0x3FAE];
	_ =	sdelay $0x3  }
0x33: {  	p0 =	seq.s32 s10, $0x1;
	s10 =	sld [smem:$0x3FB0];
	_ =	sdelay $0x3  }
0x34: {  	[smem:$0x3FB0] =	sst s10  }
0x35: {  	s10 =	sld [smem:$0x3FAF];
	_ =	sdelay $0x3  }
0x36: {  	p1 =	seq.s32 s10, $0x1;
	s10 =	sld [smem:$0x3FB0];
	_ =	sdelay $0x3  }
0x37: {  	[smem:$0x3FB0] =	sst s10  }
0x38: {  	s10 =	sld [smem:$0x3FB1]  }
0x39: {  	_ = 	snop;
	(pc) =	sbr.ind lr, $3  }
0x3a: {  	_ = 	snop  }
0x3b: {  	_ = 	snop  }
0x3c: {  	p2 =	seq.s32 s10, $0x1;
	s10 =	sld [smem:$0x3FB0]  }
0x3d: {  	_ =	shalt  }
0x3e: {  	_ =	shalt  }
0x3f: {  	_ =	shalt  }
0x40: {  	_ =	shalt  }
0x41: {  	_ =	shalt  }
0x42: {  	_ =	shalt  }
0x43: {  	_ =	shalt  }
0x44: {  	_ =	shalt  }
0x45: {  	_ =	shalt  }
0x46: {  	_ =	shalt  }
0x47: {  	_ =	shalt  }
0x48: {  	_ =	shalt  }
0x49: {  	_ =	shalt  }
0x4a: {  	_ =	shalt  }
0x4b: {  	_ =	shalt  }
0x4c: {  	_ =	shalt  }
0x4d: {  	_ =	shalt  }
0x4e: {  	_ =	shalt  }
0x4f: {  	_ =	shalt  }
0x50: {  	_ =	shalt  }
0x51: {  	_ =	shalt  }
0x52: {  	_ =	shalt  }
0x53: {  	_ =	shalt  }
0x54: {  	_ =	shalt  }
0x55: {  	_ =	shalt  }
0x56: {  	_ =	shalt  }
0x57: {  	_ =	shalt  }
0x58: {  	_ =	shalt  }
0x59: {  	_ =	shalt  }
0x5a: {  	_ =	shalt  }
0x5b: {  	_ =	shalt  }
0x5c: {  	_ =	shalt  }
0x5d: {  	_ =	shalt  }
0x5e: {  	_ =	shalt  }
0x5f: {  	_ =	shalt  }
0x60: {  	_ =	shalt  }
0x61: {  	_ =	shalt  }
0x62: {  	_ =	shalt  }
0x63: {  	_ =	shalt  }
0x64: {  	_ =	shalt  }
0x65: {  	_ =	shalt  }
0x66: {  	_ =	shalt  }
0x67: {  	_ =	shalt  }
0x68: {  	_ =	shalt  }
0x69: {  	_ =	shalt  }
0x6a: {  	_ =	shalt  }
0x6b: {  	_ =	shalt  }
0x6c: {  	_ =	shalt  }
0x6d: {  	_ =	shalt  }
0x6e: {  	_ =	shalt  }
0x6f: {  	_ =	shalt  }
0x70: {  	_ =	shalt  }
0x71: {  	_ =	shalt  }
0x72: {  	_ =	shalt  }
0x73: {  	_ =	shalt  }
0x74: {  	_ =	shalt  }
0x75: {  	_ =	shalt  }
0x76: {  	_ =	shalt  }
0x77: {  	_ =	shalt  }
0x78: {  	_ =	shalt  }
0x79: {  	_ =	shalt  }
0x7a: {  	_ =	shalt  }
0x7b: {  	_ =	shalt  }
0x7c: {  	_ =	shalt  }
0x7d: {  	_ =	shalt  }
0x7e: {  	_ =	shalt  }
0x7f: {  	_ =	shalt  }
0x80: {  	_ =	shalt  }
0x81: {  	_ =	shalt  }
0x82: {  	_ =	shalt  }
0x83: {  	_ =	shalt  }
0x84: {  	_ =	shalt  }
0x85: {  	_ =	shalt  }
0x86: {  	_ =	shalt  }
0x87: {  	_ =	shalt  }
.Lfunc_end0:
.L_simem_size_0:
called_computation.1_lowered:
.L_overlay_start_0:
0x88: {  	s2 =	sld [smem:$0x3FD9]  }
0x89: {  	s3 =	sld [smem:$0x3FFE];
	_ =	sdelay $0x1  }
0x8a: {  	s1 =	srdreg.scid  }
0x8b: {  	s0 =	sand.u32 $0x1, s1  }
0x8c: {  	s16 =	sshll.u32 s0, $0xA;
	s2 =	sadd.s32 s3, s2  }
0x8d: {  	s2 =	sadd.s32 s2, s16  }
0x8e: {  	[smem:$0x3FBC] =	sst s2  }
0x8f: {  	_ = 	snop  }
0x90: {  	(tm) =	ssettm $0x1  }
0x91: {  	s17 =	sld [smem:$0x3FFB];
	_ =	sdelay $0x3  }
0x92: {  	_ =	strace s17  }
0x93: {  	s2 =	sld [smem:$0x3FFC];
	_ =	sdelay $0x3  }
0x94: {  	_ =	strace s2  }
0x95: {  	s2 =	sld [smem:$0x3FFD];
	_ =	sdelay $0x3  }
0x96: {  	_ =	strace s2  }
0x97: {  	_ =	strace $0x8FFFFFFF  }
0x98: {  	s18 =	sld [smem:$0x3FDB];
	_ =	sdelay $0x1  }
0x99: {  	s19 =	simm.s32 $_scs_section_size  }
0x9a: {  	s4 =	simm.s32 $_size__tile_overlayer_lowered;
	s5 =	simm.s32 $_tile_overlayer_lowered  }
0x9b: {  	s22 =	simm.s32 $0x1BFF;
	s21 =	sshll.u32 s5, $0x1;
	s2 =	sadd.s32 s19, s18  }
0x9c: {  	s6 =	simm.s32 $0x0;
	s20 =	sshll.u32 s4, $0x1;
	s4 =	sadd.s32 s21, s2  }
0x9d: {  	[timem:s6], [sflag:s22] =	dma.local [hbm:s4], s20  }
0x9e: {  	_ =	swait.ge [sflag:s22], s20  }
0x9f: {  	s3 =	ssub.s32 $0x0, s20;
	[sflag:s22] =	ssyncset.done $0x0  }
0xa0: {  	[sflag:s22] =	ssyncadd.s32 s3;
	_ =	sdelay $0x1  }
0xa1: {  	s23 =	simm.s32 $0x1B8B  }
0xa2: {  	_ =	swait.ge [sflag:s23], $0x1  }
0xa3: {  	[sflag:s23] =	ssyncset.done $0x0  }
0xa4: {  	s25 =	simm.s32 $0x1B8E;
	s24 =	sld [smem:$0x3FFE];
	[sflag:s23] =	ssyncadd.s32 $0xFFFFFFFF  }
0xa5: {  	s26 =	simm.s32 $execute0_lowered;
	[smem:$0x3FD2] =	sst s25  }
0xa6: {  	s4 =	sshll.u32 s26, $0x1;
	_ =	strace $0x80000049;
	[dreg:$0x1] =	wrdreg $0xFFFFFFFF  }
0xa7: {  	s28 =	simm.s32 $_size_execute0_lowered;
	s2 =	sadd.s32 s2, s4;
	[dreg:$0x0] =	wrdreg $0x0  }
0xa8: {  	s4 =	sshll.u32 s28, $0x1;
	[dreg:$0x2] =	wrdreg s2  }
0xa9: {  	[dreg:$0x3] =	wrdreg s4  }
0xaa: {  	[dreg:$0x4] =	wrdreg $0xC0  }
0xab: {  	_ =	task [dreg:s6], $0x5FFFF  }
0xac: {  	[dreg:$0x1] =	wrdreg $0xFFFFFFFF  }
0xad: {  	[dreg:$0x0] =	wrdreg $0x60  }
0xae: {  	[dreg:$0x2] =	wrdreg s24  }
0xaf: {  	[dreg:$0x3] =	wrdreg $0xA8000  }
0xb0: {  	[dreg:$0x4] =	wrdreg $0x9  }
0xb1: {  	_ =	task.clear_ibuf [dreg:s6], $0x5FFFF;
	_ =	strace $0x90000049  }
0xb2: {  	s29 =	simm.s32 $0x9;
	_ =	strace $0x8000004B  }
0xb3: {  	_ =	swait.ge [sflag:s29], $0x1  }
0xb4: {  	[sflag:s29] =	ssyncadd.s32 $0xFFFFFFFF  }
0xb5: {  	_ =	strace $0x9000004B  }
0xb6: {  	_ =	sfence  }
0xb7: {  	s30 =	sld [smem:$0x0];
	_ =	sdelay $0x2  }
0xb8: {  	s31 =	sshll.u32 s1, $0xD;
	s1 =	sshrl.u32 s1, $0x2  }
0xb9: {  	s3 =	sand.u32 $0x4000, s31;
	s1 =	sadd.s32 s1, s30  }
0xba: {  	s0 =	sor.u32 s3, s0;
	s1 =	sshll.u32 s1, $0x11  }
0xbb: {  	s0 =	sor.u32 s1, s0  }
0xbc: {  	s0 =	sadd.s32 $0x8F2B, s0  }
0xbd: {  	[sflag:s0] =	ssyncadd.remote.s32 $0x1  }
0xbe: {  	_ =	sfence.sel $0xFFFF  }
0xbf: {  	[dreg:$0x0] =	wrdreg $0xFFFFFFFF;
	(pc) =	sbr.abs _section_cstart, $3  }
0xc0: {  	[dreg:$0x1] =	wrdreg $0xFFFFFFFF  }
0xc1: {  	_ =	task.clear_ibuf [dreg:s6], $0x2FFFF;
	_ =	strace $0x9FFFFFFF  }
0xc2: {  	(tm) =	ssettm $0x7FFFFFFF  }
0xc3: {  	_ =	shalt  }
tec
execute0_lowered:
.L_overlay_start_1:
0x0: {  	(tag) =	ssettag $0x1  }
0x1: {  	s0 =	rddreg [dreg:$0x0]  }
0x2: {  	s1 =	rddreg [dreg:$0x1];
	s2 =	simm.s32 $0x0  }
0x3: {  	s3 =	srdreg.scid;
	s12 =	stileid.u32;
	s13 =	simm.s32 $0x5  }
0x4: {  	s14 =	simm.s32 $0x1400;
	s15 =	simm.s32 $0x40;
	s16 =	simm.s32 $0x2800  }
0x5: {  	s17 =	simm.s32 $0x4800;
	s18 =	simm.s32 $0x80;
	s19 =	simm.s32 $0x6800  }
0x6: {  	s20 =	simm.s32 $0xC0;
	s21 =	simm.s32 $0x8800;
	s22 =	simm.s32 $0x1  }
0x7: {  	s23 =	simm.s32 $0x2;
	s28 =	simm.s32 $0x1300;
	s29 =	simm.s32 $0x1340  }
0x8: {  	s30 =	simm.s32 $0x2680;
	s31 =	simm.s32 $0x1380;
	[smem:$0x7FF] =	sst s2  }
0x9: {  	s4 =	sadd.s32 $0x90C00, s0;
	s5 =	sadd.s32 $0xEA00, s0;
	s3 =	sand.u32 $0x1, s3  }
0xa: {  	s6 =	sadd.s32 $0x4A00, s0;
	s9 =	smul.u32 $0x50, s12;
	s8 =	sadd.s32 $0xB8C00, s0  }
0xb: {  	s10 =	sadd.s32 $0xBB400, s0;
	s24 =	smul.u32 $0x50000, s12;
	s0 =	sadd.s32 $0xE3400, s0  }
0xc: {  	s25 =	sshll.u32 s12, $0x6;
	s26 =	smul.u32 $0x2800, s12;
	_ =	strace $0x8000004A  }
0xd: {  	s7 =	ssub.s32 $0x2, s3;
	[dreg:$0x3] =	wrdreg s8;
	p0 =	seq.s32 s3, $0x0  }
0xe: {  	s11 =	sshrl.u32 s7, $0x1;
	s8 =	sadd.s32 $0x500, s9;
	s3 =	sshrl.u32 s24, $0x2  }
0xf: {  	s0 =	smov.u32 @p0 s10;
	s24 =	simm.s32 $0x3;
	s7 =	ssub.s32 s7, s11  }
0x10: {  	s8 =	smov.u32 @p0 s9;
	s3 =	sadd.s32 s3, s1;
	s9 =	sor.u32 $0x1C05, s25  }
0x11: {  	s0 =	sadd.s32 s0, s26;
	s25 =	simm.s32 $0x4;
	s26 =	simm.s32 $0x2600  }
0x12: {  	s10 =	smov.u32 s9;
	s7 =	smax.u32 s7, $0x1;
	[dreg:$0x5] =	wrdreg s0  }
0x13: {  	s11 =	sshrl.u32 s3, $0x3;
	s0 =	simm.s32 $0x13C0;
	[dreg:$0x4] =	wrdreg s7  }
0x14: {  	s3 =	simm.s32 $0x2700;
	s7 =	simm.s32 $0x2780;
	[dreg:$0x6] =	wrdreg s11  }
.LBB2_1:
0x15: {  	s9 =	rddreg [dreg:$0x3]  }
0x16: {  	[spmem:s11], [sflag:s10] =	dma.local [hbm:s9], $0x2800  }
0x17: {  	_ =	swait.ge [sflag:s13], $0x2800  }
0x18: {  	[sflag:s13] =	ssyncset.done $0x0  }
0x19: {  	s12 =	smov.u32 s10;
	[sflag:s13] =	ssyncadd.s32 $0xFFFFD800  }
0x1a: {  	p1 =	por $0x1, $0x1;
	s10 =	simm.s32 $0x0;
	[bflag:$0x0] =	sbarrier.arrive $0xFFFF  }
.LBB2_2:
0x1b: {  	s10 =	sadd.s32 s8, s10  }
0x1c: {  	s10 =	sshll.u32 s10, $0x4  }
0x1d: {  	s9 =	simm.s32 $0x0;
	s11 =	sadd.s32 s5, s10  }
0x1e: {  	[tilespmem:s9], [sflag:$0x5] =	stream.linear.gather [hbm4b:s11+s9], $0x1400, $0x38;
	[tilespmem:$0x1E800] =	vst v63  }
0x1f: {  	_ =	swait.ge [sflag:s13], $0x1400  }
0x20: {  	[sflag:s13] =	ssyncset.done $0x0  }
0x21: {  	s10 =	sadd.s32 s6, s10;
	[sflag:s13] =	ssyncadd.s32 $0xFFFFEC00  }
0x22: {  	[tilespmem:s14], [sflag:$0x5] =	stream.linear.gather [hbm4b:s10+s9], $0x1400, $0x38;
	[tilespmem:$0x1E800] =	vst v63  }
0x23: {  	_ =	swait.ge [sflag:s13], $0x1400  }
0x24: {  	[sflag:s13] =	ssyncset.done $0x0  }
0x25: {  	[sflag:s13] =	ssyncadd.s32 $0xFFFFEC00  }
0x26: {  	[tilespmem:s16], [sflag:$0x1] =	stream.indirect.gather [hbm4b:s4+s15], $0x80, s9, s15, $0xb8;
	[tilespmem:$0x1E800] =	vst v63  }
0x27: {  	_ = 	snop  }
0x28: {  	[tilespmem:s17], [sflag:$0x2] =	stream.indirect.gather [hbm4b:s4+s15], $0x80, s15, s15, $0xb8;
	[tilespmem:$0x1E800] =	vst v63  }
0x29: {  	_ = 	snop  }
0x2a: {  	[tilespmem:s19], [sflag:$0x3] =	stream.indirect.gather [hbm4b:s4+s15], $0x80, s18, s15, $0xb8;
	[tilespmem:$0x1E800] =	vst v63  }
0x2b: {  	_ = 	snop  }
0x2c: {  	[tilespmem:s21], [sflag:$0x4] =	stream.indirect.gather [hbm4b:s4+s15], $0x80, s20, s15, $0xb8;
	[tilespmem:$0x1E800] =	vst v63  }
0x2d: {  	_ =	swait.ge [sflag:s22], $0x2000  }
0x2e: {  	[sflag:s22] =	ssyncset.done $0x0  }
0x2f: {  	[sflag:s22] =	ssyncadd.s32 $0xFFFFE000  }
0x30: {  	_ =	swait.ge [sflag:s23], $0x2000  }
0x31: {  	[sflag:s23] =	ssyncset.done $0x0  }
0x32: {  	s11 =	simm.s32 $0x1400;
	[sflag:s23] =	ssyncadd.s32 $0xFFFFE000  }
0x33: {  	[spmem:s1] =	stream.indirect.scatter.add.f32 [tilespmem:s16], [sflag:$0x5], $0x80, s11, s18, $0xb8;
	[tilespmem:$0x1E800] =	vst v63  }
0x34: {  	_ =	swait.ge [sflag:s13], $0x4000  }
0x35: {  	[sflag:s13] =	ssyncset.done $0x0  }
0x36: {  	s10 =	simm.s32 $0x100;
	[sflag:s13] =	ssyncadd.s32 $0xFFFFC000  }
0x37: {  	[tilespmem:s16], [sflag:$0x1] =	stream.indirect.gather [hbm4b:s4+s15], $0x80, s10, s15, $0xb8;
	[tilespmem:$0x1E800] =	vst v63  }
0x38: {  	s11 =	simm.s32 $0x140  }
0x39: {  	[tilespmem:s17], [sflag:$0x2] =	stream.indirect.gather [hbm4b:s4+s15], $0x80, s11, s15, $0xb8;
	[tilespmem:$0x1E800] =	vst v63  }
0x3a: {  	_ =	swait.ge [sflag:s24], $0x2000  }
0x3b: {  	[sflag:s24] =	ssyncset.done $0x0  }
0x3c: {  	[sflag:s24] =	ssyncadd.s32 $0xFFFFE000  }
0x3d: {  	_ =	swait.ge [sflag:s25], $0x2000  }
0x3e: {  	[sflag:s25] =	ssyncset.done $0x0  }
0x3f: {  	s10 =	simm.s32 $0x1480;
	[sflag:s25] =	ssyncadd.s32 $0xFFFFE000  }
0x40: {  	[spmem:s1] =	stream.indirect.scatter.add.f32 [tilespmem:s19], [sflag:$0x5], $0x80, s10, s18, $0xb8;
	[tilespmem:$0x1E800] =	vst v63  }
0x41: {  	_ =	swait.ge [sflag:s13], $0x4000  }
0x42: {  	[sflag:s13] =	ssyncset.done $0x0  }
0x43: {  	s11 =	simm.s32 $0x180;
	[sflag:s13] =	ssyncadd.s32 $0xFFFFC000  }
0x44: {  	[tilespmem:s19], [sflag:$0x3] =	stream.indirect.gather [hbm4b:s4+s15], $0x80, s11, s15, $0xb8;
	[tilespmem:$0x1E800] =	vst v63  }
0x45: {  	s10 =	simm.s32 $0x1C0  }
0x46: {  	[tilespmem:s21], [sflag:$0x4] =	stream.indirect.gather [hbm4b:s4+s15], $0x80, s10, s15, $0xb8;
	[tilespmem:$0x1E800] =	vst v63  }
0x47: {  	_ =	swait.ge [sflag:s22], $0x2000  }
0x48: {  	[sflag:s22] =	ssyncset.done $0x0  }
0x49: {  	[sflag:s22] =	ssyncadd.s32 $0xFFFFE000  }
0x4a: {  	_ =	swait.ge [sflag:s23], $0x2000  }
0x4b: {  	[sflag:s23] =	ssyncset.done $0x0  }
0x4c: {  	s11 =	simm.s32 $0x1500;
	[sflag:s23] =	ssyncadd.s32 $0xFFFFE000  }
0x4d: {  	[spmem:s1] =	stream.indirect.scatter.add.f32 [tilespmem:s16], [sflag:$0x5], $0x80, s11, s18, $0xb8;
	[tilespmem:$0x1E800] =	vst v63  }
0x4e: {  	_ =	swait.ge [sflag:s13], $0x4000  }
0x4f: {  	[sflag:s13] =	ssyncset.done $0x0  }
0x50: {  	s10 =	simm.s32 $0x200;
	[sflag:s13] =	ssyncadd.s32 $0xFFFFC000  }
0x51: {  	[tilespmem:s16], [sflag:$0x1] =	stream.indirect.gather [hbm4b:s4+s15], $0x80, s10, s15, $0xb8;
	[tilespmem:$0x1E800] =	vst v63  }
0x52: {  	s11 =	simm.s32 $0x240  }
0x53: {  	[tilespmem:s17], [sflag:$0x2] =	stream.indirect.gather [hbm4b:s4+s15], $0x80, s11, s15, $0xb8;
	[tilespmem:$0x1E800] =	vst v63  }
0x54: {  	_ =	swait.ge [sflag:s24], $0x2000  }
0x55: {  	[sflag:s24] =	ssyncset.done $0x0  }
0x56: {  	[sflag:s24] =	ssyncadd.s32 $0xFFFFE000  }
0x57: {  	_ =	swait.ge [sflag:s25], $0x2000  }
0x58: {  	[sflag:s25] =	ssyncset.done $0x0  }
0x59: {  	s10 =	simm.s32 $0x1580;
	[sflag:s25] =	ssyncadd.s32 $0xFFFFE000  }
0x5a: {  	[spmem:s1] =	stream.indirect.scatter.add.f32 [tilespmem:s19], [sflag:$0x5], $0x80, s10, s18, $0xb8;
	[tilespmem:$0x1E800] =	vst v63  }
0x5b: {  	_ =	swait.ge [sflag:s13], $0x4000  }
0x5c: {  	[sflag:s13] =	ssyncset.done $0x0  }
0x5d: {  	s11 =	simm.s32 $0x280;
	[sflag:s13] =	ssyncadd.s32 $0xFFFFC000  }
0x5e: {  	[tilespmem:s19], [sflag:$0x3] =	stream.indirect.gather [hbm4b:s4+s15], $0x80, s11, s15, $0xb8;
	[tilespmem:$0x1E800] =	vst v63  }
0x5f: {  	p0 =	por p1, p1;
	s10 =	simm.s32 $0x800;
	s11 =	simm.s32 $0x2C0  }
.LBB2_3:
0x60: {  	[tilespmem:s21], [sflag:$0x4] =	stream.indirect.gather [hbm4b:s4+s15], $0x80, s11, s15, $0xb8;
	[tilespmem:$0x1E800] =	vst v63  }
0x61: {  	s9 =	smov.u32 s10  }
0x62: {  	p1 =	sne.s32 s10, $0x4000;
	s10 =	sadd.s32 $0x800, s10;
	_ =	swait.ge [sflag:s22], $0x2000  }
0x63: {  	[sflag:s22] =	ssyncset.done $0x0  }
0x64: {  	[sflag:s22] =	ssyncadd.s32 $0xFFFFE000  }
0x65: {  	_ =	swait.ge [sflag:s23], $0x2000  }
0x66: {  	s11 =	sshra.s32 s9, $0x2;
	[sflag:s23] =	ssyncset.done $0x0  }
0x67: {  	s9 =	sadd.s32 $0x1400, s11;
	[sflag:s23] =	ssyncadd.s32 $0xFFFFE000  }
0x68: {  	[spmem:s1] =	stream.indirect.scatter.add.f32 [tilespmem:s16], [sflag:$0x5], $0x80, s9, s18, $0xb8;
	[tilespmem:$0x1E800] =	vst v63  }
0x69: {  	_ =	swait.ge [sflag:s13], $0x4000  }
0x6a: {  	[sflag:s13] =	ssyncset.done $0x0  }
0x6b: {  	s9 =	sadd.s32 $0x100, s11;
	[sflag:s13] =	ssyncadd.s32 $0xFFFFC000  }
0x6c: {  	[tilespmem:s16], [sflag:$0x1] =	stream.indirect.gather [hbm4b:s4+s15], $0x80, s9, s15, $0xb8;
	[tilespmem:$0x1E800] =	vst v63  }
0x6d: {  	s9 =	sadd.s32 $0x140, s11  }
0x6e: {  	[tilespmem:s17], [sflag:$0x2] =	stream.indirect.gather [hbm4b:s4+s15], $0x80, s9, s15, $0xb8;
	[tilespmem:$0x1E800] =	vst v63  }
0x6f: {  	_ =	swait.ge [sflag:s24], $0x2000  }
0x70: {  	[sflag:s24] =	ssyncset.done $0x0  }
0x71: {  	[sflag:s24] =	ssyncadd.s32 $0xFFFFE000  }
0x72: {  	_ =	swait.ge [sflag:s25], $0x2000  }
0x73: {  	[sflag:s25] =	ssyncset.done $0x0  }
0x74: {  	s9 =	sadd.s32 $0x1480, s11;
	[sflag:s25] =	ssyncadd.s32 $0xFFFFE000  }
0x75: {  	[spmem:s1] =	stream.indirect.scatter.add.f32 [tilespmem:s19], [sflag:$0x5], $0x80, s9, s18, $0xb8;
	[tilespmem:$0x1E800] =	vst v63  }
0x76: {  	_ =	swait.ge [sflag:s13], $0x4000  }
0x77: {  	[sflag:s13] =	ssyncset.done $0x0  }
0x78: {  	s9 =	sadd.s32 $0x180, s11;
	[sflag:s13] =	ssyncadd.s32 $0xFFFFC000  }
0x79: {  	[tilespmem:s19], [sflag:$0x3] =	stream.indirect.gather [hbm4b:s4+s15], $0x80, s9, s15, $0xb8;
	[tilespmem:$0x1E800] =	vst v63  }
0x7a: {  	s9 =	sadd.s32 $0x1C0, s11  }
0x7b: {  	[tilespmem:s21], [sflag:$0x4] =	stream.indirect.gather [hbm4b:s4+s15], $0x80, s9, s15, $0xb8;
	[tilespmem:$0x1E800] =	vst v63  }
0x7c: {  	_ =	swait.ge [sflag:s22], $0x2000  }
0x7d: {  	[sflag:s22] =	ssyncset.done $0x0  }
0x7e: {  	[sflag:s22] =	ssyncadd.s32 $0xFFFFE000  }
0x7f: {  	_ =	swait.ge [sflag:s23], $0x2000  }
0x80: {  	[sflag:s23] =	ssyncset.done $0x0  }
0x81: {  	s9 =	sadd.s32 $0x1500, s11;
	[sflag:s23] =	ssyncadd.s32 $0xFFFFE000  }
0x82: {  	[spmem:s1] =	stream.indirect.scatter.add.f32 [tilespmem:s16], [sflag:$0x5], $0x80, s9, s18, $0xb8;
	[tilespmem:$0x1E800] =	vst v63  }
0x83: {  	_ =	swait.ge [sflag:s13], $0x4000  }
0x84: {  	[sflag:s13] =	ssyncset.done $0x0  }
0x85: {  	s9 =	sadd.s32 $0x200, s11;
	[sflag:s13] =	ssyncadd.s32 $0xFFFFC000  }
0x86: {  	[tilespmem:s16], [sflag:$0x1] =	stream.indirect.gather [hbm4b:s4+s15], $0x80, s9, s15, $0xb8;
	[tilespmem:$0x1E800] =	vst v63  }
0x87: {  	s9 =	sadd.s32 $0x240, s11  }
0x88: {  	[tilespmem:s17], [sflag:$0x2] =	stream.indirect.gather [hbm4b:s4+s15], $0x80, s9, s15, $0xb8;
	[tilespmem:$0x1E800] =	vst v63  }
0x89: {  	_ =	swait.ge [sflag:s24], $0x2000  }
0x8a: {  	[sflag:s24] =	ssyncset.done $0x0  }
0x8b: {  	[sflag:s24] =	ssyncadd.s32 $0xFFFFE000  }
0x8c: {  	_ =	swait.ge [sflag:s25], $0x2000  }
0x8d: {  	[sflag:s25] =	ssyncset.done $0x0  }
0x8e: {  	s9 =	sadd.s32 $0x1580, s11;
	[sflag:s25] =	ssyncadd.s32 $0xFFFFE000  }
0x8f: {  	[spmem:s1] =	stream.indirect.scatter.add.f32 [tilespmem:s19], [sflag:$0x5], $0x80, s9, s18, $0xb8;
	[tilespmem:$0x1E800] =	vst v63  }
.Ltmp0:
0x90: {  	_ =	swait.ge [sflag:s13], $0x4000;
	(pc) =	sbr.rel @p1 .LBB2_3-.Ltmp0, $4  }
0x91: {  	[sflag:s13] =	ssyncset.done $0x0  }
0x92: {  	s9 =	sadd.s32 $0x280, s11;
	[sflag:s13] =	ssyncadd.s32 $0xFFFFC000  }
0x93: {  	[tilespmem:s19], [sflag:$0x3] =	stream.indirect.gather [hbm4b:s4+s15], $0x80, s9, s15, $0xb8;
	[tilespmem:$0x1E800] =	vst v63  }
0x94: {  	s11 =	sadd.s32 $0x2C0, s11  }
0x95: {  	[tilespmem:s21], [sflag:$0x4] =	stream.indirect.gather [hbm4b:s4+s15], $0x80, s11, s15, $0xb8;
	[tilespmem:$0x1E800] =	vst v63  }
0x96: {  	_ =	swait.ge [sflag:s22], $0x2000  }
0x97: {  	[sflag:s22] =	ssyncset.done $0x0  }
0x98: {  	[sflag:s22] =	ssyncadd.s32 $0xFFFFE000  }
0x99: {  	_ =	swait.ge [sflag:s23], $0x2000  }
0x9a: {  	[sflag:s23] =	ssyncset.done $0x0  }
0x9b: {  	[sflag:s23] =	ssyncadd.s32 $0xFFFFE000  }
0x9c: {  	[spmem:s1] =	stream.indirect.scatter.add.f32 [tilespmem:s16], [sflag:$0x5], $0x80, s26, s18, $0xb8;
	[tilespmem:$0x1E800] =	vst v63  }
0x9d: {  	_ =	swait.ge [sflag:s13], $0x4000  }
0x9e: {  	[sflag:s13] =	ssyncset.done $0x0  }
0x9f: {  	[sflag:s13] =	ssyncadd.s32 $0xFFFFC000  }
0xa0: {  	[tilespmem:s16], [sflag:$0x1] =	stream.indirect.gather [hbm4b:s4+s15], $0x80, s28, s15, $0xb8;
	[tilespmem:$0x1E800] =	vst v63  }
0xa1: {  	_ = 	snop  }
0xa2: {  	[tilespmem:s17], [sflag:$0x2] =	stream.indirect.gather [hbm4b:s4+s15], $0x80, s29, s15, $0xb8;
	[tilespmem:$0x1E800] =	vst v63  }
0xa3: {  	_ =	swait.ge [sflag:s24], $0x2000  }
0xa4: {  	[sflag:s24] =	ssyncset.done $0x0  }
0xa5: {  	[sflag:s24] =	ssyncadd.s32 $0xFFFFE000  }
0xa6: {  	_ =	swait.ge [sflag:s25], $0x2000  }
0xa7: {  	[sflag:s25] =	ssyncset.done $0x0  }
0xa8: {  	[sflag:s25] =	ssyncadd.s32 $0xFFFFE000  }
0xa9: {  	[spmem:s1] =	stream.indirect.scatter.add.f32 [tilespmem:s19], [sflag:$0x5], $0x80, s30, s18, $0xb8;
	[tilespmem:$0x1E800] =	vst v63  }
0xaa: {  	_ =	swait.ge [sflag:s13], $0x4000  }
0xab: {  	[sflag:s13] =	ssyncset.done $0x0  }
0xac: {  	[sflag:s13] =	ssyncadd.s32 $0xFFFFC000  }
0xad: {  	[tilespmem:s19], [sflag:$0x3] =	stream.indirect.gather [hbm4b:s4+s15], $0x80, s31, s15, $0xb8;
	[tilespmem:$0x1E800] =	vst v63  }
0xae: {  	_ = 	snop  }
0xaf: {  	[tilespmem:s21], [sflag:$0x4] =	stream.indirect.gather [hbm4b:s4+s15], $0x80, s0, s15, $0xb8;
	[tilespmem:$0x1E800] =	vst v63  }
0xb0: {  	_ =	swait.ge [sflag:s22], $0x2000  }
0xb1: {  	[sflag:s22] =	ssyncset.done $0x0  }
0xb2: {  	[sflag:s22] =	ssyncadd.s32 $0xFFFFE000  }
0xb3: {  	_ =	swait.ge [sflag:s23], $0x2000  }
0xb4: {  	[sflag:s23] =	ssyncset.done $0x0  }
0xb5: {  	[sflag:s23] =	ssyncadd.s32 $0xFFFFE000  }
0xb6: {  	[spmem:s1] =	stream.indirect.scatter.add.f32 [tilespmem:s16], [sflag:$0x5], $0x80, s3, s18, $0xb8;
	[tilespmem:$0x1E800] =	vst v63  }
0xb7: {  	_ =	swait.ge [sflag:s13], $0x4000  }
0xb8: {  	[sflag:s13] =	ssyncset.done $0x0  }
0xb9: {  	[sflag:s13] =	ssyncadd.s32 $0xFFFFC000  }
0xba: {  	_ =	swait.ge [sflag:s24], $0x2000  }
0xbb: {  	[sflag:s24] =	ssyncset.done $0x0  }
0xbc: {  	[sflag:s24] =	ssyncadd.s32 $0xFFFFE000  }
0xbd: {  	_ =	swait.ge [sflag:s25], $0x2000  }
0xbe: {  	[sflag:s25] =	ssyncset.done $0x0  }
.Ltmp1:
0xbf: {  	[sflag:s25] =	ssyncadd.s32 $0xFFFFE000;
	(pc) =	sbr.rel @p0 .LBB2_2-.Ltmp1, $4  }
0xc0: {  	[spmem:s1] =	stream.indirect.scatter.add.f32 [tilespmem:s19], [sflag:$0x5], $0x80, s7, s18, $0xb8;
	[tilespmem:$0x1E800] =	vst v63  }
0xc1: {  	_ =	swait.ge [sflag:s13], $0x4000  }
0xc2: {  	[sflag:s13] =	ssyncset.done $0x0  }
0xc3: {  	s10 =	simm.s32 $0x28;
	p1 =	por $0x0, $0x0;
	[sflag:s13] =	ssyncadd.s32 $0xFFFFC000  }
0xc4: {  	[bflag:$0x0] =	sbarrier.arrive $0xFFFF  }
0xc5: {  	s9 =	rddreg [dreg:$0x5]  }
0xc6: {  	s11 =	rddreg [dreg:$0x6]  }
0xc7: {  	[hbm:s9], [sflag:s12] =	dma.local [spmem:s11], $0x2800  }
0xc8: {  	_ =	swait.ge [sflag:s13], $0x2800  }
0xc9: {  	s10 =	smov.u32 s12;
	s2 =	sadd.s32 $0x1, s2;
	s12 =	rddreg [dreg:$0x4]  }
0xca: {  	p0 =	sne.s32 s2, s12  }
.Ltmp2:
0xcb: {  	_ = 	snop;
	(pc) =	sbr.rel @p0 .LBB2_1-.Ltmp2, $3  }
0xcc: {  	_ =	sdelay $0x1  }
0xcd: {  	[sflag:s13] =	ssyncset.done $0x0  }
0xce: {  	[sflag:s13] =	ssyncadd.s32 $0xFFFFD800  }
0xcf: {  	_ =	sfence.sel $0x180000  }
0xd0: {  	[bflag:$0x0] =	sbarrier.arrive $0xFFFF  }
0xd1: {  	_ =	strace $0x9000004A  }
0xd2: {  	s0 =	stileid.u32;
	[bflag:$0x2] =	sbarrier.arrive $0xFFFF  }
0xd3: {  	p0 =	sne.s32 s0, $0x0;
	s0 =	rddreg [dreg:$0x2]  }
0xd4: {  	s0 =	sadd.s32 @!p0 $0x100000, s0  }
0xd5: {  	[sflag:s0] =	ssyncadd.tile.s32 @!p0 $0x1;
	_ =	shalt  }
.Lfunc_end2:
_tile_overlayer_lowered:
.L_overlay_start_2:
0xd6: {  	(tag) =	ssettag $0x2  }
0xd7: {  	s0 =	rddreg [dreg:$0x0];
	s2 =	stileid.u32  }
0xd8: {  	s1 =	rddreg [dreg:$0x1];
	p0 =	sne.s32 s2, $0x0  }
0xd9: {  	s3 =	rddreg [dreg:$0x2];
	[bflag:$0x3] =	sbarrier.arrive $0xFFFF;
	s2 =	simm.s32 @!p0 $0x1C05  }
0xda: {  	[timem:s3], [sflag:s2] =	dma.local @!p0 [hbm:s0], s1  }
0xdb: {  	s0 =	simm.s32 @!p0 $0x5  }
0xdc: {  	_ =	swait.ge @!p0 [sflag:s0], s1  }
0xdd: {  	s1 =	ssub.s32 @!p0 $0x0, s1;
	[sflag:s0] =	ssyncset.done @!p0 $0x0  }
0xde: {  	[sflag:s0] =	ssyncadd.s32 @!p0 s1  }
0xdf: {  	[bflag:$0x3] =	sbarrier.arrive $0xFFFF  }
0xe0: {  	_ =	shalt  }

// kernel: kernel.15.cloned.1.call-start
scs
__scs_entry_jumppad:
0x0: {  	(pc) =	sbr.rel $0x88, $3  }
0x1: {  	(tag) =	ssettag $0x0;
	lr =	simm.s32 $0x1  }
0x2: {  	[smem:$0x3F95] =	sst lr;
	_ =	strace $0xD0000000  }
0x3: {  	_ = 	snop  }
0x4: {  	_ = 	snop  }
0x5: {  	_ = 	snop  }
0x6: {  	_ = 	snop  }
0x7: {  	_ = 	snop  }
__scs_overlays_trampoline_lowered:
0x8: {  	[smem:$0x3FA4] =	sst s0  }
0x9: {  	[smem:$0x3FA5] =	sst s1  }
0xa: {  	[smem:$0x3FA6] =	sst s2  }
0xb: {  	[smem:$0x3FA7] =	sst s3  }
0xc: {  	[smem:$0x3FA8] =	sst s4  }
0xd: {  	[smem:$0x3FA9] =	sst s5  }
0xe: {  	[smem:$0x3FAA] =	sst s6  }
0xf: {  	[smem:$0x3FAB] =	sst s7  }
0x10: {  	[smem:$0x3FAC] =	sst s8  }
0x11: {  	[smem:$0x3FAD] =	sst s9;
	s0 =	simm.s32 @!p0 $0x0  }
0x12: {  	s1 =	sld [smem:$0x3F93];
	s0 =	simm.s32 @p0 $0x1  }
0x13: {  	[smem:$0x3FAE] =	sst s0;
	s0 =	simm.s32 @!p1 $0x0  }
0x14: {  	s2 =	sld [smem:$0x3F92];
	s0 =	simm.s32 @p1 $0x1  }
0x15: {  	[smem:$0x3FAF] =	sst s0;
	s0 =	simm.s32 @!p2 $0x0  }
0x16: {  	s3 =	sld [smem:$0x3FDB];
	s0 =	simm.s32 @p2 $0x1  }
0x17: {  	s4 =	simm.s32 $0x1BF5;
	[smem:$0x3FB1] =	sst s0  }
0x18: {  	s0 =	sld [smem:$0x3F94];
	_ =	swait.ge [sflag:s4], $0x0  }
0x19: {  	s7 =	sld [smem:$0x3F95]  }
0x1a: {  	s8 =	sadd.s32 $0xFFFFE003, lr  }
0x1b: {  	s9 =	sadd.s32 $0xFFFFFEF7, lr;
	s5 =	simm.s32 $0xFFFFFFFF;
	p2 =	slt.u32 s8, $0xFFFFF086  }
0x1c: {  	p1 =	slt.u32 s9, $0xF7A;
	s5 =	simm.s32 @!p2 $0x0  }
0x1d: {  	s5 =	simm.s32 @p1 $0x1;
	p0 =	seq.s32 s7, s2  }
0x1e: {  	s7 =	smul.u32 @!p0 $0xF7A, s2;
	p2 =	seq.s32 @!p0 s5, $0x0  }
0x1f: {  	s9 =	smul.u32 $0xF7A, s1;
	s8 =	simm.s32 @!p0 $0x1BF5;
	p2 =	por !p2, p0  }
0x20: {  	[sflag:s8] =	ssyncset.s32 @!p0 $0xFFFFF086;
	s6 =	sadd.s32 @!p0 s3, s7;
	s7 =	simm.s32 @!p0 $0x108  }
0x21: {  	s3 =	sadd.s32 s3, s9;
	s6 =	sadd.s32 @!p0 $0x88, s6;
	s7 =	simm.s32 @p2 $0x1082  }
0x22: {  	[simem:s7], [sflag:s8] =	dma.local @!p0 [hbm:s6], $0xF7A  }
0x23: {  	s9 =	sor.u32 $0xD0000000, s2;
	s6 =	simm.s32 $0x108;
	_ =	swait.ge @!p0 [sflag:s8], $0x0  }
0x24: {  	s3 =	sadd.s32 $0x88, s3;
	s6 =	simm.s32 @!p1 $0x1082;
	[sflag:s4] =	ssyncset.s32 $0xFFFFF086  }
0x25: {  	[simem:s6], [sflag:s4] =	dma.local [hbm:s3], $0xF7A  }
0x26: {  	[smem:$0x3F95] =	sst s1;
	(tag) =	ssettag s2;
	_ =	strace s9  }
0x27: {  	s1 =	sld [smem:$0x3FA5]  }
0x28: {  	s2 =	sld [smem:$0x3FA6]  }
0x29: {  	s4 =	sld [smem:$0x3FA8]  }
0x2a: {  	p0 =	seq.s32 s5, $0x0;
	s5 =	sld [smem:$0x3FA9]  }
0x2b: {  	s6 =	sld [smem:$0x3FAA]  }
0x2c: {  	s7 =	sld [smem:$0x3FAB]  }
0x2d: {  	s3 =	simm.s32 $0x108;
	s8 =	sld [smem:$0x3FAC]  }
0x2e: {  	s3 =	simm.s32 @!p0 $0x1082;
	s9 =	sld [smem:$0x3FAD]  }
0x2f: {  	lr =	sadd.s32 s0, s3;
	s0 =	sld [smem:$0x3FA4]  }
0x30: {  	s3 =	sld [smem:$0x3FA7]  }
0x31: {  	[smem:$0x3FB0] =	sst s10  }
0x32: {  	s10 =	sld [smem:$0x3FAE];
	_ =	sdelay $0x3  }
0x33: {  	p0 =	seq.s32 s10, $0x1;
	s10 =	sld [smem:$0x3FB0];
	_ =	sdelay $0x3  }
0x34: {  	[smem:$0x3FB0] =	sst s10  }
0x35: {  	s10 =	sld [smem:$0x3FAF];
	_ =	sdelay $0x3  }
0x36: {  	p1 =	seq.s32 s10, $0x1;
	s10 =	sld [smem:$0x3FB0];
	_ =	sdelay $0x3  }
0x37: {  	[smem:$0x3FB0] =	sst s10  }
0x38: {  	s10 =	sld [smem:$0x3FB1]  }
0x39: {  	_ = 	snop;
	(pc) =	sbr.ind lr, $3  }
0x3a: {  	_ = 	snop  }
0x3b: {  	_ = 	snop  }
0x3c: {  	p2 =	seq.s32 s10, $0x1;
	s10 =	sld [smem:$0x3FB0]  }
0x3d: {  	_ =	shalt  }
0x3e: {  	_ =	shalt  }
0x3f: {  	_ =	shalt  }
0x40: {  	_ =	shalt  }
0x41: {  	_ =	shalt  }
0x42: {  	_ =	shalt  }
0x43: {  	_ =	shalt  }
0x44: {  	_ =	shalt  }
0x45: {  	_ =	shalt  }
0x46: {  	_ =	shalt  }
0x47: {  	_ =	shalt  }
0x48: {  	_ =	shalt  }
0x49: {  	_ =	shalt  }
0x4a: {  	_ =	shalt  }
0x4b: {  	_ =	shalt  }
0x4c: {  	_ =	shalt  }
0x4d: {  	_ =	shalt  }
0x4e: {  	_ =	shalt  }
0x4f: {  	_ =	shalt  }
0x50: {  	_ =	shalt  }
0x51: {  	_ =	shalt  }
0x52: {  	_ =	shalt  }
0x53: {  	_ =	shalt  }
0x54: {  	_ =	shalt  }
0x55: {  	_ =	shalt  }
0x56: {  	_ =	shalt  }
0x57: {  	_ =	shalt  }
0x58: {  	_ =	shalt  }
0x59: {  	_ =	shalt  }
0x5a: {  	_ =	shalt  }
0x5b: {  	_ =	shalt  }
0x5c: {  	_ =	shalt  }
0x5d: {  	_ =	shalt  }
0x5e: {  	_ =	shalt  }
0x5f: {  	_ =	shalt  }
0x60: {  	_ =	shalt  }
0x61: {  	_ =	shalt  }
0x62: {  	_ =	shalt  }
0x63: {  	_ =	shalt  }
0x64: {  	_ =	shalt  }
0x65: {  	_ =	shalt  }
0x66: {  	_ =	shalt  }
0x67: {  	_ =	shalt  }
0x68: {  	_ =	shalt  }
0x69: {  	_ =	shalt  }
0x6a: {  	_ =	shalt  }
0x6b: {  	_ =	shalt  }
0x6c: {  	_ =	shalt  }
0x6d: {  	_ =	shalt  }
0x6e: {  	_ =	shalt  }
0x6f: {  	_ =	shalt  }
0x70: {  	_ =	shalt  }
0x71: {  	_ =	shalt  }
0x72: {  	_ =	shalt  }
0x73: {  	_ =	shalt  }
0x74: {  	_ =	shalt  }
0x75: {  	_ =	shalt  }
0x76: {  	_ =	shalt  }
0x77: {  	_ =	shalt  }
0x78: {  	_ =	shalt  }
0x79: {  	_ =	shalt  }
0x7a: {  	_ =	shalt  }
0x7b: {  	_ =	shalt  }
0x7c: {  	_ =	shalt  }
0x7d: {  	_ =	shalt  }
0x7e: {  	_ =	shalt  }
0x7f: {  	_ =	shalt  }
0x80: {  	_ =	shalt  }
0x81: {  	_ =	shalt  }
0x82: {  	_ =	shalt  }
0x83: {  	_ =	shalt  }
0x84: {  	_ =	shalt  }
0x85: {  	_ =	shalt  }
0x86: {  	_ =	shalt  }
0x87: {  	_ =	shalt  }
.Lfunc_end0:
.L_simem_size_0:
called_computation.2_lowered:
.L_overlay_start_0:
0x88: {  	s2 =	sld [smem:$0x3FD9]  }
0x89: {  	s3 =	sld [smem:$0x3FFE];
	_ =	sdelay $0x1  }
0x8a: {  	s1 =	srdreg.scid  }
0x8b: {  	s0 =	sand.u32 $0x1, s1  }
0x8c: {  	s16 =	sshll.u32 s0, $0xA;
	s2 =	sadd.s32 s3, s2  }
0x8d: {  	s2 =	sadd.s32 s2, s16  }
0x8e: {  	[smem:$0x3FBC] =	sst s2  }
0x8f: {  	_ = 	snop  }
0x90: {  	(tm) =	ssettm $0x1  }
0x91: {  	s17 =	sld [smem:$0x3FFB];
	_ =	sdelay $0x3  }
0x92: {  	_ =	strace s17  }
0x93: {  	s2 =	sld [smem:$0x3FFC];
	_ =	sdelay $0x3  }
0x94: {  	_ =	strace s2  }
0x95: {  	s2 =	sld [smem:$0x3FFD];
	_ =	sdelay $0x3  }
0x96: {  	_ =	strace s2  }
0x97: {  	_ =	strace $0x8FFFFFFF  }
0x98: {  	s18 =	sld [smem:$0x3FDB];
	_ =	sdelay $0x1  }
0x99: {  	s19 =	simm.s32 $_scs_section_size  }
0x9a: {  	s4 =	simm.s32 $_size__tile_overlayer_lowered;
	s5 =	simm.s32 $_tile_overlayer_lowered  }
0x9b: {  	s22 =	simm.s32 $0x1BFF;
	s21 =	sshll.u32 s5, $0x1;
	s2 =	sadd.s32 s19, s18  }
0x9c: {  	s6 =	simm.s32 $0x0;
	s20 =	sshll.u32 s4, $0x1;
	s4 =	sadd.s32 s21, s2  }
0x9d: {  	[timem:s6], [sflag:s22] =	dma.local [hbm:s4], s20  }
0x9e: {  	_ =	swait.ge [sflag:s22], s20  }
0x9f: {  	s3 =	ssub.s32 $0x0, s20;
	[sflag:s22] =	ssyncset.done $0x0  }
0xa0: {  	[sflag:s22] =	ssyncadd.s32 s3;
	_ =	sdelay $0x1  }
0xa1: {  	s23 =	simm.s32 $0x1B8B  }
0xa2: {  	_ =	swait.ge [sflag:s23], $0x1  }
0xa3: {  	[sflag:s23] =	ssyncset.done $0x0  }
0xa4: {  	s25 =	simm.s32 $0x1B8E;
	s24 =	sld [smem:$0x3FFE];
	[sflag:s23] =	ssyncadd.s32 $0xFFFFFFFF  }
0xa5: {  	s26 =	simm.s32 $execute0_lowered;
	[smem:$0x3FD2] =	sst s25  }
0xa6: {  	s4 =	sshll.u32 s26, $0x1;
	_ =	strace $0x8000004C;
	[dreg:$0x1] =	wrdreg $0xFFFFFFFF  }
0xa7: {  	s28 =	simm.s32 $_size_execute0_lowered;
	s2 =	sadd.s32 s2, s4;
	[dreg:$0x0] =	wrdreg $0x0  }
0xa8: {  	s4 =	sshll.u32 s28, $0x1;
	[dreg:$0x2] =	wrdreg s2  }
0xa9: {  	[dreg:$0x3] =	wrdreg s4  }
0xaa: {  	[dreg:$0x4] =	wrdreg $0xC0  }
0xab: {  	_ =	task [dreg:s6], $0x5FFFF  }
0xac: {  	[dreg:$0x1] =	wrdreg $0xFFFFFFFF  }
0xad: {  	[dreg:$0x0] =	wrdreg $0x60  }
0xae: {  	[dreg:$0x2] =	wrdreg s24  }
0xaf: {  	[dreg:$0x3] =	wrdreg $0xA8000  }
0xb0: {  	[dreg:$0x4] =	wrdreg $0x9  }
0xb1: {  	_ =	task.clear_ibuf [dreg:s6], $0x5FFFF;
	_ =	strace $0x9000004C  }
0xb2: {  	s29 =	simm.s32 $0x9;
	_ =	strace $0x8000004E  }
0xb3: {  	_ =	swait.ge [sflag:s29], $0x1  }
0xb4: {  	[sflag:s29] =	ssyncadd.s32 $0xFFFFFFFF  }
0xb5: {  	_ =	strace $0x9000004E  }
0xb6: {  	_ =	sfence  }
0xb7: {  	s30 =	sld [smem:$0x0];
	_ =	sdelay $0x2  }
0xb8: {  	s31 =	sshll.u32 s1, $0xD;
	s1 =	sshrl.u32 s1, $0x2  }
0xb9: {  	s3 =	sand.u32 $0x4000, s31;
	s1 =	sadd.s32 s1, s30  }
0xba: {  	s0 =	sor.u32 s3, s0;
	s1 =	sshll.u32 s1, $0x11  }
0xbb: {  	s0 =	sor.u32 s1, s0  }
0xbc: {  	s0 =	sadd.s32 $0x8F2B, s0  }
0xbd: {  	[sflag:s0] =	ssyncadd.remote.s32 $0x1  }
0xbe: {  	_ =	sfence.sel $0xFFFF  }
0xbf: {  	[dreg:$0x0] =	wrdreg $0xFFFFFFFF;
	(pc) =	sbr.abs _section_cstart, $3  }
0xc0: {  	[dreg:$0x1] =	wrdreg $0xFFFFFFFF  }
0xc1: {  	_ =	task.clear_ibuf [dreg:s6], $0x2FFFF;
	_ =	strace $0x9FFFFFFF  }
0xc2: {  	(tm) =	ssettm $0x7FFFFFFF  }
0xc3: {  	_ =	shalt  }
tec
execute0_lowered:
.L_overlay_start_1:
0x0: {  	(tag) =	ssettag $0x1  }
0x1: {  	s0 =	rddreg [dreg:$0x0]  }
0x2: {  	s1 =	rddreg [dreg:$0x1];
	s2 =	simm.s32 $0x0  }
0x3: {  	s3 =	srdreg.scid;
	s12 =	stileid.u32;
	s13 =	simm.s32 $0x5  }
0x4: {  	s14 =	simm.s32 $0x1400;
	s15 =	simm.s32 $0x40;
	s16 =	simm.s32 $0x2800  }
0x5: {  	s17 =	simm.s32 $0x4800;
	s18 =	simm.s32 $0x80;
	s19 =	simm.s32 $0x6800  }
0x6: {  	s20 =	simm.s32 $0xC0;
	s21 =	simm.s32 $0x8800;
	s22 =	simm.s32 $0x1  }
0x7: {  	s23 =	simm.s32 $0x2;
	s28 =	simm.s32 $0x1300;
	s29 =	simm.s32 $0x1340  }
0x8: {  	s30 =	simm.s32 $0x2680;
	s31 =	simm.s32 $0x1380;
	[smem:$0x7FF] =	sst s2  }
0x9: {  	s4 =	sadd.s32 $0x68C00, s0;
	s5 =	sadd.s32 $0xEA00, s0;
	s3 =	sand.u32 $0x1, s3  }
0xa: {  	s6 =	sadd.s32 $0x4A00, s0;
	s9 =	smul.u32 $0x50, s12;
	s8 =	sadd.s32 $0xB8C00, s0  }
0xb: {  	s10 =	sadd.s32 $0x90C00, s0;
	s24 =	smul.u32 $0x50000, s12;
	s0 =	sadd.s32 $0xBB400, s0  }
0xc: {  	s25 =	sshll.u32 s12, $0x6;
	s26 =	smul.u32 $0x2800, s12;
	_ =	strace $0x8000004D  }
0xd: {  	s7 =	ssub.s32 $0x2, s3;
	[dreg:$0x3] =	wrdreg s8;
	p0 =	seq.s32 s3, $0x0  }
0xe: {  	s11 =	sshrl.u32 s7, $0x1;
	s8 =	sadd.s32 $0x500, s9;
	s3 =	sshrl.u32 s24, $0x2  }
0xf: {  	s0 =	smov.u32 @p0 s10;
	s24 =	simm.s32 $0x3;
	s7 =	ssub.s32 s7, s11  }
0x10: {  	s8 =	smov.u32 @p0 s9;
	s3 =	sadd.s32 s3, s1;
	s9 =	sor.u32 $0x1C05, s25  }
0x11: {  	s0 =	sadd.s32 s0, s26;
	s25 =	simm.s32 $0x4;
	s26 =	simm.s32 $0x2600  }
0x12: {  	s10 =	smov.u32 s9;
	s7 =	smax.u32 s7, $0x1;
	[dreg:$0x5] =	wrdreg s0  }
0x13: {  	s11 =	sshrl.u32 s3, $0x3;
	s0 =	simm.s32 $0x13C0;
	[dreg:$0x4] =	wrdreg s7  }
0x14: {  	s3 =	simm.s32 $0x2700;
	s7 =	simm.s32 $0x2780;
	[dreg:$0x6] =	wrdreg s11  }
.LBB2_1:
0x15: {  	s9 =	rddreg [dreg:$0x3]  }
0x16: {  	[spmem:s11], [sflag:s10] =	dma.local [hbm:s9], $0x2800  }
0x17: {  	_ =	swait.ge [sflag:s13], $0x2800  }
0x18: {  	[sflag:s13] =	ssyncset.done $0x0  }
0x19: {  	s12 =	smov.u32 s10;
	[sflag:s13] =	ssyncadd.s32 $0xFFFFD800  }
0x1a: {  	p1 =	por $0x1, $0x1;
	s10 =	simm.s32 $0x0;
	[bflag:$0x0] =	sbarrier.arrive $0xFFFF  }
.LBB2_2:
0x1b: {  	s10 =	sadd.s32 s8, s10  }
0x1c: {  	s10 =	sshll.u32 s10, $0x4  }
0x1d: {  	s9 =	simm.s32 $0x0;
	s11 =	sadd.s32 s5, s10  }
0x1e: {  	[tilespmem:s9], [sflag:$0x5] =	stream.linear.gather [hbm4b:s11+s9], $0x1400, $0x38;
	[tilespmem:$0x1E800] =	vst v63  }
0x1f: {  	_ =	swait.ge [sflag:s13], $0x1400  }
0x20: {  	[sflag:s13] =	ssyncset.done $0x0  }
0x21: {  	s10 =	sadd.s32 s6, s10;
	[sflag:s13] =	ssyncadd.s32 $0xFFFFEC00  }
0x22: {  	[tilespmem:s14], [sflag:$0x5] =	stream.linear.gather [hbm4b:s10+s9], $0x1400, $0x38;
	[tilespmem:$0x1E800] =	vst v63  }
0x23: {  	_ =	swait.ge [sflag:s13], $0x1400  }
0x24: {  	[sflag:s13] =	ssyncset.done $0x0  }
0x25: {  	[sflag:s13] =	ssyncadd.s32 $0xFFFFEC00  }
0x26: {  	[tilespmem:s16], [sflag:$0x1] =	stream.indirect.gather [hbm4b:s4+s15], $0x80, s9, s15, $0xb8;
	[tilespmem:$0x1E800] =	vst v63  }
0x27: {  	_ = 	snop  }
0x28: {  	[tilespmem:s17], [sflag:$0x2] =	stream.indirect.gather [hbm4b:s4+s15], $0x80, s15, s15, $0xb8;
	[tilespmem:$0x1E800] =	vst v63  }
0x29: {  	_ = 	snop  }
0x2a: {  	[tilespmem:s19], [sflag:$0x3] =	stream.indirect.gather [hbm4b:s4+s15], $0x80, s18, s15, $0xb8;
	[tilespmem:$0x1E800] =	vst v63  }
0x2b: {  	_ = 	snop  }
0x2c: {  	[tilespmem:s21], [sflag:$0x4] =	stream.indirect.gather [hbm4b:s4+s15], $0x80, s20, s15, $0xb8;
	[tilespmem:$0x1E800] =	vst v63  }
0x2d: {  	_ =	swait.ge [sflag:s22], $0x2000  }
0x2e: {  	[sflag:s22] =	ssyncset.done $0x0  }
0x2f: {  	[sflag:s22] =	ssyncadd.s32 $0xFFFFE000  }
0x30: {  	_ =	swait.ge [sflag:s23], $0x2000  }
0x31: {  	[sflag:s23] =	ssyncset.done $0x0  }
0x32: {  	s11 =	simm.s32 $0x1400;
	[sflag:s23] =	ssyncadd.s32 $0xFFFFE000  }
0x33: {  	[spmem:s1] =	stream.indirect.scatter.add.f32 [tilespmem:s16], [sflag:$0x5], $0x80, s11, s18, $0xb8;
	[tilespmem:$0x1E800] =	vst v63  }
0x34: {  	_ =	swait.ge [sflag:s13], $0x4000  }
0x35: {  	[sflag:s13] =	ssyncset.done $0x0  }
0x36: {  	s10 =	simm.s32 $0x100;
	[sflag:s13] =	ssyncadd.s32 $0xFFFFC000  }
0x37: {  	[tilespmem:s16], [sflag:$0x1] =	stream.indirect.gather [hbm4b:s4+s15], $0x80, s10, s15, $0xb8;
	[tilespmem:$0x1E800] =	vst v63  }
0x38: {  	s11 =	simm.s32 $0x140  }
0x39: {  	[tilespmem:s17], [sflag:$0x2] =	stream.indirect.gather [hbm4b:s4+s15], $0x80, s11, s15, $0xb8;
	[tilespmem:$0x1E800] =	vst v63  }
0x3a: {  	_ =	swait.ge [sflag:s24], $0x2000  }
0x3b: {  	[sflag:s24] =	ssyncset.done $0x0  }
0x3c: {  	[sflag:s24] =	ssyncadd.s32 $0xFFFFE000  }
0x3d: {  	_ =	swait.ge [sflag:s25], $0x2000  }
0x3e: {  	[sflag:s25] =	ssyncset.done $0x0  }
0x3f: {  	s10 =	simm.s32 $0x1480;
	[sflag:s25] =	ssyncadd.s32 $0xFFFFE000  }
0x40: {  	[spmem:s1] =	stream.indirect.scatter.add.f32 [tilespmem:s19], [sflag:$0x5], $0x80, s10, s18, $0xb8;
	[tilespmem:$0x1E800] =	vst v63  }
0x41: {  	_ =	swait.ge [sflag:s13], $0x4000  }
0x42: {  	[sflag:s13] =	ssyncset.done $0x0  }
0x43: {  	s11 =	simm.s32 $0x180;
	[sflag:s13] =	ssyncadd.s32 $0xFFFFC000  }
0x44: {  	[tilespmem:s19], [sflag:$0x3] =	stream.indirect.gather [hbm4b:s4+s15], $0x80, s11, s15, $0xb8;
	[tilespmem:$0x1E800] =	vst v63  }
0x45: {  	s10 =	simm.s32 $0x1C0  }
0x46: {  	[tilespmem:s21], [sflag:$0x4] =	stream.indirect.gather [hbm4b:s4+s15], $0x80, s10, s15, $0xb8;
	[tilespmem:$0x1E800] =	vst v63  }
0x47: {  	_ =	swait.ge [sflag:s22], $0x2000  }
0x48: {  	[sflag:s22] =	ssyncset.done $0x0  }
0x49: {  	[sflag:s22] =	ssyncadd.s32 $0xFFFFE000  }
0x4a: {  	_ =	swait.ge [sflag:s23], $0x2000  }
0x4b: {  	[sflag:s23] =	ssyncset.done $0x0  }
0x4c: {  	s11 =	simm.s32 $0x1500;
	[sflag:s23] =	ssyncadd.s32 $0xFFFFE000  }
0x4d: {  	[spmem:s1] =	stream.indirect.scatter.add.f32 [tilespmem:s16], [sflag:$0x5], $0x80, s11, s18, $0xb8;
	[tilespmem:$0x1E800] =	vst v63  }
0x4e: {  	_ =	swait.ge [sflag:s13], $0x4000  }
0x4f: {  	[sflag:s13] =	ssyncset.done $0x0  }
0x50: {  	s10 =	simm.s32 $0x200;
	[sflag:s13] =	ssyncadd.s32 $0xFFFFC000  }
0x51: {  	[tilespmem:s16], [sflag:$0x1] =	stream.indirect.gather [hbm4b:s4+s15], $0x80, s10, s15, $0xb8;
	[tilespmem:$0x1E800] =	vst v63  }
0x52: {  	s11 =	simm.s32 $0x240  }
0x53: {  	[tilespmem:s17], [sflag:$0x2] =	stream.indirect.gather [hbm4b:s4+s15], $0x80, s11, s15, $0xb8;
	[tilespmem:$0x1E800] =	vst v63  }
0x54: {  	_ =	swait.ge [sflag:s24], $0x2000  }
0x55: {  	[sflag:s24] =	ssyncset.done $0x0  }
0x56: {  	[sflag:s24] =	ssyncadd.s32 $0xFFFFE000  }
0x57: {  	_ =	swait.ge [sflag:s25], $0x2000  }
0x58: {  	[sflag:s25] =	ssyncset.done $0x0  }
0x59: {  	s10 =	simm.s32 $0x1580;
	[sflag:s25] =	ssyncadd.s32 $0xFFFFE000  }
0x5a: {  	[spmem:s1] =	stream.indirect.scatter.add.f32 [tilespmem:s19], [sflag:$0x5], $0x80, s10, s18, $0xb8;
	[tilespmem:$0x1E800] =	vst v63  }
0x5b: {  	_ =	swait.ge [sflag:s13], $0x4000  }
0x5c: {  	[sflag:s13] =	ssyncset.done $0x0  }
0x5d: {  	s11 =	simm.s32 $0x280;
	[sflag:s13] =	ssyncadd.s32 $0xFFFFC000  }
0x5e: {  	[tilespmem:s19], [sflag:$0x3] =	stream.indirect.gather [hbm4b:s4+s15], $0x80, s11, s15, $0xb8;
	[tilespmem:$0x1E800] =	vst v63  }
0x5f: {  	p0 =	por p1, p1;
	s10 =	simm.s32 $0x800;
	s11 =	simm.s32 $0x2C0  }
.LBB2_3:
0x60: {  	[tilespmem:s21], [sflag:$0x4] =	stream.indirect.gather [hbm4b:s4+s15], $0x80, s11, s15, $0xb8;
	[tilespmem:$0x1E800] =	vst v63  }
0x61: {  	s9 =	smov.u32 s10  }
0x62: {  	p1 =	sne.s32 s10, $0x4000;
	s10 =	sadd.s32 $0x800, s10;
	_ =	swait.ge [sflag:s22], $0x2000  }
0x63: {  	[sflag:s22] =	ssyncset.done $0x0  }
0x64: {  	[sflag:s22] =	ssyncadd.s32 $0xFFFFE000  }
0x65: {  	_ =	swait.ge [sflag:s23], $0x2000  }
0x66: {  	s11 =	sshra.s32 s9, $0x2;
	[sflag:s23] =	ssyncset.done $0x0  }
0x67: {  	s9 =	sadd.s32 $0x1400, s11;
	[sflag:s23] =	ssyncadd.s32 $0xFFFFE000  }
0x68: {  	[spmem:s1] =	stream.indirect.scatter.add.f32 [tilespmem:s16], [sflag:$0x5], $0x80, s9, s18, $0xb8;
	[tilespmem:$0x1E800] =	vst v63  }
0x69: {  	_ =	swait.ge [sflag:s13], $0x4000  }
0x6a: {  	[sflag:s13] =	ssyncset.done $0x0  }
0x6b: {  	s9 =	sadd.s32 $0x100, s11;
	[sflag:s13] =	ssyncadd.s32 $0xFFFFC000  }
0x6c: {  	[tilespmem:s16], [sflag:$0x1] =	stream.indirect.gather [hbm4b:s4+s15], $0x80, s9, s15, $0xb8;
	[tilespmem:$0x1E800] =	vst v63  }
0x6d: {  	s9 =	sadd.s32 $0x140, s11  }
0x6e: {  	[tilespmem:s17], [sflag:$0x2] =	stream.indirect.gather [hbm4b:s4+s15], $0x80, s9, s15, $0xb8;
	[tilespmem:$0x1E800] =	vst v63  }
0x6f: {  	_ =	swait.ge [sflag:s24], $0x2000  }
0x70: {  	[sflag:s24] =	ssyncset.done $0x0  }
0x71: {  	[sflag:s24] =	ssyncadd.s32 $0xFFFFE000  }
0x72: {  	_ =	swait.ge [sflag:s25], $0x2000  }
0x73: {  	[sflag:s25] =	ssyncset.done $0x0  }
0x74: {  	s9 =	sadd.s32 $0x1480, s11;
	[sflag:s25] =	ssyncadd.s32 $0xFFFFE000  }
0x75: {  	[spmem:s1] =	stream.indirect.scatter.add.f32 [tilespmem:s19], [sflag:$0x5], $0x80, s9, s18, $0xb8;
	[tilespmem:$0x1E800] =	vst v63  }
0x76: {  	_ =	swait.ge [sflag:s13], $0x4000  }
0x77: {  	[sflag:s13] =	ssyncset.done $0x0  }
0x78: {  	s9 =	sadd.s32 $0x180, s11;
	[sflag:s13] =	ssyncadd.s32 $0xFFFFC000  }
0x79: {  	[tilespmem:s19], [sflag:$0x3] =	stream.indirect.gather [hbm4b:s4+s15], $0x80, s9, s15, $0xb8;
	[tilespmem:$0x1E800] =	vst v63  }
0x7a: {  	s9 =	sadd.s32 $0x1C0, s11  }
0x7b: {  	[tilespmem:s21], [sflag:$0x4] =	stream.indirect.gather [hbm4b:s4+s15], $0x80, s9, s15, $0xb8;
	[tilespmem:$0x1E800] =	vst v63  }
0x7c: {  	_ =	swait.ge [sflag:s22], $0x2000  }
0x7d: {  	[sflag:s22] =	ssyncset.done $0x0  }
0x7e: {  	[sflag:s22] =	ssyncadd.s32 $0xFFFFE000  }
0x7f: {  	_ =	swait.ge [sflag:s23], $0x2000  }
0x80: {  	[sflag:s23] =	ssyncset.done $0x0  }
0x81: {  	s9 =	sadd.s32 $0x1500, s11;
	[sflag:s23] =	ssyncadd.s32 $0xFFFFE000  }
0x82: {  	[spmem:s1] =	stream.indirect.scatter.add.f32 [tilespmem:s16], [sflag:$0x5], $0x80, s9, s18, $0xb8;
	[tilespmem:$0x1E800] =	vst v63  }
0x83: {  	_ =	swait.ge [sflag:s13], $0x4000  }
0x84: {  	[sflag:s13] =	ssyncset.done $0x0  }
0x85: {  	s9 =	sadd.s32 $0x200, s11;
	[sflag:s13] =	ssyncadd.s32 $0xFFFFC000  }
0x86: {  	[tilespmem:s16], [sflag:$0x1] =	stream.indirect.gather [hbm4b:s4+s15], $0x80, s9, s15, $0xb8;
	[tilespmem:$0x1E800] =	vst v63  }
0x87: {  	s9 =	sadd.s32 $0x240, s11  }
0x88: {  	[tilespmem:s17], [sflag:$0x2] =	stream.indirect.gather [hbm4b:s4+s15], $0x80, s9, s15, $0xb8;
	[tilespmem:$0x1E800] =	vst v63  }
0x89: {  	_ =	swait.ge [sflag:s24], $0x2000  }
0x8a: {  	[sflag:s24] =	ssyncset.done $0x0  }
0x8b: {  	[sflag:s24] =	ssyncadd.s32 $0xFFFFE000  }
0x8c: {  	_ =	swait.ge [sflag:s25], $0x2000  }
0x8d: {  	[sflag:s25] =	ssyncset.done $0x0  }
0x8e: {  	s9 =	sadd.s32 $0x1580, s11;
	[sflag:s25] =	ssyncadd.s32 $0xFFFFE000  }
0x8f: {  	[spmem:s1] =	stream.indirect.scatter.add.f32 [tilespmem:s19], [sflag:$0x5], $0x80, s9, s18, $0xb8;
	[tilespmem:$0x1E800] =	vst v63  }
.Ltmp0:
0x90: {  	_ =	swait.ge [sflag:s13], $0x4000;
	(pc) =	sbr.rel @p1 .LBB2_3-.Ltmp0, $4  }
0x91: {  	[sflag:s13] =	ssyncset.done $0x0  }
0x92: {  	s9 =	sadd.s32 $0x280, s11;
	[sflag:s13] =	ssyncadd.s32 $0xFFFFC000  }
0x93: {  	[tilespmem:s19], [sflag:$0x3] =	stream.indirect.gather [hbm4b:s4+s15], $0x80, s9, s15, $0xb8;
	[tilespmem:$0x1E800] =	vst v63  }
0x94: {  	s11 =	sadd.s32 $0x2C0, s11  }
0x95: {  	[tilespmem:s21], [sflag:$0x4] =	stream.indirect.gather [hbm4b:s4+s15], $0x80, s11, s15, $0xb8;
	[tilespmem:$0x1E800] =	vst v63  }
0x96: {  	_ =	swait.ge [sflag:s22], $0x2000  }
0x97: {  	[sflag:s22] =	ssyncset.done $0x0  }
0x98: {  	[sflag:s22] =	ssyncadd.s32 $0xFFFFE000  }
0x99: {  	_ =	swait.ge [sflag:s23], $0x2000  }
0x9a: {  	[sflag:s23] =	ssyncset.done $0x0  }
0x9b: {  	[sflag:s23] =	ssyncadd.s32 $0xFFFFE000  }
0x9c: {  	[spmem:s1] =	stream.indirect.scatter.add.f32 [tilespmem:s16], [sflag:$0x5], $0x80, s26, s18, $0xb8;
	[tilespmem:$0x1E800] =	vst v63  }
0x9d: {  	_ =	swait.ge [sflag:s13], $0x4000  }
0x9e: {  	[sflag:s13] =	ssyncset.done $0x0  }
0x9f: {  	[sflag:s13] =	ssyncadd.s32 $0xFFFFC000  }
0xa0: {  	[tilespmem:s16], [sflag:$0x1] =	stream.indirect.gather [hbm4b:s4+s15], $0x80, s28, s15, $0xb8;
	[tilespmem:$0x1E800] =	vst v63  }
0xa1: {  	_ = 	snop  }
0xa2: {  	[tilespmem:s17], [sflag:$0x2] =	stream.indirect.gather [hbm4b:s4+s15], $0x80, s29, s15, $0xb8;
	[tilespmem:$0x1E800] =	vst v63  }
0xa3: {  	_ =	swait.ge [sflag:s24], $0x2000  }
0xa4: {  	[sflag:s24] =	ssyncset.done $0x0  }
0xa5: {  	[sflag:s24] =	ssyncadd.s32 $0xFFFFE000  }
0xa6: {  	_ =	swait.ge [sflag:s25], $0x2000  }
0xa7: {  	[sflag:s25] =	ssyncset.done $0x0  }
0xa8: {  	[sflag:s25] =	ssyncadd.s32 $0xFFFFE000  }
0xa9: {  	[spmem:s1] =	stream.indirect.scatter.add.f32 [tilespmem:s19], [sflag:$0x5], $0x80, s30, s18, $0xb8;
	[tilespmem:$0x1E800] =	vst v63  }
0xaa: {  	_ =	swait.ge [sflag:s13], $0x4000  }
0xab: {  	[sflag:s13] =	ssyncset.done $0x0  }
0xac: {  	[sflag:s13] =	ssyncadd.s32 $0xFFFFC000  }
0xad: {  	[tilespmem:s19], [sflag:$0x3] =	stream.indirect.gather [hbm4b:s4+s15], $0x80, s31, s15, $0xb8;
	[tilespmem:$0x1E800] =	vst v63  }
0xae: {  	_ = 	snop  }
0xaf: {  	[tilespmem:s21], [sflag:$0x4] =	stream.indirect.gather [hbm4b:s4+s15], $0x80, s0, s15, $0xb8;
	[tilespmem:$0x1E800] =	vst v63  }
0xb0: {  	_ =	swait.ge [sflag:s22], $0x2000  }
0xb1: {  	[sflag:s22] =	ssyncset.done $0x0  }
0xb2: {  	[sflag:s22] =	ssyncadd.s32 $0xFFFFE000  }
0xb3: {  	_ =	swait.ge [sflag:s23], $0x2000  }
0xb4: {  	[sflag:s23] =	ssyncset.done $0x0  }
0xb5: {  	[sflag:s23] =	ssyncadd.s32 $0xFFFFE000  }
0xb6: {  	[spmem:s1] =	stream.indirect.scatter.add.f32 [tilespmem:s16], [sflag:$0x5], $0x80, s3, s18, $0xb8;
	[tilespmem:$0x1E800] =	vst v63  }
0xb7: {  	_ =	swait.ge [sflag:s13], $0x4000  }
0xb8: {  	[sflag:s13] =	ssyncset.done $0x0  }
0xb9: {  	[sflag:s13] =	ssyncadd.s32 $0xFFFFC000  }
0xba: {  	_ =	swait.ge [sflag:s24], $0x2000  }
0xbb: {  	[sflag:s24] =	ssyncset.done $0x0  }
0xbc: {  	[sflag:s24] =	ssyncadd.s32 $0xFFFFE000  }
0xbd: {  	_ =	swait.ge [sflag:s25], $0x2000  }
0xbe: {  	[sflag:s25] =	ssyncset.done $0x0  }
.Ltmp1:
0xbf: {  	[sflag:s25] =	ssyncadd.s32 $0xFFFFE000;
	(pc) =	sbr.rel @p0 .LBB2_2-.Ltmp1, $4  }
0xc0: {  	[spmem:s1] =	stream.indirect.scatter.add.f32 [tilespmem:s19], [sflag:$0x5], $0x80, s7, s18, $0xb8;
	[tilespmem:$0x1E800] =	vst v63  }
0xc1: {  	_ =	swait.ge [sflag:s13], $0x4000  }
0xc2: {  	[sflag:s13] =	ssyncset.done $0x0  }
0xc3: {  	s10 =	simm.s32 $0x28;
	p1 =	por $0x0, $0x0;
	[sflag:s13] =	ssyncadd.s32 $0xFFFFC000  }
0xc4: {  	[bflag:$0x0] =	sbarrier.arrive $0xFFFF  }
0xc5: {  	s9 =	rddreg [dreg:$0x5]  }
0xc6: {  	s11 =	rddreg [dreg:$0x6]  }
0xc7: {  	[hbm:s9], [sflag:s12] =	dma.local [spmem:s11], $0x2800  }
0xc8: {  	_ =	swait.ge [sflag:s13], $0x2800  }
0xc9: {  	s10 =	smov.u32 s12;
	s2 =	sadd.s32 $0x1, s2;
	s12 =	rddreg [dreg:$0x4]  }
0xca: {  	p0 =	sne.s32 s2, s12  }
.Ltmp2:
0xcb: {  	_ = 	snop;
	(pc) =	sbr.rel @p0 .LBB2_1-.Ltmp2, $3  }
0xcc: {  	_ =	sdelay $0x1  }
0xcd: {  	[sflag:s13] =	ssyncset.done $0x0  }
0xce: {  	[sflag:s13] =	ssyncadd.s32 $0xFFFFD800  }
0xcf: {  	_ =	sfence.sel $0x180000  }
0xd0: {  	[bflag:$0x0] =	sbarrier.arrive $0xFFFF  }
0xd1: {  	_ =	strace $0x9000004D  }
0xd2: {  	s0 =	stileid.u32;
	[bflag:$0x2] =	sbarrier.arrive $0xFFFF  }
0xd3: {  	p0 =	sne.s32 s0, $0x0;
	s0 =	rddreg [dreg:$0x2]  }
0xd4: {  	s0 =	sadd.s32 @!p0 $0x100000, s0  }
0xd5: {  	[sflag:s0] =	ssyncadd.tile.s32 @!p0 $0x1;
	_ =	shalt  }
.Lfunc_end2:
_tile_overlayer_lowered:
.L_overlay_start_2:
0xd6: {  	(tag) =	ssettag $0x2  }
0xd7: {  	s0 =	rddreg [dreg:$0x0];
	s2 =	stileid.u32  }
0xd8: {  	s1 =	rddreg [dreg:$0x1];
	p0 =	sne.s32 s2, $0x0  }
0xd9: {  	s3 =	rddreg [dreg:$0x2];
	[bflag:$0x3] =	sbarrier.arrive $0xFFFF;
	s2 =	simm.s32 @!p0 $0x1C05  }
0xda: {  	[timem:s3], [sflag:s2] =	dma.local @!p0 [hbm:s0], s1  }
0xdb: {  	s0 =	simm.s32 @!p0 $0x5  }
0xdc: {  	_ =	swait.ge @!p0 [sflag:s0], s1  }
0xdd: {  	s1 =	ssub.s32 @!p0 $0x0, s1;
	[sflag:s0] =	ssyncset.done @!p0 $0x0  }
0xde: {  	[sflag:s0] =	ssyncadd.s32 @!p0 s1  }
0xdf: {  	[bflag:$0x3] =	sbarrier.arrive $0xFFFF  }
0xe0: {  	_ =	shalt  }

// kernel: kernel.9.cloned.1.call-start
scs
__scs_entry_jumppad:
0x0: {  	(pc) =	sbr.rel $0x88, $3  }
0x1: {  	(tag) =	ssettag $0x0;
	lr =	simm.s32 $0x1  }
0x2: {  	[smem:$0x3F95] =	sst lr;
	_ =	strace $0xD0000000  }
0x3: {  	_ = 	snop  }
0x4: {  	_ = 	snop  }
0x5: {  	_ = 	snop  }
0x6: {  	_ = 	snop  }
0x7: {  	_ = 	snop  }
__scs_overlays_trampoline_lowered:
0x8: {  	[smem:$0x3FA4] =	sst s0  }
0x9: {  	[smem:$0x3FA5] =	sst s1  }
0xa: {  	[smem:$0x3FA6] =	sst s2  }
0xb: {  	[smem:$0x3FA7] =	sst s3  }
0xc: {  	[smem:$0x3FA8] =	sst s4  }
0xd: {  	[smem:$0x3FA9] =	sst s5  }
0xe: {  	[smem:$0x3FAA] =	sst s6  }
0xf: {  	[smem:$0x3FAB] =	sst s7  }
0x10: {  	[smem:$0x3FAC] =	sst s8  }
0x11: {  	[smem:$0x3FAD] =	sst s9;
	s0 =	simm.s32 @!p0 $0x0  }
0x12: {  	s1 =	sld [smem:$0x3F93];
	s0 =	simm.s32 @p0 $0x1  }
0x13: {  	[smem:$0x3FAE] =	sst s0;
	s0 =	simm.s32 @!p1 $0x0  }
0x14: {  	s2 =	sld [smem:$0x3F92];
	s0 =	simm.s32 @p1 $0x1  }
0x15: {  	[smem:$0x3FAF] =	sst s0;
	s0 =	simm.s32 @!p2 $0x0  }
0x16: {  	s3 =	sld [smem:$0x3FDB];
	s0 =	simm.s32 @p2 $0x1  }
0x17: {  	s4 =	simm.s32 $0x1BF5;
	[smem:$0x3FB1] =	sst s0  }
0x18: {  	s0 =	sld [smem:$0x3F94];
	_ =	swait.ge [sflag:s4], $0x0  }
0x19: {  	s7 =	sld [smem:$0x3F95]  }
0x1a: {  	s8 =	sadd.s32 $0xFFFFE003, lr  }
0x1b: {  	s9 =	sadd.s32 $0xFFFFFEF7, lr;
	s5 =	simm.s32 $0xFFFFFFFF;
	p2 =	slt.u32 s8, $0xFFFFF086  }
0x1c: {  	p1 =	slt.u32 s9, $0xF7A;
	s5 =	simm.s32 @!p2 $0x0  }
0x1d: {  	s5 =	simm.s32 @p1 $0x1;
	p0 =	seq.s32 s7, s2  }
0x1e: {  	s7 =	smul.u32 @!p0 $0xF7A, s2;
	p2 =	seq.s32 @!p0 s5, $0x0  }
0x1f: {  	s9 =	smul.u32 $0xF7A, s1;
	s8 =	simm.s32 @!p0 $0x1BF5;
	p2 =	por !p2, p0  }
0x20: {  	[sflag:s8] =	ssyncset.s32 @!p0 $0xFFFFF086;
	s6 =	sadd.s32 @!p0 s3, s7;
	s7 =	simm.s32 @!p0 $0x108  }
0x21: {  	s3 =	sadd.s32 s3, s9;
	s6 =	sadd.s32 @!p0 $0x88, s6;
	s7 =	simm.s32 @p2 $0x1082  }
0x22: {  	[simem:s7], [sflag:s8] =	dma.local @!p0 [hbm:s6], $0xF7A  }
0x23: {  	s9 =	sor.u32 $0xD0000000, s2;
	s6 =	simm.s32 $0x108;
	_ =	swait.ge @!p0 [sflag:s8], $0x0  }
0x24: {  	s3 =	sadd.s32 $0x88, s3;
	s6 =	simm.s32 @!p1 $0x1082;
	[sflag:s4] =	ssyncset.s32 $0xFFFFF086  }
0x25: {  	[simem:s6], [sflag:s4] =	dma.local [hbm:s3], $0xF7A  }
0x26: {  	[smem:$0x3F95] =	sst s1;
	(tag) =	ssettag s2;
	_ =	strace s9  }
0x27: {  	s1 =	sld [smem:$0x3FA5]  }
0x28: {  	s2 =	sld [smem:$0x3FA6]  }
0x29: {  	s4 =	sld [smem:$0x3FA8]  }
0x2a: {  	p0 =	seq.s32 s5, $0x0;
	s5 =	sld [smem:$0x3FA9]  }
0x2b: {  	s6 =	sld [smem:$0x3FAA]  }
0x2c: {  	s7 =	sld [smem:$0x3FAB]  }
0x2d: {  	s3 =	simm.s32 $0x108;
	s8 =	sld [smem:$0x3FAC]  }
0x2e: {  	s3 =	simm.s32 @!p0 $0x1082;
	s9 =	sld [smem:$0x3FAD]  }
0x2f: {  	lr =	sadd.s32 s0, s3;
	s0 =	sld [smem:$0x3FA4]  }
0x30: {  	s3 =	sld [smem:$0x3FA7]  }
0x31: {  	[smem:$0x3FB0] =	sst s10  }
0x32: {  	s10 =	sld [smem:$0x3FAE];
	_ =	sdelay $0x3  }
0x33: {  	p0 =	seq.s32 s10, $0x1;
	s10 =	sld [smem:$0x3FB0];
	_ =	sdelay $0x3  }
0x34: {  	[smem:$0x3FB0] =	sst s10  }
0x35: {  	s10 =	sld [smem:$0x3FAF];
	_ =	sdelay $0x3  }
0x36: {  	p1 =	seq.s32 s10, $0x1;
	s10 =	sld [smem:$0x3FB0];
	_ =	sdelay $0x3  }
0x37: {  	[smem:$0x3FB0] =	sst s10  }
0x38: {  	s10 =	sld [smem:$0x3FB1]  }
0x39: {  	_ = 	snop;
	(pc) =	sbr.ind lr, $3  }
0x3a: {  	_ = 	snop  }
0x3b: {  	_ = 	snop  }
0x3c: {  	p2 =	seq.s32 s10, $0x1;
	s10 =	sld [smem:$0x3FB0]  }
0x3d: {  	_ =	shalt  }
0x3e: {  	_ =	shalt  }
0x3f: {  	_ =	shalt  }
0x40: {  	_ =	shalt  }
0x41: {  	_ =	shalt  }
0x42: {  	_ =	shalt  }
0x43: {  	_ =	shalt  }
0x44: {  	_ =	shalt  }
0x45: {  	_ =	shalt  }
0x46: {  	_ =	shalt  }
0x47: {  	_ =	shalt  }
0x48: {  	_ =	shalt  }
0x49: {  	_ =	shalt  }
0x4a: {  	_ =	shalt  }
0x4b: {  	_ =	shalt  }
0x4c: {  	_ =	shalt  }
0x4d: {  	_ =	shalt  }
0x4e: {  	_ =	shalt  }
0x4f: {  	_ =	shalt  }
0x50: {  	_ =	shalt  }
0x51: {  	_ =	shalt  }
0x52: {  	_ =	shalt  }
0x53: {  	_ =	shalt  }
0x54: {  	_ =	shalt  }
0x55: {  	_ =	shalt  }
0x56: {  	_ =	shalt  }
0x57: {  	_ =	shalt  }
0x58: {  	_ =	shalt  }
0x59: {  	_ =	shalt  }
0x5a: {  	_ =	shalt  }
0x5b: {  	_ =	shalt  }
0x5c: {  	_ =	shalt  }
0x5d: {  	_ =	shalt  }
0x5e: {  	_ =	shalt  }
0x5f: {  	_ =	shalt  }
0x60: {  	_ =	shalt  }
0x61: {  	_ =	shalt  }
0x62: {  	_ =	shalt  }
0x63: {  	_ =	shalt  }
0x64: {  	_ =	shalt  }
0x65: {  	_ =	shalt  }
0x66: {  	_ =	shalt  }
0x67: {  	_ =	shalt  }
0x68: {  	_ =	shalt  }
0x69: {  	_ =	shalt  }
0x6a: {  	_ =	shalt  }
0x6b: {  	_ =	shalt  }
0x6c: {  	_ =	shalt  }
0x6d: {  	_ =	shalt  }
0x6e: {  	_ =	shalt  }
0x6f: {  	_ =	shalt  }
0x70: {  	_ =	shalt  }
0x71: {  	_ =	shalt  }
0x72: {  	_ =	shalt  }
0x73: {  	_ =	shalt  }
0x74: {  	_ =	shalt  }
0x75: {  	_ =	shalt  }
0x76: {  	_ =	shalt  }
0x77: {  	_ =	shalt  }
0x78: {  	_ =	shalt  }
0x79: {  	_ =	shalt  }
0x7a: {  	_ =	shalt  }
0x7b: {  	_ =	shalt  }
0x7c: {  	_ =	shalt  }
0x7d: {  	_ =	shalt  }
0x7e: {  	_ =	shalt  }
0x7f: {  	_ =	shalt  }
0x80: {  	_ =	shalt  }
0x81: {  	_ =	shalt  }
0x82: {  	_ =	shalt  }
0x83: {  	_ =	shalt  }
0x84: {  	_ =	shalt  }
0x85: {  	_ =	shalt  }
0x86: {  	_ =	shalt  }
0x87: {  	_ =	shalt  }
.Lfunc_end0:
.L_simem_size_0:
called_computation_lowered:
.L_overlay_start_0:
0x88: {  	s2 =	sld [smem:$0x3FD9]  }
0x89: {  	s3 =	sld [smem:$0x3FFE];
	_ =	sdelay $0x1  }
0x8a: {  	s1 =	srdreg.scid  }
0x8b: {  	s0 =	sand.u32 $0x1, s1  }
0x8c: {  	s17 =	sshll.u32 s0, $0xA;
	s2 =	sadd.s32 s3, s2  }
0x8d: {  	s2 =	sadd.s32 s2, s17  }
0x8e: {  	[smem:$0x3FBC] =	sst s2  }
0x8f: {  	_ = 	snop  }
0x90: {  	s2 =	sld [smem:$0x3FD0];
	(tm) =	ssettm $0x1  }
0x91: {  	s18 =	sld [smem:$0x3FFB];
	_ =	sdelay $0x3  }
0x92: {  	_ =	strace s18  }
0x93: {  	s3 =	sld [smem:$0x3FFC];
	_ =	sdelay $0x3  }
0x94: {  	_ =	strace s3  }
0x95: {  	s3 =	sld [smem:$0x3FFD];
	_ =	sdelay $0x3  }
0x96: {  	_ =	strace s3  }
0x97: {  	_ =	strace $0x8FFFFFFF  }
0x98: {  	s19 =	sld [smem:$0x3FDB];
	_ =	sdelay $0x1  }
0x99: {  	s4 =	simm.s32 $_scs_section_size  }
0x9a: {  	s5 =	simm.s32 $_size__tile_overlayer_lowered;
	s6 =	simm.s32 $_tile_overlayer_lowered  }
0x9b: {  	s22 =	simm.s32 $0x1BFF;
	s21 =	sshll.u32 s6, $0x1;
	s3 =	sadd.s32 s4, s19  }
0x9c: {  	s7 =	simm.s32 $0x0;
	s20 =	sshll.u32 s5, $0x1;
	s5 =	sadd.s32 s21, s3  }
0x9d: {  	[timem:s7], [sflag:s22] =	dma.local [hbm:s5], s20  }
0x9e: {  	_ =	swait.ge [sflag:s22], s20  }
0x9f: {  	s4 =	ssub.s32 $0x0, s20;
	[sflag:s22] =	ssyncset.done $0x0  }
0xa0: {  	[sflag:s22] =	ssyncadd.s32 s4;
	_ =	sdelay $0x1  }
0xa1: {  	s23 =	simm.s32 $0x1B8B  }
0xa2: {  	_ =	swait.ge [sflag:s23], $0x1  }
0xa3: {  	[sflag:s23] =	ssyncset.done $0x0  }
0xa4: {  	s25 =	simm.s32 $0x1B8E;
	s24 =	sld [smem:$0x3FFE];
	[sflag:s23] =	ssyncadd.s32 $0xFFFFFFFF  }
0xa5: {  	s26 =	simm.s32 $execute0_lowered;
	[smem:$0x3FD2] =	sst s25  }
0xa6: {  	s5 =	sshll.u32 s26, $0x1;
	_ =	strace $0x80000046;
	[dreg:$0x1] =	wrdreg $0xFFFFFFFF  }
0xa7: {  	s28 =	simm.s32 $_size_execute0_lowered;
	s3 =	sadd.s32 s3, s5;
	[dreg:$0x0] =	wrdreg $0x0  }
0xa8: {  	s5 =	sshll.u32 s28, $0x1;
	[dreg:$0x2] =	wrdreg s3  }
0xa9: {  	[dreg:$0x3] =	wrdreg s5  }
0xaa: {  	[dreg:$0x4] =	wrdreg $0xC0  }
0xab: {  	_ =	task [dreg:s7], $0x5FFFF  }
0xac: {  	[dreg:$0x1] =	wrdreg $0xFFFFFFFF  }
0xad: {  	[dreg:$0x0] =	wrdreg $0x60  }
0xae: {  	[dreg:$0x2] =	wrdreg s24  }
0xaf: {  	[dreg:$0x3] =	wrdreg s2  }
0xb0: {  	[dreg:$0x4] =	wrdreg $0x16B000  }
0xb1: {  	[dreg:$0x5] =	wrdreg $0x9  }
0xb2: {  	_ =	task.clear_ibuf [dreg:s7], $0x6FFFF;
	_ =	strace $0x90000046  }
0xb3: {  	s29 =	simm.s32 $0x9;
	_ =	strace $0x80000048  }
0xb4: {  	_ =	swait.ge [sflag:s29], $0x1  }
0xb5: {  	[sflag:s29] =	ssyncadd.s32 $0xFFFFFFFF  }
0xb6: {  	_ =	strace $0x90000048  }
0xb7: {  	_ =	sfence  }
0xb8: {  	s30 =	sld [smem:$0x0];
	_ =	sdelay $0x2  }
0xb9: {  	s31 =	sshll.u32 s1, $0xD;
	s1 =	sshrl.u32 s1, $0x2  }
0xba: {  	s3 =	sand.u32 $0x4000, s31;
	s1 =	sadd.s32 s1, s30  }
0xbb: {  	s0 =	sor.u32 s3, s0;
	s1 =	sshll.u32 s1, $0x11  }
0xbc: {  	s0 =	sor.u32 s1, s0  }
0xbd: {  	s0 =	sadd.s32 $0x8F2B, s0  }
0xbe: {  	[sflag:s0] =	ssyncadd.remote.s32 $0x1  }
0xbf: {  	_ =	sfence.sel $0xFFFF  }
0xc0: {  	[dreg:$0x0] =	wrdreg $0xFFFFFFFF;
	(pc) =	sbr.abs _section_cstart, $3  }
0xc1: {  	[dreg:$0x1] =	wrdreg $0xFFFFFFFF  }
0xc2: {  	_ =	task.clear_ibuf [dreg:s7], $0x2FFFF;
	_ =	strace $0x9FFFFFFF  }
0xc3: {  	(tm) =	ssettm $0x7FFFFFFF  }
tec
execute0_lowered:
.L_overlay_start_1:
0x0: {  	(tag) =	ssettag $0x1  }
0x1: {  	s9 =	rddreg [dreg:$0x0]  }
0x2: {  	s2 =	rddreg [dreg:$0x1]  }
0x3: {  	s0 =	srdreg.scid;
	s3 =	rddreg [dreg:$0x2];
	s4 =	simm.s32 $0x0  }
0x4: {  	s12 =	simm.s32 $0x40C00;
	s14 =	simm.s32 $0x80;
	s15 =	simm.s32 $0x2880  }
0x5: {  	s16 =	simm.s32 $0x2B00;
	s17 =	simm.s32 $0x0;
	s7 =	sand.u32 $0x1, s0  }
0x6: {  	s0 =	stileid.u32;
	[smem:$0x7FF] =	sst s4;
	s1 =	sshll.u32 s7, $0x4  }
0x7: {  	s6 =	ssub.s32 $0x2, s7;
	s8 =	smul.u32 $0xA00, s0;
	p0 =	seq.s32 s7, $0x1  }
0x8: {  	s30 =	sshll.u32 s0, $0x6;
	s13 =	smul.u32 $0x2800, s0;
	s5 =	sor.u32 s0, s1  }
0x9: {  	s1 =	rddreg [dreg:$0x3];
	_ =	strace $0x80000047;
	s11 =	sshrl.u32 s6, $0x1  }
0xa: {  	s12 =	simm.s32 @!p0 $0x18C00;
	s7 =	sor.u32 $0x1C01, s30;
	s5 =	smul.u32 $0x500, s5  }
0xb: {  	s11 =	ssub.s32 s6, s11;
	s29 =	sshrl.u32 s8, $0x2;
	s31 =	sadd.s32 s12, s9  }
0xc: {  	s12 =	simm.s32 $0x1;
	s6 =	sadd.s32 s29, s3;
	s10 =	sadd.s32 s5, s9  }
0xd: {  	s5 =	sadd.s32 $0x18A00, s9;
	s9 =	smax.u32 s11, $0x1;
	s11 =	sshrl.u32 s6, $0x3  }
0xe: {  	s8 =	sadd.s32 $0x4A00, s10;
	s10 =	sadd.s32 s31, s13;
	s13 =	simm.s32 $0x2800  }
.LBB2_1:
0xf: {  	[spmem:s11], [sflag:s7] =	dma.local [hbm:s5], $0x50  }
0x10: {  	_ =	swait.ge [sflag:s12], $0x50  }
0x11: {  	[sflag:s12] =	ssyncset.done $0x0  }
0x12: {  	[sflag:s12] =	ssyncadd.s32 $0xFFFFFFB0  }
0x13: {  	[tilespmem:s4], [sflag:$0x1] =	stream.linear.gather [hbm4b:s8+s4], $0x2800, $0x38;
	[tilespmem:$0x16D80] =	vst v63  }
0x14: {  	_ =	swait.ge [sflag:s12], $0x2800  }
0x15: {  	[sflag:s12] =	ssyncset.done $0x0  }
0x16: {  	[sflag:s12] =	ssyncadd.s32 $0xFFFFD800  }
0x17: {  	[tilespmem:s13], [sflag:$0x1] =	stream.linear.gather [hbm4b:s2+s4], $0x80, $0x38;
	[tilespmem:$0x16D80] =	vst v63  }
0x18: {  	_ =	swait.ge [sflag:s12], $0x80  }
0x19: {  	[sflag:s12] =	ssyncset.done $0x0  }
0x1a: {  	[sflag:s12] =	ssyncadd.s32 $0xFFFFFF80  }
0x1b: {  	s18 =	simm.s32 $0x0;
	[bflag:$0x0] =	sbarrier.arrive $0xFFFF  }
0x1c: {  	[spmem:s3] =	stream.indirect.scatter.add.f32 [tilespmem:s13], [sflag:$0x1], $0x1, s18, s14, $0xb8;
	[tilespmem:$0x16D80] =	vst v63  }
0x1d: {  	_ =	swait.ge [sflag:s12], $0x80  }
0x1e: {  	s18 =	simm.s32 $0x200;
	[sflag:s12] =	ssyncset.done $0x0  }
.LBB2_2:
0x1f: {  	s19 =	sshra.s32 s18, $0x2;
	[sflag:s12] =	ssyncadd.s32 $0xFFFFFF80;
	p0 =	sne.s32 s18, $0x9E00  }
0x20: {  	[spmem:s3] =	stream.indirect.scatter.add.f32 [tilespmem:s13], [sflag:$0x1], $0x1, s19, s14, $0xb8;
	[tilespmem:$0x16D80] =	vst v63  }
.Ltmp0:
0x21: {  	_ = 	snop;
	(pc) =	sbr.rel @p0 .LBB2_2-.Ltmp0, $4  }
0x22: {  	_ = 	snop  }
0x23: {  	s18 =	sadd.s32 $0x200, s18  }
0x24: {  	_ =	swait.ge [sflag:s12], $0x80  }
0x25: {  	[sflag:s12] =	ssyncset.done $0x0  }
0x26: {  	[sflag:s12] =	ssyncadd.s32 $0xFFFFFF80  }
0x27: {  	[bflag:$0x0] =	sbarrier.arrive $0xFFFF  }
0x28: {  	[tilespmem:s15], [sflag:$0x1] =	stream.linear.gather [spmem:s6], $0x280, $0x38;
	[tilespmem:$0x16D80] =	vst v63  }
0x29: {  	_ =	swait.ge [sflag:s12], $0x280  }
0x2a: {  	[sflag:s12] =	ssyncset.done $0x0  }
0x2b: {  	s18 =	simm.s32 $0x0;
	[sflag:s12] =	ssyncadd.s32 $0xFFFFFD80  }
0x2c: {  	v0 =	vld [tilespmem:s18+$0x2880];
	_ =	sdelay $0x4  }
0x2d: {  	v1 =	vbroadcast v0, $0x0  }
0x2e: {  	s18 =	simm.s32 $0x2F00  }
0x2f: {  	[tilespmem:s18+$0xFFFFFC00] =	vst v1  }
0x30: {  	[tilespmem:s18+$0xFFFFFC10] =	vst v1  }
0x31: {  	[tilespmem:s18+$0xFFFFFC20] =	vst v1  }
0x32: {  	[tilespmem:s18+$0xFFFFFC30] =	vst v1  }
0x33: {  	[tilespmem:s18+$0xFFFFFC40] =	vst v1  }
0x34: {  	[tilespmem:s18+$0xFFFFFC50] =	vst v1  }
0x35: {  	v2 =	vbroadcast v0, $0x1;
	[tilespmem:s18+$0xFFFFFC60] =	vst v1  }
0x36: {  	[tilespmem:s18+$0xFFFFFC70] =	vst v1  }
0x37: {  	[tilespmem:s18+$0xFFFFFC80] =	vst v2  }
0x38: {  	[tilespmem:s18+$0xFFFFFC90] =	vst v2  }
0x39: {  	[tilespmem:s18+$0xFFFFFCA0] =	vst v2  }
0x3a: {  	[tilespmem:s18+$0xFFFFFCB0] =	vst v2  }
0x3b: {  	[tilespmem:s18+$0xFFFFFCC0] =	vst v2  }
0x3c: {  	[tilespmem:s18+$0xFFFFFCD0] =	vst v2  }
0x3d: {  	v51 =	vbroadcast v0, $0x2;
	[tilespmem:s18+$0xFFFFFCE0] =	vst v2  }
0x3e: {  	[tilespmem:s18+$0xFFFFFCF0] =	vst v2  }
0x3f: {  	[tilespmem:s18+$0xFFFFFD00] =	vst v51  }
0x40: {  	[tilespmem:s18+$0xFFFFFD10] =	vst v51  }
0x41: {  	[tilespmem:s18+$0xFFFFFD20] =	vst v51  }
0x42: {  	[tilespmem:s18+$0xFFFFFD30] =	vst v51  }
0x43: {  	[tilespmem:s18+$0xFFFFFD40] =	vst v51  }
0x44: {  	[tilespmem:s18+$0xFFFFFD50] =	vst v51  }
0x45: {  	v52 =	vbroadcast v0, $0x3;
	[tilespmem:s18+$0xFFFFFD60] =	vst v51  }
0x46: {  	[tilespmem:s18+$0xFFFFFD70] =	vst v51  }
0x47: {  	[tilespmem:s18+$0xFFFFFD80] =	vst v52  }
0x48: {  	[tilespmem:s18+$0xFFFFFD90] =	vst v52  }
0x49: {  	[tilespmem:s18+$0xFFFFFDA0] =	vst v52  }
0x4a: {  	[tilespmem:s18+$0xFFFFFDB0] =	vst v52  }
0x4b: {  	[tilespmem:s18+$0xFFFFFDC0] =	vst v52  }
0x4c: {  	[tilespmem:s18+$0xFFFFFDD0] =	vst v52  }
0x4d: {  	v53 =	vbroadcast v0, $0x4;
	[tilespmem:s18+$0xFFFFFDE0] =	vst v52  }
0x4e: {  	[tilespmem:s18+$0xFFFFFDF0] =	vst v52  }
0x4f: {  	[tilespmem:s18+$0xFFFFFE00] =	vst v53  }
0x50: {  	[tilespmem:s18+$0xFFFFFE10] =	vst v53  }
0x51: {  	[tilespmem:s18+$0xFFFFFE20] =	vst v53  }
0x52: {  	[tilespmem:s18+$0xFFFFFE30] =	vst v53  }
0x53: {  	[tilespmem:s18+$0xFFFFFE40] =	vst v53  }
0x54: {  	[tilespmem:s18+$0xFFFFFE50] =	vst v53  }
0x55: {  	v54 =	vbroadcast v0, $0x5;
	[tilespmem:s18+$0xFFFFFE60] =	vst v53  }
0x56: {  	[tilespmem:s18+$0xFFFFFE70] =	vst v53  }
0x57: {  	[tilespmem:s18+$0xFFFFFE80] =	vst v54  }
0x58: {  	[tilespmem:s18+$0xFFFFFE90] =	vst v54  }
0x59: {  	[tilespmem:s18+$0xFFFFFEA0] =	vst v54  }
0x5a: {  	[tilespmem:s18+$0xFFFFFEB0] =	vst v54  }
0x5b: {  	[tilespmem:s18+$0xFFFFFEC0] =	vst v54  }
0x5c: {  	[tilespmem:s18+$0xFFFFFED0] =	vst v54  }
0x5d: {  	v55 =	vbroadcast v0, $0x6;
	[tilespmem:s18+$0xFFFFFEE0] =	vst v54  }
0x5e: {  	[tilespmem:s18+$0xFFFFFEF0] =	vst v54  }
0x5f: {  	[tilespmem:s18+$0xFFFFFF00] =	vst v55  }
0x60: {  	[tilespmem:s18+$0xFFFFFF10] =	vst v55  }
0x61: {  	[tilespmem:s18+$0xFFFFFF20] =	vst v55  }
0x62: {  	[tilespmem:s18+$0xFFFFFF30] =	vst v55  }
0x63: {  	[tilespmem:s18+$0xFFFFFF40] =	vst v55  }
0x64: {  	[tilespmem:s18+$0xFFFFFF50] =	vst v55  }
0x65: {  	v56 =	vbroadcast v0, $0x7;
	[tilespmem:s18+$0xFFFFFF60] =	vst v55  }
0x66: {  	[tilespmem:s18+$0xFFFFFF70] =	vst v55  }
0x67: {  	[tilespmem:s18+$0xFFFFFF80] =	vst v56  }
0x68: {  	[tilespmem:s18+$0xFFFFFF90] =	vst v56  }
0x69: {  	[tilespmem:s18+$0xFFFFFFA0] =	vst v56  }
0x6a: {  	[tilespmem:s18+$0xFFFFFFB0] =	vst v56  }
0x6b: {  	[tilespmem:s18+$0xFFFFFFC0] =	vst v56  }
0x6c: {  	[tilespmem:s18+$0xFFFFFFD0] =	vst v56  }
0x6d: {  	v57 =	vbroadcast v0, $0x8;
	[tilespmem:s18+$0xFFFFFFE0] =	vst v56  }
0x6e: {  	[tilespmem:s18+$0xFFFFFFF0] =	vst v56  }
0x6f: {  	[tilespmem:s18+$0x0] =	vst v57  }
0x70: {  	[tilespmem:s18+$0x10] =	vst v57  }
0x71: {  	[tilespmem:s18+$0x20] =	vst v57  }
0x72: {  	[tilespmem:s18+$0x30] =	vst v57  }
0x73: {  	[tilespmem:s18+$0x40] =	vst v57  }
0x74: {  	[tilespmem:s18+$0x50] =	vst v57  }
0x75: {  	v58 =	vbroadcast v0, $0x9;
	[tilespmem:s18+$0x60] =	vst v57  }
0x76: {  	[tilespmem:s18+$0x70] =	vst v57  }
0x77: {  	[tilespmem:s18+$0x80] =	vst v58  }
0x78: {  	[tilespmem:s18+$0x90] =	vst v58  }
0x79: {  	[tilespmem:s18+$0xA0] =	vst v58  }
0x7a: {  	[tilespmem:s18+$0xB0] =	vst v58  }
0x7b: {  	[tilespmem:s18+$0xC0] =	vst v58  }
0x7c: {  	[tilespmem:s18+$0xD0] =	vst v58  }
0x7d: {  	v59 =	vbroadcast v0, $0xA;
	[tilespmem:s18+$0xE0] =	vst v58  }
0x7e: {  	[tilespmem:s18+$0xF0] =	vst v58  }
0x7f: {  	[tilespmem:s18+$0x100] =	vst v59  }
0x80: {  	[tilespmem:s18+$0x110] =	vst v59  }
0x81: {  	[tilespmem:s18+$0x120] =	vst v59  }
0x82: {  	[tilespmem:s18+$0x130] =	vst v59  }
0x83: {  	[tilespmem:s18+$0x140] =	vst v59  }
0x84: {  	[tilespmem:s18+$0x150] =	vst v59  }
0x85: {  	v60 =	vbroadcast v0, $0xB;
	[tilespmem:s18+$0x160] =	vst v59  }
0x86: {  	[tilespmem:s18+$0x170] =	vst v59  }
0x87: {  	[tilespmem:s18+$0x180] =	vst v60  }
0x88: {  	[tilespmem:s18+$0x190] =	vst v60  }
0x89: {  	[tilespmem:s18+$0x1A0] =	vst v60  }
0x8a: {  	[tilespmem:s18+$0x1B0] =	vst v60  }
0x8b: {  	[tilespmem:s18+$0x1C0] =	vst v60  }
0x8c: {  	[tilespmem:s18+$0x1D0] =	vst v60  }
0x8d: {  	v61 =	vbroadcast v0, $0xC;
	[tilespmem:s18+$0x1E0] =	vst v60  }
0x8e: {  	[tilespmem:s18+$0x1F0] =	vst v60  }
0x8f: {  	[tilespmem:s18+$0x200] =	vst v61  }
0x90: {  	[tilespmem:s18+$0x210] =	vst v61  }
0x91: {  	[tilespmem:s18+$0x220] =	vst v61  }
0x92: {  	[tilespmem:s18+$0x230] =	vst v61  }
0x93: {  	[tilespmem:s18+$0x240] =	vst v61  }
0x94: {  	[tilespmem:s18+$0x250] =	vst v61  }
0x95: {  	v62 =	vbroadcast v0, $0xD;
	[tilespmem:s18+$0x260] =	vst v61  }
0x96: {  	[tilespmem:s18+$0x270] =	vst v61  }
0x97: {  	[tilespmem:s18+$0x280] =	vst v62  }
0x98: {  	[tilespmem:s18+$0x290] =	vst v62  }
0x99: {  	[tilespmem:s18+$0x2A0] =	vst v62  }
0x9a: {  	[tilespmem:s18+$0x2B0] =	vst v62  }
0x9b: {  	[tilespmem:s18+$0x2C0] =	vst v62  }
0x9c: {  	[tilespmem:s18+$0x2D0] =	vst v62  }
0x9d: {  	v63 =	vbroadcast v0, $0xE;
	[tilespmem:s18+$0x2E0] =	vst v62  }
0x9e: {  	[tilespmem:s18+$0x2F0] =	vst v62  }
0x9f: {  	[tilespmem:s18+$0x300] =	vst v63  }
0xa0: {  	[tilespmem:s18+$0x310] =	vst v63  }
0xa1: {  	[tilespmem:s18+$0x320] =	vst v63  }
0xa2: {  	[tilespmem:s18+$0x330] =	vst v63  }
0xa3: {  	[tilespmem:s18+$0x340] =	vst v63  }
0xa4: {  	[tilespmem:s18+$0x350] =	vst v63  }
0xa5: {  	v0 =	vbroadcast v0, $0xF;
	[tilespmem:s18+$0x360] =	vst v63  }
0xa6: {  	[tilespmem:s18+$0x370] =	vst v63  }
0xa7: {  	[tilespmem:s18+$0x380] =	vst v0  }
0xa8: {  	[tilespmem:s18+$0x390] =	vst v0  }
0xa9: {  	[tilespmem:s18+$0x3A0] =	vst v0  }
0xaa: {  	[tilespmem:s18+$0x3B0] =	vst v0  }
0xab: {  	[tilespmem:s18+$0x3C0] =	vst v0  }
0xac: {  	[tilespmem:s18+$0x3D0] =	vst v0  }
0xad: {  	[tilespmem:s18+$0x3E0] =	vst v0  }
0xae: {  	s20 =	simm.s32 $0x10;
	s19 =	simm.s32 $0x80;
	[tilespmem:s18+$0x3F0] =	vst v0  }
.LBB2_4:
0xaf: {  	p0 =	sne.s32 s19, $0x9C0;
	v0 =	vld [tilespmem:s20+$0x2880];
	_ =	sdelay $0x4  }
0xb0: {  	v9 =	vbroadcast v0, $0x0;
	v10 =	vbroadcast v0, $0x1  }
0xb1: {  	s18 =	sadd.s32 $0x800, s18;
	v11 =	vbroadcast v0, $0x2;
	v12 =	vbroadcast v0, $0x3  }
0xb2: {  	v13 =	vbroadcast v0, $0x4;
	v14 =	vbroadcast v0, $0x5;
	[tilespmem:s18+$0xFFFFFC00] =	vst v9  }
0xb3: {  	v15 =	vbroadcast v0, $0x6;
	v8 =	vbroadcast v0, $0x7;
	[tilespmem:s18+$0xFFFFFC10] =	vst v9  }
0xb4: {  	v7 =	vbroadcast v0, $0x8;
	v6 =	vbroadcast v0, $0x9;
	[tilespmem:s18+$0xFFFFFC20] =	vst v9  }
0xb5: {  	v5 =	vbroadcast v0, $0xA;
	v4 =	vbroadcast v0, $0xB;
	[tilespmem:s18+$0xFFFFFC30] =	vst v9  }
0xb6: {  	v3 =	vbroadcast v0, $0xC;
	v2 =	vbroadcast v0, $0xD;
	[tilespmem:s18+$0xFFFFFC40] =	vst v9  }
0xb7: {  	v1 =	vbroadcast v0, $0xE;
	v0 =	vbroadcast v0, $0xF;
	[tilespmem:s18+$0xFFFFFC50] =	vst v9  }
0xb8: {  	[tilespmem:s18+$0xFFFFFC60] =	vst v9  }
0xb9: {  	[tilespmem:s18+$0xFFFFFC70] =	vst v9  }
0xba: {  	[tilespmem:s18+$0xFFFFFC80] =	vst v10  }
0xbb: {  	[tilespmem:s18+$0xFFFFFC90] =	vst v10  }
0xbc: {  	[tilespmem:s18+$0xFFFFFCA0] =	vst v10  }
0xbd: {  	[tilespmem:s18+$0xFFFFFCB0] =	vst v10  }
0xbe: {  	[tilespmem:s18+$0xFFFFFCC0] =	vst v10  }
0xbf: {  	[tilespmem:s18+$0xFFFFFCD0] =	vst v10  }
0xc0: {  	[tilespmem:s18+$0xFFFFFCE0] =	vst v10  }
0xc1: {  	[tilespmem:s18+$0xFFFFFCF0] =	vst v10  }
0xc2: {  	[tilespmem:s18+$0xFFFFFD00] =	vst v11  }
0xc3: {  	[tilespmem:s18+$0xFFFFFD10] =	vst v11  }
0xc4: {  	[tilespmem:s18+$0xFFFFFD20] =	vst v11  }
0xc5: {  	[tilespmem:s18+$0xFFFFFD30] =	vst v11  }
0xc6: {  	[tilespmem:s18+$0xFFFFFD40] =	vst v11  }
0xc7: {  	[tilespmem:s18+$0xFFFFFD50] =	vst v11  }
0xc8: {  	[tilespmem:s18+$0xFFFFFD60] =	vst v11  }
0xc9: {  	[tilespmem:s18+$0xFFFFFD70] =	vst v11  }
0xca: {  	[tilespmem:s18+$0xFFFFFD80] =	vst v12  }
0xcb: {  	[tilespmem:s18+$0xFFFFFD90] =	vst v12  }
0xcc: {  	[tilespmem:s18+$0xFFFFFDA0] =	vst v12  }
0xcd: {  	[tilespmem:s18+$0xFFFFFDB0] =	vst v12  }
0xce: {  	[tilespmem:s18+$0xFFFFFDC0] =	vst v12  }
0xcf: {  	[tilespmem:s18+$0xFFFFFDD0] =	vst v12  }
0xd0: {  	[tilespmem:s18+$0xFFFFFDE0] =	vst v12  }
0xd1: {  	[tilespmem:s18+$0xFFFFFDF0] =	vst v12  }
0xd2: {  	[tilespmem:s18+$0xFFFFFE00] =	vst v13  }
0xd3: {  	[tilespmem:s18+$0xFFFFFE10] =	vst v13  }
0xd4: {  	[tilespmem:s18+$0xFFFFFE20] =	vst v13  }
0xd5: {  	[tilespmem:s18+$0xFFFFFE30] =	vst v13  }
0xd6: {  	[tilespmem:s18+$0xFFFFFE40] =	vst v13  }
0xd7: {  	[tilespmem:s18+$0xFFFFFE50] =	vst v13  }
0xd8: {  	[tilespmem:s18+$0xFFFFFE60] =	vst v13  }
0xd9: {  	[tilespmem:s18+$0xFFFFFE70] =	vst v13  }
0xda: {  	[tilespmem:s18+$0xFFFFFE80] =	vst v14  }
0xdb: {  	[tilespmem:s18+$0xFFFFFE90] =	vst v14  }
0xdc: {  	[tilespmem:s18+$0xFFFFFEA0] =	vst v14  }
0xdd: {  	[tilespmem:s18+$0xFFFFFEB0] =	vst v14  }
0xde: {  	[tilespmem:s18+$0xFFFFFEC0] =	vst v14  }
0xdf: {  	[tilespmem:s18+$0xFFFFFED0] =	vst v14  }
0xe0: {  	[tilespmem:s18+$0xFFFFFEE0] =	vst v14  }
0xe1: {  	[tilespmem:s18+$0xFFFFFEF0] =	vst v14  }
0xe2: {  	[tilespmem:s18+$0xFFFFFF00] =	vst v15  }
0xe3: {  	[tilespmem:s18+$0xFFFFFF10] =	vst v15  }
0xe4: {  	[tilespmem:s18+$0xFFFFFF20] =	vst v15  }
0xe5: {  	[tilespmem:s18+$0xFFFFFF30] =	vst v15  }
0xe6: {  	[tilespmem:s18+$0xFFFFFF40] =	vst v15  }
0xe7: {  	[tilespmem:s18+$0xFFFFFF50] =	vst v15  }
0xe8: {  	[tilespmem:s18+$0xFFFFFF60] =	vst v15  }
0xe9: {  	[tilespmem:s18+$0xFFFFFF70] =	vst v15  }
0xea: {  	[tilespmem:s18+$0xFFFFFF80] =	vst v8  }
0xeb: {  	[tilespmem:s18+$0xFFFFFF90] =	vst v8  }
0xec: {  	[tilespmem:s18+$0xFFFFFFA0] =	vst v8  }
0xed: {  	[tilespmem:s18+$0xFFFFFFB0] =	vst v8  }
0xee: {  	[tilespmem:s18+$0xFFFFFFC0] =	vst v8  }
0xef: {  	[tilespmem:s18+$0xFFFFFFD0] =	vst v8  }
0xf0: {  	[tilespmem:s18+$0xFFFFFFE0] =	vst v8  }
0xf1: {  	[tilespmem:s18+$0xFFFFFFF0] =	vst v8  }
0xf2: {  	[tilespmem:s18+$0x0] =	vst v7  }
0xf3: {  	[tilespmem:s18+$0x10] =	vst v7  }
0xf4: {  	[tilespmem:s18+$0x20] =	vst v7  }
0xf5: {  	[tilespmem:s18+$0x30] =	vst v7  }
0xf6: {  	[tilespmem:s18+$0x40] =	vst v7  }
0xf7: {  	[tilespmem:s18+$0x50] =	vst v7  }
0xf8: {  	[tilespmem:s18+$0x60] =	vst v7  }
0xf9: {  	[tilespmem:s18+$0x70] =	vst v7  }
0xfa: {  	[tilespmem:s18+$0x80] =	vst v6  }
0xfb: {  	[tilespmem:s18+$0x90] =	vst v6  }
0xfc: {  	[tilespmem:s18+$0xA0] =	vst v6  }
0xfd: {  	[tilespmem:s18+$0xB0] =	vst v6  }
0xfe: {  	[tilespmem:s18+$0xC0] =	vst v6  }
0xff: {  	[tilespmem:s18+$0xD0] =	vst v6  }
0x100: {  	[tilespmem:s18+$0xE0] =	vst v6  }
0x101: {  	[tilespmem:s18+$0xF0] =	vst v6  }
0x102: {  	[tilespmem:s18+$0x100] =	vst v5  }
0x103: {  	[tilespmem:s18+$0x110] =	vst v5  }
0x104: {  	[tilespmem:s18+$0x120] =	vst v5  }
0x105: {  	[tilespmem:s18+$0x130] =	vst v5  }
0x106: {  	[tilespmem:s18+$0x140] =	vst v5  }
0x107: {  	[tilespmem:s18+$0x150] =	vst v5  }
0x108: {  	[tilespmem:s18+$0x160] =	vst v5  }
0x109: {  	[tilespmem:s18+$0x170] =	vst v5  }
0x10a: {  	[tilespmem:s18+$0x180] =	vst v4  }
0x10b: {  	[tilespmem:s18+$0x190] =	vst v4  }
0x10c: {  	[tilespmem:s18+$0x1A0] =	vst v4  }
0x10d: {  	[tilespmem:s18+$0x1B0] =	vst v4  }
0x10e: {  	[tilespmem:s18+$0x1C0] =	vst v4  }
0x10f: {  	[tilespmem:s18+$0x1D0] =	vst v4  }
0x110: {  	[tilespmem:s18+$0x1E0] =	vst v4  }
0x111: {  	[tilespmem:s18+$0x1F0] =	vst v4  }
0x112: {  	[tilespmem:s18+$0x200] =	vst v3  }
0x113: {  	[tilespmem:s18+$0x210] =	vst v3  }
0x114: {  	[tilespmem:s18+$0x220] =	vst v3  }
0x115: {  	[tilespmem:s18+$0x230] =	vst v3  }
0x116: {  	[tilespmem:s18+$0x240] =	vst v3  }
0x117: {  	[tilespmem:s18+$0x250] =	vst v3  }
0x118: {  	[tilespmem:s18+$0x260] =	vst v3  }
0x119: {  	[tilespmem:s18+$0x270] =	vst v3  }
0x11a: {  	[tilespmem:s18+$0x280] =	vst v2  }
0x11b: {  	[tilespmem:s18+$0x290] =	vst v2  }
0x11c: {  	[tilespmem:s18+$0x2A0] =	vst v2  }
0x11d: {  	[tilespmem:s18+$0x2B0] =	vst v2  }
0x11e: {  	[tilespmem:s18+$0x2C0] =	vst v2  }
0x11f: {  	[tilespmem:s18+$0x2D0] =	vst v2  }
0x120: {  	[tilespmem:s18+$0x2E0] =	vst v2  }
0x121: {  	[tilespmem:s18+$0x2F0] =	vst v2  }
0x122: {  	[tilespmem:s18+$0x300] =	vst v1  }
0x123: {  	[tilespmem:s18+$0x310] =	vst v1  }
0x124: {  	[tilespmem:s18+$0x320] =	vst v1  }
0x125: {  	[tilespmem:s18+$0x330] =	vst v1  }
0x126: {  	[tilespmem:s18+$0x340] =	vst v1  }
0x127: {  	[tilespmem:s18+$0x350] =	vst v1  }
0x128: {  	[tilespmem:s18+$0x360] =	vst v1  }
0x129: {  	[tilespmem:s18+$0x370] =	vst v1  }
0x12a: {  	[tilespmem:s18+$0x380] =	vst v0  }
0x12b: {  	[tilespmem:s18+$0x390] =	vst v0  }
0x12c: {  	[tilespmem:s18+$0x3A0] =	vst v0  }
.Ltmp1:
0x12d: {  	[tilespmem:s18+$0x3B0] =	vst v0;
	(pc) =	sbr.rel @p0 .LBB2_4-.Ltmp1, $4  }
0x12e: {  	[tilespmem:s18+$0x3C0] =	vst v0  }
0x12f: {  	[tilespmem:s18+$0x3D0] =	vst v0  }
0x130: {  	[tilespmem:s18+$0x3E0] =	vst v0  }
0x131: {  	s20 =	sshra.s32 s19, $0x2;
	s19 =	sadd.s32 $0x40, s19;
	[tilespmem:s18+$0x3F0] =	vst v0  }
0x132: {  	v0 =	vld [tilespmem:s20+$0x2880];
	_ =	sdelay $0x4  }
0x133: {  	v1 =	vbroadcast v0, $0x0  }
0x134: {  	s18 =	sadd.s32 $0x800, s18  }
0x135: {  	[tilespmem:s18+$0xFFFFFC00] =	vst v1  }
0x136: {  	[tilespmem:s18+$0xFFFFFC10] =	vst v1  }
0x137: {  	[tilespmem:s18+$0xFFFFFC20] =	vst v1  }
0x138: {  	[tilespmem:s18+$0xFFFFFC30] =	vst v1  }
0x139: {  	[tilespmem:s18+$0xFFFFFC40] =	vst v1  }
0x13a: {  	[tilespmem:s18+$0xFFFFFC50] =	vst v1  }
0x13b: {  	v2 =	vbroadcast v0, $0x1;
	[tilespmem:s18+$0xFFFFFC60] =	vst v1  }
0x13c: {  	[tilespmem:s18+$0xFFFFFC70] =	vst v1  }
0x13d: {  	[tilespmem:s18+$0xFFFFFC80] =	vst v2  }
0x13e: {  	[tilespmem:s18+$0xFFFFFC90] =	vst v2  }
0x13f: {  	[tilespmem:s18+$0xFFFFFCA0] =	vst v2  }
0x140: {  	[tilespmem:s18+$0xFFFFFCB0] =	vst v2  }
0x141: {  	[tilespmem:s18+$0xFFFFFCC0] =	vst v2  }
0x142: {  	[tilespmem:s18+$0xFFFFFCD0] =	vst v2  }
0x143: {  	v51 =	vbroadcast v0, $0x2;
	[tilespmem:s18+$0xFFFFFCE0] =	vst v2  }
0x144: {  	[tilespmem:s18+$0xFFFFFCF0] =	vst v2  }
0x145: {  	[tilespmem:s18+$0xFFFFFD00] =	vst v51  }
0x146: {  	[tilespmem:s18+$0xFFFFFD10] =	vst v51  }
0x147: {  	[tilespmem:s18+$0xFFFFFD20] =	vst v51  }
0x148: {  	[tilespmem:s18+$0xFFFFFD30] =	vst v51  }
0x149: {  	[tilespmem:s18+$0xFFFFFD40] =	vst v51  }
0x14a: {  	[tilespmem:s18+$0xFFFFFD50] =	vst v51  }
0x14b: {  	v52 =	vbroadcast v0, $0x3;
	[tilespmem:s18+$0xFFFFFD60] =	vst v51  }
0x14c: {  	[tilespmem:s18+$0xFFFFFD70] =	vst v51  }
0x14d: {  	[tilespmem:s18+$0xFFFFFD80] =	vst v52  }
0x14e: {  	[tilespmem:s18+$0xFFFFFD90] =	vst v52  }
0x14f: {  	[tilespmem:s18+$0xFFFFFDA0] =	vst v52  }
0x150: {  	[tilespmem:s18+$0xFFFFFDB0] =	vst v52  }
0x151: {  	[tilespmem:s18+$0xFFFFFDC0] =	vst v52  }
0x152: {  	[tilespmem:s18+$0xFFFFFDD0] =	vst v52  }
0x153: {  	v53 =	vbroadcast v0, $0x4;
	[tilespmem:s18+$0xFFFFFDE0] =	vst v52  }
0x154: {  	[tilespmem:s18+$0xFFFFFDF0] =	vst v52  }
0x155: {  	[tilespmem:s18+$0xFFFFFE00] =	vst v53  }
0x156: {  	[tilespmem:s18+$0xFFFFFE10] =	vst v53  }
0x157: {  	[tilespmem:s18+$0xFFFFFE20] =	vst v53  }
0x158: {  	[tilespmem:s18+$0xFFFFFE30] =	vst v53  }
0x159: {  	[tilespmem:s18+$0xFFFFFE40] =	vst v53  }
0x15a: {  	[tilespmem:s18+$0xFFFFFE50] =	vst v53  }
0x15b: {  	v54 =	vbroadcast v0, $0x5;
	[tilespmem:s18+$0xFFFFFE60] =	vst v53  }
0x15c: {  	[tilespmem:s18+$0xFFFFFE70] =	vst v53  }
0x15d: {  	[tilespmem:s18+$0xFFFFFE80] =	vst v54  }
0x15e: {  	[tilespmem:s18+$0xFFFFFE90] =	vst v54  }
0x15f: {  	[tilespmem:s18+$0xFFFFFEA0] =	vst v54  }
0x160: {  	[tilespmem:s18+$0xFFFFFEB0] =	vst v54  }
0x161: {  	[tilespmem:s18+$0xFFFFFEC0] =	vst v54  }
0x162: {  	[tilespmem:s18+$0xFFFFFED0] =	vst v54  }
0x163: {  	v55 =	vbroadcast v0, $0x6;
	[tilespmem:s18+$0xFFFFFEE0] =	vst v54  }
0x164: {  	[tilespmem:s18+$0xFFFFFEF0] =	vst v54  }
0x165: {  	[tilespmem:s18+$0xFFFFFF00] =	vst v55  }
0x166: {  	[tilespmem:s18+$0xFFFFFF10] =	vst v55  }
0x167: {  	[tilespmem:s18+$0xFFFFFF20] =	vst v55  }
0x168: {  	[tilespmem:s18+$0xFFFFFF30] =	vst v55  }
0x169: {  	[tilespmem:s18+$0xFFFFFF40] =	vst v55  }
0x16a: {  	[tilespmem:s18+$0xFFFFFF50] =	vst v55  }
0x16b: {  	v56 =	vbroadcast v0, $0x7;
	[tilespmem:s18+$0xFFFFFF60] =	vst v55  }
0x16c: {  	[tilespmem:s18+$0xFFFFFF70] =	vst v55  }
0x16d: {  	[tilespmem:s18+$0xFFFFFF80] =	vst v56  }
0x16e: {  	[tilespmem:s18+$0xFFFFFF90] =	vst v56  }
0x16f: {  	[tilespmem:s18+$0xFFFFFFA0] =	vst v56  }
0x170: {  	[tilespmem:s18+$0xFFFFFFB0] =	vst v56  }
0x171: {  	[tilespmem:s18+$0xFFFFFFC0] =	vst v56  }
0x172: {  	[tilespmem:s18+$0xFFFFFFD0] =	vst v56  }
0x173: {  	v57 =	vbroadcast v0, $0x8;
	[tilespmem:s18+$0xFFFFFFE0] =	vst v56  }
0x174: {  	[tilespmem:s18+$0xFFFFFFF0] =	vst v56  }
0x175: {  	[tilespmem:s18+$0x0] =	vst v57  }
0x176: {  	[tilespmem:s18+$0x10] =	vst v57  }
0x177: {  	[tilespmem:s18+$0x20] =	vst v57  }
0x178: {  	[tilespmem:s18+$0x30] =	vst v57  }
0x179: {  	[tilespmem:s18+$0x40] =	vst v57  }
0x17a: {  	[tilespmem:s18+$0x50] =	vst v57  }
0x17b: {  	v58 =	vbroadcast v0, $0x9;
	[tilespmem:s18+$0x60] =	vst v57  }
0x17c: {  	[tilespmem:s18+$0x70] =	vst v57  }
0x17d: {  	[tilespmem:s18+$0x80] =	vst v58  }
0x17e: {  	[tilespmem:s18+$0x90] =	vst v58  }
0x17f: {  	[tilespmem:s18+$0xA0] =	vst v58  }
0x180: {  	[tilespmem:s18+$0xB0] =	vst v58  }
0x181: {  	[tilespmem:s18+$0xC0] =	vst v58  }
0x182: {  	[tilespmem:s18+$0xD0] =	vst v58  }
0x183: {  	v59 =	vbroadcast v0, $0xA;
	[tilespmem:s18+$0xE0] =	vst v58  }
0x184: {  	[tilespmem:s18+$0xF0] =	vst v58  }
0x185: {  	[tilespmem:s18+$0x100] =	vst v59  }
0x186: {  	[tilespmem:s18+$0x110] =	vst v59  }
0x187: {  	[tilespmem:s18+$0x120] =	vst v59  }
0x188: {  	[tilespmem:s18+$0x130] =	vst v59  }
0x189: {  	[tilespmem:s18+$0x140] =	vst v59  }
0x18a: {  	[tilespmem:s18+$0x150] =	vst v59  }
0x18b: {  	v60 =	vbroadcast v0, $0xB;
	[tilespmem:s18+$0x160] =	vst v59  }
0x18c: {  	[tilespmem:s18+$0x170] =	vst v59  }
0x18d: {  	[tilespmem:s18+$0x180] =	vst v60  }
0x18e: {  	[tilespmem:s18+$0x190] =	vst v60  }
0x18f: {  	[tilespmem:s18+$0x1A0] =	vst v60  }
0x190: {  	[tilespmem:s18+$0x1B0] =	vst v60  }
0x191: {  	[tilespmem:s18+$0x1C0] =	vst v60  }
0x192: {  	[tilespmem:s18+$0x1D0] =	vst v60  }
0x193: {  	v61 =	vbroadcast v0, $0xC;
	[tilespmem:s18+$0x1E0] =	vst v60  }
0x194: {  	[tilespmem:s18+$0x1F0] =	vst v60  }
0x195: {  	[tilespmem:s18+$0x200] =	vst v61  }
0x196: {  	[tilespmem:s18+$0x210] =	vst v61  }
0x197: {  	[tilespmem:s18+$0x220] =	vst v61  }
0x198: {  	[tilespmem:s18+$0x230] =	vst v61  }
0x199: {  	[tilespmem:s18+$0x240] =	vst v61  }
0x19a: {  	[tilespmem:s18+$0x250] =	vst v61  }
0x19b: {  	v62 =	vbroadcast v0, $0xD;
	[tilespmem:s18+$0x260] =	vst v61  }
0x19c: {  	[tilespmem:s18+$0x270] =	vst v61  }
0x19d: {  	[tilespmem:s18+$0x280] =	vst v62  }
0x19e: {  	[tilespmem:s18+$0x290] =	vst v62  }
0x19f: {  	[tilespmem:s18+$0x2A0] =	vst v62  }
0x1a0: {  	[tilespmem:s18+$0x2B0] =	vst v62  }
0x1a1: {  	[tilespmem:s18+$0x2C0] =	vst v62  }
0x1a2: {  	[tilespmem:s18+$0x2D0] =	vst v62  }
0x1a3: {  	v63 =	vbroadcast v0, $0xE;
	[tilespmem:s18+$0x2E0] =	vst v62  }
0x1a4: {  	[tilespmem:s18+$0x2F0] =	vst v62  }
0x1a5: {  	[tilespmem:s18+$0x300] =	vst v63  }
0x1a6: {  	[tilespmem:s18+$0x310] =	vst v63  }
0x1a7: {  	[tilespmem:s18+$0x320] =	vst v63  }
0x1a8: {  	[tilespmem:s18+$0x330] =	vst v63  }
0x1a9: {  	[tilespmem:s18+$0x340] =	vst v63  }
0x1aa: {  	[tilespmem:s18+$0x350] =	vst v63  }
0x1ab: {  	v0 =	vbroadcast v0, $0xF;
	[tilespmem:s18+$0x360] =	vst v63  }
0x1ac: {  	[tilespmem:s18+$0x370] =	vst v63  }
0x1ad: {  	[tilespmem:s18+$0x380] =	vst v0  }
0x1ae: {  	[tilespmem:s18+$0x390] =	vst v0  }
0x1af: {  	[tilespmem:s18+$0x3A0] =	vst v0  }
0x1b0: {  	[tilespmem:s18+$0x3B0] =	vst v0  }
0x1b1: {  	[tilespmem:s18+$0x3C0] =	vst v0  }
0x1b2: {  	s17 =	sadd.s32 $0x1, s17;
	[tilespmem:s18+$0x3D0] =	vst v0  }
0x1b3: {  	p0 =	sne.s32 s17, s9;
	[tilespmem:s18+$0x3E0] =	vst v0  }
.Ltmp2:
0x1b4: {  	[tilespmem:s18+$0x3F0] =	vst v0;
	(pc) =	sbr.rel @p0 .LBB2_1-.Ltmp2, $4  }
0x1b5: {  	[hbm4b:s10+s4] =	stream.linear.scatter [tilespmem:s16], [sflag:$0x1], $0x14000, $0x38;
	[tilespmem:$0x16D80] =	vst v63  }
0x1b6: {  	_ =	swait.ge [sflag:s12], $0x14000  }
0x1b7: {  	[sflag:s12] =	ssyncset.done $0x0  }
0x1b8: {  	[sflag:s12] =	ssyncadd.s32 $0xFFFEC000  }
0x1b9: {  	_ =	sfence.sel $0x180000  }
0x1ba: {  	[bflag:$0x0] =	sbarrier.arrive $0xFFFF  }
0x1bb: {  	p0 =	sne.s32 s0, $0x0;
	_ =	strace $0x90000047  }
0x1bc: {  	s0 =	sadd.s32 @!p0 $0x100000, s1;
	[bflag:$0x2] =	sbarrier.arrive $0xFFFF  }
0x1bd: {  	[sflag:s0] =	ssyncadd.tile.s32 @!p0 $0x1;
	_ =	shalt  }
.Lfunc_end2:
_tile_overlayer_lowered:
.L_overlay_start_2:
0x1be: {  	(tag) =	ssettag $0x2  }
0x1bf: {  	s0 =	rddreg [dreg:$0x0];
	s2 =	stileid.u32  }
0x1c0: {  	s1 =	rddreg [dreg:$0x1];
	p0 =	sne.s32 s2, $0x0  }
0x1c1: {  	s3 =	rddreg [dreg:$0x2];
	[bflag:$0x3] =	sbarrier.arrive $0xFFFF;
	s2 =	simm.s32 @!p0 $0x1C01  }
0x1c2: {  	[timem:s3], [sflag:s2] =	dma.local @!p0 [hbm:s0], s1  }
0x1c3: {  	s0 =	simm.s32 @!p0 $0x1  }
0x1c4: {  	_ =	swait.ge @!p0 [sflag:s0], s1  }
0x1c5: {  	s1 =	ssub.s32 @!p0 $0x0, s1;
	[sflag:s0] =	ssyncset.done @!p0 $0x0  }
0x1c6: {  	[sflag:s0] =	ssyncadd.s32 @!p0 s1  }
0x1c7: {  	[bflag:$0x3] =	sbarrier.arrive $0xFFFF  }
0x1c8: {  	_ =	shalt  }

</sc_bundles>
